<compile_context>
chip_gen: v7x
topology: tpu7x:2x2x1
jax: 0.10.2.dev20260603
libtpu: 0.0.44.dev20260713+nightly
codegen_flags: <defaults>
</compile_context>

<pallas_src>
import functools

import jax
import jax.numpy as jnp
from jax import lax
from jax.experimental import pallas as pl
from jax.experimental.pallas import tpu as pltpu
from jax.experimental.pallas import tpu_sc as plsc

N = 10000
D = 128
DE = 16
NG = 64
EPS = 1e-3

NP = 10240
NACC = 10112
NB = 256
GRID = NP // NB
NW = 32
CHUNK = 128
CPW = 80
EPW = CPW * CHUNK
EP = NW * EPW
RPS = NACC // 16
DUMMY = N
NBUF = 2

_MESH = plsc.VectorSubcoreMesh(core_axis_name="c", subcore_axis_name="s")
_HIGH = jax.lax.Precision.HIGHEST


def _q(a):
    v = jax.lax.bitcast_convert_type(a, jnp.uint32)
    r = (v + jnp.uint32(0x7FFF) + ((v >> 16) & jnp.uint32(1))) \
        & jnp.uint32(0xFFFF0000)
    return jax.lax.bitcast_convert_type(r, jnp.float32)



@functools.partial(
    pl.kernel,
    out_type=jax.ShapeDtypeStruct((2 * NP, D), jnp.float32),
    mesh=_MESH,
    scratch_types=[
        pltpu.VMEM((NBUF, 2, CHUNK), jnp.int32),
        pltpu.VMEM((NBUF, CHUNK, D), jnp.float32),
        pltpu.VMEM_SHARED((NACC, D), jnp.float32),
        pltpu.SemaphoreType.DMA,
        pltpu.SemaphoreType.DMA,
    ],
)
def _sc_neighbor_sum(h_hbm, idx_hbm, zeros_hbm, out_hbm,
                     idxv, rows, acc, isem, gsem):
    c = lax.axis_index("c")
    s = lax.axis_index("s")
    wid = s * 2 + c
    pltpu.sync_copy(zeros_hbm, acc.at[pl.ds(s * RPS, RPS)])

    def idx_load(j, b):
        return pltpu.async_copy(idx_hbm.at[wid].at[j], idxv.at[b], isem)

    def idx_wait(j, b):
        pltpu.make_async_copy(idx_hbm.at[wid].at[j], idxv.at[b], isem).wait()

    def gather(b):
        return pltpu.async_copy(h_hbm.at[idxv.at[b].at[0]], rows.at[b], gsem)

    def gather_wait(b):
        pltpu.make_async_copy(h_hbm.at[idxv.at[b].at[0]], rows.at[b],
                              gsem).wait()

    for b in range(NBUF):
        idx_load(b, b)
    plsc.subcore_barrier()
    for b in range(NBUF - 1):
        idx_wait(b, b)
        gather(b)

    def body(i, _):
        for b in range(NBUF):
            j = i * NBUF + b
            b2 = (b + NBUF - 1) % NBUF

            @pl.when(j + NBUF - 1 < CPW)
            def _():
                idx_wait(j + NBUF - 1, b2)
                gather(b2)

            gather_wait(b)
            pltpu.sync_copy(rows.at[b], acc.at[idxv.at[b].at[1]], add=True)

            @pl.when(j + NBUF < CPW)
            def _():
                idx_load(j + NBUF, b)
        return ()

    lax.fori_loop(0, CPW // NBUF, body, (), unroll=False)
    plsc.subcore_barrier()
    pltpu.sync_copy(acc.at[pl.ds(s * RPS, RPS)],
                    out_hbm.at[pl.ds(c * NP + s * RPS, RPS)])


@functools.partial(
    pl.kernel,
    out_type=jax.ShapeDtypeStruct((2 * NP, D), jnp.float32),
    mesh=_MESH,
    scratch_types=[
        pltpu.VMEM((NBUF, 2, CHUNK), jnp.int32),
        pltpu.VMEM((NBUF, CHUNK, D), jnp.float32),
        pltpu.VMEM_SHARED((NACC, D), jnp.float32),
        pltpu.SemaphoreType.DMA,
        pltpu.SemaphoreType.DMA,
    ],
)
def _sc_edge_stats(ea_hbm, idx_hbm, zeros_hbm, out_hbm,
                   idxv, eav, acc, isem, gsem):
    c = lax.axis_index("c")
    s = lax.axis_index("s")
    wid = s * 2 + c
    pltpu.sync_copy(zeros_hbm, acc.at[pl.ds(s * RPS, RPS)])

    def load(j, b):
        pltpu.async_copy(idx_hbm.at[wid].at[j], idxv.at[b], isem)
        pltpu.async_copy(ea_hbm.at[wid].at[j], eav.at[b], gsem)

    def load_wait(j, b):
        pltpu.make_async_copy(idx_hbm.at[wid].at[j], idxv.at[b],
                              isem).wait()
        pltpu.make_async_copy(ea_hbm.at[wid].at[j], eav.at[b], gsem).wait()

    for b in range(NBUF):
        load(b, b)
    plsc.subcore_barrier()

    def body(i, _):
        for b in range(NBUF):
            j = i * NBUF + b
            load_wait(j, b)
            pltpu.sync_copy(eav.at[b], acc.at[idxv.at[b].at[1]], add=True)

            @pl.when(j + NBUF < CPW)
            def _():
                load(j + NBUF, b)
        return ()

    lax.fori_loop(0, CPW // NBUF, body, (), unroll=False)
    plsc.subcore_barrier()
    pltpu.sync_copy(acc.at[pl.ds(s * RPS, RPS)],
                    out_hbm.at[pl.ds(c * NP + s * RPS, RPS)])



def _embed_body(x_ref, w_ref, b_ref, o_ref, oq_ref):
    h = jax.nn.relu(
        jnp.dot(x_ref[...], w_ref[...], precision=_HIGH) + b_ref[...])
    o_ref[...] = h
    oq_ref[...] = _q(h)


def _embed(x, w, b):
    blk = pl.BlockSpec((NB, D), lambda i: (i, 0))
    return pl.pallas_call(
        _embed_body,
        grid=(GRID,),
        in_specs=[
            blk,
            pl.BlockSpec((D, D), lambda i: (0, 0)),
            pl.BlockSpec((1, D), lambda i: (0, 0)),
        ],
        out_specs=(blk, blk),
        out_shape=(jax.ShapeDtypeStruct((NP, D), jnp.float32),
                   jax.ShapeDtypeStruct((NP, D), jnp.float32)),
    )(x, w, b)


def _layer_body(s0_ref, s1_ref, st0_ref, st1_ref, h_ref,
                wt_ref, wb_ref, sc_ref, sh_ref, o_ref, oq_ref):
    i = pl.program_id(0)
    rid = i * NB + lax.broadcasted_iota(jnp.int32, (NB, 1), 0)
    valid = rid < NACC
    ssum = jnp.where(valid, s0_ref[...] + s1_ref[...], 0.0)
    st = jnp.where(valid, st0_ref[...] + st1_ref[...], 0.0)
    easum = st[:, :DE]
    deg = jnp.maximum(st[:, DE:DE + 1], 1.0)
    t = (jnp.dot(ssum, wt_ref[...], precision=_HIGH)
         + jnp.dot(easum, wb_ref[...], precision=_HIGH))
    agg = t * (sc_ref[...] / deg) + sh_ref[...]
    h = h_ref[...] + jax.nn.relu(agg)
    o_ref[...] = h
    oq_ref[...] = _q(h)


def _layer_update(s2, st2, h, w_top, w_bot, scale, shift):
    half = pl.BlockSpec((NB, D), lambda i: (i, 0))
    half_hi = pl.BlockSpec((NB, D), lambda i: (i + GRID, 0))
    return pl.pallas_call(
        _layer_body,
        grid=(GRID,),
        in_specs=[
            half, half_hi, half, half_hi,
            pl.BlockSpec((NB, D), lambda i: (i, 0)),
            pl.BlockSpec((D, D), lambda i: (0, 0)),
            pl.BlockSpec((DE, D), lambda i: (0, 0)),
            pl.BlockSpec((1, D), lambda i: (0, 0)),
            pl.BlockSpec((1, D), lambda i: (0, 0)),
        ],
        out_specs=(pl.BlockSpec((NB, D), lambda i: (i, 0)),
                   pl.BlockSpec((NB, D), lambda i: (i, 0))),
        out_shape=(jax.ShapeDtypeStruct((NP, D), jnp.float32),
                   jax.ShapeDtypeStruct((NP, D), jnp.float32)),
    )(s2, s2, st2, st2, h, w_top, w_bot, scale, shift)


def _pool_body(h_ref, bi_ref, wp_ref, bp_ref, wo_ref, bo_ref, o_ref,
               pool_ref, cnt_ref):
    i = pl.program_id(0)

    @pl.when(i == 0)
    def _():
        pool_ref[...] = jnp.zeros_like(pool_ref)
        cnt_ref[...] = jnp.zeros_like(cnt_ref)

    onehot = (lax.broadcasted_iota(jnp.int32, (NG, NB), 0)
              == bi_ref[0]).astype(jnp.float32)
    pool_ref[...] += jnp.dot(onehot, h_ref[...], precision=_HIGH)
    cnt_ref[...] += jnp.dot(onehot, jnp.ones((NB, D), jnp.float32),
                            precision=_HIGH)

    @pl.when(i == GRID - 1)
    def _():
        pooled = _q(pool_ref[...] / cnt_ref[...])
        hp = _q(jax.nn.relu(
            jnp.dot(pooled, wp_ref[...], precision=_HIGH) + bp_ref[...]))
        o_ref[...] = jnp.dot(hp, wo_ref[...], precision=_HIGH) + bo_ref[...]


def _pool_head(h, bi3, w_post, b_post, w_out, b_out):
    return pl.pallas_call(
        _pool_body,
        grid=(GRID,),
        in_specs=[
            pl.BlockSpec((NB, D), lambda i: (i, 0)),
            pl.BlockSpec((1, 1, NB), lambda i: (i, 0, 0)),
            pl.BlockSpec((D, D), lambda i: (0, 0)),
            pl.BlockSpec((1, D), lambda i: (0, 0)),
            pl.BlockSpec((D, 1), lambda i: (0, 0)),
            pl.BlockSpec((1, 1), lambda i: (0, 0)),
        ],
        out_specs=pl.BlockSpec((NG, 1), lambda i: (0, 0)),
        out_shape=jax.ShapeDtypeStruct((NG, 1), jnp.float32),
        scratch_shapes=[
            pltpu.VMEM((NG, D), jnp.float32),
            pltpu.VMEM((NG, D), jnp.float32),
        ],
    )(h, bi3, w_post, b_post, w_out, b_out)



def kernel(x, edge_index, edge_attr, batch_idx,
           W_emb, b_emb,
           W0, b0, gamma0, beta0, mmean0, mvar0,
           W1, b1, gamma1, beta1, mmean1, mvar1,
           W2, b2, gamma2, beta2, mmean2, mvar2,
           W_post, b_post, W_out, b_out):
    E = edge_index.shape[1]
    row = edge_index[0]
    col = edge_index[1]

    col3 = jnp.concatenate(
        [col, jnp.zeros((EP - E,), jnp.int32)]).reshape(NW, CPW, CHUNK)
    row3 = jnp.concatenate(
        [row, jnp.full((EP - E,), DUMMY, jnp.int32)]).reshape(NW, CPW, CHUNK)
    idx4 = jnp.stack([col3, row3], axis=2)
    ea_wide = jnp.concatenate(
        [_q(edge_attr), jnp.ones((E, 1), jnp.float32),
         jnp.zeros((E, D - DE - 1), jnp.float32)], axis=1)
    ea4 = jnp.concatenate(
        [ea_wide, jnp.zeros((EP - E, D), jnp.float32)]
    ).reshape(NW, CPW, CHUNK, D)
    x_p = jnp.concatenate([x, jnp.zeros((NP - N, D), jnp.float32)])
    bi3 = jnp.concatenate(
        [batch_idx, jnp.full((NP - N,), NG, jnp.int32)]).reshape(GRID, 1, NB)

    zeros_d = jnp.zeros((RPS, D), jnp.float32)

    st2 = _sc_edge_stats(ea4, idx4, zeros_d)
    h, h_q = _embed(_q(x_p), _q(W_emb), b_emb.reshape(1, D))

    for (W, b, g, be, mm, mv) in ((W0, b0, gamma0, beta0, mmean0, mvar0),
                                  (W1, b1, gamma1, beta1, mmean1, mvar1),
                                  (W2, b2, gamma2, beta2, mmean2, mvar2)):
        scale = (g / jnp.sqrt(mv + EPS)).reshape(1, D)
        shift = ((b - mm) * scale[0] + be).reshape(1, D)
        s2 = _sc_neighbor_sum(h_q, idx4, zeros_d)
        h, h_q = _layer_update(s2, st2, h, _q(W[:D]), _q(W[D:]), scale,
                               shift)

    out = _pool_head(h, bi3, _q(W_post), b_post.reshape(1, D),
                     _q(W_out), b_out.reshape(1, 1))
    return out[:, 0]

# --- scband reference (transcript-rebuilt; emitter-appended) ---
"""Pipeline reference for scband-cgcnn-47974784696406 (READ-ONLY COPY).

The authoritative reference and input builder live on the scoring server;
editing this copy changes nothing except your own understanding.
"""

import jax, jax.numpy as jnp
import numpy as np

N = 10000
E = 320000
D = 128
DE = 16
EPS = 1e-3

def _glorot(key, shape):
    lim = np.sqrt(6.0 / (shape[0] + shape[1]))
    return jax.random.uniform(key, shape, jnp.float32, -lim, lim)

def setup_inputs(seed: int = 0):
    key = jax.random.key(seed)
    ks = jax.random.split(key, 16)
    inp = {}
    inp['x'] = jax.random.normal(ks[0], (N, D), dtype=jnp.float32)
    inp['edge_index'] = jax.random.randint(ks[1], (2, E), 0, N, dtype=jnp.int32)
    inp['edge_attr'] = jax.random.normal(ks[2], (E, DE), dtype=jnp.float32)
    inp['batch_idx'] = jnp.sort(jax.random.randint(ks[3], (N,), 0, 64, dtype=jnp.int32))
    inp['W_emb'] = _glorot(ks[4], (D, D))
    inp['b_emb'] = jnp.zeros((D,), jnp.float32)
    for i in range(3):
        inp['W%d' % i] = _glorot(ks[5 + i], (D + DE, D))
        inp['b%d' % i] = jnp.zeros((D,), jnp.float32)
        inp['gamma%d' % i] = jnp.ones((D,), jnp.float32)
        inp['beta%d' % i] = jnp.zeros((D,), jnp.float32)
        inp['mmean%d' % i] = jnp.zeros((D,), jnp.float32)
        inp['mvar%d' % i] = jnp.ones((D,), jnp.float32)
    inp['W_post'] = _glorot(ks[8], (D, D))
    inp['b_post'] = jnp.zeros((D,), jnp.float32)
    inp['W_out'] = _glorot(ks[9], (D, 1))
    inp['b_out'] = jnp.zeros((1,), jnp.float32)
    return inp

def reference(x, edge_index, edge_attr, batch_idx, W_emb, b_emb, W0, b0, gamma0, beta0, mmean0, mvar0, W1, b1, gamma1, beta1, mmean1, mvar1, W2, b2, gamma2, beta2, mmean2, mvar2, W_post, b_post, W_out, b_out):
    row = edge_index[0]
    col = edge_index[1]
    n = x.shape[0]
    h = jax.nn.relu(x @ W_emb + b_emb)
    layer_params = [(W0, b0, gamma0, beta0, mmean0, mvar0), (W1, b1, gamma1, beta1, mmean1, mvar1), (W2, b2, gamma2, beta2, mmean2, mvar2)]
    for (W, b, g, be, mm, mv) in layer_params:
        x_j = h[col]
        msg = jnp.concatenate([x_j, edge_attr], axis=-1) @ W
        agg = jnp.zeros((n, W.shape[1]), msg.dtype).at[row].add(msg)
        cnt = jnp.zeros((n,), jnp.float32).at[row].add(1.0)
        cnt = jnp.clip(cnt, 1.0, None)
        agg = agg / cnt[:, None] + b
        agg = (agg - mm) / jnp.sqrt(mv + EPS) * g + be
        h = h + jax.nn.relu(agg)
    num_graphs = 64
    pooled = jnp.zeros((num_graphs, h.shape[1]), h.dtype).at[batch_idx].add(h)
    gcnt = jnp.zeros((num_graphs,), jnp.float32).at[batch_idx].add(1.0)
    pooled = pooled / gcnt[:, None]
    hp = jax.nn.relu(pooled @ W_post + b_post)
    out = hp @ W_out + b_out
    return jnp.squeeze(out, -1)

if __name__ == "__main__":
    import jax
    _d = setup_inputs()
    print(jax.jit(kernel)(*tuple(_d.values())))

</pallas_src>

<mosaic_0001>
#map = affine_map<(d0, d1) -> (0, 0, 0, 0)>
#map1 = affine_map<(d0, d1) -> (0, 0)>
module attributes {stable_mosaic.version = 14 : i64} {
  func.func @_sc_edge_stats(%arg0: i32, %arg1: i32, %arg2: memref<32x80x128x128xf32, #tpu.memory_space<hbm>>, %arg3: memref<32x80x2x128xi32, #tpu.memory_space<hbm>>, %arg4: memref<632x128xf32, #tpu.memory_space<hbm>>, %arg5: memref<20480x128xf32, #tpu.memory_space<hbm>>, %arg6: memref<2x2x128xi32, #tpu.memory_space<vmem>>, %arg7: memref<2x128x128xf32, #tpu.memory_space<vmem>>, %arg8: memref<10112x128xf32, #tpu.memory_space<vmem_shared>>, %arg9: memref<!tpu.dma_semaphore, #tpu.memory_space<semaphore_mem>>, %arg10: memref<!tpu.dma_semaphore, #tpu.memory_space<semaphore_mem>>) attributes {dimension_semantics = [#tpu.dimension_semantics<core_parallel>, #tpu.dimension_semantics<subcore_parallel>], iteration_bounds = array<i64: 2, 16>, scalar_prefetch = 0 : i64, scratch_operands = 5 : i64, tpu.core_type = #tpu.core_type<sc_vector_subcore>, window_params = [{transform_indices = #map}, {transform_indices = #map}, {transform_indices = #map1}, {transform_indices = #map1}]} {
    %mul3A = arith.constant 2 : i32
    %mul3A_0 = arith.muli %arg1, %mul3A : i32
    %add3A = arith.addi %mul3A_0, %arg0 : i32
    %mul3A_1 = arith.constant 632 : i32
    %mul3A_2 = arith.muli %arg1, %mul3A_1 : i32
    "tpu.region"() ({
      %run_scoped3A = tpu.sem_alloc : memref<!tpu.dma_semaphore, #tpu.memory_space<semaphore_mem>>
      %dma_start3A_126 = arith.constant 0 : i32
      %dma_start3A_127 = tpu.memref_slice %arg8[%mul3A_2, %dma_start3A_126] : memref<10112x128xf32, #tpu.memory_space<vmem_shared>> -> memref<632x128xf32, #tpu.memory_space<vmem_shared>>
      tpu.enqueue_dma source(%arg4 : memref<632x128xf32, #tpu.memory_space<hbm>>) target(%dma_start3A_127 : memref<632x128xf32, #tpu.memory_space<vmem_shared>>) target_semaphore(%run_scoped3A : memref<!tpu.dma_semaphore, #tpu.memory_space<semaphore_mem>>)
      %dma_wait3A = arith.constant 0 : i32
      %dma_wait3A_128 = tpu.memref_slice %arg8[%mul3A_2, %dma_wait3A] : memref<10112x128xf32, #tpu.memory_space<vmem_shared>> -> memref<632x128xf32, #tpu.memory_space<vmem_shared>>
      tpu.wait_dma2 semaphore(%run_scoped3A : memref<!tpu.dma_semaphore, #tpu.memory_space<semaphore_mem>>) src(%arg4 : memref<632x128xf32, #tpu.memory_space<hbm>>) dst(%dma_wait3A_128 : memref<632x128xf32, #tpu.memory_space<vmem_shared>>)
      tpu.yield
    }) : () -> ()
    %dma_start3A = arith.constant 0 : i32
    %dma_start3A_3 = arith.constant 0 : i32
    %dma_start3A_4 = arith.constant 0 : i32
    %dma_start3A_5 = arith.constant 0 : i32
    %dma_start3A_6 = tpu.memref_slice %arg6[%dma_start3A_3, %dma_start3A_4, %dma_start3A_5] : memref<2x2x128xi32, #tpu.memory_space<vmem>> -> memref<1x2x128xi32, #tpu.memory_space<vmem>>
    %dma_start3A_7 = tpu.memref_squeeze %dma_start3A_6 : memref<1x2x128xi32, #tpu.memory_space<vmem>> -> memref<2x128xi32, #tpu.memory_space<vmem>>
    %dma_start3A_8 = arith.constant 0 : i32
    %dma_start3A_9 = arith.constant 0 : i32
    %dma_start3A_10 = arith.constant 0 : i32
    %dma_start3A_11 = tpu.memref_slice %arg3[%add3A, %dma_start3A_8, %dma_start3A_9, %dma_start3A_10] : memref<32x80x2x128xi32, #tpu.memory_space<hbm>> -> memref<1x80x2x128xi32, #tpu.memory_space<hbm>>
    %dma_start3A_12 = tpu.memref_squeeze %dma_start3A_11 : memref<1x80x2x128xi32, #tpu.memory_space<hbm>> -> memref<80x2x128xi32, #tpu.memory_space<hbm>>
    %dma_start3A_13 = arith.constant 0 : i32
    %dma_start3A_14 = arith.constant 0 : i32
    %dma_start3A_15 = tpu.memref_slice %dma_start3A_12[%dma_start3A, %dma_start3A_13, %dma_start3A_14] : memref<80x2x128xi32, #tpu.memory_space<hbm>> -> memref<1x2x128xi32, #tpu.memory_space<hbm>>
    %dma_start3A_16 = tpu.memref_squeeze %dma_start3A_15 : memref<1x2x128xi32, #tpu.memory_space<hbm>> -> memref<2x128xi32, #tpu.memory_space<hbm>>
    %dma_start3A_17 = arith.constant 0 : i32
    %dma_start3A_18 = arith.constant 0 : i32
    %dma_start3A_19 = tpu.memref_slice %arg6[%dma_start3A_3, %dma_start3A_17, %dma_start3A_18] : memref<2x2x128xi32, #tpu.memory_space<vmem>> -> memref<1x2x128xi32, #tpu.memory_space<vmem>>
    %dma_start3A_20 = tpu.memref_squeeze %dma_start3A_19 : memref<1x2x128xi32, #tpu.memory_space<vmem>> -> memref<2x128xi32, #tpu.memory_space<vmem>>
    %dma_start3A_21 = arith.constant 0 : i32
    %dma_start3A_22 = arith.constant 0 : i32
    %dma_start3A_23 = arith.constant 0 : i32
    %dma_start3A_24 = tpu.memref_slice %arg3[%add3A, %dma_start3A_21, %dma_start3A_22, %dma_start3A_23] : memref<32x80x2x128xi32, #tpu.memory_space<hbm>> -> memref<1x80x2x128xi32, #tpu.memory_space<hbm>>
    %dma_start3A_25 = tpu.memref_squeeze %dma_start3A_24 : memref<1x80x2x128xi32, #tpu.memory_space<hbm>> -> memref<80x2x128xi32, #tpu.memory_space<hbm>>
    %dma_start3A_26 = arith.constant 0 : i32
    %dma_start3A_27 = arith.constant 0 : i32
    %dma_start3A_28 = tpu.memref_slice %dma_start3A_25[%dma_start3A, %dma_start3A_26, %dma_start3A_27] : memref<80x2x128xi32, #tpu.memory_space<hbm>> -> memref<1x2x128xi32, #tpu.memory_space<hbm>>
    %dma_start3A_29 = tpu.memref_squeeze %dma_start3A_28 : memref<1x2x128xi32, #tpu.memory_space<hbm>> -> memref<2x128xi32, #tpu.memory_space<hbm>>
    tpu.enqueue_dma source(%dma_start3A_29 : memref<2x128xi32, #tpu.memory_space<hbm>>) target(%dma_start3A_20 : memref<2x128xi32, #tpu.memory_space<vmem>>) target_semaphore(%arg9 : memref<!tpu.dma_semaphore, #tpu.memory_space<semaphore_mem>>)
    %dma_start3A_30 = arith.constant 0 : i32
    %dma_start3A_31 = arith.constant 0 : i32
    %dma_start3A_32 = arith.constant 0 : i32
    %dma_start3A_33 = arith.constant 0 : i32
    %dma_start3A_34 = tpu.memref_slice %arg7[%dma_start3A_31, %dma_start3A_32, %dma_start3A_33] : memref<2x128x128xf32, #tpu.memory_space<vmem>> -> memref<1x128x128xf32, #tpu.memory_space<vmem>>
    %dma_start3A_35 = tpu.memref_squeeze %dma_start3A_34 : memref<1x128x128xf32, #tpu.memory_space<vmem>> -> memref<128x128xf32, #tpu.memory_space<vmem>>
    %dma_start3A_36 = arith.constant 0 : i32
    %dma_start3A_37 = arith.constant 0 : i32
    %dma_start3A_38 = arith.constant 0 : i32
    %dma_start3A_39 = tpu.memref_slice %arg2[%add3A, %dma_start3A_36, %dma_start3A_37, %dma_start3A_38] : memref<32x80x128x128xf32, #tpu.memory_space<hbm>> -> memref<1x80x128x128xf32, #tpu.memory_space<hbm>>
    %dma_start3A_40 = tpu.memref_squeeze %dma_start3A_39 : memref<1x80x128x128xf32, #tpu.memory_space<hbm>> -> memref<80x128x128xf32, #tpu.memory_space<hbm>>
    %dma_start3A_41 = arith.constant 0 : i32
    %dma_start3A_42 = arith.constant 0 : i32
    %dma_start3A_43 = tpu.memref_slice %dma_start3A_40[%dma_start3A_30, %dma_start3A_41, %dma_start3A_42] : memref<80x128x128xf32, #tpu.memory_space<hbm>> -> memref<1x128x128xf32, #tpu.memory_space<hbm>>
    %dma_start3A_44 = tpu.memref_squeeze %dma_start3A_43 : memref<1x128x128xf32, #tpu.memory_space<hbm>> -> memref<128x128xf32, #tpu.memory_space<hbm>>
    %dma_start3A_45 = arith.constant 0 : i32
    %dma_start3A_46 = arith.constant 0 : i32
    %dma_start3A_47 = tpu.memref_slice %arg7[%dma_start3A_31, %dma_start3A_45, %dma_start3A_46] : memref<2x128x128xf32, #tpu.memory_space<vmem>> -> memref<1x128x128xf32, #tpu.memory_space<vmem>>
    %dma_start3A_48 = tpu.memref_squeeze %dma_start3A_47 : memref<1x128x128xf32, #tpu.memory_space<vmem>> -> memref<128x128xf32, #tpu.memory_space<vmem>>
    %dma_start3A_49 = arith.constant 0 : i32
    %dma_start3A_50 = arith.constant 0 : i32
    %dma_start3A_51 = arith.constant 0 : i32
    %dma_start3A_52 = tpu.memref_slice %arg2[%add3A, %dma_start3A_49, %dma_start3A_50, %dma_start3A_51] : memref<32x80x128x128xf32, #tpu.memory_space<hbm>> -> memref<1x80x128x128xf32, #tpu.memory_space<hbm>>
    %dma_start3A_53 = tpu.memref_squeeze %dma_start3A_52 : memref<1x80x128x128xf32, #tpu.memory_space<hbm>> -> memref<80x128x128xf32, #tpu.memory_space<hbm>>
    %dma_start3A_54 = arith.constant 0 : i32
    %dma_start3A_55 = arith.constant 0 : i32
    %dma_start3A_56 = tpu.memref_slice %dma_start3A_53[%dma_start3A_30, %dma_start3A_54, %dma_start3A_55] : memref<80x128x128xf32, #tpu.memory_space<hbm>> -> memref<1x128x128xf32, #tpu.memory_space<hbm>>
    %dma_start3A_57 = tpu.memref_squeeze %dma_start3A_56 : memref<1x128x128xf32, #tpu.memory_space<hbm>> -> memref<128x128xf32, #tpu.memory_space<hbm>>
    tpu.enqueue_dma source(%dma_start3A_57 : memref<128x128xf32, #tpu.memory_space<hbm>>) target(%dma_start3A_48 : memref<128x128xf32, #tpu.memory_space<vmem>>) target_semaphore(%arg10 : memref<!tpu.dma_semaphore, #tpu.memory_space<semaphore_mem>>)
    %dma_start3A_58 = arith.constant 1 : i32
    %dma_start3A_59 = arith.constant 1 : i32
    %dma_start3A_60 = arith.constant 0 : i32
    %dma_start3A_61 = arith.constant 0 : i32
    %dma_start3A_62 = tpu.memref_slice %arg6[%dma_start3A_59, %dma_start3A_60, %dma_start3A_61] : memref<2x2x128xi32, #tpu.memory_space<vmem>> -> memref<1x2x128xi32, #tpu.memory_space<vmem>>
    %dma_start3A_63 = tpu.memref_squeeze %dma_start3A_62 : memref<1x2x128xi32, #tpu.memory_space<vmem>> -> memref<2x128xi32, #tpu.memory_space<vmem>>
    %dma_start3A_64 = arith.constant 0 : i32
    %dma_start3A_65 = arith.constant 0 : i32
    %dma_start3A_66 = arith.constant 0 : i32
    %dma_start3A_67 = tpu.memref_slice %arg3[%add3A, %dma_start3A_64, %dma_start3A_65, %dma_start3A_66] : memref<32x80x2x128xi32, #tpu.memory_space<hbm>> -> memref<1x80x2x128xi32, #tpu.memory_space<hbm>>
    %dma_start3A_68 = tpu.memref_squeeze %dma_start3A_67 : memref<1x80x2x128xi32, #tpu.memory_space<hbm>> -> memref<80x2x128xi32, #tpu.memory_space<hbm>>
    %dma_start3A_69 = arith.constant 0 : i32
    %dma_start3A_70 = arith.constant 0 : i32
    %dma_start3A_71 = tpu.memref_slice %dma_start3A_68[%dma_start3A_58, %dma_start3A_69, %dma_start3A_70] : memref<80x2x128xi32, #tpu.memory_space<hbm>> -> memref<1x2x128xi32, #tpu.memory_space<hbm>>
    %dma_start3A_72 = tpu.memref_squeeze %dma_start3A_71 : memref<1x2x128xi32, #tpu.memory_space<hbm>> -> memref<2x128xi32, #tpu.memory_space<hbm>>
    %dma_start3A_73 = arith.constant 0 : i32
    %dma_start3A_74 = arith.constant 0 : i32
    %dma_start3A_75 = tpu.memref_slice %arg6[%dma_start3A_59, %dma_start3A_73, %dma_start3A_74] : memref<2x2x128xi32, #tpu.memory_space<vmem>> -> memref<1x2x128xi32, #tpu.memory_space<vmem>>
    %dma_start3A_76 = tpu.memref_squeeze %dma_start3A_75 : memref<1x2x128xi32, #tpu.memory_space<vmem>> -> memref<2x128xi32, #tpu.memory_space<vmem>>
    %dma_start3A_77 = arith.constant 0 : i32
    %dma_start3A_78 = arith.constant 0 : i32
    %dma_start3A_79 = arith.constant 0 : i32
    %dma_start3A_80 = tpu.memref_slice %arg3[%add3A, %dma_start3A_77, %dma_start3A_78, %dma_start3A_79] : memref<32x80x2x128xi32, #tpu.memory_space<hbm>> -> memref<1x80x2x128xi32, #tpu.memory_space<hbm>>
    %dma_start3A_81 = tpu.memref_squeeze %dma_start3A_80 : memref<1x80x2x128xi32, #tpu.memory_space<hbm>> -> memref<80x2x128xi32, #tpu.memory_space<hbm>>
    %dma_start3A_82 = arith.constant 0 : i32
    %dma_start3A_83 = arith.constant 0 : i32
    %dma_start3A_84 = tpu.memref_slice %dma_start3A_81[%dma_start3A_58, %dma_start3A_82, %dma_start3A_83] : memref<80x2x128xi32, #tpu.memory_space<hbm>> -> memref<1x2x128xi32, #tpu.memory_space<hbm>>
    %dma_start3A_85 = tpu.memref_squeeze %dma_start3A_84 : memref<1x2x128xi32, #tpu.memory_space<hbm>> -> memref<2x128xi32, #tpu.memory_space<hbm>>
    tpu.enqueue_dma source(%dma_start3A_85 : memref<2x128xi32, #tpu.memory_space<hbm>>) target(%dma_start3A_76 : memref<2x128xi32, #tpu.memory_space<vmem>>) target_semaphore(%arg9 : memref<!tpu.dma_semaphore, #tpu.memory_space<semaphore_mem>>)
    %dma_start3A_86 = arith.constant 1 : i32
    %dma_start3A_87 = arith.constant 1 : i32
    %dma_start3A_88 = arith.constant 0 : i32
    %dma_start3A_89 = arith.constant 0 : i32
    %dma_start3A_90 = tpu.memref_slice %arg7[%dma_start3A_87, %dma_start3A_88, %dma_start3A_89] : memref<2x128x128xf32, #tpu.memory_space<vmem>> -> memref<1x128x128xf32, #tpu.memory_space<vmem>>
    %dma_start3A_91 = tpu.memref_squeeze %dma_start3A_90 : memref<1x128x128xf32, #tpu.memory_space<vmem>> -> memref<128x128xf32, #tpu.memory_space<vmem>>
    %dma_start3A_92 = arith.constant 0 : i32
    %dma_start3A_93 = arith.constant 0 : i32
    %dma_start3A_94 = arith.constant 0 : i32
    %dma_start3A_95 = tpu.memref_slice %arg2[%add3A, %dma_start3A_92, %dma_start3A_93, %dma_start3A_94] : memref<32x80x128x128xf32, #tpu.memory_space<hbm>> -> memref<1x80x128x128xf32, #tpu.memory_space<hbm>>
    %dma_start3A_96 = tpu.memref_squeeze %dma_start3A_95 : memref<1x80x128x128xf32, #tpu.memory_space<hbm>> -> memref<80x128x128xf32, #tpu.memory_space<hbm>>
    %dma_start3A_97 = arith.constant 0 : i32
    %dma_start3A_98 = arith.constant 0 : i32
    %dma_start3A_99 = tpu.memref_slice %dma_start3A_96[%dma_start3A_86, %dma_start3A_97, %dma_start3A_98] : memref<80x128x128xf32, #tpu.memory_space<hbm>> -> memref<1x128x128xf32, #tpu.memory_space<hbm>>
    %dma_start3A_100 = tpu.memref_squeeze %dma_start3A_99 : memref<1x128x128xf32, #tpu.memory_space<hbm>> -> memref<128x128xf32, #tpu.memory_space<hbm>>
    %dma_start3A_101 = arith.constant 0 : i32
    %dma_start3A_102 = arith.constant 0 : i32
    %dma_start3A_103 = tpu.memref_slice %arg7[%dma_start3A_87, %dma_start3A_101, %dma_start3A_102] : memref<2x128x128xf32, #tpu.memory_space<vmem>> -> memref<1x128x128xf32, #tpu.memory_space<vmem>>
    %dma_start3A_104 = tpu.memref_squeeze %dma_start3A_103 : memref<1x128x128xf32, #tpu.memory_space<vmem>> -> memref<128x128xf32, #tpu.memory_space<vmem>>
    %dma_start3A_105 = arith.constant 0 : i32
    %dma_start3A_106 = arith.constant 0 : i32
    %dma_start3A_107 = arith.constant 0 : i32
    %dma_start3A_108 = tpu.memref_slice %arg2[%add3A, %dma_start3A_105, %dma_start3A_106, %dma_start3A_107] : memref<32x80x128x128xf32, #tpu.memory_space<hbm>> -> memref<1x80x128x128xf32, #tpu.memory_space<hbm>>
    %dma_start3A_109 = tpu.memref_squeeze %dma_start3A_108 : memref<1x80x128x128xf32, #tpu.memory_space<hbm>> -> memref<80x128x128xf32, #tpu.memory_space<hbm>>
    %dma_start3A_110 = arith.constant 0 : i32
    %dma_start3A_111 = arith.constant 0 : i32
    %dma_start3A_112 = tpu.memref_slice %dma_start3A_109[%dma_start3A_86, %dma_start3A_110, %dma_start3A_111] : memref<80x128x128xf32, #tpu.memory_space<hbm>> -> memref<1x128x128xf32, #tpu.memory_space<hbm>>
    %dma_start3A_113 = tpu.memref_squeeze %dma_start3A_112 : memref<1x128x128xf32, #tpu.memory_space<hbm>> -> memref<128x128xf32, #tpu.memory_space<hbm>>
    tpu.enqueue_dma source(%dma_start3A_113 : memref<128x128xf32, #tpu.memory_space<hbm>>) target(%dma_start3A_104 : memref<128x128xf32, #tpu.memory_space<vmem>>) target_semaphore(%arg10 : memref<!tpu.dma_semaphore, #tpu.memory_space<semaphore_mem>>)
    %barrier3A = arith.constant 0 : index
    tpu.barrier barrier_id(%barrier3A)
    %scan3A = arith.constant 0 : i32
    %scan3A_114 = arith.constant 40 : i32
    %scan3A_115 = arith.addi %scan3A, %scan3A_114 : i32
    %scan3A_116 = arith.constant 1 : i32
    scf.for %scan3A_126 = %scan3A to %scan3A_115 step %scan3A_116  : i32 {
      %mul3A_127 = arith.constant 2 : i32
      %mul3A_128 = arith.muli %scan3A_126, %mul3A_127 : i32
      %add3A_129 = arith.constant 0 : i32
      %add3A_130 = arith.addi %mul3A_128, %add3A_129 : i32
      %dma_wait3A = arith.constant 0 : i32
      %dma_wait3A_131 = arith.constant 0 : i32
      %dma_wait3A_132 = arith.constant 0 : i32
      %dma_wait3A_133 = tpu.memref_slice %arg6[%dma_wait3A, %dma_wait3A_131, %dma_wait3A_132] : memref<2x2x128xi32, #tpu.memory_space<vmem>> -> memref<1x2x128xi32, #tpu.memory_space<vmem>>
      %dma_wait3A_134 = tpu.memref_squeeze %dma_wait3A_133 : memref<1x2x128xi32, #tpu.memory_space<vmem>> -> memref<2x128xi32, #tpu.memory_space<vmem>>
      %dma_wait3A_135 = arith.constant 0 : i32
      %dma_wait3A_136 = arith.constant 0 : i32
      %dma_wait3A_137 = arith.constant 0 : i32
      %dma_wait3A_138 = tpu.memref_slice %arg3[%add3A, %dma_wait3A_135, %dma_wait3A_136, %dma_wait3A_137] : memref<32x80x2x128xi32, #tpu.memory_space<hbm>> -> memref<1x80x2x128xi32, #tpu.memory_space<hbm>>
      %dma_wait3A_139 = tpu.memref_squeeze %dma_wait3A_138 : memref<1x80x2x128xi32, #tpu.memory_space<hbm>> -> memref<80x2x128xi32, #tpu.memory_space<hbm>>
      %dma_wait3A_140 = arith.constant 0 : i32
      %dma_wait3A_141 = arith.constant 0 : i32
      %dma_wait3A_142 = tpu.memref_slice %dma_wait3A_139[%add3A_130, %dma_wait3A_140, %dma_wait3A_141] : memref<80x2x128xi32, #tpu.memory_space<hbm>> -> memref<1x2x128xi32, #tpu.memory_space<hbm>>
      %dma_wait3A_143 = tpu.memref_squeeze %dma_wait3A_142 : memref<1x2x128xi32, #tpu.memory_space<hbm>> -> memref<2x128xi32, #tpu.memory_space<hbm>>
      %dma_wait3A_144 = arith.constant 0 : i32
      %dma_wait3A_145 = arith.constant 0 : i32
      %dma_wait3A_146 = tpu.memref_slice %arg6[%dma_wait3A, %dma_wait3A_144, %dma_wait3A_145] : memref<2x2x128xi32, #tpu.memory_space<vmem>> -> memref<1x2x128xi32, #tpu.memory_space<vmem>>
      %dma_wait3A_147 = tpu.memref_squeeze %dma_wait3A_146 : memref<1x2x128xi32, #tpu.memory_space<vmem>> -> memref<2x128xi32, #tpu.memory_space<vmem>>
      %dma_wait3A_148 = arith.constant 0 : i32
      %dma_wait3A_149 = arith.constant 0 : i32
      %dma_wait3A_150 = arith.constant 0 : i32
      %dma_wait3A_151 = tpu.memref_slice %arg3[%add3A, %dma_wait3A_148, %dma_wait3A_149, %dma_wait3A_150] : memref<32x80x2x128xi32, #tpu.memory_space<hbm>> -> memref<1x80x2x128xi32, #tpu.memory_space<hbm>>
      %dma_wait3A_152 = tpu.memref_squeeze %dma_wait3A_151 : memref<1x80x2x128xi32, #tpu.memory_space<hbm>> -> memref<80x2x128xi32, #tpu.memory_space<hbm>>
      %dma_wait3A_153 = arith.constant 0 : i32
      %dma_wait3A_154 = arith.constant 0 : i32
      %dma_wait3A_155 = tpu.memref_slice %dma_wait3A_152[%add3A_130, %dma_wait3A_153, %dma_wait3A_154] : memref<80x2x128xi32, #tpu.memory_space<hbm>> -> memref<1x2x128xi32, #tpu.memory_space<hbm>>
      %dma_wait3A_156 = tpu.memref_squeeze %dma_wait3A_155 : memref<1x2x128xi32, #tpu.memory_space<hbm>> -> memref<2x128xi32, #tpu.memory_space<hbm>>
      tpu.wait_dma2 semaphore(%arg9 : memref<!tpu.dma_semaphore, #tpu.memory_space<semaphore_mem>>) src(%dma_wait3A_156 : memref<2x128xi32, #tpu.memory_space<hbm>>) dst(%dma_wait3A_147 : memref<2x128xi32, #tpu.memory_space<vmem>>)
      %dma_wait3A_157 = arith.constant 0 : i32
      %dma_wait3A_158 = arith.constant 0 : i32
      %dma_wait3A_159 = arith.constant 0 : i32
      %dma_wait3A_160 = tpu.memref_slice %arg7[%dma_wait3A_157, %dma_wait3A_158, %dma_wait3A_159] : memref<2x128x128xf32, #tpu.memory_space<vmem>> -> memref<1x128x128xf32, #tpu.memory_space<vmem>>
      %dma_wait3A_161 = tpu.memref_squeeze %dma_wait3A_160 : memref<1x128x128xf32, #tpu.memory_space<vmem>> -> memref<128x128xf32, #tpu.memory_space<vmem>>
      %dma_wait3A_162 = arith.constant 0 : i32
      %dma_wait3A_163 = arith.constant 0 : i32
      %dma_wait3A_164 = arith.constant 0 : i32
      %dma_wait3A_165 = tpu.memref_slice %arg2[%add3A, %dma_wait3A_162, %dma_wait3A_163, %dma_wait3A_164] : memref<32x80x128x128xf32, #tpu.memory_space<hbm>> -> memref<1x80x128x128xf32, #tpu.memory_space<hbm>>
      %dma_wait3A_166 = tpu.memref_squeeze %dma_wait3A_165 : memref<1x80x128x128xf32, #tpu.memory_space<hbm>> -> memref<80x128x128xf32, #tpu.memory_space<hbm>>
      %dma_wait3A_167 = arith.constant 0 : i32
      %dma_wait3A_168 = arith.constant 0 : i32
      %dma_wait3A_169 = tpu.memref_slice %dma_wait3A_166[%add3A_130, %dma_wait3A_167, %dma_wait3A_168] : memref<80x128x128xf32, #tpu.memory_space<hbm>> -> memref<1x128x128xf32, #tpu.memory_space<hbm>>
      %dma_wait3A_170 = tpu.memref_squeeze %dma_wait3A_169 : memref<1x128x128xf32, #tpu.memory_space<hbm>> -> memref<128x128xf32, #tpu.memory_space<hbm>>
      %dma_wait3A_171 = arith.constant 0 : i32
      %dma_wait3A_172 = arith.constant 0 : i32
      %dma_wait3A_173 = tpu.memref_slice %arg7[%dma_wait3A_157, %dma_wait3A_171, %dma_wait3A_172] : memref<2x128x128xf32, #tpu.memory_space<vmem>> -> memref<1x128x128xf32, #tpu.memory_space<vmem>>
      %dma_wait3A_174 = tpu.memref_squeeze %dma_wait3A_173 : memref<1x128x128xf32, #tpu.memory_space<vmem>> -> memref<128x128xf32, #tpu.memory_space<vmem>>
      %dma_wait3A_175 = arith.constant 0 : i32
      %dma_wait3A_176 = arith.constant 0 : i32
      %dma_wait3A_177 = arith.constant 0 : i32
      %dma_wait3A_178 = tpu.memref_slice %arg2[%add3A, %dma_wait3A_175, %dma_wait3A_176, %dma_wait3A_177] : memref<32x80x128x128xf32, #tpu.memory_space<hbm>> -> memref<1x80x128x128xf32, #tpu.memory_space<hbm>>
      %dma_wait3A_179 = tpu.memref_squeeze %dma_wait3A_178 : memref<1x80x128x128xf32, #tpu.memory_space<hbm>> -> memref<80x128x128xf32, #tpu.memory_space<hbm>>
      %dma_wait3A_180 = arith.constant 0 : i32
      %dma_wait3A_181 = arith.constant 0 : i32
      %dma_wait3A_182 = tpu.memref_slice %dma_wait3A_179[%add3A_130, %dma_wait3A_180, %dma_wait3A_181] : memref<80x128x128xf32, #tpu.memory_space<hbm>> -> memref<1x128x128xf32, #tpu.memory_space<hbm>>
      %dma_wait3A_183 = tpu.memref_squeeze %dma_wait3A_182 : memref<1x128x128xf32, #tpu.memory_space<hbm>> -> memref<128x128xf32, #tpu.memory_space<hbm>>
      tpu.wait_dma2 semaphore(%arg10 : memref<!tpu.dma_semaphore, #tpu.memory_space<semaphore_mem>>) src(%dma_wait3A_183 : memref<128x128xf32, #tpu.memory_space<hbm>>) dst(%dma_wait3A_174 : memref<128x128xf32, #tpu.memory_space<vmem>>)
      %run_scoped3A = arith.constant 0 : i32
      %run_scoped3A_184 = arith.constant 0 : i32
      %run_scoped3A_185 = arith.constant 1 : i32
      "tpu.region"() ({
        %run_scoped3A_258 = tpu.sem_alloc : memref<!tpu.dma_semaphore, #tpu.memory_space<semaphore_mem>>
        %dma_start3A_259 = arith.constant 0 : i32
        %dma_start3A_260 = arith.constant 0 : i32
        %dma_start3A_261 = tpu.memref_slice %arg7[%run_scoped3A, %dma_start3A_259, %dma_start3A_260] : memref<2x128x128xf32, #tpu.memory_space<vmem>> -> memref<1x128x128xf32, #tpu.memory_space<vmem>>
        %dma_start3A_262 = tpu.memref_squeeze %dma_start3A_261 : memref<1x128x128xf32, #tpu.memory_space<vmem>> -> memref<128x128xf32, #tpu.memory_space<vmem>>
        %dma_start3A_263 = arith.constant 0 : i32
        %dma_start3A_264 = arith.constant 0 : i32
        %dma_start3A_265 = tpu.memref_slice %arg6[%run_scoped3A_184, %dma_start3A_263, %dma_start3A_264] : memref<2x2x128xi32, #tpu.memory_space<vmem>> -> memref<1x2x128xi32, #tpu.memory_space<vmem>>
        %dma_start3A_266 = tpu.memref_squeeze %dma_start3A_265 : memref<1x2x128xi32, #tpu.memory_space<vmem>> -> memref<2x128xi32, #tpu.memory_space<vmem>>
        %dma_start3A_267 = arith.constant 0 : i32
        %dma_start3A_268 = tpu.memref_slice %dma_start3A_266[%run_scoped3A_185, %dma_start3A_267] : memref<2x128xi32, #tpu.memory_space<vmem>> -> memref<1x128xi32, #tpu.memory_space<vmem>>
        %dma_start3A_269 = tpu.memref_squeeze %dma_start3A_268 : memref<1x128xi32, #tpu.memory_space<vmem>> -> memref<128xi32, #tpu.memory_space<vmem>>
        %dma_start3A_270 = arith.constant 0 : i32
        %dma_start3A_271 = arith.constant 0 : i32
        %dma_start3A_272 = tpu.memref_slice %arg8[%dma_start3A_270, %dma_start3A_271] : memref<10112x128xf32, #tpu.memory_space<vmem_shared>> -> memref<10112x128xf32, #tpu.memory_space<vmem_shared>>
        tpu.enqueue_indirect_dma source(%dma_start3A_262 : memref<128x128xf32, #tpu.memory_space<vmem>>) target(%dma_start3A_272 : memref<10112x128xf32, #tpu.memory_space<vmem_shared>>) offsets(%dma_start3A_269 : memref<128xi32, #tpu.memory_space<vmem>>) semaphore(%run_scoped3A_258 : memref<!tpu.dma_semaphore, #tpu.memory_space<semaphore_mem>>) {add = true}
        %dma_wait3A_273 = arith.constant 0 : i32
        %dma_wait3A_274 = arith.constant 0 : i32
        %dma_wait3A_275 = tpu.memref_slice %arg7[%run_scoped3A, %dma_wait3A_273, %dma_wait3A_274] : memref<2x128x128xf32, #tpu.memory_space<vmem>> -> memref<1x128x128xf32, #tpu.memory_space<vmem>>
        %dma_wait3A_276 = tpu.memref_squeeze %dma_wait3A_275 : memref<1x128x128xf32, #tpu.memory_space<vmem>> -> memref<128x128xf32, #tpu.memory_space<vmem>>
        %dma_wait3A_277 = arith.constant 0 : i32
        %dma_wait3A_278 = arith.constant 0 : i32
        %dma_wait3A_279 = tpu.memref_slice %arg6[%run_scoped3A_184, %dma_wait3A_277, %dma_wait3A_278] : memref<2x2x128xi32, #tpu.memory_space<vmem>> -> memref<1x2x128xi32, #tpu.memory_space<vmem>>
        %dma_wait3A_280 = tpu.memref_squeeze %dma_wait3A_279 : memref<1x2x128xi32, #tpu.memory_space<vmem>> -> memref<2x128xi32, #tpu.memory_space<vmem>>
        %dma_wait3A_281 = arith.constant 0 : i32
        %dma_wait3A_282 = tpu.memref_slice %dma_wait3A_280[%run_scoped3A_185, %dma_wait3A_281] : memref<2x128xi32, #tpu.memory_space<vmem>> -> memref<1x128xi32, #tpu.memory_space<vmem>>
        %dma_wait3A_283 = tpu.memref_squeeze %dma_wait3A_282 : memref<1x128xi32, #tpu.memory_space<vmem>> -> memref<128xi32, #tpu.memory_space<vmem>>
        %dma_wait3A_284 = arith.constant 0 : i32
        %dma_wait3A_285 = arith.constant 0 : i32
        %dma_wait3A_286 = tpu.memref_slice %arg8[%dma_wait3A_284, %dma_wait3A_285] : memref<10112x128xf32, #tpu.memory_space<vmem_shared>> -> memref<10112x128xf32, #tpu.memory_space<vmem_shared>>
        tpu.wait_indirect_dma semaphore(%run_scoped3A_258 : memref<!tpu.dma_semaphore, #tpu.memory_space<semaphore_mem>>) src(%dma_wait3A_276 : memref<128x128xf32, #tpu.memory_space<vmem>>) dst(%dma_wait3A_286 : memref<10112x128xf32, #tpu.memory_space<vmem_shared>>)
        tpu.yield
      }) : () -> ()
      %add3A_186 = arith.constant 2 : i32
      %add3A_187 = arith.addi %add3A_130, %add3A_186 : i32
      %lt3A = arith.constant 80 : i32
      %lt3A_188 = arith.cmpi slt, %add3A_187, %lt3A : i32
      %convert_element_type3A = arith.extui %lt3A_188 : i1 to i32
      %cond3A = arith.constant 0 : i32
      %cond3A_189 = arith.cmpi ne, %convert_element_type3A, %cond3A : i32
      scf.if %cond3A_189 {
        %add3A_258 = arith.constant 2 : i32
        %add3A_259 = arith.addi %add3A_130, %add3A_258 : i32
        %dma_start3A_260 = arith.constant 0 : i32
        %dma_start3A_261 = arith.constant 0 : i32
        %dma_start3A_262 = arith.constant 0 : i32
        %dma_start3A_263 = tpu.memref_slice %arg6[%dma_start3A_260, %dma_start3A_261, %dma_start3A_262] : memref<2x2x128xi32, #tpu.memory_space<vmem>> -> memref<1x2x128xi32, #tpu.memory_space<vmem>>
        %dma_start3A_264 = tpu.memref_squeeze %dma_start3A_263 : memref<1x2x128xi32, #tpu.memory_space<vmem>> -> memref<2x128xi32, #tpu.memory_space<vmem>>
        %dma_start3A_265 = arith.constant 0 : i32
        %dma_start3A_266 = arith.constant 0 : i32
        %dma_start3A_267 = arith.constant 0 : i32
        %dma_start3A_268 = tpu.memref_slice %arg3[%add3A, %dma_start3A_265, %dma_start3A_266, %dma_start3A_267] : memref<32x80x2x128xi32, #tpu.memory_space<hbm>> -> memref<1x80x2x128xi32, #tpu.memory_space<hbm>>
        %dma_start3A_269 = tpu.memref_squeeze %dma_start3A_268 : memref<1x80x2x128xi32, #tpu.memory_space<hbm>> -> memref<80x2x128xi32, #tpu.memory_space<hbm>>
        %dma_start3A_270 = arith.constant 0 : i32
        %dma_start3A_271 = arith.constant 0 : i32
        %dma_start3A_272 = tpu.memref_slice %dma_start3A_269[%add3A_259, %dma_start3A_270, %dma_start3A_271] : memref<80x2x128xi32, #tpu.memory_space<hbm>> -> memref<1x2x128xi32, #tpu.memory_space<hbm>>
        %dma_start3A_273 = tpu.memref_squeeze %dma_start3A_272 : memref<1x2x128xi32, #tpu.memory_space<hbm>> -> memref<2x128xi32, #tpu.memory_space<hbm>>
        %dma_start3A_274 = arith.constant 0 : i32
        %dma_start3A_275 = arith.constant 0 : i32
        %dma_start3A_276 = tpu.memref_slice %arg6[%dma_start3A_260, %dma_start3A_274, %dma_start3A_275] : memref<2x2x128xi32, #tpu.memory_space<vmem>> -> memref<1x2x128xi32, #tpu.memory_space<vmem>>
        %dma_start3A_277 = tpu.memref_squeeze %dma_start3A_276 : memref<1x2x128xi32, #tpu.memory_space<vmem>> -> memref<2x128xi32, #tpu.memory_space<vmem>>
        %dma_start3A_278 = arith.constant 0 : i32
        %dma_start3A_279 = arith.constant 0 : i32
        %dma_start3A_280 = arith.constant 0 : i32
        %dma_start3A_281 = tpu.memref_slice %arg3[%add3A, %dma_start3A_278, %dma_start3A_279, %dma_start3A_280] : memref<32x80x2x128xi32, #tpu.memory_space<hbm>> -> memref<1x80x2x128xi32, #tpu.memory_space<hbm>>
        %dma_start3A_282 = tpu.memref_squeeze %dma_start3A_281 : memref<1x80x2x128xi32, #tpu.memory_space<hbm>> -> memref<80x2x128xi32, #tpu.memory_space<hbm>>
        %dma_start3A_283 = arith.constant 0 : i32
        %dma_start3A_284 = arith.constant 0 : i32
        %dma_start3A_285 = tpu.memref_slice %dma_start3A_282[%add3A_259, %dma_start3A_283, %dma_start3A_284] : memref<80x2x128xi32, #tpu.memory_space<hbm>> -> memref<1x2x128xi32, #tpu.memory_space<hbm>>
        %dma_start3A_286 = tpu.memref_squeeze %dma_start3A_285 : memref<1x2x128xi32, #tpu.memory_space<hbm>> -> memref<2x128xi32, #tpu.memory_space<hbm>>
        tpu.enqueue_dma source(%dma_start3A_286 : memref<2x128xi32, #tpu.memory_space<hbm>>) target(%dma_start3A_277 : memref<2x128xi32, #tpu.memory_space<vmem>>) target_semaphore(%arg9 : memref<!tpu.dma_semaphore, #tpu.memory_space<semaphore_mem>>)
        %dma_start3A_287 = arith.constant 0 : i32
        %dma_start3A_288 = arith.constant 0 : i32
        %dma_start3A_289 = arith.constant 0 : i32
        %dma_start3A_290 = tpu.memref_slice %arg7[%dma_start3A_287, %dma_start3A_288, %dma_start3A_289] : memref<2x128x128xf32, #tpu.memory_space<vmem>> -> memref<1x128x128xf32, #tpu.memory_space<vmem>>
        %dma_start3A_291 = tpu.memref_squeeze %dma_start3A_290 : memref<1x128x128xf32, #tpu.memory_space<vmem>> -> memref<128x128xf32, #tpu.memory_space<vmem>>
        %dma_start3A_292 = arith.constant 0 : i32
        %dma_start3A_293 = arith.constant 0 : i32
        %dma_start3A_294 = arith.constant 0 : i32
        %dma_start3A_295 = tpu.memref_slice %arg2[%add3A, %dma_start3A_292, %dma_start3A_293, %dma_start3A_294] : memref<32x80x128x128xf32, #tpu.memory_space<hbm>> -> memref<1x80x128x128xf32, #tpu.memory_space<hbm>>
        %dma_start3A_296 = tpu.memref_squeeze %dma_start3A_295 : memref<1x80x128x128xf32, #tpu.memory_space<hbm>> -> memref<80x128x128xf32, #tpu.memory_space<hbm>>
        %dma_start3A_297 = arith.constant 0 : i32
        %dma_start3A_298 = arith.constant 0 : i32
        %dma_start3A_299 = tpu.memref_slice %dma_start3A_296[%add3A_259, %dma_start3A_297, %dma_start3A_298] : memref<80x128x128xf32, #tpu.memory_space<hbm>> -> memref<1x128x128xf32, #tpu.memory_space<hbm>>
        %dma_start3A_300 = tpu.memref_squeeze %dma_start3A_299 : memref<1x128x128xf32, #tpu.memory_space<hbm>> -> memref<128x128xf32, #tpu.memory_space<hbm>>
        %dma_start3A_301 = arith.constant 0 : i32
        %dma_start3A_302 = arith.constant 0 : i32
        %dma_start3A_303 = tpu.memref_slice %arg7[%dma_start3A_287, %dma_start3A_301, %dma_start3A_302] : memref<2x128x128xf32, #tpu.memory_space<vmem>> -> memref<1x128x128xf32, #tpu.memory_space<vmem>>
        %dma_start3A_304 = tpu.memref_squeeze %dma_start3A_303 : memref<1x128x128xf32, #tpu.memory_space<vmem>> -> memref<128x128xf32, #tpu.memory_space<vmem>>
        %dma_start3A_305 = arith.constant 0 : i32
        %dma_start3A_306 = arith.constant 0 : i32
        %dma_start3A_307 = arith.constant 0 : i32
        %dma_start3A_308 = tpu.memref_slice %arg2[%add3A, %dma_start3A_305, %dma_start3A_306, %dma_start3A_307] : memref<32x80x128x128xf32, #tpu.memory_space<hbm>> -> memref<1x80x128x128xf32, #tpu.memory_space<hbm>>
        %dma_start3A_309 = tpu.memref_squeeze %dma_start3A_308 : memref<1x80x128x128xf32, #tpu.memory_space<hbm>> -> memref<80x128x128xf32, #tpu.memory_space<hbm>>
        %dma_start3A_310 = arith.constant 0 : i32
        %dma_start3A_311 = arith.constant 0 : i32
        %dma_start3A_312 = tpu.memref_slice %dma_start3A_309[%add3A_259, %dma_start3A_310, %dma_start3A_311] : memref<80x128x128xf32, #tpu.memory_space<hbm>> -> memref<1x128x128xf32, #tpu.memory_space<hbm>>
        %dma_start3A_313 = tpu.memref_squeeze %dma_start3A_312 : memref<1x128x128xf32, #tpu.memory_space<hbm>> -> memref<128x128xf32, #tpu.memory_space<hbm>>
        tpu.enqueue_dma source(%dma_start3A_313 : memref<128x128xf32, #tpu.memory_space<hbm>>) target(%dma_start3A_304 : memref<128x128xf32, #tpu.memory_space<vmem>>) target_semaphore(%arg10 : memref<!tpu.dma_semaphore, #tpu.memory_space<semaphore_mem>>)
      } else {
      }
      %mul3A_190 = arith.constant 2 : i32
      %mul3A_191 = arith.muli %scan3A_126, %mul3A_190 : i32
      %add3A_192 = arith.constant 1 : i32
      %add3A_193 = arith.addi %mul3A_191, %add3A_192 : i32
      %dma_wait3A_194 = arith.constant 1 : i32
      %dma_wait3A_195 = arith.constant 0 : i32
      %dma_wait3A_196 = arith.constant 0 : i32
      %dma_wait3A_197 = tpu.memref_slice %arg6[%dma_wait3A_194, %dma_wait3A_195, %dma_wait3A_196] : memref<2x2x128xi32, #tpu.memory_space<vmem>> -> memref<1x2x128xi32, #tpu.memory_space<vmem>>
      %dma_wait3A_198 = tpu.memref_squeeze %dma_wait3A_197 : memref<1x2x128xi32, #tpu.memory_space<vmem>> -> memref<2x128xi32, #tpu.memory_space<vmem>>
      %dma_wait3A_199 = arith.constant 0 : i32
      %dma_wait3A_200 = arith.constant 0 : i32
      %dma_wait3A_201 = arith.constant 0 : i32
      %dma_wait3A_202 = tpu.memref_slice %arg3[%add3A, %dma_wait3A_199, %dma_wait3A_200, %dma_wait3A_201] : memref<32x80x2x128xi32, #tpu.memory_space<hbm>> -> memref<1x80x2x128xi32, #tpu.memory_space<hbm>>
      %dma_wait3A_203 = tpu.memref_squeeze %dma_wait3A_202 : memref<1x80x2x128xi32, #tpu.memory_space<hbm>> -> memref<80x2x128xi32, #tpu.memory_space<hbm>>
      %dma_wait3A_204 = arith.constant 0 : i32
      %dma_wait3A_205 = arith.constant 0 : i32
      %dma_wait3A_206 = tpu.memref_slice %dma_wait3A_203[%add3A_193, %dma_wait3A_204, %dma_wait3A_205] : memref<80x2x128xi32, #tpu.memory_space<hbm>> -> memref<1x2x128xi32, #tpu.memory_space<hbm>>
      %dma_wait3A_207 = tpu.memref_squeeze %dma_wait3A_206 : memref<1x2x128xi32, #tpu.memory_space<hbm>> -> memref<2x128xi32, #tpu.memory_space<hbm>>
      %dma_wait3A_208 = arith.constant 0 : i32
      %dma_wait3A_209 = arith.constant 0 : i32
      %dma_wait3A_210 = tpu.memref_slice %arg6[%dma_wait3A_194, %dma_wait3A_208, %dma_wait3A_209] : memref<2x2x128xi32, #tpu.memory_space<vmem>> -> memref<1x2x128xi32, #tpu.memory_space<vmem>>
      %dma_wait3A_211 = tpu.memref_squeeze %dma_wait3A_210 : memref<1x2x128xi32, #tpu.memory_space<vmem>> -> memref<2x128xi32, #tpu.memory_space<vmem>>
      %dma_wait3A_212 = arith.constant 0 : i32
      %dma_wait3A_213 = arith.constant 0 : i32
      %dma_wait3A_214 = arith.constant 0 : i32
      %dma_wait3A_215 = tpu.memref_slice %arg3[%add3A, %dma_wait3A_212, %dma_wait3A_213, %dma_wait3A_214] : memref<32x80x2x128xi32, #tpu.memory_space<hbm>> -> memref<1x80x2x128xi32, #tpu.memory_space<hbm>>
      %dma_wait3A_216 = tpu.memref_squeeze %dma_wait3A_215 : memref<1x80x2x128xi32, #tpu.memory_space<hbm>> -> memref<80x2x128xi32, #tpu.memory_space<hbm>>
      %dma_wait3A_217 = arith.constant 0 : i32
      %dma_wait3A_218 = arith.constant 0 : i32
      %dma_wait3A_219 = tpu.memref_slice %dma_wait3A_216[%add3A_193, %dma_wait3A_217, %dma_wait3A_218] : memref<80x2x128xi32, #tpu.memory_space<hbm>> -> memref<1x2x128xi32, #tpu.memory_space<hbm>>
      %dma_wait3A_220 = tpu.memref_squeeze %dma_wait3A_219 : memref<1x2x128xi32, #tpu.memory_space<hbm>> -> memref<2x128xi32, #tpu.memory_space<hbm>>
      tpu.wait_dma2 semaphore(%arg9 : memref<!tpu.dma_semaphore, #tpu.memory_space<semaphore_mem>>) src(%dma_wait3A_220 : memref<2x128xi32, #tpu.memory_space<hbm>>) dst(%dma_wait3A_211 : memref<2x128xi32, #tpu.memory_space<vmem>>)
      %dma_wait3A_221 = arith.constant 1 : i32
      %dma_wait3A_222 = arith.constant 0 : i32
      %dma_wait3A_223 = arith.constant 0 : i32
      %dma_wait3A_224 = tpu.memref_slice %arg7[%dma_wait3A_221, %dma_wait3A_222, %dma_wait3A_223] : memref<2x128x128xf32, #tpu.memory_space<vmem>> -> memref<1x128x128xf32, #tpu.memory_space<vmem>>
      %dma_wait3A_225 = tpu.memref_squeeze %dma_wait3A_224 : memref<1x128x128xf32, #tpu.memory_space<vmem>> -> memref<128x128xf32, #tpu.memory_space<vmem>>
      %dma_wait3A_226 = arith.constant 0 : i32
      %dma_wait3A_227 = arith.constant 0 : i32
      %dma_wait3A_228 = arith.constant 0 : i32
      %dma_wait3A_229 = tpu.memref_slice %arg2[%add3A, %dma_wait3A_226, %dma_wait3A_227, %dma_wait3A_228] : memref<32x80x128x128xf32, #tpu.memory_space<hbm>> -> memref<1x80x128x128xf32, #tpu.memory_space<hbm>>
      %dma_wait3A_230 = tpu.memref_squeeze %dma_wait3A_229 : memref<1x80x128x128xf32, #tpu.memory_space<hbm>> -> memref<80x128x128xf32, #tpu.memory_space<hbm>>
      %dma_wait3A_231 = arith.constant 0 : i32
      %dma_wait3A_232 = arith.constant 0 : i32
      %dma_wait3A_233 = tpu.memref_slice %dma_wait3A_230[%add3A_193, %dma_wait3A_231, %dma_wait3A_232] : memref<80x128x128xf32, #tpu.memory_space<hbm>> -> memref<1x128x128xf32, #tpu.memory_space<hbm>>
      %dma_wait3A_234 = tpu.memref_squeeze %dma_wait3A_233 : memref<1x128x128xf32, #tpu.memory_space<hbm>> -> memref<128x128xf32, #tpu.memory_space<hbm>>
      %dma_wait3A_235 = arith.constant 0 : i32
      %dma_wait3A_236 = arith.constant 0 : i32
      %dma_wait3A_237 = tpu.memref_slice %arg7[%dma_wait3A_221, %dma_wait3A_235, %dma_wait3A_236] : memref<2x128x128xf32, #tpu.memory_space<vmem>> -> memref<1x128x128xf32, #tpu.memory_space<vmem>>
      %dma_wait3A_238 = tpu.memref_squeeze %dma_wait3A_237 : memref<1x128x128xf32, #tpu.memory_space<vmem>> -> memref<128x128xf32, #tpu.memory_space<vmem>>
      %dma_wait3A_239 = arith.constant 0 : i32
      %dma_wait3A_240 = arith.constant 0 : i32
      %dma_wait3A_241 = arith.constant 0 : i32
      %dma_wait3A_242 = tpu.memref_slice %arg2[%add3A, %dma_wait3A_239, %dma_wait3A_240, %dma_wait3A_241] : memref<32x80x128x128xf32, #tpu.memory_space<hbm>> -> memref<1x80x128x128xf32, #tpu.memory_space<hbm>>
      %dma_wait3A_243 = tpu.memref_squeeze %dma_wait3A_242 : memref<1x80x128x128xf32, #tpu.memory_space<hbm>> -> memref<80x128x128xf32, #tpu.memory_space<hbm>>
      %dma_wait3A_244 = arith.constant 0 : i32
      %dma_wait3A_245 = arith.constant 0 : i32
      %dma_wait3A_246 = tpu.memref_slice %dma_wait3A_243[%add3A_193, %dma_wait3A_244, %dma_wait3A_245] : memref<80x128x128xf32, #tpu.memory_space<hbm>> -> memref<1x128x128xf32, #tpu.memory_space<hbm>>
      %dma_wait3A_247 = tpu.memref_squeeze %dma_wait3A_246 : memref<1x128x128xf32, #tpu.memory_space<hbm>> -> memref<128x128xf32, #tpu.memory_space<hbm>>
      tpu.wait_dma2 semaphore(%arg10 : memref<!tpu.dma_semaphore, #tpu.memory_space<semaphore_mem>>) src(%dma_wait3A_247 : memref<128x128xf32, #tpu.memory_space<hbm>>) dst(%dma_wait3A_238 : memref<128x128xf32, #tpu.memory_space<vmem>>)
      %run_scoped3A_248 = arith.constant 1 : i32
      %run_scoped3A_249 = arith.constant 1 : i32
      %run_scoped3A_250 = arith.constant 1 : i32
      "tpu.region"() ({
        %run_scoped3A_258 = tpu.sem_alloc : memref<!tpu.dma_semaphore, #tpu.memory_space<semaphore_mem>>
        %dma_start3A_259 = arith.constant 0 : i32
        %dma_start3A_260 = arith.constant 0 : i32
        %dma_start3A_261 = tpu.memref_slice %arg7[%run_scoped3A_248, %dma_start3A_259, %dma_start3A_260] : memref<2x128x128xf32, #tpu.memory_space<vmem>> -> memref<1x128x128xf32, #tpu.memory_space<vmem>>
        %dma_start3A_262 = tpu.memref_squeeze %dma_start3A_261 : memref<1x128x128xf32, #tpu.memory_space<vmem>> -> memref<128x128xf32, #tpu.memory_space<vmem>>
        %dma_start3A_263 = arith.constant 0 : i32
        %dma_start3A_264 = arith.constant 0 : i32
        %dma_start3A_265 = tpu.memref_slice %arg6[%run_scoped3A_249, %dma_start3A_263, %dma_start3A_264] : memref<2x2x128xi32, #tpu.memory_space<vmem>> -> memref<1x2x128xi32, #tpu.memory_space<vmem>>
        %dma_start3A_266 = tpu.memref_squeeze %dma_start3A_265 : memref<1x2x128xi32, #tpu.memory_space<vmem>> -> memref<2x128xi32, #tpu.memory_space<vmem>>
        %dma_start3A_267 = arith.constant 0 : i32
        %dma_start3A_268 = tpu.memref_slice %dma_start3A_266[%run_scoped3A_250, %dma_start3A_267] : memref<2x128xi32, #tpu.memory_space<vmem>> -> memref<1x128xi32, #tpu.memory_space<vmem>>
        %dma_start3A_269 = tpu.memref_squeeze %dma_start3A_268 : memref<1x128xi32, #tpu.memory_space<vmem>> -> memref<128xi32, #tpu.memory_space<vmem>>
        %dma_start3A_270 = arith.constant 0 : i32
        %dma_start3A_271 = arith.constant 0 : i32
        %dma_start3A_272 = tpu.memref_slice %arg8[%dma_start3A_270, %dma_start3A_271] : memref<10112x128xf32, #tpu.memory_space<vmem_shared>> -> memref<10112x128xf32, #tpu.memory_space<vmem_shared>>
        tpu.enqueue_indirect_dma source(%dma_start3A_262 : memref<128x128xf32, #tpu.memory_space<vmem>>) target(%dma_start3A_272 : memref<10112x128xf32, #tpu.memory_space<vmem_shared>>) offsets(%dma_start3A_269 : memref<128xi32, #tpu.memory_space<vmem>>) semaphore(%run_scoped3A_258 : memref<!tpu.dma_semaphore, #tpu.memory_space<semaphore_mem>>) {add = true}
        %dma_wait3A_273 = arith.constant 0 : i32
        %dma_wait3A_274 = arith.constant 0 : i32
        %dma_wait3A_275 = tpu.memref_slice %arg7[%run_scoped3A_248, %dma_wait3A_273, %dma_wait3A_274] : memref<2x128x128xf32, #tpu.memory_space<vmem>> -> memref<1x128x128xf32, #tpu.memory_space<vmem>>
        %dma_wait3A_276 = tpu.memref_squeeze %dma_wait3A_275 : memref<1x128x128xf32, #tpu.memory_space<vmem>> -> memref<128x128xf32, #tpu.memory_space<vmem>>
        %dma_wait3A_277 = arith.constant 0 : i32
        %dma_wait3A_278 = arith.constant 0 : i32
        %dma_wait3A_279 = tpu.memref_slice %arg6[%run_scoped3A_249, %dma_wait3A_277, %dma_wait3A_278] : memref<2x2x128xi32, #tpu.memory_space<vmem>> -> memref<1x2x128xi32, #tpu.memory_space<vmem>>
        %dma_wait3A_280 = tpu.memref_squeeze %dma_wait3A_279 : memref<1x2x128xi32, #tpu.memory_space<vmem>> -> memref<2x128xi32, #tpu.memory_space<vmem>>
        %dma_wait3A_281 = arith.constant 0 : i32
        %dma_wait3A_282 = tpu.memref_slice %dma_wait3A_280[%run_scoped3A_250, %dma_wait3A_281] : memref<2x128xi32, #tpu.memory_space<vmem>> -> memref<1x128xi32, #tpu.memory_space<vmem>>
        %dma_wait3A_283 = tpu.memref_squeeze %dma_wait3A_282 : memref<1x128xi32, #tpu.memory_space<vmem>> -> memref<128xi32, #tpu.memory_space<vmem>>
        %dma_wait3A_284 = arith.constant 0 : i32
        %dma_wait3A_285 = arith.constant 0 : i32
        %dma_wait3A_286 = tpu.memref_slice %arg8[%dma_wait3A_284, %dma_wait3A_285] : memref<10112x128xf32, #tpu.memory_space<vmem_shared>> -> memref<10112x128xf32, #tpu.memory_space<vmem_shared>>
        tpu.wait_indirect_dma semaphore(%run_scoped3A_258 : memref<!tpu.dma_semaphore, #tpu.memory_space<semaphore_mem>>) src(%dma_wait3A_276 : memref<128x128xf32, #tpu.memory_space<vmem>>) dst(%dma_wait3A_286 : memref<10112x128xf32, #tpu.memory_space<vmem_shared>>)
        tpu.yield
      }) : () -> ()
      %add3A_251 = arith.constant 2 : i32
      %add3A_252 = arith.addi %add3A_193, %add3A_251 : i32
      %lt3A_253 = arith.constant 80 : i32
      %lt3A_254 = arith.cmpi slt, %add3A_252, %lt3A_253 : i32
      %convert_element_type3A_255 = arith.extui %lt3A_254 : i1 to i32
      %cond3A_256 = arith.constant 0 : i32
      %cond3A_257 = arith.cmpi ne, %convert_element_type3A_255, %cond3A_256 : i32
      scf.if %cond3A_257 {
        %add3A_258 = arith.constant 2 : i32
        %add3A_259 = arith.addi %add3A_193, %add3A_258 : i32
        %dma_start3A_260 = arith.constant 1 : i32
        %dma_start3A_261 = arith.constant 0 : i32
        %dma_start3A_262 = arith.constant 0 : i32
        %dma_start3A_263 = tpu.memref_slice %arg6[%dma_start3A_260, %dma_start3A_261, %dma_start3A_262] : memref<2x2x128xi32, #tpu.memory_space<vmem>> -> memref<1x2x128xi32, #tpu.memory_space<vmem>>
        %dma_start3A_264 = tpu.memref_squeeze %dma_start3A_263 : memref<1x2x128xi32, #tpu.memory_space<vmem>> -> memref<2x128xi32, #tpu.memory_space<vmem>>
        %dma_start3A_265 = arith.constant 0 : i32
        %dma_start3A_266 = arith.constant 0 : i32
        %dma_start3A_267 = arith.constant 0 : i32
        %dma_start3A_268 = tpu.memref_slice %arg3[%add3A, %dma_start3A_265, %dma_start3A_266, %dma_start3A_267] : memref<32x80x2x128xi32, #tpu.memory_space<hbm>> -> memref<1x80x2x128xi32, #tpu.memory_space<hbm>>
        %dma_start3A_269 = tpu.memref_squeeze %dma_start3A_268 : memref<1x80x2x128xi32, #tpu.memory_space<hbm>> -> memref<80x2x128xi32, #tpu.memory_space<hbm>>
        %dma_start3A_270 = arith.constant 0 : i32
        %dma_start3A_271 = arith.constant 0 : i32
        %dma_start3A_272 = tpu.memref_slice %dma_start3A_269[%add3A_259, %dma_start3A_270, %dma_start3A_271] : memref<80x2x128xi32, #tpu.memory_space<hbm>> -> memref<1x2x128xi32, #tpu.memory_space<hbm>>
        %dma_start3A_273 = tpu.memref_squeeze %dma_start3A_272 : memref<1x2x128xi32, #tpu.memory_space<hbm>> -> memref<2x128xi32, #tpu.memory_space<hbm>>
        %dma_start3A_274 = arith.constant 0 : i32
        %dma_start3A_275 = arith.constant 0 : i32
        %dma_start3A_276 = tpu.memref_slice %arg6[%dma_start3A_260, %dma_start3A_274, %dma_start3A_275] : memref<2x2x128xi32, #tpu.memory_space<vmem>> -> memref<1x2x128xi32, #tpu.memory_space<vmem>>
        %dma_start3A_277 = tpu.memref_squeeze %dma_start3A_276 : memref<1x2x128xi32, #tpu.memory_space<vmem>> -> memref<2x128xi32, #tpu.memory_space<vmem>>
        %dma_start3A_278 = arith.constant 0 : i32
        %dma_start3A_279 = arith.constant 0 : i32
        %dma_start3A_280 = arith.constant 0 : i32
        %dma_start3A_281 = tpu.memref_slice %arg3[%add3A, %dma_start3A_278, %dma_start3A_279, %dma_start3A_280] : memref<32x80x2x128xi32, #tpu.memory_space<hbm>> -> memref<1x80x2x128xi32, #tpu.memory_space<hbm>>
        %dma_start3A_282 = tpu.memref_squeeze %dma_start3A_281 : memref<1x80x2x128xi32, #tpu.memory_space<hbm>> -> memref<80x2x128xi32, #tpu.memory_space<hbm>>
        %dma_start3A_283 = arith.constant 0 : i32
        %dma_start3A_284 = arith.constant 0 : i32
        %dma_start3A_285 = tpu.memref_slice %dma_start3A_282[%add3A_259, %dma_start3A_283, %dma_start3A_284] : memref<80x2x128xi32, #tpu.memory_space<hbm>> -> memref<1x2x128xi32, #tpu.memory_space<hbm>>
        %dma_start3A_286 = tpu.memref_squeeze %dma_start3A_285 : memref<1x2x128xi32, #tpu.memory_space<hbm>> -> memref<2x128xi32, #tpu.memory_space<hbm>>
        tpu.enqueue_dma source(%dma_start3A_286 : memref<2x128xi32, #tpu.memory_space<hbm>>) target(%dma_start3A_277 : memref<2x128xi32, #tpu.memory_space<vmem>>) target_semaphore(%arg9 : memref<!tpu.dma_semaphore, #tpu.memory_space<semaphore_mem>>)
        %dma_start3A_287 = arith.constant 1 : i32
        %dma_start3A_288 = arith.constant 0 : i32
        %dma_start3A_289 = arith.constant 0 : i32
        %dma_start3A_290 = tpu.memref_slice %arg7[%dma_start3A_287, %dma_start3A_288, %dma_start3A_289] : memref<2x128x128xf32, #tpu.memory_space<vmem>> -> memref<1x128x128xf32, #tpu.memory_space<vmem>>
        %dma_start3A_291 = tpu.memref_squeeze %dma_start3A_290 : memref<1x128x128xf32, #tpu.memory_space<vmem>> -> memref<128x128xf32, #tpu.memory_space<vmem>>
        %dma_start3A_292 = arith.constant 0 : i32
        %dma_start3A_293 = arith.constant 0 : i32
        %dma_start3A_294 = arith.constant 0 : i32
        %dma_start3A_295 = tpu.memref_slice %arg2[%add3A, %dma_start3A_292, %dma_start3A_293, %dma_start3A_294] : memref<32x80x128x128xf32, #tpu.memory_space<hbm>> -> memref<1x80x128x128xf32, #tpu.memory_space<hbm>>
        %dma_start3A_296 = tpu.memref_squeeze %dma_start3A_295 : memref<1x80x128x128xf32, #tpu.memory_space<hbm>> -> memref<80x128x128xf32, #tpu.memory_space<hbm>>
        %dma_start3A_297 = arith.constant 0 : i32
        %dma_start3A_298 = arith.constant 0 : i32
        %dma_start3A_299 = tpu.memref_slice %dma_start3A_296[%add3A_259, %dma_start3A_297, %dma_start3A_298] : memref<80x128x128xf32, #tpu.memory_space<hbm>> -> memref<1x128x128xf32, #tpu.memory_space<hbm>>
        %dma_start3A_300 = tpu.memref_squeeze %dma_start3A_299 : memref<1x128x128xf32, #tpu.memory_space<hbm>> -> memref<128x128xf32, #tpu.memory_space<hbm>>
        %dma_start3A_301 = arith.constant 0 : i32
        %dma_start3A_302 = arith.constant 0 : i32
        %dma_start3A_303 = tpu.memref_slice %arg7[%dma_start3A_287, %dma_start3A_301, %dma_start3A_302] : memref<2x128x128xf32, #tpu.memory_space<vmem>> -> memref<1x128x128xf32, #tpu.memory_space<vmem>>
        %dma_start3A_304 = tpu.memref_squeeze %dma_start3A_303 : memref<1x128x128xf32, #tpu.memory_space<vmem>> -> memref<128x128xf32, #tpu.memory_space<vmem>>
        %dma_start3A_305 = arith.constant 0 : i32
        %dma_start3A_306 = arith.constant 0 : i32
        %dma_start3A_307 = arith.constant 0 : i32
        %dma_start3A_308 = tpu.memref_slice %arg2[%add3A, %dma_start3A_305, %dma_start3A_306, %dma_start3A_307] : memref<32x80x128x128xf32, #tpu.memory_space<hbm>> -> memref<1x80x128x128xf32, #tpu.memory_space<hbm>>
        %dma_start3A_309 = tpu.memref_squeeze %dma_start3A_308 : memref<1x80x128x128xf32, #tpu.memory_space<hbm>> -> memref<80x128x128xf32, #tpu.memory_space<hbm>>
        %dma_start3A_310 = arith.constant 0 : i32
        %dma_start3A_311 = arith.constant 0 : i32
        %dma_start3A_312 = tpu.memref_slice %dma_start3A_309[%add3A_259, %dma_start3A_310, %dma_start3A_311] : memref<80x128x128xf32, #tpu.memory_space<hbm>> -> memref<1x128x128xf32, #tpu.memory_space<hbm>>
        %dma_start3A_313 = tpu.memref_squeeze %dma_start3A_312 : memref<1x128x128xf32, #tpu.memory_space<hbm>> -> memref<128x128xf32, #tpu.memory_space<hbm>>
        tpu.enqueue_dma source(%dma_start3A_313 : memref<128x128xf32, #tpu.memory_space<hbm>>) target(%dma_start3A_304 : memref<128x128xf32, #tpu.memory_space<vmem>>) target_semaphore(%arg10 : memref<!tpu.dma_semaphore, #tpu.memory_space<semaphore_mem>>)
      } else {
      }
    }
    %scan3A_117 = arith.constant 40 : i32
    %barrier3A_118 = arith.constant 0 : index
    tpu.barrier barrier_id(%barrier3A_118)
    %mul3A_119 = arith.constant 632 : i32
    %mul3A_120 = arith.muli %arg1, %mul3A_119 : i32
    %mul3A_121 = arith.constant 10240 : i32
    %mul3A_122 = arith.muli %arg0, %mul3A_121 : i32
    %mul3A_123 = arith.constant 632 : i32
    %mul3A_124 = arith.muli %arg1, %mul3A_123 : i32
    %add3A_125 = arith.addi %mul3A_122, %mul3A_124 : i32
    "tpu.region"() ({
      %run_scoped3A = tpu.sem_alloc : memref<!tpu.dma_semaphore, #tpu.memory_space<semaphore_mem>>
      %dma_start3A_126 = arith.constant 0 : i32
      %dma_start3A_127 = tpu.memref_slice %arg5[%add3A_125, %dma_start3A_126] : memref<20480x128xf32, #tpu.memory_space<hbm>> -> memref<632x128xf32, #tpu.memory_space<hbm>>
      %dma_start3A_128 = arith.constant 0 : i32
      %dma_start3A_129 = tpu.memref_slice %arg8[%mul3A_120, %dma_start3A_128] : memref<10112x128xf32, #tpu.memory_space<vmem_shared>> -> memref<632x128xf32, #tpu.memory_space<vmem_shared>>
      tpu.enqueue_dma source(%dma_start3A_129 : memref<632x128xf32, #tpu.memory_space<vmem_shared>>) target(%dma_start3A_127 : memref<632x128xf32, #tpu.memory_space<hbm>>) target_semaphore(%run_scoped3A : memref<!tpu.dma_semaphore, #tpu.memory_space<semaphore_mem>>)
      %dma_wait3A = arith.constant 0 : i32
      %dma_wait3A_130 = tpu.memref_slice %arg5[%add3A_125, %dma_wait3A] : memref<20480x128xf32, #tpu.memory_space<hbm>> -> memref<632x128xf32, #tpu.memory_space<hbm>>
      %dma_wait3A_131 = arith.constant 0 : i32
      %dma_wait3A_132 = tpu.memref_slice %arg8[%mul3A_120, %dma_wait3A_131] : memref<10112x128xf32, #tpu.memory_space<vmem_shared>> -> memref<632x128xf32, #tpu.memory_space<vmem_shared>>
      tpu.wait_dma2 semaphore(%run_scoped3A : memref<!tpu.dma_semaphore, #tpu.memory_space<semaphore_mem>>) src(%dma_wait3A_132 : memref<632x128xf32, #tpu.memory_space<vmem_shared>>) dst(%dma_wait3A_130 : memref<632x128xf32, #tpu.memory_space<hbm>>)
      tpu.yield
    }) : () -> ()
    return
  }
}

#map = affine_map<(d0, d1) -> (0, 0)>
#map1 = affine_map<(d0, d1) -> (0, 0, 0, 0)>
module attributes {stable_mosaic.version = 14 : i64} {
  func.func @_sc_neighbor_sum(%arg0: i32, %arg1: i32, %arg2: memref<10240x128xf32, #tpu.memory_space<hbm>>, %arg3: memref<32x80x2x128xi32, #tpu.memory_space<hbm>>, %arg4: memref<632x128xf32, #tpu.memory_space<hbm>>, %arg5: memref<20480x128xf32, #tpu.memory_space<hbm>>, %arg6: memref<2x2x128xi32, #tpu.memory_space<vmem>>, %arg7: memref<2x128x128xf32, #tpu.memory_space<vmem>>, %arg8: memref<10112x128xf32, #tpu.memory_space<vmem_shared>>, %arg9: memref<!tpu.dma_semaphore, #tpu.memory_space<semaphore_mem>>, %arg10: memref<!tpu.dma_semaphore, #tpu.memory_space<semaphore_mem>>) attributes {dimension_semantics = [#tpu.dimension_semantics<core_parallel>, #tpu.dimension_semantics<subcore_parallel>], iteration_bounds = array<i64: 2, 16>, scalar_prefetch = 0 : i64, scratch_operands = 5 : i64, tpu.core_type = #tpu.core_type<sc_vector_subcore>, window_params = [{transform_indices = #map}, {transform_indices = #map1}, {transform_indices = #map}, {transform_indices = #map}]} {
    %mul3A = arith.constant 2 : i32
    %mul3A_0 = arith.muli %arg1, %mul3A : i32
    %add3A = arith.addi %mul3A_0, %arg0 : i32
    %mul3A_1 = arith.constant 632 : i32
    %mul3A_2 = arith.muli %arg1, %mul3A_1 : i32
    "tpu.region"() ({
      %run_scoped3A = tpu.sem_alloc : memref<!tpu.dma_semaphore, #tpu.memory_space<semaphore_mem>>
      %dma_start3A_114 = arith.constant 0 : i32
      %dma_start3A_115 = tpu.memref_slice %arg8[%mul3A_2, %dma_start3A_114] : memref<10112x128xf32, #tpu.memory_space<vmem_shared>> -> memref<632x128xf32, #tpu.memory_space<vmem_shared>>
      tpu.enqueue_dma source(%arg4 : memref<632x128xf32, #tpu.memory_space<hbm>>) target(%dma_start3A_115 : memref<632x128xf32, #tpu.memory_space<vmem_shared>>) target_semaphore(%run_scoped3A : memref<!tpu.dma_semaphore, #tpu.memory_space<semaphore_mem>>)
      %dma_wait3A_116 = arith.constant 0 : i32
      %dma_wait3A_117 = tpu.memref_slice %arg8[%mul3A_2, %dma_wait3A_116] : memref<10112x128xf32, #tpu.memory_space<vmem_shared>> -> memref<632x128xf32, #tpu.memory_space<vmem_shared>>
      tpu.wait_dma2 semaphore(%run_scoped3A : memref<!tpu.dma_semaphore, #tpu.memory_space<semaphore_mem>>) src(%arg4 : memref<632x128xf32, #tpu.memory_space<hbm>>) dst(%dma_wait3A_117 : memref<632x128xf32, #tpu.memory_space<vmem_shared>>)
      tpu.yield
    }) : () -> ()
    %dma_start3A = arith.constant 0 : i32
    %dma_start3A_3 = arith.constant 0 : i32
    %dma_start3A_4 = arith.constant 0 : i32
    %dma_start3A_5 = arith.constant 0 : i32
    %dma_start3A_6 = tpu.memref_slice %arg6[%dma_start3A_3, %dma_start3A_4, %dma_start3A_5] : memref<2x2x128xi32, #tpu.memory_space<vmem>> -> memref<1x2x128xi32, #tpu.memory_space<vmem>>
    %dma_start3A_7 = tpu.memref_squeeze %dma_start3A_6 : memref<1x2x128xi32, #tpu.memory_space<vmem>> -> memref<2x128xi32, #tpu.memory_space<vmem>>
    %dma_start3A_8 = arith.constant 0 : i32
    %dma_start3A_9 = arith.constant 0 : i32
    %dma_start3A_10 = arith.constant 0 : i32
    %dma_start3A_11 = tpu.memref_slice %arg3[%add3A, %dma_start3A_8, %dma_start3A_9, %dma_start3A_10] : memref<32x80x2x128xi32, #tpu.memory_space<hbm>> -> memref<1x80x2x128xi32, #tpu.memory_space<hbm>>
    %dma_start3A_12 = tpu.memref_squeeze %dma_start3A_11 : memref<1x80x2x128xi32, #tpu.memory_space<hbm>> -> memref<80x2x128xi32, #tpu.memory_space<hbm>>
    %dma_start3A_13 = arith.constant 0 : i32
    %dma_start3A_14 = arith.constant 0 : i32
    %dma_start3A_15 = tpu.memref_slice %dma_start3A_12[%dma_start3A, %dma_start3A_13, %dma_start3A_14] : memref<80x2x128xi32, #tpu.memory_space<hbm>> -> memref<1x2x128xi32, #tpu.memory_space<hbm>>
    %dma_start3A_16 = tpu.memref_squeeze %dma_start3A_15 : memref<1x2x128xi32, #tpu.memory_space<hbm>> -> memref<2x128xi32, #tpu.memory_space<hbm>>
    %dma_start3A_17 = arith.constant 0 : i32
    %dma_start3A_18 = arith.constant 0 : i32
    %dma_start3A_19 = tpu.memref_slice %arg6[%dma_start3A_3, %dma_start3A_17, %dma_start3A_18] : memref<2x2x128xi32, #tpu.memory_space<vmem>> -> memref<1x2x128xi32, #tpu.memory_space<vmem>>
    %dma_start3A_20 = tpu.memref_squeeze %dma_start3A_19 : memref<1x2x128xi32, #tpu.memory_space<vmem>> -> memref<2x128xi32, #tpu.memory_space<vmem>>
    %dma_start3A_21 = arith.constant 0 : i32
    %dma_start3A_22 = arith.constant 0 : i32
    %dma_start3A_23 = arith.constant 0 : i32
    %dma_start3A_24 = tpu.memref_slice %arg3[%add3A, %dma_start3A_21, %dma_start3A_22, %dma_start3A_23] : memref<32x80x2x128xi32, #tpu.memory_space<hbm>> -> memref<1x80x2x128xi32, #tpu.memory_space<hbm>>
    %dma_start3A_25 = tpu.memref_squeeze %dma_start3A_24 : memref<1x80x2x128xi32, #tpu.memory_space<hbm>> -> memref<80x2x128xi32, #tpu.memory_space<hbm>>
    %dma_start3A_26 = arith.constant 0 : i32
    %dma_start3A_27 = arith.constant 0 : i32
    %dma_start3A_28 = tpu.memref_slice %dma_start3A_25[%dma_start3A, %dma_start3A_26, %dma_start3A_27] : memref<80x2x128xi32, #tpu.memory_space<hbm>> -> memref<1x2x128xi32, #tpu.memory_space<hbm>>
    %dma_start3A_29 = tpu.memref_squeeze %dma_start3A_28 : memref<1x2x128xi32, #tpu.memory_space<hbm>> -> memref<2x128xi32, #tpu.memory_space<hbm>>
    tpu.enqueue_dma source(%dma_start3A_29 : memref<2x128xi32, #tpu.memory_space<hbm>>) target(%dma_start3A_20 : memref<2x128xi32, #tpu.memory_space<vmem>>) target_semaphore(%arg9 : memref<!tpu.dma_semaphore, #tpu.memory_space<semaphore_mem>>)
    %dma_start3A_30 = arith.constant 1 : i32
    %dma_start3A_31 = arith.constant 1 : i32
    %dma_start3A_32 = arith.constant 0 : i32
    %dma_start3A_33 = arith.constant 0 : i32
    %dma_start3A_34 = tpu.memref_slice %arg6[%dma_start3A_31, %dma_start3A_32, %dma_start3A_33] : memref<2x2x128xi32, #tpu.memory_space<vmem>> -> memref<1x2x128xi32, #tpu.memory_space<vmem>>
    %dma_start3A_35 = tpu.memref_squeeze %dma_start3A_34 : memref<1x2x128xi32, #tpu.memory_space<vmem>> -> memref<2x128xi32, #tpu.memory_space<vmem>>
    %dma_start3A_36 = arith.constant 0 : i32
    %dma_start3A_37 = arith.constant 0 : i32
    %dma_start3A_38 = arith.constant 0 : i32
    %dma_start3A_39 = tpu.memref_slice %arg3[%add3A, %dma_start3A_36, %dma_start3A_37, %dma_start3A_38] : memref<32x80x2x128xi32, #tpu.memory_space<hbm>> -> memref<1x80x2x128xi32, #tpu.memory_space<hbm>>
    %dma_start3A_40 = tpu.memref_squeeze %dma_start3A_39 : memref<1x80x2x128xi32, #tpu.memory_space<hbm>> -> memref<80x2x128xi32, #tpu.memory_space<hbm>>
    %dma_start3A_41 = arith.constant 0 : i32
    %dma_start3A_42 = arith.constant 0 : i32
    %dma_start3A_43 = tpu.memref_slice %dma_start3A_40[%dma_start3A_30, %dma_start3A_41, %dma_start3A_42] : memref<80x2x128xi32, #tpu.memory_space<hbm>> -> memref<1x2x128xi32, #tpu.memory_space<hbm>>
    %dma_start3A_44 = tpu.memref_squeeze %dma_start3A_43 : memref<1x2x128xi32, #tpu.memory_space<hbm>> -> memref<2x128xi32, #tpu.memory_space<hbm>>
    %dma_start3A_45 = arith.constant 0 : i32
    %dma_start3A_46 = arith.constant 0 : i32
    %dma_start3A_47 = tpu.memref_slice %arg6[%dma_start3A_31, %dma_start3A_45, %dma_start3A_46] : memref<2x2x128xi32, #tpu.memory_space<vmem>> -> memref<1x2x128xi32, #tpu.memory_space<vmem>>
    %dma_start3A_48 = tpu.memref_squeeze %dma_start3A_47 : memref<1x2x128xi32, #tpu.memory_space<vmem>> -> memref<2x128xi32, #tpu.memory_space<vmem>>
    %dma_start3A_49 = arith.constant 0 : i32
    %dma_start3A_50 = arith.constant 0 : i32
    %dma_start3A_51 = arith.constant 0 : i32
    %dma_start3A_52 = tpu.memref_slice %arg3[%add3A, %dma_start3A_49, %dma_start3A_50, %dma_start3A_51] : memref<32x80x2x128xi32, #tpu.memory_space<hbm>> -> memref<1x80x2x128xi32, #tpu.memory_space<hbm>>
    %dma_start3A_53 = tpu.memref_squeeze %dma_start3A_52 : memref<1x80x2x128xi32, #tpu.memory_space<hbm>> -> memref<80x2x128xi32, #tpu.memory_space<hbm>>
    %dma_start3A_54 = arith.constant 0 : i32
    %dma_start3A_55 = arith.constant 0 : i32
    %dma_start3A_56 = tpu.memref_slice %dma_start3A_53[%dma_start3A_30, %dma_start3A_54, %dma_start3A_55] : memref<80x2x128xi32, #tpu.memory_space<hbm>> -> memref<1x2x128xi32, #tpu.memory_space<hbm>>
    %dma_start3A_57 = tpu.memref_squeeze %dma_start3A_56 : memref<1x2x128xi32, #tpu.memory_space<hbm>> -> memref<2x128xi32, #tpu.memory_space<hbm>>
    tpu.enqueue_dma source(%dma_start3A_57 : memref<2x128xi32, #tpu.memory_space<hbm>>) target(%dma_start3A_48 : memref<2x128xi32, #tpu.memory_space<vmem>>) target_semaphore(%arg9 : memref<!tpu.dma_semaphore, #tpu.memory_space<semaphore_mem>>)
    %barrier3A = arith.constant 0 : index
    tpu.barrier barrier_id(%barrier3A)
    %dma_wait3A = arith.constant 0 : i32
    %dma_wait3A_58 = arith.constant 0 : i32
    %dma_wait3A_59 = arith.constant 0 : i32
    %dma_wait3A_60 = arith.constant 0 : i32
    %dma_wait3A_61 = tpu.memref_slice %arg6[%dma_wait3A_58, %dma_wait3A_59, %dma_wait3A_60] : memref<2x2x128xi32, #tpu.memory_space<vmem>> -> memref<1x2x128xi32, #tpu.memory_space<vmem>>
    %dma_wait3A_62 = tpu.memref_squeeze %dma_wait3A_61 : memref<1x2x128xi32, #tpu.memory_space<vmem>> -> memref<2x128xi32, #tpu.memory_space<vmem>>
    %dma_wait3A_63 = arith.constant 0 : i32
    %dma_wait3A_64 = arith.constant 0 : i32
    %dma_wait3A_65 = arith.constant 0 : i32
    %dma_wait3A_66 = tpu.memref_slice %arg3[%add3A, %dma_wait3A_63, %dma_wait3A_64, %dma_wait3A_65] : memref<32x80x2x128xi32, #tpu.memory_space<hbm>> -> memref<1x80x2x128xi32, #tpu.memory_space<hbm>>
    %dma_wait3A_67 = tpu.memref_squeeze %dma_wait3A_66 : memref<1x80x2x128xi32, #tpu.memory_space<hbm>> -> memref<80x2x128xi32, #tpu.memory_space<hbm>>
    %dma_wait3A_68 = arith.constant 0 : i32
    %dma_wait3A_69 = arith.constant 0 : i32
    %dma_wait3A_70 = tpu.memref_slice %dma_wait3A_67[%dma_wait3A, %dma_wait3A_68, %dma_wait3A_69] : memref<80x2x128xi32, #tpu.memory_space<hbm>> -> memref<1x2x128xi32, #tpu.memory_space<hbm>>
    %dma_wait3A_71 = tpu.memref_squeeze %dma_wait3A_70 : memref<1x2x128xi32, #tpu.memory_space<hbm>> -> memref<2x128xi32, #tpu.memory_space<hbm>>
    %dma_wait3A_72 = arith.constant 0 : i32
    %dma_wait3A_73 = arith.constant 0 : i32
    %dma_wait3A_74 = tpu.memref_slice %arg6[%dma_wait3A_58, %dma_wait3A_72, %dma_wait3A_73] : memref<2x2x128xi32, #tpu.memory_space<vmem>> -> memref<1x2x128xi32, #tpu.memory_space<vmem>>
    %dma_wait3A_75 = tpu.memref_squeeze %dma_wait3A_74 : memref<1x2x128xi32, #tpu.memory_space<vmem>> -> memref<2x128xi32, #tpu.memory_space<vmem>>
    %dma_wait3A_76 = arith.constant 0 : i32
    %dma_wait3A_77 = arith.constant 0 : i32
    %dma_wait3A_78 = arith.constant 0 : i32
    %dma_wait3A_79 = tpu.memref_slice %arg3[%add3A, %dma_wait3A_76, %dma_wait3A_77, %dma_wait3A_78] : memref<32x80x2x128xi32, #tpu.memory_space<hbm>> -> memref<1x80x2x128xi32, #tpu.memory_space<hbm>>
    %dma_wait3A_80 = tpu.memref_squeeze %dma_wait3A_79 : memref<1x80x2x128xi32, #tpu.memory_space<hbm>> -> memref<80x2x128xi32, #tpu.memory_space<hbm>>
    %dma_wait3A_81 = arith.constant 0 : i32
    %dma_wait3A_82 = arith.constant 0 : i32
    %dma_wait3A_83 = tpu.memref_slice %dma_wait3A_80[%dma_wait3A, %dma_wait3A_81, %dma_wait3A_82] : memref<80x2x128xi32, #tpu.memory_space<hbm>> -> memref<1x2x128xi32, #tpu.memory_space<hbm>>
    %dma_wait3A_84 = tpu.memref_squeeze %dma_wait3A_83 : memref<1x2x128xi32, #tpu.memory_space<hbm>> -> memref<2x128xi32, #tpu.memory_space<hbm>>
    tpu.wait_dma2 semaphore(%arg9 : memref<!tpu.dma_semaphore, #tpu.memory_space<semaphore_mem>>) src(%dma_wait3A_84 : memref<2x128xi32, #tpu.memory_space<hbm>>) dst(%dma_wait3A_75 : memref<2x128xi32, #tpu.memory_space<vmem>>)
    %dma_start3A_85 = arith.constant 0 : i32
    %dma_start3A_86 = arith.constant 0 : i32
    %dma_start3A_87 = arith.constant 0 : i32
    %dma_start3A_88 = arith.constant 0 : i32
    %dma_start3A_89 = arith.constant 0 : i32
    %dma_start3A_90 = tpu.memref_slice %arg7[%dma_start3A_87, %dma_start3A_88, %dma_start3A_89] : memref<2x128x128xf32, #tpu.memory_space<vmem>> -> memref<1x128x128xf32, #tpu.memory_space<vmem>>
    %dma_start3A_91 = tpu.memref_squeeze %dma_start3A_90 : memref<1x128x128xf32, #tpu.memory_space<vmem>> -> memref<128x128xf32, #tpu.memory_space<vmem>>
    %dma_start3A_92 = arith.constant 0 : i32
    %dma_start3A_93 = arith.constant 0 : i32
    %dma_start3A_94 = tpu.memref_slice %arg6[%dma_start3A_85, %dma_start3A_92, %dma_start3A_93] : memref<2x2x128xi32, #tpu.memory_space<vmem>> -> memref<1x2x128xi32, #tpu.memory_space<vmem>>
    %dma_start3A_95 = tpu.memref_squeeze %dma_start3A_94 : memref<1x2x128xi32, #tpu.memory_space<vmem>> -> memref<2x128xi32, #tpu.memory_space<vmem>>
    %dma_start3A_96 = arith.constant 0 : i32
    %dma_start3A_97 = tpu.memref_slice %dma_start3A_95[%dma_start3A_86, %dma_start3A_96] : memref<2x128xi32, #tpu.memory_space<vmem>> -> memref<1x128xi32, #tpu.memory_space<vmem>>
    %dma_start3A_98 = tpu.memref_squeeze %dma_start3A_97 : memref<1x128xi32, #tpu.memory_space<vmem>> -> memref<128xi32, #tpu.memory_space<vmem>>
    %dma_start3A_99 = arith.constant 0 : i32
    %dma_start3A_100 = arith.constant 0 : i32
    %dma_start3A_101 = tpu.memref_slice %arg2[%dma_start3A_99, %dma_start3A_100] : memref<10240x128xf32, #tpu.memory_space<hbm>> -> memref<10240x128xf32, #tpu.memory_space<hbm>>
    tpu.enqueue_indirect_dma source(%dma_start3A_101 : memref<10240x128xf32, #tpu.memory_space<hbm>>) target(%dma_start3A_91 : memref<128x128xf32, #tpu.memory_space<vmem>>) offsets(%dma_start3A_98 : memref<128xi32, #tpu.memory_space<vmem>>) semaphore(%arg10 : memref<!tpu.dma_semaphore, #tpu.memory_space<semaphore_mem>>)
    %scan3A = arith.constant 0 : i32
    %scan3A_102 = arith.constant 40 : i32
    %scan3A_103 = arith.addi %scan3A, %scan3A_102 : i32
    %scan3A_104 = arith.constant 1 : i32
    scf.for %scan3A_114 = %scan3A to %scan3A_103 step %scan3A_104  : i32 {
      %mul3A_115 = arith.constant 2 : i32
      %mul3A_116 = arith.muli %scan3A_114, %mul3A_115 : i32
      %add3A_117 = arith.constant 0 : i32
      %add3A_118 = arith.addi %mul3A_116, %add3A_117 : i32
      %add3A_119 = arith.constant 2 : i32
      %add3A_120 = arith.addi %add3A_118, %add3A_119 : i32
      %sub3A = arith.constant 1 : i32
      %sub3A_121 = arith.subi %add3A_120, %sub3A : i32
      %lt3A = arith.constant 80 : i32
      %lt3A_122 = arith.cmpi slt, %sub3A_121, %lt3A : i32
      %convert_element_type3A = arith.extui %lt3A_122 : i1 to i32
      %cond3A = arith.constant 0 : i32
      %cond3A_123 = arith.cmpi ne, %convert_element_type3A, %cond3A : i32
      scf.if %cond3A_123 {
        %add3A_190 = arith.constant 2 : i32
        %add3A_191 = arith.addi %add3A_118, %add3A_190 : i32
        %sub3A_192 = arith.constant 1 : i32
        %sub3A_193 = arith.subi %add3A_191, %sub3A_192 : i32
        %dma_wait3A_194 = arith.constant 1 : i32
        %dma_wait3A_195 = arith.constant 0 : i32
        %dma_wait3A_196 = arith.constant 0 : i32
        %dma_wait3A_197 = tpu.memref_slice %arg6[%dma_wait3A_194, %dma_wait3A_195, %dma_wait3A_196] : memref<2x2x128xi32, #tpu.memory_space<vmem>> -> memref<1x2x128xi32, #tpu.memory_space<vmem>>
        %dma_wait3A_198 = tpu.memref_squeeze %dma_wait3A_197 : memref<1x2x128xi32, #tpu.memory_space<vmem>> -> memref<2x128xi32, #tpu.memory_space<vmem>>
        %dma_wait3A_199 = arith.constant 0 : i32
        %dma_wait3A_200 = arith.constant 0 : i32
        %dma_wait3A_201 = arith.constant 0 : i32
        %dma_wait3A_202 = tpu.memref_slice %arg3[%add3A, %dma_wait3A_199, %dma_wait3A_200, %dma_wait3A_201] : memref<32x80x2x128xi32, #tpu.memory_space<hbm>> -> memref<1x80x2x128xi32, #tpu.memory_space<hbm>>
        %dma_wait3A_203 = tpu.memref_squeeze %dma_wait3A_202 : memref<1x80x2x128xi32, #tpu.memory_space<hbm>> -> memref<80x2x128xi32, #tpu.memory_space<hbm>>
        %dma_wait3A_204 = arith.constant 0 : i32
        %dma_wait3A_205 = arith.constant 0 : i32
        %dma_wait3A_206 = tpu.memref_slice %dma_wait3A_203[%sub3A_193, %dma_wait3A_204, %dma_wait3A_205] : memref<80x2x128xi32, #tpu.memory_space<hbm>> -> memref<1x2x128xi32, #tpu.memory_space<hbm>>
        %dma_wait3A_207 = tpu.memref_squeeze %dma_wait3A_206 : memref<1x2x128xi32, #tpu.memory_space<hbm>> -> memref<2x128xi32, #tpu.memory_space<hbm>>
        %dma_wait3A_208 = arith.constant 0 : i32
        %dma_wait3A_209 = arith.constant 0 : i32
        %dma_wait3A_210 = tpu.memref_slice %arg6[%dma_wait3A_194, %dma_wait3A_208, %dma_wait3A_209] : memref<2x2x128xi32, #tpu.memory_space<vmem>> -> memref<1x2x128xi32, #tpu.memory_space<vmem>>
        %dma_wait3A_211 = tpu.memref_squeeze %dma_wait3A_210 : memref<1x2x128xi32, #tpu.memory_space<vmem>> -> memref<2x128xi32, #tpu.memory_space<vmem>>
        %dma_wait3A_212 = arith.constant 0 : i32
        %dma_wait3A_213 = arith.constant 0 : i32
        %dma_wait3A_214 = arith.constant 0 : i32
        %dma_wait3A_215 = tpu.memref_slice %arg3[%add3A, %dma_wait3A_212, %dma_wait3A_213, %dma_wait3A_214] : memref<32x80x2x128xi32, #tpu.memory_space<hbm>> -> memref<1x80x2x128xi32, #tpu.memory_space<hbm>>
        %dma_wait3A_216 = tpu.memref_squeeze %dma_wait3A_215 : memref<1x80x2x128xi32, #tpu.memory_space<hbm>> -> memref<80x2x128xi32, #tpu.memory_space<hbm>>
        %dma_wait3A_217 = arith.constant 0 : i32
        %dma_wait3A_218 = arith.constant 0 : i32
        %dma_wait3A_219 = tpu.memref_slice %dma_wait3A_216[%sub3A_193, %dma_wait3A_217, %dma_wait3A_218] : memref<80x2x128xi32, #tpu.memory_space<hbm>> -> memref<1x2x128xi32, #tpu.memory_space<hbm>>
        %dma_wait3A_220 = tpu.memref_squeeze %dma_wait3A_219 : memref<1x2x128xi32, #tpu.memory_space<hbm>> -> memref<2x128xi32, #tpu.memory_space<hbm>>
        tpu.wait_dma2 semaphore(%arg9 : memref<!tpu.dma_semaphore, #tpu.memory_space<semaphore_mem>>) src(%dma_wait3A_220 : memref<2x128xi32, #tpu.memory_space<hbm>>) dst(%dma_wait3A_211 : memref<2x128xi32, #tpu.memory_space<vmem>>)
        %dma_start3A_221 = arith.constant 1 : i32
        %dma_start3A_222 = arith.constant 0 : i32
        %dma_start3A_223 = arith.constant 1 : i32
        %dma_start3A_224 = arith.constant 0 : i32
        %dma_start3A_225 = arith.constant 0 : i32
        %dma_start3A_226 = tpu.memref_slice %arg7[%dma_start3A_223, %dma_start3A_224, %dma_start3A_225] : memref<2x128x128xf32, #tpu.memory_space<vmem>> -> memref<1x128x128xf32, #tpu.memory_space<vmem>>
        %dma_start3A_227 = tpu.memref_squeeze %dma_start3A_226 : memref<1x128x128xf32, #tpu.memory_space<vmem>> -> memref<128x128xf32, #tpu.memory_space<vmem>>
        %dma_start3A_228 = arith.constant 0 : i32
        %dma_start3A_229 = arith.constant 0 : i32
        %dma_start3A_230 = tpu.memref_slice %arg6[%dma_start3A_221, %dma_start3A_228, %dma_start3A_229] : memref<2x2x128xi32, #tpu.memory_space<vmem>> -> memref<1x2x128xi32, #tpu.memory_space<vmem>>
        %dma_start3A_231 = tpu.memref_squeeze %dma_start3A_230 : memref<1x2x128xi32, #tpu.memory_space<vmem>> -> memref<2x128xi32, #tpu.memory_space<vmem>>
        %dma_start3A_232 = arith.constant 0 : i32
        %dma_start3A_233 = tpu.memref_slice %dma_start3A_231[%dma_start3A_222, %dma_start3A_232] : memref<2x128xi32, #tpu.memory_space<vmem>> -> memref<1x128xi32, #tpu.memory_space<vmem>>
        %dma_start3A_234 = tpu.memref_squeeze %dma_start3A_233 : memref<1x128xi32, #tpu.memory_space<vmem>> -> memref<128xi32, #tpu.memory_space<vmem>>
        %dma_start3A_235 = arith.constant 0 : i32
        %dma_start3A_236 = arith.constant 0 : i32
        %dma_start3A_237 = tpu.memref_slice %arg2[%dma_start3A_235, %dma_start3A_236] : memref<10240x128xf32, #tpu.memory_space<hbm>> -> memref<10240x128xf32, #tpu.memory_space<hbm>>
        tpu.enqueue_indirect_dma source(%dma_start3A_237 : memref<10240x128xf32, #tpu.memory_space<hbm>>) target(%dma_start3A_227 : memref<128x128xf32, #tpu.memory_space<vmem>>) offsets(%dma_start3A_234 : memref<128xi32, #tpu.memory_space<vmem>>) semaphore(%arg10 : memref<!tpu.dma_semaphore, #tpu.memory_space<semaphore_mem>>)
      } else {
      }
      %dma_wait3A_124 = arith.constant 0 : i32
      %dma_wait3A_125 = arith.constant 0 : i32
      %dma_wait3A_126 = arith.constant 0 : i32
      %dma_wait3A_127 = arith.constant 0 : i32
      %dma_wait3A_128 = arith.constant 0 : i32
      %dma_wait3A_129 = tpu.memref_slice %arg7[%dma_wait3A_126, %dma_wait3A_127, %dma_wait3A_128] : memref<2x128x128xf32, #tpu.memory_space<vmem>> -> memref<1x128x128xf32, #tpu.memory_space<vmem>>
      %dma_wait3A_130 = tpu.memref_squeeze %dma_wait3A_129 : memref<1x128x128xf32, #tpu.memory_space<vmem>> -> memref<128x128xf32, #tpu.memory_space<vmem>>
      %dma_wait3A_131 = arith.constant 0 : i32
      %dma_wait3A_132 = arith.constant 0 : i32
      %dma_wait3A_133 = tpu.memref_slice %arg6[%dma_wait3A_124, %dma_wait3A_131, %dma_wait3A_132] : memref<2x2x128xi32, #tpu.memory_space<vmem>> -> memref<1x2x128xi32, #tpu.memory_space<vmem>>
      %dma_wait3A_134 = tpu.memref_squeeze %dma_wait3A_133 : memref<1x2x128xi32, #tpu.memory_space<vmem>> -> memref<2x128xi32, #tpu.memory_space<vmem>>
      %dma_wait3A_135 = arith.constant 0 : i32
      %dma_wait3A_136 = tpu.memref_slice %dma_wait3A_134[%dma_wait3A_125, %dma_wait3A_135] : memref<2x128xi32, #tpu.memory_space<vmem>> -> memref<1x128xi32, #tpu.memory_space<vmem>>
      %dma_wait3A_137 = tpu.memref_squeeze %dma_wait3A_136 : memref<1x128xi32, #tpu.memory_space<vmem>> -> memref<128xi32, #tpu.memory_space<vmem>>
      %dma_wait3A_138 = arith.constant 0 : i32
      %dma_wait3A_139 = arith.constant 0 : i32
      %dma_wait3A_140 = tpu.memref_slice %arg2[%dma_wait3A_138, %dma_wait3A_139] : memref<10240x128xf32, #tpu.memory_space<hbm>> -> memref<10240x128xf32, #tpu.memory_space<hbm>>
      tpu.wait_indirect_dma semaphore(%arg10 : memref<!tpu.dma_semaphore, #tpu.memory_space<semaphore_mem>>) src(%dma_wait3A_140 : memref<10240x128xf32, #tpu.memory_space<hbm>>) dst(%dma_wait3A_130 : memref<128x128xf32, #tpu.memory_space<vmem>>)
      %run_scoped3A = arith.constant 0 : i32
      %run_scoped3A_141 = arith.constant 0 : i32
      %run_scoped3A_142 = arith.constant 1 : i32
      "tpu.region"() ({
        %run_scoped3A_190 = tpu.sem_alloc : memref<!tpu.dma_semaphore, #tpu.memory_space<semaphore_mem>>
        %dma_start3A_191 = arith.constant 0 : i32
        %dma_start3A_192 = arith.constant 0 : i32
        %dma_start3A_193 = tpu.memref_slice %arg7[%run_scoped3A, %dma_start3A_191, %dma_start3A_192] : memref<2x128x128xf32, #tpu.memory_space<vmem>> -> memref<1x128x128xf32, #tpu.memory_space<vmem>>
        %dma_start3A_194 = tpu.memref_squeeze %dma_start3A_193 : memref<1x128x128xf32, #tpu.memory_space<vmem>> -> memref<128x128xf32, #tpu.memory_space<vmem>>
        %dma_start3A_195 = arith.constant 0 : i32
        %dma_start3A_196 = arith.constant 0 : i32
        %dma_start3A_197 = tpu.memref_slice %arg6[%run_scoped3A_141, %dma_start3A_195, %dma_start3A_196] : memref<2x2x128xi32, #tpu.memory_space<vmem>> -> memref<1x2x128xi32, #tpu.memory_space<vmem>>
        %dma_start3A_198 = tpu.memref_squeeze %dma_start3A_197 : memref<1x2x128xi32, #tpu.memory_space<vmem>> -> memref<2x128xi32, #tpu.memory_space<vmem>>
        %dma_start3A_199 = arith.constant 0 : i32
        %dma_start3A_200 = tpu.memref_slice %dma_start3A_198[%run_scoped3A_142, %dma_start3A_199] : memref<2x128xi32, #tpu.memory_space<vmem>> -> memref<1x128xi32, #tpu.memory_space<vmem>>
        %dma_start3A_201 = tpu.memref_squeeze %dma_start3A_200 : memref<1x128xi32, #tpu.memory_space<vmem>> -> memref<128xi32, #tpu.memory_space<vmem>>
        %dma_start3A_202 = arith.constant 0 : i32
        %dma_start3A_203 = arith.constant 0 : i32
        %dma_start3A_204 = tpu.memref_slice %arg8[%dma_start3A_202, %dma_start3A_203] : memref<10112x128xf32, #tpu.memory_space<vmem_shared>> -> memref<10112x128xf32, #tpu.memory_space<vmem_shared>>
        tpu.enqueue_indirect_dma source(%dma_start3A_194 : memref<128x128xf32, #tpu.memory_space<vmem>>) target(%dma_start3A_204 : memref<10112x128xf32, #tpu.memory_space<vmem_shared>>) offsets(%dma_start3A_201 : memref<128xi32, #tpu.memory_space<vmem>>) semaphore(%run_scoped3A_190 : memref<!tpu.dma_semaphore, #tpu.memory_space<semaphore_mem>>) {add = true}
        %dma_wait3A_205 = arith.constant 0 : i32
        %dma_wait3A_206 = arith.constant 0 : i32
        %dma_wait3A_207 = tpu.memref_slice %arg7[%run_scoped3A, %dma_wait3A_205, %dma_wait3A_206] : memref<2x128x128xf32, #tpu.memory_space<vmem>> -> memref<1x128x128xf32, #tpu.memory_space<vmem>>
        %dma_wait3A_208 = tpu.memref_squeeze %dma_wait3A_207 : memref<1x128x128xf32, #tpu.memory_space<vmem>> -> memref<128x128xf32, #tpu.memory_space<vmem>>
        %dma_wait3A_209 = arith.constant 0 : i32
        %dma_wait3A_210 = arith.constant 0 : i32
        %dma_wait3A_211 = tpu.memref_slice %arg6[%run_scoped3A_141, %dma_wait3A_209, %dma_wait3A_210] : memref<2x2x128xi32, #tpu.memory_space<vmem>> -> memref<1x2x128xi32, #tpu.memory_space<vmem>>
        %dma_wait3A_212 = tpu.memref_squeeze %dma_wait3A_211 : memref<1x2x128xi32, #tpu.memory_space<vmem>> -> memref<2x128xi32, #tpu.memory_space<vmem>>
        %dma_wait3A_213 = arith.constant 0 : i32
        %dma_wait3A_214 = tpu.memref_slice %dma_wait3A_212[%run_scoped3A_142, %dma_wait3A_213] : memref<2x128xi32, #tpu.memory_space<vmem>> -> memref<1x128xi32, #tpu.memory_space<vmem>>
        %dma_wait3A_215 = tpu.memref_squeeze %dma_wait3A_214 : memref<1x128xi32, #tpu.memory_space<vmem>> -> memref<128xi32, #tpu.memory_space<vmem>>
        %dma_wait3A_216 = arith.constant 0 : i32
        %dma_wait3A_217 = arith.constant 0 : i32
        %dma_wait3A_218 = tpu.memref_slice %arg8[%dma_wait3A_216, %dma_wait3A_217] : memref<10112x128xf32, #tpu.memory_space<vmem_shared>> -> memref<10112x128xf32, #tpu.memory_space<vmem_shared>>
        tpu.wait_indirect_dma semaphore(%run_scoped3A_190 : memref<!tpu.dma_semaphore, #tpu.memory_space<semaphore_mem>>) src(%dma_wait3A_208 : memref<128x128xf32, #tpu.memory_space<vmem>>) dst(%dma_wait3A_218 : memref<10112x128xf32, #tpu.memory_space<vmem_shared>>)
        tpu.yield
      }) : () -> ()
      %add3A_143 = arith.constant 2 : i32
      %add3A_144 = arith.addi %add3A_118, %add3A_143 : i32
      %lt3A_145 = arith.constant 80 : i32
      %lt3A_146 = arith.cmpi slt, %add3A_144, %lt3A_145 : i32
      %convert_element_type3A_147 = arith.extui %lt3A_146 : i1 to i32
      %cond3A_148 = arith.constant 0 : i32
      %cond3A_149 = arith.cmpi ne, %convert_element_type3A_147, %cond3A_148 : i32
      scf.if %cond3A_149 {
        %add3A_190 = arith.constant 2 : i32
        %add3A_191 = arith.addi %add3A_118, %add3A_190 : i32
        %dma_start3A_192 = arith.constant 0 : i32
        %dma_start3A_193 = arith.constant 0 : i32
        %dma_start3A_194 = arith.constant 0 : i32
        %dma_start3A_195 = tpu.memref_slice %arg6[%dma_start3A_192, %dma_start3A_193, %dma_start3A_194] : memref<2x2x128xi32, #tpu.memory_space<vmem>> -> memref<1x2x128xi32, #tpu.memory_space<vmem>>
        %dma_start3A_196 = tpu.memref_squeeze %dma_start3A_195 : memref<1x2x128xi32, #tpu.memory_space<vmem>> -> memref<2x128xi32, #tpu.memory_space<vmem>>
        %dma_start3A_197 = arith.constant 0 : i32
        %dma_start3A_198 = arith.constant 0 : i32
        %dma_start3A_199 = arith.constant 0 : i32
        %dma_start3A_200 = tpu.memref_slice %arg3[%add3A, %dma_start3A_197, %dma_start3A_198, %dma_start3A_199] : memref<32x80x2x128xi32, #tpu.memory_space<hbm>> -> memref<1x80x2x128xi32, #tpu.memory_space<hbm>>
        %dma_start3A_201 = tpu.memref_squeeze %dma_start3A_200 : memref<1x80x2x128xi32, #tpu.memory_space<hbm>> -> memref<80x2x128xi32, #tpu.memory_space<hbm>>
        %dma_start3A_202 = arith.constant 0 : i32
        %dma_start3A_203 = arith.constant 0 : i32
        %dma_start3A_204 = tpu.memref_slice %dma_start3A_201[%add3A_191, %dma_start3A_202, %dma_start3A_203] : memref<80x2x128xi32, #tpu.memory_space<hbm>> -> memref<1x2x128xi32, #tpu.memory_space<hbm>>
        %dma_start3A_205 = tpu.memref_squeeze %dma_start3A_204 : memref<1x2x128xi32, #tpu.memory_space<hbm>> -> memref<2x128xi32, #tpu.memory_space<hbm>>
        %dma_start3A_206 = arith.constant 0 : i32
        %dma_start3A_207 = arith.constant 0 : i32
        %dma_start3A_208 = tpu.memref_slice %arg6[%dma_start3A_192, %dma_start3A_206, %dma_start3A_207] : memref<2x2x128xi32, #tpu.memory_space<vmem>> -> memref<1x2x128xi32, #tpu.memory_space<vmem>>
        %dma_start3A_209 = tpu.memref_squeeze %dma_start3A_208 : memref<1x2x128xi32, #tpu.memory_space<vmem>> -> memref<2x128xi32, #tpu.memory_space<vmem>>
        %dma_start3A_210 = arith.constant 0 : i32
        %dma_start3A_211 = arith.constant 0 : i32
        %dma_start3A_212 = arith.constant 0 : i32
        %dma_start3A_213 = tpu.memref_slice %arg3[%add3A, %dma_start3A_210, %dma_start3A_211, %dma_start3A_212] : memref<32x80x2x128xi32, #tpu.memory_space<hbm>> -> memref<1x80x2x128xi32, #tpu.memory_space<hbm>>
        %dma_start3A_214 = tpu.memref_squeeze %dma_start3A_213 : memref<1x80x2x128xi32, #tpu.memory_space<hbm>> -> memref<80x2x128xi32, #tpu.memory_space<hbm>>
        %dma_start3A_215 = arith.constant 0 : i32
        %dma_start3A_216 = arith.constant 0 : i32
        %dma_start3A_217 = tpu.memref_slice %dma_start3A_214[%add3A_191, %dma_start3A_215, %dma_start3A_216] : memref<80x2x128xi32, #tpu.memory_space<hbm>> -> memref<1x2x128xi32, #tpu.memory_space<hbm>>
        %dma_start3A_218 = tpu.memref_squeeze %dma_start3A_217 : memref<1x2x128xi32, #tpu.memory_space<hbm>> -> memref<2x128xi32, #tpu.memory_space<hbm>>
        tpu.enqueue_dma source(%dma_start3A_218 : memref<2x128xi32, #tpu.memory_space<hbm>>) target(%dma_start3A_209 : memref<2x128xi32, #tpu.memory_space<vmem>>) target_semaphore(%arg9 : memref<!tpu.dma_semaphore, #tpu.memory_space<semaphore_mem>>)
      } else {
      }
      %mul3A_150 = arith.constant 2 : i32
      %mul3A_151 = arith.muli %scan3A_114, %mul3A_150 : i32
      %add3A_152 = arith.constant 1 : i32
      %add3A_153 = arith.addi %mul3A_151, %add3A_152 : i32
      %add3A_154 = arith.constant 2 : i32
      %add3A_155 = arith.addi %add3A_153, %add3A_154 : i32
      %sub3A_156 = arith.constant 1 : i32
      %sub3A_157 = arith.subi %add3A_155, %sub3A_156 : i32
      %lt3A_158 = arith.constant 80 : i32
      %lt3A_159 = arith.cmpi slt, %sub3A_157, %lt3A_158 : i32
      %convert_element_type3A_160 = arith.extui %lt3A_159 : i1 to i32
      %cond3A_161 = arith.constant 0 : i32
      %cond3A_162 = arith.cmpi ne, %convert_element_type3A_160, %cond3A_161 : i32
      scf.if %cond3A_162 {
        %add3A_190 = arith.constant 2 : i32
        %add3A_191 = arith.addi %add3A_153, %add3A_190 : i32
        %sub3A_192 = arith.constant 1 : i32
        %sub3A_193 = arith.subi %add3A_191, %sub3A_192 : i32
        %dma_wait3A_194 = arith.constant 0 : i32
        %dma_wait3A_195 = arith.constant 0 : i32
        %dma_wait3A_196 = arith.constant 0 : i32
        %dma_wait3A_197 = tpu.memref_slice %arg6[%dma_wait3A_194, %dma_wait3A_195, %dma_wait3A_196] : memref<2x2x128xi32, #tpu.memory_space<vmem>> -> memref<1x2x128xi32, #tpu.memory_space<vmem>>
        %dma_wait3A_198 = tpu.memref_squeeze %dma_wait3A_197 : memref<1x2x128xi32, #tpu.memory_space<vmem>> -> memref<2x128xi32, #tpu.memory_space<vmem>>
        %dma_wait3A_199 = arith.constant 0 : i32
        %dma_wait3A_200 = arith.constant 0 : i32
        %dma_wait3A_201 = arith.constant 0 : i32
        %dma_wait3A_202 = tpu.memref_slice %arg3[%add3A, %dma_wait3A_199, %dma_wait3A_200, %dma_wait3A_201] : memref<32x80x2x128xi32, #tpu.memory_space<hbm>> -> memref<1x80x2x128xi32, #tpu.memory_space<hbm>>
        %dma_wait3A_203 = tpu.memref_squeeze %dma_wait3A_202 : memref<1x80x2x128xi32, #tpu.memory_space<hbm>> -> memref<80x2x128xi32, #tpu.memory_space<hbm>>
        %dma_wait3A_204 = arith.constant 0 : i32
        %dma_wait3A_205 = arith.constant 0 : i32
        %dma_wait3A_206 = tpu.memref_slice %dma_wait3A_203[%sub3A_193, %dma_wait3A_204, %dma_wait3A_205] : memref<80x2x128xi32, #tpu.memory_space<hbm>> -> memref<1x2x128xi32, #tpu.memory_space<hbm>>
        %dma_wait3A_207 = tpu.memref_squeeze %dma_wait3A_206 : memref<1x2x128xi32, #tpu.memory_space<hbm>> -> memref<2x128xi32, #tpu.memory_space<hbm>>
        %dma_wait3A_208 = arith.constant 0 : i32
        %dma_wait3A_209 = arith.constant 0 : i32
        %dma_wait3A_210 = tpu.memref_slice %arg6[%dma_wait3A_194, %dma_wait3A_208, %dma_wait3A_209] : memref<2x2x128xi32, #tpu.memory_space<vmem>> -> memref<1x2x128xi32, #tpu.memory_space<vmem>>
        %dma_wait3A_211 = tpu.memref_squeeze %dma_wait3A_210 : memref<1x2x128xi32, #tpu.memory_space<vmem>> -> memref<2x128xi32, #tpu.memory_space<vmem>>
        %dma_wait3A_212 = arith.constant 0 : i32
        %dma_wait3A_213 = arith.constant 0 : i32
        %dma_wait3A_214 = arith.constant 0 : i32
        %dma_wait3A_215 = tpu.memref_slice %arg3[%add3A, %dma_wait3A_212, %dma_wait3A_213, %dma_wait3A_214] : memref<32x80x2x128xi32, #tpu.memory_space<hbm>> -> memref<1x80x2x128xi32, #tpu.memory_space<hbm>>
        %dma_wait3A_216 = tpu.memref_squeeze %dma_wait3A_215 : memref<1x80x2x128xi32, #tpu.memory_space<hbm>> -> memref<80x2x128xi32, #tpu.memory_space<hbm>>
        %dma_wait3A_217 = arith.constant 0 : i32
        %dma_wait3A_218 = arith.constant 0 : i32
        %dma_wait3A_219 = tpu.memref_slice %dma_wait3A_216[%sub3A_193, %dma_wait3A_217, %dma_wait3A_218] : memref<80x2x128xi32, #tpu.memory_space<hbm>> -> memref<1x2x128xi32, #tpu.memory_space<hbm>>
        %dma_wait3A_220 = tpu.memref_squeeze %dma_wait3A_219 : memref<1x2x128xi32, #tpu.memory_space<hbm>> -> memref<2x128xi32, #tpu.memory_space<hbm>>
        tpu.wait_dma2 semaphore(%arg9 : memref<!tpu.dma_semaphore, #tpu.memory_space<semaphore_mem>>) src(%dma_wait3A_220 : memref<2x128xi32, #tpu.memory_space<hbm>>) dst(%dma_wait3A_211 : memref<2x128xi32, #tpu.memory_space<vmem>>)
        %dma_start3A_221 = arith.constant 0 : i32
        %dma_start3A_222 = arith.constant 0 : i32
        %dma_start3A_223 = arith.constant 0 : i32
        %dma_start3A_224 = arith.constant 0 : i32
        %dma_start3A_225 = arith.constant 0 : i32
        %dma_start3A_226 = tpu.memref_slice %arg7[%dma_start3A_223, %dma_start3A_224, %dma_start3A_225] : memref<2x128x128xf32, #tpu.memory_space<vmem>> -> memref<1x128x128xf32, #tpu.memory_space<vmem>>
        %dma_start3A_227 = tpu.memref_squeeze %dma_start3A_226 : memref<1x128x128xf32, #tpu.memory_space<vmem>> -> memref<128x128xf32, #tpu.memory_space<vmem>>
        %dma_start3A_228 = arith.constant 0 : i32
        %dma_start3A_229 = arith.constant 0 : i32
        %dma_start3A_230 = tpu.memref_slice %arg6[%dma_start3A_221, %dma_start3A_228, %dma_start3A_229] : memref<2x2x128xi32, #tpu.memory_space<vmem>> -> memref<1x2x128xi32, #tpu.memory_space<vmem>>
        %dma_start3A_231 = tpu.memref_squeeze %dma_start3A_230 : memref<1x2x128xi32, #tpu.memory_space<vmem>> -> memref<2x128xi32, #tpu.memory_space<vmem>>
        %dma_start3A_232 = arith.constant 0 : i32
        %dma_start3A_233 = tpu.memref_slice %dma_start3A_231[%dma_start3A_222, %dma_start3A_232] : memref<2x128xi32, #tpu.memory_space<vmem>> -> memref<1x128xi32, #tpu.memory_space<vmem>>
        %dma_start3A_234 = tpu.memref_squeeze %dma_start3A_233 : memref<1x128xi32, #tpu.memory_space<vmem>> -> memref<128xi32, #tpu.memory_space<vmem>>
        %dma_start3A_235 = arith.constant 0 : i32
        %dma_start3A_236 = arith.constant 0 : i32
        %dma_start3A_237 = tpu.memref_slice %arg2[%dma_start3A_235, %dma_start3A_236] : memref<10240x128xf32, #tpu.memory_space<hbm>> -> memref<10240x128xf32, #tpu.memory_space<hbm>>
        tpu.enqueue_indirect_dma source(%dma_start3A_237 : memref<10240x128xf32, #tpu.memory_space<hbm>>) target(%dma_start3A_227 : memref<128x128xf32, #tpu.memory_space<vmem>>) offsets(%dma_start3A_234 : memref<128xi32, #tpu.memory_space<vmem>>) semaphore(%arg10 : memref<!tpu.dma_semaphore, #tpu.memory_space<semaphore_mem>>)
      } else {
      }
      %dma_wait3A_163 = arith.constant 1 : i32
      %dma_wait3A_164 = arith.constant 0 : i32
      %dma_wait3A_165 = arith.constant 1 : i32
      %dma_wait3A_166 = arith.constant 0 : i32
      %dma_wait3A_167 = arith.constant 0 : i32
      %dma_wait3A_168 = tpu.memref_slice %arg7[%dma_wait3A_165, %dma_wait3A_166, %dma_wait3A_167] : memref<2x128x128xf32, #tpu.memory_space<vmem>> -> memref<1x128x128xf32, #tpu.memory_space<vmem>>
      %dma_wait3A_169 = tpu.memref_squeeze %dma_wait3A_168 : memref<1x128x128xf32, #tpu.memory_space<vmem>> -> memref<128x128xf32, #tpu.memory_space<vmem>>
      %dma_wait3A_170 = arith.constant 0 : i32
      %dma_wait3A_171 = arith.constant 0 : i32
      %dma_wait3A_172 = tpu.memref_slice %arg6[%dma_wait3A_163, %dma_wait3A_170, %dma_wait3A_171] : memref<2x2x128xi32, #tpu.memory_space<vmem>> -> memref<1x2x128xi32, #tpu.memory_space<vmem>>
      %dma_wait3A_173 = tpu.memref_squeeze %dma_wait3A_172 : memref<1x2x128xi32, #tpu.memory_space<vmem>> -> memref<2x128xi32, #tpu.memory_space<vmem>>
      %dma_wait3A_174 = arith.constant 0 : i32
      %dma_wait3A_175 = tpu.memref_slice %dma_wait3A_173[%dma_wait3A_164, %dma_wait3A_174] : memref<2x128xi32, #tpu.memory_space<vmem>> -> memref<1x128xi32, #tpu.memory_space<vmem>>
      %dma_wait3A_176 = tpu.memref_squeeze %dma_wait3A_175 : memref<1x128xi32, #tpu.memory_space<vmem>> -> memref<128xi32, #tpu.memory_space<vmem>>
      %dma_wait3A_177 = arith.constant 0 : i32
      %dma_wait3A_178 = arith.constant 0 : i32
      %dma_wait3A_179 = tpu.memref_slice %arg2[%dma_wait3A_177, %dma_wait3A_178] : memref<10240x128xf32, #tpu.memory_space<hbm>> -> memref<10240x128xf32, #tpu.memory_space<hbm>>
      tpu.wait_indirect_dma semaphore(%arg10 : memref<!tpu.dma_semaphore, #tpu.memory_space<semaphore_mem>>) src(%dma_wait3A_179 : memref<10240x128xf32, #tpu.memory_space<hbm>>) dst(%dma_wait3A_169 : memref<128x128xf32, #tpu.memory_space<vmem>>)
      %run_scoped3A_180 = arith.constant 1 : i32
      %run_scoped3A_181 = arith.constant 1 : i32
      %run_scoped3A_182 = arith.constant 1 : i32
      "tpu.region"() ({
        %run_scoped3A_190 = tpu.sem_alloc : memref<!tpu.dma_semaphore, #tpu.memory_space<semaphore_mem>>
        %dma_start3A_191 = arith.constant 0 : i32
        %dma_start3A_192 = arith.constant 0 : i32
        %dma_start3A_193 = tpu.memref_slice %arg7[%run_scoped3A_180, %dma_start3A_191, %dma_start3A_192] : memref<2x128x128xf32, #tpu.memory_space<vmem>> -> memref<1x128x128xf32, #tpu.memory_space<vmem>>
        %dma_start3A_194 = tpu.memref_squeeze %dma_start3A_193 : memref<1x128x128xf32, #tpu.memory_space<vmem>> -> memref<128x128xf32, #tpu.memory_space<vmem>>
        %dma_start3A_195 = arith.constant 0 : i32
        %dma_start3A_196 = arith.constant 0 : i32
        %dma_start3A_197 = tpu.memref_slice %arg6[%run_scoped3A_181, %dma_start3A_195, %dma_start3A_196] : memref<2x2x128xi32, #tpu.memory_space<vmem>> -> memref<1x2x128xi32, #tpu.memory_space<vmem>>
        %dma_start3A_198 = tpu.memref_squeeze %dma_start3A_197 : memref<1x2x128xi32, #tpu.memory_space<vmem>> -> memref<2x128xi32, #tpu.memory_space<vmem>>
        %dma_start3A_199 = arith.constant 0 : i32
        %dma_start3A_200 = tpu.memref_slice %dma_start3A_198[%run_scoped3A_182, %dma_start3A_199] : memref<2x128xi32, #tpu.memory_space<vmem>> -> memref<1x128xi32, #tpu.memory_space<vmem>>
        %dma_start3A_201 = tpu.memref_squeeze %dma_start3A_200 : memref<1x128xi32, #tpu.memory_space<vmem>> -> memref<128xi32, #tpu.memory_space<vmem>>
        %dma_start3A_202 = arith.constant 0 : i32
        %dma_start3A_203 = arith.constant 0 : i32
        %dma_start3A_204 = tpu.memref_slice %arg8[%dma_start3A_202, %dma_start3A_203] : memref<10112x128xf32, #tpu.memory_space<vmem_shared>> -> memref<10112x128xf32, #tpu.memory_space<vmem_shared>>
        tpu.enqueue_indirect_dma source(%dma_start3A_194 : memref<128x128xf32, #tpu.memory_space<vmem>>) target(%dma_start3A_204 : memref<10112x128xf32, #tpu.memory_space<vmem_shared>>) offsets(%dma_start3A_201 : memref<128xi32, #tpu.memory_space<vmem>>) semaphore(%run_scoped3A_190 : memref<!tpu.dma_semaphore, #tpu.memory_space<semaphore_mem>>) {add = true}
        %dma_wait3A_205 = arith.constant 0 : i32
        %dma_wait3A_206 = arith.constant 0 : i32
        %dma_wait3A_207 = tpu.memref_slice %arg7[%run_scoped3A_180, %dma_wait3A_205, %dma_wait3A_206] : memref<2x128x128xf32, #tpu.memory_space<vmem>> -> memref<1x128x128xf32, #tpu.memory_space<vmem>>
        %dma_wait3A_208 = tpu.memref_squeeze %dma_wait3A_207 : memref<1x128x128xf32, #tpu.memory_space<vmem>> -> memref<128x128xf32, #tpu.memory_space<vmem>>
        %dma_wait3A_209 = arith.constant 0 : i32
        %dma_wait3A_210 = arith.constant 0 : i32
        %dma_wait3A_211 = tpu.memref_slice %arg6[%run_scoped3A_181, %dma_wait3A_209, %dma_wait3A_210] : memref<2x2x128xi32, #tpu.memory_space<vmem>> -> memref<1x2x128xi32, #tpu.memory_space<vmem>>
        %dma_wait3A_212 = tpu.memref_squeeze %dma_wait3A_211 : memref<1x2x128xi32, #tpu.memory_space<vmem>> -> memref<2x128xi32, #tpu.memory_space<vmem>>
        %dma_wait3A_213 = arith.constant 0 : i32
        %dma_wait3A_214 = tpu.memref_slice %dma_wait3A_212[%run_scoped3A_182, %dma_wait3A_213] : memref<2x128xi32, #tpu.memory_space<vmem>> -> memref<1x128xi32, #tpu.memory_space<vmem>>
        %dma_wait3A_215 = tpu.memref_squeeze %dma_wait3A_214 : memref<1x128xi32, #tpu.memory_space<vmem>> -> memref<128xi32, #tpu.memory_space<vmem>>
        %dma_wait3A_216 = arith.constant 0 : i32
        %dma_wait3A_217 = arith.constant 0 : i32
        %dma_wait3A_218 = tpu.memref_slice %arg8[%dma_wait3A_216, %dma_wait3A_217] : memref<10112x128xf32, #tpu.memory_space<vmem_shared>> -> memref<10112x128xf32, #tpu.memory_space<vmem_shared>>
        tpu.wait_indirect_dma semaphore(%run_scoped3A_190 : memref<!tpu.dma_semaphore, #tpu.memory_space<semaphore_mem>>) src(%dma_wait3A_208 : memref<128x128xf32, #tpu.memory_space<vmem>>) dst(%dma_wait3A_218 : memref<10112x128xf32, #tpu.memory_space<vmem_shared>>)
        tpu.yield
      }) : () -> ()
      %add3A_183 = arith.constant 2 : i32
      %add3A_184 = arith.addi %add3A_153, %add3A_183 : i32
      %lt3A_185 = arith.constant 80 : i32
      %lt3A_186 = arith.cmpi slt, %add3A_184, %lt3A_185 : i32
      %convert_element_type3A_187 = arith.extui %lt3A_186 : i1 to i32
      %cond3A_188 = arith.constant 0 : i32
      %cond3A_189 = arith.cmpi ne, %convert_element_type3A_187, %cond3A_188 : i32
      scf.if %cond3A_189 {
        %add3A_190 = arith.constant 2 : i32
        %add3A_191 = arith.addi %add3A_153, %add3A_190 : i32
        %dma_start3A_192 = arith.constant 1 : i32
        %dma_start3A_193 = arith.constant 0 : i32
        %dma_start3A_194 = arith.constant 0 : i32
        %dma_start3A_195 = tpu.memref_slice %arg6[%dma_start3A_192, %dma_start3A_193, %dma_start3A_194] : memref<2x2x128xi32, #tpu.memory_space<vmem>> -> memref<1x2x128xi32, #tpu.memory_space<vmem>>
        %dma_start3A_196 = tpu.memref_squeeze %dma_start3A_195 : memref<1x2x128xi32, #tpu.memory_space<vmem>> -> memref<2x128xi32, #tpu.memory_space<vmem>>
        %dma_start3A_197 = arith.constant 0 : i32
        %dma_start3A_198 = arith.constant 0 : i32
        %dma_start3A_199 = arith.constant 0 : i32
        %dma_start3A_200 = tpu.memref_slice %arg3[%add3A, %dma_start3A_197, %dma_start3A_198, %dma_start3A_199] : memref<32x80x2x128xi32, #tpu.memory_space<hbm>> -> memref<1x80x2x128xi32, #tpu.memory_space<hbm>>
        %dma_start3A_201 = tpu.memref_squeeze %dma_start3A_200 : memref<1x80x2x128xi32, #tpu.memory_space<hbm>> -> memref<80x2x128xi32, #tpu.memory_space<hbm>>
        %dma_start3A_202 = arith.constant 0 : i32
        %dma_start3A_203 = arith.constant 0 : i32
        %dma_start3A_204 = tpu.memref_slice %dma_start3A_201[%add3A_191, %dma_start3A_202, %dma_start3A_203] : memref<80x2x128xi32, #tpu.memory_space<hbm>> -> memref<1x2x128xi32, #tpu.memory_space<hbm>>
        %dma_start3A_205 = tpu.memref_squeeze %dma_start3A_204 : memref<1x2x128xi32, #tpu.memory_space<hbm>> -> memref<2x128xi32, #tpu.memory_space<hbm>>
        %dma_start3A_206 = arith.constant 0 : i32
        %dma_start3A_207 = arith.constant 0 : i32
        %dma_start3A_208 = tpu.memref_slice %arg6[%dma_start3A_192, %dma_start3A_206, %dma_start3A_207] : memref<2x2x128xi32, #tpu.memory_space<vmem>> -> memref<1x2x128xi32, #tpu.memory_space<vmem>>
        %dma_start3A_209 = tpu.memref_squeeze %dma_start3A_208 : memref<1x2x128xi32, #tpu.memory_space<vmem>> -> memref<2x128xi32, #tpu.memory_space<vmem>>
        %dma_start3A_210 = arith.constant 0 : i32
        %dma_start3A_211 = arith.constant 0 : i32
        %dma_start3A_212 = arith.constant 0 : i32
        %dma_start3A_213 = tpu.memref_slice %arg3[%add3A, %dma_start3A_210, %dma_start3A_211, %dma_start3A_212] : memref<32x80x2x128xi32, #tpu.memory_space<hbm>> -> memref<1x80x2x128xi32, #tpu.memory_space<hbm>>
        %dma_start3A_214 = tpu.memref_squeeze %dma_start3A_213 : memref<1x80x2x128xi32, #tpu.memory_space<hbm>> -> memref<80x2x128xi32, #tpu.memory_space<hbm>>
        %dma_start3A_215 = arith.constant 0 : i32
        %dma_start3A_216 = arith.constant 0 : i32
        %dma_start3A_217 = tpu.memref_slice %dma_start3A_214[%add3A_191, %dma_start3A_215, %dma_start3A_216] : memref<80x2x128xi32, #tpu.memory_space<hbm>> -> memref<1x2x128xi32, #tpu.memory_space<hbm>>
        %dma_start3A_218 = tpu.memref_squeeze %dma_start3A_217 : memref<1x2x128xi32, #tpu.memory_space<hbm>> -> memref<2x128xi32, #tpu.memory_space<hbm>>
        tpu.enqueue_dma source(%dma_start3A_218 : memref<2x128xi32, #tpu.memory_space<hbm>>) target(%dma_start3A_209 : memref<2x128xi32, #tpu.memory_space<vmem>>) target_semaphore(%arg9 : memref<!tpu.dma_semaphore, #tpu.memory_space<semaphore_mem>>)
      } else {
      }
    }
    %scan3A_105 = arith.constant 40 : i32
    %barrier3A_106 = arith.constant 0 : index
    tpu.barrier barrier_id(%barrier3A_106)
    %mul3A_107 = arith.constant 632 : i32
    %mul3A_108 = arith.muli %arg1, %mul3A_107 : i32
    %mul3A_109 = arith.constant 10240 : i32
    %mul3A_110 = arith.muli %arg0, %mul3A_109 : i32
    %mul3A_111 = arith.constant 632 : i32
    %mul3A_112 = arith.muli %arg1, %mul3A_111 : i32
    %add3A_113 = arith.addi %mul3A_110, %mul3A_112 : i32
    "tpu.region"() ({
      %run_scoped3A = tpu.sem_alloc : memref<!tpu.dma_semaphore, #tpu.memory_space<semaphore_mem>>
      %dma_start3A_114 = arith.constant 0 : i32
      %dma_start3A_115 = tpu.memref_slice %arg5[%add3A_113, %dma_start3A_114] : memref<20480x128xf32, #tpu.memory_space<hbm>> -> memref<632x128xf32, #tpu.memory_space<hbm>>
      %dma_start3A_116 = arith.constant 0 : i32
      %dma_start3A_117 = tpu.memref_slice %arg8[%mul3A_108, %dma_start3A_116] : memref<10112x128xf32, #tpu.memory_space<vmem_shared>> -> memref<632x128xf32, #tpu.memory_space<vmem_shared>>
      tpu.enqueue_dma source(%dma_start3A_117 : memref<632x128xf32, #tpu.memory_space<vmem_shared>>) target(%dma_start3A_115 : memref<632x128xf32, #tpu.memory_space<hbm>>) target_semaphore(%run_scoped3A : memref<!tpu.dma_semaphore, #tpu.memory_space<semaphore_mem>>)
      %dma_wait3A_118 = arith.constant 0 : i32
      %dma_wait3A_119 = tpu.memref_slice %arg5[%add3A_113, %dma_wait3A_118] : memref<20480x128xf32, #tpu.memory_space<hbm>> -> memref<632x128xf32, #tpu.memory_space<hbm>>
      %dma_wait3A_120 = arith.constant 0 : i32
      %dma_wait3A_121 = tpu.memref_slice %arg8[%mul3A_108, %dma_wait3A_120] : memref<10112x128xf32, #tpu.memory_space<vmem_shared>> -> memref<632x128xf32, #tpu.memory_space<vmem_shared>>
      tpu.wait_dma2 semaphore(%run_scoped3A : memref<!tpu.dma_semaphore, #tpu.memory_space<semaphore_mem>>) src(%dma_wait3A_121 : memref<632x128xf32, #tpu.memory_space<vmem_shared>>) dst(%dma_wait3A_119 : memref<632x128xf32, #tpu.memory_space<hbm>>)
      tpu.yield
    }) : () -> ()
    return
  }
}

#map = affine_map<(d0, d1) -> (0, 0)>
#map1 = affine_map<(d0, d1) -> (0, 0, 0, 0)>
module attributes {stable_mosaic.version = 14 : i64} {
  func.func @_sc_neighbor_sum(%arg0: i32, %arg1: i32, %arg2: memref<10240x128xf32, #tpu.memory_space<hbm>>, %arg3: memref<32x80x2x128xi32, #tpu.memory_space<hbm>>, %arg4: memref<632x128xf32, #tpu.memory_space<hbm>>, %arg5: memref<20480x128xf32, #tpu.memory_space<hbm>>, %arg6: memref<2x2x128xi32, #tpu.memory_space<vmem>>, %arg7: memref<2x128x128xf32, #tpu.memory_space<vmem>>, %arg8: memref<10112x128xf32, #tpu.memory_space<vmem_shared>>, %arg9: memref<!tpu.dma_semaphore, #tpu.memory_space<semaphore_mem>>, %arg10: memref<!tpu.dma_semaphore, #tpu.memory_space<semaphore_mem>>) attributes {dimension_semantics = [#tpu.dimension_semantics<core_parallel>, #tpu.dimension_semantics<subcore_parallel>], iteration_bounds = array<i64: 2, 16>, scalar_prefetch = 0 : i64, scratch_operands = 5 : i64, tpu.core_type = #tpu.core_type<sc_vector_subcore>, window_params = [{transform_indices = #map}, {transform_indices = #map1}, {transform_indices = #map}, {transform_indices = #map}]} {
    %mul3A = arith.constant 2 : i32
    %mul3A_0 = arith.muli %arg1, %mul3A : i32
    %add3A = arith.addi %mul3A_0, %arg0 : i32
    %mul3A_1 = arith.constant 632 : i32
    %mul3A_2 = arith.muli %arg1, %mul3A_1 : i32
    "tpu.region"() ({
      %run_scoped3A = tpu.sem_alloc : memref<!tpu.dma_semaphore, #tpu.memory_space<semaphore_mem>>
      %dma_start3A_114 = arith.constant 0 : i32
      %dma_start3A_115 = tpu.memref_slice %arg8[%mul3A_2, %dma_start3A_114] : memref<10112x128xf32, #tpu.memory_space<vmem_shared>> -> memref<632x128xf32, #tpu.memory_space<vmem_shared>>
      tpu.enqueue_dma source(%arg4 : memref<632x128xf32, #tpu.memory_space<hbm>>) target(%dma_start3A_115 : memref<632x128xf32, #tpu.memory_space<vmem_shared>>) target_semaphore(%run_scoped3A : memref<!tpu.dma_semaphore, #tpu.memory_space<semaphore_mem>>)
      %dma_wait3A_116 = arith.constant 0 : i32
      %dma_wait3A_117 = tpu.memref_slice %arg8[%mul3A_2, %dma_wait3A_116] : memref<10112x128xf32, #tpu.memory_space<vmem_shared>> -> memref<632x128xf32, #tpu.memory_space<vmem_shared>>
      tpu.wait_dma2 semaphore(%run_scoped3A : memref<!tpu.dma_semaphore, #tpu.memory_space<semaphore_mem>>) src(%arg4 : memref<632x128xf32, #tpu.memory_space<hbm>>) dst(%dma_wait3A_117 : memref<632x128xf32, #tpu.memory_space<vmem_shared>>)
      tpu.yield
    }) : () -> ()
    %dma_start3A = arith.constant 0 : i32
    %dma_start3A_3 = arith.constant 0 : i32
    %dma_start3A_4 = arith.constant 0 : i32
    %dma_start3A_5 = arith.constant 0 : i32
    %dma_start3A_6 = tpu.memref_slice %arg6[%dma_start3A_3, %dma_start3A_4, %dma_start3A_5] : memref<2x2x128xi32, #tpu.memory_space<vmem>> -> memref<1x2x128xi32, #tpu.memory_space<vmem>>
    %dma_start3A_7 = tpu.memref_squeeze %dma_start3A_6 : memref<1x2x128xi32, #tpu.memory_space<vmem>> -> memref<2x128xi32, #tpu.memory_space<vmem>>
    %dma_start3A_8 = arith.constant 0 : i32
    %dma_start3A_9 = arith.constant 0 : i32
    %dma_start3A_10 = arith.constant 0 : i32
    %dma_start3A_11 = tpu.memref_slice %arg3[%add3A, %dma_start3A_8, %dma_start3A_9, %dma_start3A_10] : memref<32x80x2x128xi32, #tpu.memory_space<hbm>> -> memref<1x80x2x128xi32, #tpu.memory_space<hbm>>
    %dma_start3A_12 = tpu.memref_squeeze %dma_start3A_11 : memref<1x80x2x128xi32, #tpu.memory_space<hbm>> -> memref<80x2x128xi32, #tpu.memory_space<hbm>>
    %dma_start3A_13 = arith.constant 0 : i32
    %dma_start3A_14 = arith.constant 0 : i32
    %dma_start3A_15 = tpu.memref_slice %dma_start3A_12[%dma_start3A, %dma_start3A_13, %dma_start3A_14] : memref<80x2x128xi32, #tpu.memory_space<hbm>> -> memref<1x2x128xi32, #tpu.memory_space<hbm>>
    %dma_start3A_16 = tpu.memref_squeeze %dma_start3A_15 : memref<1x2x128xi32, #tpu.memory_space<hbm>> -> memref<2x128xi32, #tpu.memory_space<hbm>>
    %dma_start3A_17 = arith.constant 0 : i32
    %dma_start3A_18 = arith.constant 0 : i32
    %dma_start3A_19 = tpu.memref_slice %arg6[%dma_start3A_3, %dma_start3A_17, %dma_start3A_18] : memref<2x2x128xi32, #tpu.memory_space<vmem>> -> memref<1x2x128xi32, #tpu.memory_space<vmem>>
    %dma_start3A_20 = tpu.memref_squeeze %dma_start3A_19 : memref<1x2x128xi32, #tpu.memory_space<vmem>> -> memref<2x128xi32, #tpu.memory_space<vmem>>
    %dma_start3A_21 = arith.constant 0 : i32
    %dma_start3A_22 = arith.constant 0 : i32
    %dma_start3A_23 = arith.constant 0 : i32
    %dma_start3A_24 = tpu.memref_slice %arg3[%add3A, %dma_start3A_21, %dma_start3A_22, %dma_start3A_23] : memref<32x80x2x128xi32, #tpu.memory_space<hbm>> -> memref<1x80x2x128xi32, #tpu.memory_space<hbm>>
    %dma_start3A_25 = tpu.memref_squeeze %dma_start3A_24 : memref<1x80x2x128xi32, #tpu.memory_space<hbm>> -> memref<80x2x128xi32, #tpu.memory_space<hbm>>
    %dma_start3A_26 = arith.constant 0 : i32
    %dma_start3A_27 = arith.constant 0 : i32
    %dma_start3A_28 = tpu.memref_slice %dma_start3A_25[%dma_start3A, %dma_start3A_26, %dma_start3A_27] : memref<80x2x128xi32, #tpu.memory_space<hbm>> -> memref<1x2x128xi32, #tpu.memory_space<hbm>>
    %dma_start3A_29 = tpu.memref_squeeze %dma_start3A_28 : memref<1x2x128xi32, #tpu.memory_space<hbm>> -> memref<2x128xi32, #tpu.memory_space<hbm>>
    tpu.enqueue_dma source(%dma_start3A_29 : memref<2x128xi32, #tpu.memory_space<hbm>>) target(%dma_start3A_20 : memref<2x128xi32, #tpu.memory_space<vmem>>) target_semaphore(%arg9 : memref<!tpu.dma_semaphore, #tpu.memory_space<semaphore_mem>>)
    %dma_start3A_30 = arith.constant 1 : i32
    %dma_start3A_31 = arith.constant 1 : i32
    %dma_start3A_32 = arith.constant 0 : i32
    %dma_start3A_33 = arith.constant 0 : i32
    %dma_start3A_34 = tpu.memref_slice %arg6[%dma_start3A_31, %dma_start3A_32, %dma_start3A_33] : memref<2x2x128xi32, #tpu.memory_space<vmem>> -> memref<1x2x128xi32, #tpu.memory_space<vmem>>
    %dma_start3A_35 = tpu.memref_squeeze %dma_start3A_34 : memref<1x2x128xi32, #tpu.memory_space<vmem>> -> memref<2x128xi32, #tpu.memory_space<vmem>>
    %dma_start3A_36 = arith.constant 0 : i32
    %dma_start3A_37 = arith.constant 0 : i32
    %dma_start3A_38 = arith.constant 0 : i32
    %dma_start3A_39 = tpu.memref_slice %arg3[%add3A, %dma_start3A_36, %dma_start3A_37, %dma_start3A_38] : memref<32x80x2x128xi32, #tpu.memory_space<hbm>> -> memref<1x80x2x128xi32, #tpu.memory_space<hbm>>
    %dma_start3A_40 = tpu.memref_squeeze %dma_start3A_39 : memref<1x80x2x128xi32, #tpu.memory_space<hbm>> -> memref<80x2x128xi32, #tpu.memory_space<hbm>>
    %dma_start3A_41 = arith.constant 0 : i32
    %dma_start3A_42 = arith.constant 0 : i32
    %dma_start3A_43 = tpu.memref_slice %dma_start3A_40[%dma_start3A_30, %dma_start3A_41, %dma_start3A_42] : memref<80x2x128xi32, #tpu.memory_space<hbm>> -> memref<1x2x128xi32, #tpu.memory_space<hbm>>
    %dma_start3A_44 = tpu.memref_squeeze %dma_start3A_43 : memref<1x2x128xi32, #tpu.memory_space<hbm>> -> memref<2x128xi32, #tpu.memory_space<hbm>>
    %dma_start3A_45 = arith.constant 0 : i32
    %dma_start3A_46 = arith.constant 0 : i32
    %dma_start3A_47 = tpu.memref_slice %arg6[%dma_start3A_31, %dma_start3A_45, %dma_start3A_46] : memref<2x2x128xi32, #tpu.memory_space<vmem>> -> memref<1x2x128xi32, #tpu.memory_space<vmem>>
    %dma_start3A_48 = tpu.memref_squeeze %dma_start3A_47 : memref<1x2x128xi32, #tpu.memory_space<vmem>> -> memref<2x128xi32, #tpu.memory_space<vmem>>
    %dma_start3A_49 = arith.constant 0 : i32
    %dma_start3A_50 = arith.constant 0 : i32
    %dma_start3A_51 = arith.constant 0 : i32
    %dma_start3A_52 = tpu.memref_slice %arg3[%add3A, %dma_start3A_49, %dma_start3A_50, %dma_start3A_51] : memref<32x80x2x128xi32, #tpu.memory_space<hbm>> -> memref<1x80x2x128xi32, #tpu.memory_space<hbm>>
    %dma_start3A_53 = tpu.memref_squeeze %dma_start3A_52 : memref<1x80x2x128xi32, #tpu.memory_space<hbm>> -> memref<80x2x128xi32, #tpu.memory_space<hbm>>
    %dma_start3A_54 = arith.constant 0 : i32
    %dma_start3A_55 = arith.constant 0 : i32
    %dma_start3A_56 = tpu.memref_slice %dma_start3A_53[%dma_start3A_30, %dma_start3A_54, %dma_start3A_55] : memref<80x2x128xi32, #tpu.memory_space<hbm>> -> memref<1x2x128xi32, #tpu.memory_space<hbm>>
    %dma_start3A_57 = tpu.memref_squeeze %dma_start3A_56 : memref<1x2x128xi32, #tpu.memory_space<hbm>> -> memref<2x128xi32, #tpu.memory_space<hbm>>
    tpu.enqueue_dma source(%dma_start3A_57 : memref<2x128xi32, #tpu.memory_space<hbm>>) target(%dma_start3A_48 : memref<2x128xi32, #tpu.memory_space<vmem>>) target_semaphore(%arg9 : memref<!tpu.dma_semaphore, #tpu.memory_space<semaphore_mem>>)
    %barrier3A = arith.constant 0 : index
    tpu.barrier barrier_id(%barrier3A)
    %dma_wait3A = arith.constant 0 : i32
    %dma_wait3A_58 = arith.constant 0 : i32
    %dma_wait3A_59 = arith.constant 0 : i32
    %dma_wait3A_60 = arith.constant 0 : i32
    %dma_wait3A_61 = tpu.memref_slice %arg6[%dma_wait3A_58, %dma_wait3A_59, %dma_wait3A_60] : memref<2x2x128xi32, #tpu.memory_space<vmem>> -> memref<1x2x128xi32, #tpu.memory_space<vmem>>
    %dma_wait3A_62 = tpu.memref_squeeze %dma_wait3A_61 : memref<1x2x128xi32, #tpu.memory_space<vmem>> -> memref<2x128xi32, #tpu.memory_space<vmem>>
    %dma_wait3A_63 = arith.constant 0 : i32
    %dma_wait3A_64 = arith.constant 0 : i32
    %dma_wait3A_65 = arith.constant 0 : i32
    %dma_wait3A_66 = tpu.memref_slice %arg3[%add3A, %dma_wait3A_63, %dma_wait3A_64, %dma_wait3A_65] : memref<32x80x2x128xi32, #tpu.memory_space<hbm>> -> memref<1x80x2x128xi32, #tpu.memory_space<hbm>>
    %dma_wait3A_67 = tpu.memref_squeeze %dma_wait3A_66 : memref<1x80x2x128xi32, #tpu.memory_space<hbm>> -> memref<80x2x128xi32, #tpu.memory_space<hbm>>
    %dma_wait3A_68 = arith.constant 0 : i32
    %dma_wait3A_69 = arith.constant 0 : i32
    %dma_wait3A_70 = tpu.memref_slice %dma_wait3A_67[%dma_wait3A, %dma_wait3A_68, %dma_wait3A_69] : memref<80x2x128xi32, #tpu.memory_space<hbm>> -> memref<1x2x128xi32, #tpu.memory_space<hbm>>
    %dma_wait3A_71 = tpu.memref_squeeze %dma_wait3A_70 : memref<1x2x128xi32, #tpu.memory_space<hbm>> -> memref<2x128xi32, #tpu.memory_space<hbm>>
    %dma_wait3A_72 = arith.constant 0 : i32
    %dma_wait3A_73 = arith.constant 0 : i32
    %dma_wait3A_74 = tpu.memref_slice %arg6[%dma_wait3A_58, %dma_wait3A_72, %dma_wait3A_73] : memref<2x2x128xi32, #tpu.memory_space<vmem>> -> memref<1x2x128xi32, #tpu.memory_space<vmem>>
    %dma_wait3A_75 = tpu.memref_squeeze %dma_wait3A_74 : memref<1x2x128xi32, #tpu.memory_space<vmem>> -> memref<2x128xi32, #tpu.memory_space<vmem>>
    %dma_wait3A_76 = arith.constant 0 : i32
    %dma_wait3A_77 = arith.constant 0 : i32
    %dma_wait3A_78 = arith.constant 0 : i32
    %dma_wait3A_79 = tpu.memref_slice %arg3[%add3A, %dma_wait3A_76, %dma_wait3A_77, %dma_wait3A_78] : memref<32x80x2x128xi32, #tpu.memory_space<hbm>> -> memref<1x80x2x128xi32, #tpu.memory_space<hbm>>
    %dma_wait3A_80 = tpu.memref_squeeze %dma_wait3A_79 : memref<1x80x2x128xi32, #tpu.memory_space<hbm>> -> memref<80x2x128xi32, #tpu.memory_space<hbm>>
    %dma_wait3A_81 = arith.constant 0 : i32
    %dma_wait3A_82 = arith.constant 0 : i32
    %dma_wait3A_83 = tpu.memref_slice %dma_wait3A_80[%dma_wait3A, %dma_wait3A_81, %dma_wait3A_82] : memref<80x2x128xi32, #tpu.memory_space<hbm>> -> memref<1x2x128xi32, #tpu.memory_space<hbm>>
    %dma_wait3A_84 = tpu.memref_squeeze %dma_wait3A_83 : memref<1x2x128xi32, #tpu.memory_space<hbm>> -> memref<2x128xi32, #tpu.memory_space<hbm>>
    tpu.wait_dma2 semaphore(%arg9 : memref<!tpu.dma_semaphore, #tpu.memory_space<semaphore_mem>>) src(%dma_wait3A_84 : memref<2x128xi32, #tpu.memory_space<hbm>>) dst(%dma_wait3A_75 : memref<2x128xi32, #tpu.memory_space<vmem>>)
    %dma_start3A_85 = arith.constant 0 : i32
    %dma_start3A_86 = arith.constant 0 : i32
    %dma_start3A_87 = arith.constant 0 : i32
    %dma_start3A_88 = arith.constant 0 : i32
    %dma_start3A_89 = arith.constant 0 : i32
    %dma_start3A_90 = tpu.memref_slice %arg7[%dma_start3A_87, %dma_start3A_88, %dma_start3A_89] : memref<2x128x128xf32, #tpu.memory_space<vmem>> -> memref<1x128x128xf32, #tpu.memory_space<vmem>>
    %dma_start3A_91 = tpu.memref_squeeze %dma_start3A_90 : memref<1x128x128xf32, #tpu.memory_space<vmem>> -> memref<128x128xf32, #tpu.memory_space<vmem>>
    %dma_start3A_92 = arith.constant 0 : i32
    %dma_start3A_93 = arith.constant 0 : i32
    %dma_start3A_94 = tpu.memref_slice %arg6[%dma_start3A_85, %dma_start3A_92, %dma_start3A_93] : memref<2x2x128xi32, #tpu.memory_space<vmem>> -> memref<1x2x128xi32, #tpu.memory_space<vmem>>
    %dma_start3A_95 = tpu.memref_squeeze %dma_start3A_94 : memref<1x2x128xi32, #tpu.memory_space<vmem>> -> memref<2x128xi32, #tpu.memory_space<vmem>>
    %dma_start3A_96 = arith.constant 0 : i32
    %dma_start3A_97 = tpu.memref_slice %dma_start3A_95[%dma_start3A_86, %dma_start3A_96] : memref<2x128xi32, #tpu.memory_space<vmem>> -> memref<1x128xi32, #tpu.memory_space<vmem>>
    %dma_start3A_98 = tpu.memref_squeeze %dma_start3A_97 : memref<1x128xi32, #tpu.memory_space<vmem>> -> memref<128xi32, #tpu.memory_space<vmem>>
    %dma_start3A_99 = arith.constant 0 : i32
    %dma_start3A_100 = arith.constant 0 : i32
    %dma_start3A_101 = tpu.memref_slice %arg2[%dma_start3A_99, %dma_start3A_100] : memref<10240x128xf32, #tpu.memory_space<hbm>> -> memref<10240x128xf32, #tpu.memory_space<hbm>>
    tpu.enqueue_indirect_dma source(%dma_start3A_101 : memref<10240x128xf32, #tpu.memory_space<hbm>>) target(%dma_start3A_91 : memref<128x128xf32, #tpu.memory_space<vmem>>) offsets(%dma_start3A_98 : memref<128xi32, #tpu.memory_space<vmem>>) semaphore(%arg10 : memref<!tpu.dma_semaphore, #tpu.memory_space<semaphore_mem>>)
    %scan3A = arith.constant 0 : i32
    %scan3A_102 = arith.constant 40 : i32
    %scan3A_103 = arith.addi %scan3A, %scan3A_102 : i32
    %scan3A_104 = arith.constant 1 : i32
    scf.for %scan3A_114 = %scan3A to %scan3A_103 step %scan3A_104  : i32 {
      %mul3A_115 = arith.constant 2 : i32
      %mul3A_116 = arith.muli %scan3A_114, %mul3A_115 : i32
      %add3A_117 = arith.constant 0 : i32
      %add3A_118 = arith.addi %mul3A_116, %add3A_117 : i32
      %add3A_119 = arith.constant 2 : i32
      %add3A_120 = arith.addi %add3A_118, %add3A_119 : i32
      %sub3A = arith.constant 1 : i32
      %sub3A_121 = arith.subi %add3A_120, %sub3A : i32
      %lt3A = arith.constant 80 : i32
      %lt3A_122 = arith.cmpi slt, %sub3A_121, %lt3A : i32
      %convert_element_type3A = arith.extui %lt3A_122 : i1 to i32
      %cond3A = arith.constant 0 : i32
      %cond3A_123 = arith.cmpi ne, %convert_element_type3A, %cond3A : i32
      scf.if %cond3A_123 {
        %add3A_190 = arith.constant 2 : i32
        %add3A_191 = arith.addi %add3A_118, %add3A_190 : i32
        %sub3A_192 = arith.constant 1 : i32
        %sub3A_193 = arith.subi %add3A_191, %sub3A_192 : i32
        %dma_wait3A_194 = arith.constant 1 : i32
        %dma_wait3A_195 = arith.constant 0 : i32
        %dma_wait3A_196 = arith.constant 0 : i32
        %dma_wait3A_197 = tpu.memref_slice %arg6[%dma_wait3A_194, %dma_wait3A_195, %dma_wait3A_196] : memref<2x2x128xi32, #tpu.memory_space<vmem>> -> memref<1x2x128xi32, #tpu.memory_space<vmem>>
        %dma_wait3A_198 = tpu.memref_squeeze %dma_wait3A_197 : memref<1x2x128xi32, #tpu.memory_space<vmem>> -> memref<2x128xi32, #tpu.memory_space<vmem>>
        %dma_wait3A_199 = arith.constant 0 : i32
        %dma_wait3A_200 = arith.constant 0 : i32
        %dma_wait3A_201 = arith.constant 0 : i32
        %dma_wait3A_202 = tpu.memref_slice %arg3[%add3A, %dma_wait3A_199, %dma_wait3A_200, %dma_wait3A_201] : memref<32x80x2x128xi32, #tpu.memory_space<hbm>> -> memref<1x80x2x128xi32, #tpu.memory_space<hbm>>
        %dma_wait3A_203 = tpu.memref_squeeze %dma_wait3A_202 : memref<1x80x2x128xi32, #tpu.memory_space<hbm>> -> memref<80x2x128xi32, #tpu.memory_space<hbm>>
        %dma_wait3A_204 = arith.constant 0 : i32
        %dma_wait3A_205 = arith.constant 0 : i32
        %dma_wait3A_206 = tpu.memref_slice %dma_wait3A_203[%sub3A_193, %dma_wait3A_204, %dma_wait3A_205] : memref<80x2x128xi32, #tpu.memory_space<hbm>> -> memref<1x2x128xi32, #tpu.memory_space<hbm>>
        %dma_wait3A_207 = tpu.memref_squeeze %dma_wait3A_206 : memref<1x2x128xi32, #tpu.memory_space<hbm>> -> memref<2x128xi32, #tpu.memory_space<hbm>>
        %dma_wait3A_208 = arith.constant 0 : i32
        %dma_wait3A_209 = arith.constant 0 : i32
        %dma_wait3A_210 = tpu.memref_slice %arg6[%dma_wait3A_194, %dma_wait3A_208, %dma_wait3A_209] : memref<2x2x128xi32, #tpu.memory_space<vmem>> -> memref<1x2x128xi32, #tpu.memory_space<vmem>>
        %dma_wait3A_211 = tpu.memref_squeeze %dma_wait3A_210 : memref<1x2x128xi32, #tpu.memory_space<vmem>> -> memref<2x128xi32, #tpu.memory_space<vmem>>
        %dma_wait3A_212 = arith.constant 0 : i32
        %dma_wait3A_213 = arith.constant 0 : i32
        %dma_wait3A_214 = arith.constant 0 : i32
        %dma_wait3A_215 = tpu.memref_slice %arg3[%add3A, %dma_wait3A_212, %dma_wait3A_213, %dma_wait3A_214] : memref<32x80x2x128xi32, #tpu.memory_space<hbm>> -> memref<1x80x2x128xi32, #tpu.memory_space<hbm>>
        %dma_wait3A_216 = tpu.memref_squeeze %dma_wait3A_215 : memref<1x80x2x128xi32, #tpu.memory_space<hbm>> -> memref<80x2x128xi32, #tpu.memory_space<hbm>>
        %dma_wait3A_217 = arith.constant 0 : i32
        %dma_wait3A_218 = arith.constant 0 : i32
        %dma_wait3A_219 = tpu.memref_slice %dma_wait3A_216[%sub3A_193, %dma_wait3A_217, %dma_wait3A_218] : memref<80x2x128xi32, #tpu.memory_space<hbm>> -> memref<1x2x128xi32, #tpu.memory_space<hbm>>
        %dma_wait3A_220 = tpu.memref_squeeze %dma_wait3A_219 : memref<1x2x128xi32, #tpu.memory_space<hbm>> -> memref<2x128xi32, #tpu.memory_space<hbm>>
        tpu.wait_dma2 semaphore(%arg9 : memref<!tpu.dma_semaphore, #tpu.memory_space<semaphore_mem>>) src(%dma_wait3A_220 : memref<2x128xi32, #tpu.memory_space<hbm>>) dst(%dma_wait3A_211 : memref<2x128xi32, #tpu.memory_space<vmem>>)
        %dma_start3A_221 = arith.constant 1 : i32
        %dma_start3A_222 = arith.constant 0 : i32
        %dma_start3A_223 = arith.constant 1 : i32
        %dma_start3A_224 = arith.constant 0 : i32
        %dma_start3A_225 = arith.constant 0 : i32
        %dma_start3A_226 = tpu.memref_slice %arg7[%dma_start3A_223, %dma_start3A_224, %dma_start3A_225] : memref<2x128x128xf32, #tpu.memory_space<vmem>> -> memref<1x128x128xf32, #tpu.memory_space<vmem>>
        %dma_start3A_227 = tpu.memref_squeeze %dma_start3A_226 : memref<1x128x128xf32, #tpu.memory_space<vmem>> -> memref<128x128xf32, #tpu.memory_space<vmem>>
        %dma_start3A_228 = arith.constant 0 : i32
        %dma_start3A_229 = arith.constant 0 : i32
        %dma_start3A_230 = tpu.memref_slice %arg6[%dma_start3A_221, %dma_start3A_228, %dma_start3A_229] : memref<2x2x128xi32, #tpu.memory_space<vmem>> -> memref<1x2x128xi32, #tpu.memory_space<vmem>>
        %dma_start3A_231 = tpu.memref_squeeze %dma_start3A_230 : memref<1x2x128xi32, #tpu.memory_space<vmem>> -> memref<2x128xi32, #tpu.memory_space<vmem>>
        %dma_start3A_232 = arith.constant 0 : i32
        %dma_start3A_233 = tpu.memref_slice %dma_start3A_231[%dma_start3A_222, %dma_start3A_232] : memref<2x128xi32, #tpu.memory_space<vmem>> -> memref<1x128xi32, #tpu.memory_space<vmem>>
        %dma_start3A_234 = tpu.memref_squeeze %dma_start3A_233 : memref<1x128xi32, #tpu.memory_space<vmem>> -> memref<128xi32, #tpu.memory_space<vmem>>
        %dma_start3A_235 = arith.constant 0 : i32
        %dma_start3A_236 = arith.constant 0 : i32
        %dma_start3A_237 = tpu.memref_slice %arg2[%dma_start3A_235, %dma_start3A_236] : memref<10240x128xf32, #tpu.memory_space<hbm>> -> memref<10240x128xf32, #tpu.memory_space<hbm>>
        tpu.enqueue_indirect_dma source(%dma_start3A_237 : memref<10240x128xf32, #tpu.memory_space<hbm>>) target(%dma_start3A_227 : memref<128x128xf32, #tpu.memory_space<vmem>>) offsets(%dma_start3A_234 : memref<128xi32, #tpu.memory_space<vmem>>) semaphore(%arg10 : memref<!tpu.dma_semaphore, #tpu.memory_space<semaphore_mem>>)
      } else {
      }
      %dma_wait3A_124 = arith.constant 0 : i32
      %dma_wait3A_125 = arith.constant 0 : i32
      %dma_wait3A_126 = arith.constant 0 : i32
      %dma_wait3A_127 = arith.constant 0 : i32
      %dma_wait3A_128 = arith.constant 0 : i32
      %dma_wait3A_129 = tpu.memref_slice %arg7[%dma_wait3A_126, %dma_wait3A_127, %dma_wait3A_128] : memref<2x128x128xf32, #tpu.memory_space<vmem>> -> memref<1x128x128xf32, #tpu.memory_space<vmem>>
      %dma_wait3A_130 = tpu.memref_squeeze %dma_wait3A_129 : memref<1x128x128xf32, #tpu.memory_space<vmem>> -> memref<128x128xf32, #tpu.memory_space<vmem>>
      %dma_wait3A_131 = arith.constant 0 : i32
      %dma_wait3A_132 = arith.constant 0 : i32
      %dma_wait3A_133 = tpu.memref_slice %arg6[%dma_wait3A_124, %dma_wait3A_131, %dma_wait3A_132] : memref<2x2x128xi32, #tpu.memory_space<vmem>> -> memref<1x2x128xi32, #tpu.memory_space<vmem>>
      %dma_wait3A_134 = tpu.memref_squeeze %dma_wait3A_133 : memref<1x2x128xi32, #tpu.memory_space<vmem>> -> memref<2x128xi32, #tpu.memory_space<vmem>>
      %dma_wait3A_135 = arith.constant 0 : i32
      %dma_wait3A_136 = tpu.memref_slice %dma_wait3A_134[%dma_wait3A_125, %dma_wait3A_135] : memref<2x128xi32, #tpu.memory_space<vmem>> -> memref<1x128xi32, #tpu.memory_space<vmem>>
      %dma_wait3A_137 = tpu.memref_squeeze %dma_wait3A_136 : memref<1x128xi32, #tpu.memory_space<vmem>> -> memref<128xi32, #tpu.memory_space<vmem>>
      %dma_wait3A_138 = arith.constant 0 : i32
      %dma_wait3A_139 = arith.constant 0 : i32
      %dma_wait3A_140 = tpu.memref_slice %arg2[%dma_wait3A_138, %dma_wait3A_139] : memref<10240x128xf32, #tpu.memory_space<hbm>> -> memref<10240x128xf32, #tpu.memory_space<hbm>>
      tpu.wait_indirect_dma semaphore(%arg10 : memref<!tpu.dma_semaphore, #tpu.memory_space<semaphore_mem>>) src(%dma_wait3A_140 : memref<10240x128xf32, #tpu.memory_space<hbm>>) dst(%dma_wait3A_130 : memref<128x128xf32, #tpu.memory_space<vmem>>)
      %run_scoped3A = arith.constant 0 : i32
      %run_scoped3A_141 = arith.constant 0 : i32
      %run_scoped3A_142 = arith.constant 1 : i32
      "tpu.region"() ({
        %run_scoped3A_190 = tpu.sem_alloc : memref<!tpu.dma_semaphore, #tpu.memory_space<semaphore_mem>>
        %dma_start3A_191 = arith.constant 0 : i32
        %dma_start3A_192 = arith.constant 0 : i32
        %dma_start3A_193 = tpu.memref_slice %arg7[%run_scoped3A, %dma_start3A_191, %dma_start3A_192] : memref<2x128x128xf32, #tpu.memory_space<vmem>> -> memref<1x128x128xf32, #tpu.memory_space<vmem>>
        %dma_start3A_194 = tpu.memref_squeeze %dma_start3A_193 : memref<1x128x128xf32, #tpu.memory_space<vmem>> -> memref<128x128xf32, #tpu.memory_space<vmem>>
        %dma_start3A_195 = arith.constant 0 : i32
        %dma_start3A_196 = arith.constant 0 : i32
        %dma_start3A_197 = tpu.memref_slice %arg6[%run_scoped3A_141, %dma_start3A_195, %dma_start3A_196] : memref<2x2x128xi32, #tpu.memory_space<vmem>> -> memref<1x2x128xi32, #tpu.memory_space<vmem>>
        %dma_start3A_198 = tpu.memref_squeeze %dma_start3A_197 : memref<1x2x128xi32, #tpu.memory_space<vmem>> -> memref<2x128xi32, #tpu.memory_space<vmem>>
        %dma_start3A_199 = arith.constant 0 : i32
        %dma_start3A_200 = tpu.memref_slice %dma_start3A_198[%run_scoped3A_142, %dma_start3A_199] : memref<2x128xi32, #tpu.memory_space<vmem>> -> memref<1x128xi32, #tpu.memory_space<vmem>>
        %dma_start3A_201 = tpu.memref_squeeze %dma_start3A_200 : memref<1x128xi32, #tpu.memory_space<vmem>> -> memref<128xi32, #tpu.memory_space<vmem>>
        %dma_start3A_202 = arith.constant 0 : i32
        %dma_start3A_203 = arith.constant 0 : i32
        %dma_start3A_204 = tpu.memref_slice %arg8[%dma_start3A_202, %dma_start3A_203] : memref<10112x128xf32, #tpu.memory_space<vmem_shared>> -> memref<10112x128xf32, #tpu.memory_space<vmem_shared>>
        tpu.enqueue_indirect_dma source(%dma_start3A_194 : memref<128x128xf32, #tpu.memory_space<vmem>>) target(%dma_start3A_204 : memref<10112x128xf32, #tpu.memory_space<vmem_shared>>) offsets(%dma_start3A_201 : memref<128xi32, #tpu.memory_space<vmem>>) semaphore(%run_scoped3A_190 : memref<!tpu.dma_semaphore, #tpu.memory_space<semaphore_mem>>) {add = true}
        %dma_wait3A_205 = arith.constant 0 : i32
        %dma_wait3A_206 = arith.constant 0 : i32
        %dma_wait3A_207 = tpu.memref_slice %arg7[%run_scoped3A, %dma_wait3A_205, %dma_wait3A_206] : memref<2x128x128xf32, #tpu.memory_space<vmem>> -> memref<1x128x128xf32, #tpu.memory_space<vmem>>
        %dma_wait3A_208 = tpu.memref_squeeze %dma_wait3A_207 : memref<1x128x128xf32, #tpu.memory_space<vmem>> -> memref<128x128xf32, #tpu.memory_space<vmem>>
        %dma_wait3A_209 = arith.constant 0 : i32
        %dma_wait3A_210 = arith.constant 0 : i32
        %dma_wait3A_211 = tpu.memref_slice %arg6[%run_scoped3A_141, %dma_wait3A_209, %dma_wait3A_210] : memref<2x2x128xi32, #tpu.memory_space<vmem>> -> memref<1x2x128xi32, #tpu.memory_space<vmem>>
        %dma_wait3A_212 = tpu.memref_squeeze %dma_wait3A_211 : memref<1x2x128xi32, #tpu.memory_space<vmem>> -> memref<2x128xi32, #tpu.memory_space<vmem>>
        %dma_wait3A_213 = arith.constant 0 : i32
        %dma_wait3A_214 = tpu.memref_slice %dma_wait3A_212[%run_scoped3A_142, %dma_wait3A_213] : memref<2x128xi32, #tpu.memory_space<vmem>> -> memref<1x128xi32, #tpu.memory_space<vmem>>
        %dma_wait3A_215 = tpu.memref_squeeze %dma_wait3A_214 : memref<1x128xi32, #tpu.memory_space<vmem>> -> memref<128xi32, #tpu.memory_space<vmem>>
        %dma_wait3A_216 = arith.constant 0 : i32
        %dma_wait3A_217 = arith.constant 0 : i32
        %dma_wait3A_218 = tpu.memref_slice %arg8[%dma_wait3A_216, %dma_wait3A_217] : memref<10112x128xf32, #tpu.memory_space<vmem_shared>> -> memref<10112x128xf32, #tpu.memory_space<vmem_shared>>
        tpu.wait_indirect_dma semaphore(%run_scoped3A_190 : memref<!tpu.dma_semaphore, #tpu.memory_space<semaphore_mem>>) src(%dma_wait3A_208 : memref<128x128xf32, #tpu.memory_space<vmem>>) dst(%dma_wait3A_218 : memref<10112x128xf32, #tpu.memory_space<vmem_shared>>)
        tpu.yield
      }) : () -> ()
      %add3A_143 = arith.constant 2 : i32
      %add3A_144 = arith.addi %add3A_118, %add3A_143 : i32
      %lt3A_145 = arith.constant 80 : i32
      %lt3A_146 = arith.cmpi slt, %add3A_144, %lt3A_145 : i32
      %convert_element_type3A_147 = arith.extui %lt3A_146 : i1 to i32
      %cond3A_148 = arith.constant 0 : i32
      %cond3A_149 = arith.cmpi ne, %convert_element_type3A_147, %cond3A_148 : i32
      scf.if %cond3A_149 {
        %add3A_190 = arith.constant 2 : i32
        %add3A_191 = arith.addi %add3A_118, %add3A_190 : i32
        %dma_start3A_192 = arith.constant 0 : i32
        %dma_start3A_193 = arith.constant 0 : i32
        %dma_start3A_194 = arith.constant 0 : i32
        %dma_start3A_195 = tpu.memref_slice %arg6[%dma_start3A_192, %dma_start3A_193, %dma_start3A_194] : memref<2x2x128xi32, #tpu.memory_space<vmem>> -> memref<1x2x128xi32, #tpu.memory_space<vmem>>
        %dma_start3A_196 = tpu.memref_squeeze %dma_start3A_195 : memref<1x2x128xi32, #tpu.memory_space<vmem>> -> memref<2x128xi32, #tpu.memory_space<vmem>>
        %dma_start3A_197 = arith.constant 0 : i32
        %dma_start3A_198 = arith.constant 0 : i32
        %dma_start3A_199 = arith.constant 0 : i32
        %dma_start3A_200 = tpu.memref_slice %arg3[%add3A, %dma_start3A_197, %dma_start3A_198, %dma_start3A_199] : memref<32x80x2x128xi32, #tpu.memory_space<hbm>> -> memref<1x80x2x128xi32, #tpu.memory_space<hbm>>
        %dma_start3A_201 = tpu.memref_squeeze %dma_start3A_200 : memref<1x80x2x128xi32, #tpu.memory_space<hbm>> -> memref<80x2x128xi32, #tpu.memory_space<hbm>>
        %dma_start3A_202 = arith.constant 0 : i32
        %dma_start3A_203 = arith.constant 0 : i32
        %dma_start3A_204 = tpu.memref_slice %dma_start3A_201[%add3A_191, %dma_start3A_202, %dma_start3A_203] : memref<80x2x128xi32, #tpu.memory_space<hbm>> -> memref<1x2x128xi32, #tpu.memory_space<hbm>>
        %dma_start3A_205 = tpu.memref_squeeze %dma_start3A_204 : memref<1x2x128xi32, #tpu.memory_space<hbm>> -> memref<2x128xi32, #tpu.memory_space<hbm>>
        %dma_start3A_206 = arith.constant 0 : i32
        %dma_start3A_207 = arith.constant 0 : i32
        %dma_start3A_208 = tpu.memref_slice %arg6[%dma_start3A_192, %dma_start3A_206, %dma_start3A_207] : memref<2x2x128xi32, #tpu.memory_space<vmem>> -> memref<1x2x128xi32, #tpu.memory_space<vmem>>
        %dma_start3A_209 = tpu.memref_squeeze %dma_start3A_208 : memref<1x2x128xi32, #tpu.memory_space<vmem>> -> memref<2x128xi32, #tpu.memory_space<vmem>>
        %dma_start3A_210 = arith.constant 0 : i32
        %dma_start3A_211 = arith.constant 0 : i32
        %dma_start3A_212 = arith.constant 0 : i32
        %dma_start3A_213 = tpu.memref_slice %arg3[%add3A, %dma_start3A_210, %dma_start3A_211, %dma_start3A_212] : memref<32x80x2x128xi32, #tpu.memory_space<hbm>> -> memref<1x80x2x128xi32, #tpu.memory_space<hbm>>
        %dma_start3A_214 = tpu.memref_squeeze %dma_start3A_213 : memref<1x80x2x128xi32, #tpu.memory_space<hbm>> -> memref<80x2x128xi32, #tpu.memory_space<hbm>>
        %dma_start3A_215 = arith.constant 0 : i32
        %dma_start3A_216 = arith.constant 0 : i32
        %dma_start3A_217 = tpu.memref_slice %dma_start3A_214[%add3A_191, %dma_start3A_215, %dma_start3A_216] : memref<80x2x128xi32, #tpu.memory_space<hbm>> -> memref<1x2x128xi32, #tpu.memory_space<hbm>>
        %dma_start3A_218 = tpu.memref_squeeze %dma_start3A_217 : memref<1x2x128xi32, #tpu.memory_space<hbm>> -> memref<2x128xi32, #tpu.memory_space<hbm>>
        tpu.enqueue_dma source(%dma_start3A_218 : memref<2x128xi32, #tpu.memory_space<hbm>>) target(%dma_start3A_209 : memref<2x128xi32, #tpu.memory_space<vmem>>) target_semaphore(%arg9 : memref<!tpu.dma_semaphore, #tpu.memory_space<semaphore_mem>>)
      } else {
      }
      %mul3A_150 = arith.constant 2 : i32
      %mul3A_151 = arith.muli %scan3A_114, %mul3A_150 : i32
      %add3A_152 = arith.constant 1 : i32
      %add3A_153 = arith.addi %mul3A_151, %add3A_152 : i32
      %add3A_154 = arith.constant 2 : i32
      %add3A_155 = arith.addi %add3A_153, %add3A_154 : i32
      %sub3A_156 = arith.constant 1 : i32
      %sub3A_157 = arith.subi %add3A_155, %sub3A_156 : i32
      %lt3A_158 = arith.constant 80 : i32
      %lt3A_159 = arith.cmpi slt, %sub3A_157, %lt3A_158 : i32
      %convert_element_type3A_160 = arith.extui %lt3A_159 : i1 to i32
      %cond3A_161 = arith.constant 0 : i32
      %cond3A_162 = arith.cmpi ne, %convert_element_type3A_160, %cond3A_161 : i32
      scf.if %cond3A_162 {
        %add3A_190 = arith.constant 2 : i32
        %add3A_191 = arith.addi %add3A_153, %add3A_190 : i32
        %sub3A_192 = arith.constant 1 : i32
        %sub3A_193 = arith.subi %add3A_191, %sub3A_192 : i32
        %dma_wait3A_194 = arith.constant 0 : i32
        %dma_wait3A_195 = arith.constant 0 : i32
        %dma_wait3A_196 = arith.constant 0 : i32
        %dma_wait3A_197 = tpu.memref_slice %arg6[%dma_wait3A_194, %dma_wait3A_195, %dma_wait3A_196] : memref<2x2x128xi32, #tpu.memory_space<vmem>> -> memref<1x2x128xi32, #tpu.memory_space<vmem>>
        %dma_wait3A_198 = tpu.memref_squeeze %dma_wait3A_197 : memref<1x2x128xi32, #tpu.memory_space<vmem>> -> memref<2x128xi32, #tpu.memory_space<vmem>>
        %dma_wait3A_199 = arith.constant 0 : i32
        %dma_wait3A_200 = arith.constant 0 : i32
        %dma_wait3A_201 = arith.constant 0 : i32
        %dma_wait3A_202 = tpu.memref_slice %arg3[%add3A, %dma_wait3A_199, %dma_wait3A_200, %dma_wait3A_201] : memref<32x80x2x128xi32, #tpu.memory_space<hbm>> -> memref<1x80x2x128xi32, #tpu.memory_space<hbm>>
        %dma_wait3A_203 = tpu.memref_squeeze %dma_wait3A_202 : memref<1x80x2x128xi32, #tpu.memory_space<hbm>> -> memref<80x2x128xi32, #tpu.memory_space<hbm>>
        %dma_wait3A_204 = arith.constant 0 : i32
        %dma_wait3A_205 = arith.constant 0 : i32
        %dma_wait3A_206 = tpu.memref_slice %dma_wait3A_203[%sub3A_193, %dma_wait3A_204, %dma_wait3A_205] : memref<80x2x128xi32, #tpu.memory_space<hbm>> -> memref<1x2x128xi32, #tpu.memory_space<hbm>>
        %dma_wait3A_207 = tpu.memref_squeeze %dma_wait3A_206 : memref<1x2x128xi32, #tpu.memory_space<hbm>> -> memref<2x128xi32, #tpu.memory_space<hbm>>
        %dma_wait3A_208 = arith.constant 0 : i32
        %dma_wait3A_209 = arith.constant 0 : i32
        %dma_wait3A_210 = tpu.memref_slice %arg6[%dma_wait3A_194, %dma_wait3A_208, %dma_wait3A_209] : memref<2x2x128xi32, #tpu.memory_space<vmem>> -> memref<1x2x128xi32, #tpu.memory_space<vmem>>
        %dma_wait3A_211 = tpu.memref_squeeze %dma_wait3A_210 : memref<1x2x128xi32, #tpu.memory_space<vmem>> -> memref<2x128xi32, #tpu.memory_space<vmem>>
        %dma_wait3A_212 = arith.constant 0 : i32
        %dma_wait3A_213 = arith.constant 0 : i32
        %dma_wait3A_214 = arith.constant 0 : i32
        %dma_wait3A_215 = tpu.memref_slice %arg3[%add3A, %dma_wait3A_212, %dma_wait3A_213, %dma_wait3A_214] : memref<32x80x2x128xi32, #tpu.memory_space<hbm>> -> memref<1x80x2x128xi32, #tpu.memory_space<hbm>>
        %dma_wait3A_216 = tpu.memref_squeeze %dma_wait3A_215 : memref<1x80x2x128xi32, #tpu.memory_space<hbm>> -> memref<80x2x128xi32, #tpu.memory_space<hbm>>
        %dma_wait3A_217 = arith.constant 0 : i32
        %dma_wait3A_218 = arith.constant 0 : i32
        %dma_wait3A_219 = tpu.memref_slice %dma_wait3A_216[%sub3A_193, %dma_wait3A_217, %dma_wait3A_218] : memref<80x2x128xi32, #tpu.memory_space<hbm>> -> memref<1x2x128xi32, #tpu.memory_space<hbm>>
        %dma_wait3A_220 = tpu.memref_squeeze %dma_wait3A_219 : memref<1x2x128xi32, #tpu.memory_space<hbm>> -> memref<2x128xi32, #tpu.memory_space<hbm>>
        tpu.wait_dma2 semaphore(%arg9 : memref<!tpu.dma_semaphore, #tpu.memory_space<semaphore_mem>>) src(%dma_wait3A_220 : memref<2x128xi32, #tpu.memory_space<hbm>>) dst(%dma_wait3A_211 : memref<2x128xi32, #tpu.memory_space<vmem>>)
        %dma_start3A_221 = arith.constant 0 : i32
        %dma_start3A_222 = arith.constant 0 : i32
        %dma_start3A_223 = arith.constant 0 : i32
        %dma_start3A_224 = arith.constant 0 : i32
        %dma_start3A_225 = arith.constant 0 : i32
        %dma_start3A_226 = tpu.memref_slice %arg7[%dma_start3A_223, %dma_start3A_224, %dma_start3A_225] : memref<2x128x128xf32, #tpu.memory_space<vmem>> -> memref<1x128x128xf32, #tpu.memory_space<vmem>>
        %dma_start3A_227 = tpu.memref_squeeze %dma_start3A_226 : memref<1x128x128xf32, #tpu.memory_space<vmem>> -> memref<128x128xf32, #tpu.memory_space<vmem>>
        %dma_start3A_228 = arith.constant 0 : i32
        %dma_start3A_229 = arith.constant 0 : i32
        %dma_start3A_230 = tpu.memref_slice %arg6[%dma_start3A_221, %dma_start3A_228, %dma_start3A_229] : memref<2x2x128xi32, #tpu.memory_space<vmem>> -> memref<1x2x128xi32, #tpu.memory_space<vmem>>
        %dma_start3A_231 = tpu.memref_squeeze %dma_start3A_230 : memref<1x2x128xi32, #tpu.memory_space<vmem>> -> memref<2x128xi32, #tpu.memory_space<vmem>>
        %dma_start3A_232 = arith.constant 0 : i32
        %dma_start3A_233 = tpu.memref_slice %dma_start3A_231[%dma_start3A_222, %dma_start3A_232] : memref<2x128xi32, #tpu.memory_space<vmem>> -> memref<1x128xi32, #tpu.memory_space<vmem>>
        %dma_start3A_234 = tpu.memref_squeeze %dma_start3A_233 : memref<1x128xi32, #tpu.memory_space<vmem>> -> memref<128xi32, #tpu.memory_space<vmem>>
        %dma_start3A_235 = arith.constant 0 : i32
        %dma_start3A_236 = arith.constant 0 : i32
        %dma_start3A_237 = tpu.memref_slice %arg2[%dma_start3A_235, %dma_start3A_236] : memref<10240x128xf32, #tpu.memory_space<hbm>> -> memref<10240x128xf32, #tpu.memory_space<hbm>>
        tpu.enqueue_indirect_dma source(%dma_start3A_237 : memref<10240x128xf32, #tpu.memory_space<hbm>>) target(%dma_start3A_227 : memref<128x128xf32, #tpu.memory_space<vmem>>) offsets(%dma_start3A_234 : memref<128xi32, #tpu.memory_space<vmem>>) semaphore(%arg10 : memref<!tpu.dma_semaphore, #tpu.memory_space<semaphore_mem>>)
      } else {
      }
      %dma_wait3A_163 = arith.constant 1 : i32
      %dma_wait3A_164 = arith.constant 0 : i32
      %dma_wait3A_165 = arith.constant 1 : i32
      %dma_wait3A_166 = arith.constant 0 : i32
      %dma_wait3A_167 = arith.constant 0 : i32
      %dma_wait3A_168 = tpu.memref_slice %arg7[%dma_wait3A_165, %dma_wait3A_166, %dma_wait3A_167] : memref<2x128x128xf32, #tpu.memory_space<vmem>> -> memref<1x128x128xf32, #tpu.memory_space<vmem>>
      %dma_wait3A_169 = tpu.memref_squeeze %dma_wait3A_168 : memref<1x128x128xf32, #tpu.memory_space<vmem>> -> memref<128x128xf32, #tpu.memory_space<vmem>>
      %dma_wait3A_170 = arith.constant 0 : i32
      %dma_wait3A_171 = arith.constant 0 : i32
      %dma_wait3A_172 = tpu.memref_slice %arg6[%dma_wait3A_163, %dma_wait3A_170, %dma_wait3A_171] : memref<2x2x128xi32, #tpu.memory_space<vmem>> -> memref<1x2x128xi32, #tpu.memory_space<vmem>>
      %dma_wait3A_173 = tpu.memref_squeeze %dma_wait3A_172 : memref<1x2x128xi32, #tpu.memory_space<vmem>> -> memref<2x128xi32, #tpu.memory_space<vmem>>
      %dma_wait3A_174 = arith.constant 0 : i32
      %dma_wait3A_175 = tpu.memref_slice %dma_wait3A_173[%dma_wait3A_164, %dma_wait3A_174] : memref<2x128xi32, #tpu.memory_space<vmem>> -> memref<1x128xi32, #tpu.memory_space<vmem>>
      %dma_wait3A_176 = tpu.memref_squeeze %dma_wait3A_175 : memref<1x128xi32, #tpu.memory_space<vmem>> -> memref<128xi32, #tpu.memory_space<vmem>>
      %dma_wait3A_177 = arith.constant 0 : i32
      %dma_wait3A_178 = arith.constant 0 : i32
      %dma_wait3A_179 = tpu.memref_slice %arg2[%dma_wait3A_177, %dma_wait3A_178] : memref<10240x128xf32, #tpu.memory_space<hbm>> -> memref<10240x128xf32, #tpu.memory_space<hbm>>
      tpu.wait_indirect_dma semaphore(%arg10 : memref<!tpu.dma_semaphore, #tpu.memory_space<semaphore_mem>>) src(%dma_wait3A_179 : memref<10240x128xf32, #tpu.memory_space<hbm>>) dst(%dma_wait3A_169 : memref<128x128xf32, #tpu.memory_space<vmem>>)
      %run_scoped3A_180 = arith.constant 1 : i32
      %run_scoped3A_181 = arith.constant 1 : i32
      %run_scoped3A_182 = arith.constant 1 : i32
      "tpu.region"() ({
        %run_scoped3A_190 = tpu.sem_alloc : memref<!tpu.dma_semaphore, #tpu.memory_space<semaphore_mem>>
        %dma_start3A_191 = arith.constant 0 : i32
        %dma_start3A_192 = arith.constant 0 : i32
        %dma_start3A_193 = tpu.memref_slice %arg7[%run_scoped3A_180, %dma_start3A_191, %dma_start3A_192] : memref<2x128x128xf32, #tpu.memory_space<vmem>> -> memref<1x128x128xf32, #tpu.memory_space<vmem>>
        %dma_start3A_194 = tpu.memref_squeeze %dma_start3A_193 : memref<1x128x128xf32, #tpu.memory_space<vmem>> -> memref<128x128xf32, #tpu.memory_space<vmem>>
        %dma_start3A_195 = arith.constant 0 : i32
        %dma_start3A_196 = arith.constant 0 : i32
        %dma_start3A_197 = tpu.memref_slice %arg6[%run_scoped3A_181, %dma_start3A_195, %dma_start3A_196] : memref<2x2x128xi32, #tpu.memory_space<vmem>> -> memref<1x2x128xi32, #tpu.memory_space<vmem>>
        %dma_start3A_198 = tpu.memref_squeeze %dma_start3A_197 : memref<1x2x128xi32, #tpu.memory_space<vmem>> -> memref<2x128xi32, #tpu.memory_space<vmem>>
        %dma_start3A_199 = arith.constant 0 : i32
        %dma_start3A_200 = tpu.memref_slice %dma_start3A_198[%run_scoped3A_182, %dma_start3A_199] : memref<2x128xi32, #tpu.memory_space<vmem>> -> memref<1x128xi32, #tpu.memory_space<vmem>>
        %dma_start3A_201 = tpu.memref_squeeze %dma_start3A_200 : memref<1x128xi32, #tpu.memory_space<vmem>> -> memref<128xi32, #tpu.memory_space<vmem>>
        %dma_start3A_202 = arith.constant 0 : i32
        %dma_start3A_203 = arith.constant 0 : i32
        %dma_start3A_204 = tpu.memref_slice %arg8[%dma_start3A_202, %dma_start3A_203] : memref<10112x128xf32, #tpu.memory_space<vmem_shared>> -> memref<10112x128xf32, #tpu.memory_space<vmem_shared>>
        tpu.enqueue_indirect_dma source(%dma_start3A_194 : memref<128x128xf32, #tpu.memory_space<vmem>>) target(%dma_start3A_204 : memref<10112x128xf32, #tpu.memory_space<vmem_shared>>) offsets(%dma_start3A_201 : memref<128xi32, #tpu.memory_space<vmem>>) semaphore(%run_scoped3A_190 : memref<!tpu.dma_semaphore, #tpu.memory_space<semaphore_mem>>) {add = true}
        %dma_wait3A_205 = arith.constant 0 : i32
        %dma_wait3A_206 = arith.constant 0 : i32
        %dma_wait3A_207 = tpu.memref_slice %arg7[%run_scoped3A_180, %dma_wait3A_205, %dma_wait3A_206] : memref<2x128x128xf32, #tpu.memory_space<vmem>> -> memref<1x128x128xf32, #tpu.memory_space<vmem>>
        %dma_wait3A_208 = tpu.memref_squeeze %dma_wait3A_207 : memref<1x128x128xf32, #tpu.memory_space<vmem>> -> memref<128x128xf32, #tpu.memory_space<vmem>>
        %dma_wait3A_209 = arith.constant 0 : i32
        %dma_wait3A_210 = arith.constant 0 : i32
        %dma_wait3A_211 = tpu.memref_slice %arg6[%run_scoped3A_181, %dma_wait3A_209, %dma_wait3A_210] : memref<2x2x128xi32, #tpu.memory_space<vmem>> -> memref<1x2x128xi32, #tpu.memory_space<vmem>>
        %dma_wait3A_212 = tpu.memref_squeeze %dma_wait3A_211 : memref<1x2x128xi32, #tpu.memory_space<vmem>> -> memref<2x128xi32, #tpu.memory_space<vmem>>
        %dma_wait3A_213 = arith.constant 0 : i32
        %dma_wait3A_214 = tpu.memref_slice %dma_wait3A_212[%run_scoped3A_182, %dma_wait3A_213] : memref<2x128xi32, #tpu.memory_space<vmem>> -> memref<1x128xi32, #tpu.memory_space<vmem>>
        %dma_wait3A_215 = tpu.memref_squeeze %dma_wait3A_214 : memref<1x128xi32, #tpu.memory_space<vmem>> -> memref<128xi32, #tpu.memory_space<vmem>>
        %dma_wait3A_216 = arith.constant 0 : i32
        %dma_wait3A_217 = arith.constant 0 : i32
        %dma_wait3A_218 = tpu.memref_slice %arg8[%dma_wait3A_216, %dma_wait3A_217] : memref<10112x128xf32, #tpu.memory_space<vmem_shared>> -> memref<10112x128xf32, #tpu.memory_space<vmem_shared>>
        tpu.wait_indirect_dma semaphore(%run_scoped3A_190 : memref<!tpu.dma_semaphore, #tpu.memory_space<semaphore_mem>>) src(%dma_wait3A_208 : memref<128x128xf32, #tpu.memory_space<vmem>>) dst(%dma_wait3A_218 : memref<10112x128xf32, #tpu.memory_space<vmem_shared>>)
        tpu.yield
      }) : () -> ()
      %add3A_183 = arith.constant 2 : i32
      %add3A_184 = arith.addi %add3A_153, %add3A_183 : i32
      %lt3A_185 = arith.constant 80 : i32
      %lt3A_186 = arith.cmpi slt, %add3A_184, %lt3A_185 : i32
      %convert_element_type3A_187 = arith.extui %lt3A_186 : i1 to i32
      %cond3A_188 = arith.constant 0 : i32
      %cond3A_189 = arith.cmpi ne, %convert_element_type3A_187, %cond3A_188 : i32
      scf.if %cond3A_189 {
        %add3A_190 = arith.constant 2 : i32
        %add3A_191 = arith.addi %add3A_153, %add3A_190 : i32
        %dma_start3A_192 = arith.constant 1 : i32
        %dma_start3A_193 = arith.constant 0 : i32
        %dma_start3A_194 = arith.constant 0 : i32
        %dma_start3A_195 = tpu.memref_slice %arg6[%dma_start3A_192, %dma_start3A_193, %dma_start3A_194] : memref<2x2x128xi32, #tpu.memory_space<vmem>> -> memref<1x2x128xi32, #tpu.memory_space<vmem>>
        %dma_start3A_196 = tpu.memref_squeeze %dma_start3A_195 : memref<1x2x128xi32, #tpu.memory_space<vmem>> -> memref<2x128xi32, #tpu.memory_space<vmem>>
        %dma_start3A_197 = arith.constant 0 : i32
        %dma_start3A_198 = arith.constant 0 : i32
        %dma_start3A_199 = arith.constant 0 : i32
        %dma_start3A_200 = tpu.memref_slice %arg3[%add3A, %dma_start3A_197, %dma_start3A_198, %dma_start3A_199] : memref<32x80x2x128xi32, #tpu.memory_space<hbm>> -> memref<1x80x2x128xi32, #tpu.memory_space<hbm>>
        %dma_start3A_201 = tpu.memref_squeeze %dma_start3A_200 : memref<1x80x2x128xi32, #tpu.memory_space<hbm>> -> memref<80x2x128xi32, #tpu.memory_space<hbm>>
        %dma_start3A_202 = arith.constant 0 : i32
        %dma_start3A_203 = arith.constant 0 : i32
        %dma_start3A_204 = tpu.memref_slice %dma_start3A_201[%add3A_191, %dma_start3A_202, %dma_start3A_203] : memref<80x2x128xi32, #tpu.memory_space<hbm>> -> memref<1x2x128xi32, #tpu.memory_space<hbm>>
        %dma_start3A_205 = tpu.memref_squeeze %dma_start3A_204 : memref<1x2x128xi32, #tpu.memory_space<hbm>> -> memref<2x128xi32, #tpu.memory_space<hbm>>
        %dma_start3A_206 = arith.constant 0 : i32
        %dma_start3A_207 = arith.constant 0 : i32
        %dma_start3A_208 = tpu.memref_slice %arg6[%dma_start3A_192, %dma_start3A_206, %dma_start3A_207] : memref<2x2x128xi32, #tpu.memory_space<vmem>> -> memref<1x2x128xi32, #tpu.memory_space<vmem>>
        %dma_start3A_209 = tpu.memref_squeeze %dma_start3A_208 : memref<1x2x128xi32, #tpu.memory_space<vmem>> -> memref<2x128xi32, #tpu.memory_space<vmem>>
        %dma_start3A_210 = arith.constant 0 : i32
        %dma_start3A_211 = arith.constant 0 : i32
        %dma_start3A_212 = arith.constant 0 : i32
        %dma_start3A_213 = tpu.memref_slice %arg3[%add3A, %dma_start3A_210, %dma_start3A_211, %dma_start3A_212] : memref<32x80x2x128xi32, #tpu.memory_space<hbm>> -> memref<1x80x2x128xi32, #tpu.memory_space<hbm>>
        %dma_start3A_214 = tpu.memref_squeeze %dma_start3A_213 : memref<1x80x2x128xi32, #tpu.memory_space<hbm>> -> memref<80x2x128xi32, #tpu.memory_space<hbm>>
        %dma_start3A_215 = arith.constant 0 : i32
        %dma_start3A_216 = arith.constant 0 : i32
        %dma_start3A_217 = tpu.memref_slice %dma_start3A_214[%add3A_191, %dma_start3A_215, %dma_start3A_216] : memref<80x2x128xi32, #tpu.memory_space<hbm>> -> memref<1x2x128xi32, #tpu.memory_space<hbm>>
        %dma_start3A_218 = tpu.memref_squeeze %dma_start3A_217 : memref<1x2x128xi32, #tpu.memory_space<hbm>> -> memref<2x128xi32, #tpu.memory_space<hbm>>
        tpu.enqueue_dma source(%dma_start3A_218 : memref<2x128xi32, #tpu.memory_space<hbm>>) target(%dma_start3A_209 : memref<2x128xi32, #tpu.memory_space<vmem>>) target_semaphore(%arg9 : memref<!tpu.dma_semaphore, #tpu.memory_space<semaphore_mem>>)
      } else {
      }
    }
    %scan3A_105 = arith.constant 40 : i32
    %barrier3A_106 = arith.constant 0 : index
    tpu.barrier barrier_id(%barrier3A_106)
    %mul3A_107 = arith.constant 632 : i32
    %mul3A_108 = arith.muli %arg1, %mul3A_107 : i32
    %mul3A_109 = arith.constant 10240 : i32
    %mul3A_110 = arith.muli %arg0, %mul3A_109 : i32
    %mul3A_111 = arith.constant 632 : i32
    %mul3A_112 = arith.muli %arg1, %mul3A_111 : i32
    %add3A_113 = arith.addi %mul3A_110, %mul3A_112 : i32
    "tpu.region"() ({
      %run_scoped3A = tpu.sem_alloc : memref<!tpu.dma_semaphore, #tpu.memory_space<semaphore_mem>>
      %dma_start3A_114 = arith.constant 0 : i32
      %dma_start3A_115 = tpu.memref_slice %arg5[%add3A_113, %dma_start3A_114] : memref<20480x128xf32, #tpu.memory_space<hbm>> -> memref<632x128xf32, #tpu.memory_space<hbm>>
      %dma_start3A_116 = arith.constant 0 : i32
      %dma_start3A_117 = tpu.memref_slice %arg8[%mul3A_108, %dma_start3A_116] : memref<10112x128xf32, #tpu.memory_space<vmem_shared>> -> memref<632x128xf32, #tpu.memory_space<vmem_shared>>
      tpu.enqueue_dma source(%dma_start3A_117 : memref<632x128xf32, #tpu.memory_space<vmem_shared>>) target(%dma_start3A_115 : memref<632x128xf32, #tpu.memory_space<hbm>>) target_semaphore(%run_scoped3A : memref<!tpu.dma_semaphore, #tpu.memory_space<semaphore_mem>>)
      %dma_wait3A_118 = arith.constant 0 : i32
      %dma_wait3A_119 = tpu.memref_slice %arg5[%add3A_113, %dma_wait3A_118] : memref<20480x128xf32, #tpu.memory_space<hbm>> -> memref<632x128xf32, #tpu.memory_space<hbm>>
      %dma_wait3A_120 = arith.constant 0 : i32
      %dma_wait3A_121 = tpu.memref_slice %arg8[%mul3A_108, %dma_wait3A_120] : memref<10112x128xf32, #tpu.memory_space<vmem_shared>> -> memref<632x128xf32, #tpu.memory_space<vmem_shared>>
      tpu.wait_dma2 semaphore(%run_scoped3A : memref<!tpu.dma_semaphore, #tpu.memory_space<semaphore_mem>>) src(%dma_wait3A_121 : memref<632x128xf32, #tpu.memory_space<vmem_shared>>) dst(%dma_wait3A_119 : memref<632x128xf32, #tpu.memory_space<hbm>>)
      tpu.yield
    }) : () -> ()
    return
  }
}

#map = affine_map<(d0, d1) -> (0, 0)>
#map1 = affine_map<(d0, d1) -> (0, 0, 0, 0)>
module attributes {stable_mosaic.version = 14 : i64} {
  func.func @_sc_neighbor_sum(%arg0: i32, %arg1: i32, %arg2: memref<10240x128xf32, #tpu.memory_space<hbm>>, %arg3: memref<32x80x2x128xi32, #tpu.memory_space<hbm>>, %arg4: memref<632x128xf32, #tpu.memory_space<hbm>>, %arg5: memref<20480x128xf32, #tpu.memory_space<hbm>>, %arg6: memref<2x2x128xi32, #tpu.memory_space<vmem>>, %arg7: memref<2x128x128xf32, #tpu.memory_space<vmem>>, %arg8: memref<10112x128xf32, #tpu.memory_space<vmem_shared>>, %arg9: memref<!tpu.dma_semaphore, #tpu.memory_space<semaphore_mem>>, %arg10: memref<!tpu.dma_semaphore, #tpu.memory_space<semaphore_mem>>) attributes {dimension_semantics = [#tpu.dimension_semantics<core_parallel>, #tpu.dimension_semantics<subcore_parallel>], iteration_bounds = array<i64: 2, 16>, scalar_prefetch = 0 : i64, scratch_operands = 5 : i64, tpu.core_type = #tpu.core_type<sc_vector_subcore>, window_params = [{transform_indices = #map}, {transform_indices = #map1}, {transform_indices = #map}, {transform_indices = #map}]} {
    %mul3A = arith.constant 2 : i32
    %mul3A_0 = arith.muli %arg1, %mul3A : i32
    %add3A = arith.addi %mul3A_0, %arg0 : i32
    %mul3A_1 = arith.constant 632 : i32
    %mul3A_2 = arith.muli %arg1, %mul3A_1 : i32
    "tpu.region"() ({
      %run_scoped3A = tpu.sem_alloc : memref<!tpu.dma_semaphore, #tpu.memory_space<semaphore_mem>>
      %dma_start3A_114 = arith.constant 0 : i32
      %dma_start3A_115 = tpu.memref_slice %arg8[%mul3A_2, %dma_start3A_114] : memref<10112x128xf32, #tpu.memory_space<vmem_shared>> -> memref<632x128xf32, #tpu.memory_space<vmem_shared>>
      tpu.enqueue_dma source(%arg4 : memref<632x128xf32, #tpu.memory_space<hbm>>) target(%dma_start3A_115 : memref<632x128xf32, #tpu.memory_space<vmem_shared>>) target_semaphore(%run_scoped3A : memref<!tpu.dma_semaphore, #tpu.memory_space<semaphore_mem>>)
      %dma_wait3A_116 = arith.constant 0 : i32
      %dma_wait3A_117 = tpu.memref_slice %arg8[%mul3A_2, %dma_wait3A_116] : memref<10112x128xf32, #tpu.memory_space<vmem_shared>> -> memref<632x128xf32, #tpu.memory_space<vmem_shared>>
      tpu.wait_dma2 semaphore(%run_scoped3A : memref<!tpu.dma_semaphore, #tpu.memory_space<semaphore_mem>>) src(%arg4 : memref<632x128xf32, #tpu.memory_space<hbm>>) dst(%dma_wait3A_117 : memref<632x128xf32, #tpu.memory_space<vmem_shared>>)
      tpu.yield
    }) : () -> ()
    %dma_start3A = arith.constant 0 : i32
    %dma_start3A_3 = arith.constant 0 : i32
    %dma_start3A_4 = arith.constant 0 : i32
    %dma_start3A_5 = arith.constant 0 : i32
    %dma_start3A_6 = tpu.memref_slice %arg6[%dma_start3A_3, %dma_start3A_4, %dma_start3A_5] : memref<2x2x128xi32, #tpu.memory_space<vmem>> -> memref<1x2x128xi32, #tpu.memory_space<vmem>>
    %dma_start3A_7 = tpu.memref_squeeze %dma_start3A_6 : memref<1x2x128xi32, #tpu.memory_space<vmem>> -> memref<2x128xi32, #tpu.memory_space<vmem>>
    %dma_start3A_8 = arith.constant 0 : i32
    %dma_start3A_9 = arith.constant 0 : i32
    %dma_start3A_10 = arith.constant 0 : i32
    %dma_start3A_11 = tpu.memref_slice %arg3[%add3A, %dma_start3A_8, %dma_start3A_9, %dma_start3A_10] : memref<32x80x2x128xi32, #tpu.memory_space<hbm>> -> memref<1x80x2x128xi32, #tpu.memory_space<hbm>>
    %dma_start3A_12 = tpu.memref_squeeze %dma_start3A_11 : memref<1x80x2x128xi32, #tpu.memory_space<hbm>> -> memref<80x2x128xi32, #tpu.memory_space<hbm>>
    %dma_start3A_13 = arith.constant 0 : i32
    %dma_start3A_14 = arith.constant 0 : i32
    %dma_start3A_15 = tpu.memref_slice %dma_start3A_12[%dma_start3A, %dma_start3A_13, %dma_start3A_14] : memref<80x2x128xi32, #tpu.memory_space<hbm>> -> memref<1x2x128xi32, #tpu.memory_space<hbm>>
    %dma_start3A_16 = tpu.memref_squeeze %dma_start3A_15 : memref<1x2x128xi32, #tpu.memory_space<hbm>> -> memref<2x128xi32, #tpu.memory_space<hbm>>
    %dma_start3A_17 = arith.constant 0 : i32
    %dma_start3A_18 = arith.constant 0 : i32
    %dma_start3A_19 = tpu.memref_slice %arg6[%dma_start3A_3, %dma_start3A_17, %dma_start3A_18] : memref<2x2x128xi32, #tpu.memory_space<vmem>> -> memref<1x2x128xi32, #tpu.memory_space<vmem>>
    %dma_start3A_20 = tpu.memref_squeeze %dma_start3A_19 : memref<1x2x128xi32, #tpu.memory_space<vmem>> -> memref<2x128xi32, #tpu.memory_space<vmem>>
    %dma_start3A_21 = arith.constant 0 : i32
    %dma_start3A_22 = arith.constant 0 : i32
    %dma_start3A_23 = arith.constant 0 : i32
    %dma_start3A_24 = tpu.memref_slice %arg3[%add3A, %dma_start3A_21, %dma_start3A_22, %dma_start3A_23] : memref<32x80x2x128xi32, #tpu.memory_space<hbm>> -> memref<1x80x2x128xi32, #tpu.memory_space<hbm>>
    %dma_start3A_25 = tpu.memref_squeeze %dma_start3A_24 : memref<1x80x2x128xi32, #tpu.memory_space<hbm>> -> memref<80x2x128xi32, #tpu.memory_space<hbm>>
    %dma_start3A_26 = arith.constant 0 : i32
    %dma_start3A_27 = arith.constant 0 : i32
    %dma_start3A_28 = tpu.memref_slice %dma_start3A_25[%dma_start3A, %dma_start3A_26, %dma_start3A_27] : memref<80x2x128xi32, #tpu.memory_space<hbm>> -> memref<1x2x128xi32, #tpu.memory_space<hbm>>
    %dma_start3A_29 = tpu.memref_squeeze %dma_start3A_28 : memref<1x2x128xi32, #tpu.memory_space<hbm>> -> memref<2x128xi32, #tpu.memory_space<hbm>>
    tpu.enqueue_dma source(%dma_start3A_29 : memref<2x128xi32, #tpu.memory_space<hbm>>) target(%dma_start3A_20 : memref<2x128xi32, #tpu.memory_space<vmem>>) target_semaphore(%arg9 : memref<!tpu.dma_semaphore, #tpu.memory_space<semaphore_mem>>)
    %dma_start3A_30 = arith.constant 1 : i32
    %dma_start3A_31 = arith.constant 1 : i32
    %dma_start3A_32 = arith.constant 0 : i32
    %dma_start3A_33 = arith.constant 0 : i32
    %dma_start3A_34 = tpu.memref_slice %arg6[%dma_start3A_31, %dma_start3A_32, %dma_start3A_33] : memref<2x2x128xi32, #tpu.memory_space<vmem>> -> memref<1x2x128xi32, #tpu.memory_space<vmem>>
    %dma_start3A_35 = tpu.memref_squeeze %dma_start3A_34 : memref<1x2x128xi32, #tpu.memory_space<vmem>> -> memref<2x128xi32, #tpu.memory_space<vmem>>
    %dma_start3A_36 = arith.constant 0 : i32
    %dma_start3A_37 = arith.constant 0 : i32
    %dma_start3A_38 = arith.constant 0 : i32
    %dma_start3A_39 = tpu.memref_slice %arg3[%add3A, %dma_start3A_36, %dma_start3A_37, %dma_start3A_38] : memref<32x80x2x128xi32, #tpu.memory_space<hbm>> -> memref<1x80x2x128xi32, #tpu.memory_space<hbm>>
    %dma_start3A_40 = tpu.memref_squeeze %dma_start3A_39 : memref<1x80x2x128xi32, #tpu.memory_space<hbm>> -> memref<80x2x128xi32, #tpu.memory_space<hbm>>
    %dma_start3A_41 = arith.constant 0 : i32
    %dma_start3A_42 = arith.constant 0 : i32
    %dma_start3A_43 = tpu.memref_slice %dma_start3A_40[%dma_start3A_30, %dma_start3A_41, %dma_start3A_42] : memref<80x2x128xi32, #tpu.memory_space<hbm>> -> memref<1x2x128xi32, #tpu.memory_space<hbm>>
    %dma_start3A_44 = tpu.memref_squeeze %dma_start3A_43 : memref<1x2x128xi32, #tpu.memory_space<hbm>> -> memref<2x128xi32, #tpu.memory_space<hbm>>
    %dma_start3A_45 = arith.constant 0 : i32
    %dma_start3A_46 = arith.constant 0 : i32
    %dma_start3A_47 = tpu.memref_slice %arg6[%dma_start3A_31, %dma_start3A_45, %dma_start3A_46] : memref<2x2x128xi32, #tpu.memory_space<vmem>> -> memref<1x2x128xi32, #tpu.memory_space<vmem>>
    %dma_start3A_48 = tpu.memref_squeeze %dma_start3A_47 : memref<1x2x128xi32, #tpu.memory_space<vmem>> -> memref<2x128xi32, #tpu.memory_space<vmem>>
    %dma_start3A_49 = arith.constant 0 : i32
    %dma_start3A_50 = arith.constant 0 : i32
    %dma_start3A_51 = arith.constant 0 : i32
    %dma_start3A_52 = tpu.memref_slice %arg3[%add3A, %dma_start3A_49, %dma_start3A_50, %dma_start3A_51] : memref<32x80x2x128xi32, #tpu.memory_space<hbm>> -> memref<1x80x2x128xi32, #tpu.memory_space<hbm>>
    %dma_start3A_53 = tpu.memref_squeeze %dma_start3A_52 : memref<1x80x2x128xi32, #tpu.memory_space<hbm>> -> memref<80x2x128xi32, #tpu.memory_space<hbm>>
    %dma_start3A_54 = arith.constant 0 : i32
    %dma_start3A_55 = arith.constant 0 : i32
    %dma_start3A_56 = tpu.memref_slice %dma_start3A_53[%dma_start3A_30, %dma_start3A_54, %dma_start3A_55] : memref<80x2x128xi32, #tpu.memory_space<hbm>> -> memref<1x2x128xi32, #tpu.memory_space<hbm>>
    %dma_start3A_57 = tpu.memref_squeeze %dma_start3A_56 : memref<1x2x128xi32, #tpu.memory_space<hbm>> -> memref<2x128xi32, #tpu.memory_space<hbm>>
    tpu.enqueue_dma source(%dma_start3A_57 : memref<2x128xi32, #tpu.memory_space<hbm>>) target(%dma_start3A_48 : memref<2x128xi32, #tpu.memory_space<vmem>>) target_semaphore(%arg9 : memref<!tpu.dma_semaphore, #tpu.memory_space<semaphore_mem>>)
    %barrier3A = arith.constant 0 : index
    tpu.barrier barrier_id(%barrier3A)
    %dma_wait3A = arith.constant 0 : i32
    %dma_wait3A_58 = arith.constant 0 : i32
    %dma_wait3A_59 = arith.constant 0 : i32
    %dma_wait3A_60 = arith.constant 0 : i32
    %dma_wait3A_61 = tpu.memref_slice %arg6[%dma_wait3A_58, %dma_wait3A_59, %dma_wait3A_60] : memref<2x2x128xi32, #tpu.memory_space<vmem>> -> memref<1x2x128xi32, #tpu.memory_space<vmem>>
    %dma_wait3A_62 = tpu.memref_squeeze %dma_wait3A_61 : memref<1x2x128xi32, #tpu.memory_space<vmem>> -> memref<2x128xi32, #tpu.memory_space<vmem>>
    %dma_wait3A_63 = arith.constant 0 : i32
    %dma_wait3A_64 = arith.constant 0 : i32
    %dma_wait3A_65 = arith.constant 0 : i32
    %dma_wait3A_66 = tpu.memref_slice %arg3[%add3A, %dma_wait3A_63, %dma_wait3A_64, %dma_wait3A_65] : memref<32x80x2x128xi32, #tpu.memory_space<hbm>> -> memref<1x80x2x128xi32, #tpu.memory_space<hbm>>
    %dma_wait3A_67 = tpu.memref_squeeze %dma_wait3A_66 : memref<1x80x2x128xi32, #tpu.memory_space<hbm>> -> memref<80x2x128xi32, #tpu.memory_space<hbm>>
    %dma_wait3A_68 = arith.constant 0 : i32
    %dma_wait3A_69 = arith.constant 0 : i32
    %dma_wait3A_70 = tpu.memref_slice %dma_wait3A_67[%dma_wait3A, %dma_wait3A_68, %dma_wait3A_69] : memref<80x2x128xi32, #tpu.memory_space<hbm>> -> memref<1x2x128xi32, #tpu.memory_space<hbm>>
    %dma_wait3A_71 = tpu.memref_squeeze %dma_wait3A_70 : memref<1x2x128xi32, #tpu.memory_space<hbm>> -> memref<2x128xi32, #tpu.memory_space<hbm>>
    %dma_wait3A_72 = arith.constant 0 : i32
    %dma_wait3A_73 = arith.constant 0 : i32
    %dma_wait3A_74 = tpu.memref_slice %arg6[%dma_wait3A_58, %dma_wait3A_72, %dma_wait3A_73] : memref<2x2x128xi32, #tpu.memory_space<vmem>> -> memref<1x2x128xi32, #tpu.memory_space<vmem>>
    %dma_wait3A_75 = tpu.memref_squeeze %dma_wait3A_74 : memref<1x2x128xi32, #tpu.memory_space<vmem>> -> memref<2x128xi32, #tpu.memory_space<vmem>>
    %dma_wait3A_76 = arith.constant 0 : i32
    %dma_wait3A_77 = arith.constant 0 : i32
    %dma_wait3A_78 = arith.constant 0 : i32
    %dma_wait3A_79 = tpu.memref_slice %arg3[%add3A, %dma_wait3A_76, %dma_wait3A_77, %dma_wait3A_78] : memref<32x80x2x128xi32, #tpu.memory_space<hbm>> -> memref<1x80x2x128xi32, #tpu.memory_space<hbm>>
    %dma_wait3A_80 = tpu.memref_squeeze %dma_wait3A_79 : memref<1x80x2x128xi32, #tpu.memory_space<hbm>> -> memref<80x2x128xi32, #tpu.memory_space<hbm>>
    %dma_wait3A_81 = arith.constant 0 : i32
    %dma_wait3A_82 = arith.constant 0 : i32
    %dma_wait3A_83 = tpu.memref_slice %dma_wait3A_80[%dma_wait3A, %dma_wait3A_81, %dma_wait3A_82] : memref<80x2x128xi32, #tpu.memory_space<hbm>> -> memref<1x2x128xi32, #tpu.memory_space<hbm>>
    %dma_wait3A_84 = tpu.memref_squeeze %dma_wait3A_83 : memref<1x2x128xi32, #tpu.memory_space<hbm>> -> memref<2x128xi32, #tpu.memory_space<hbm>>
    tpu.wait_dma2 semaphore(%arg9 : memref<!tpu.dma_semaphore, #tpu.memory_space<semaphore_mem>>) src(%dma_wait3A_84 : memref<2x128xi32, #tpu.memory_space<hbm>>) dst(%dma_wait3A_75 : memref<2x128xi32, #tpu.memory_space<vmem>>)
    %dma_start3A_85 = arith.constant 0 : i32
    %dma_start3A_86 = arith.constant 0 : i32
    %dma_start3A_87 = arith.constant 0 : i32
    %dma_start3A_88 = arith.constant 0 : i32
    %dma_start3A_89 = arith.constant 0 : i32
    %dma_start3A_90 = tpu.memref_slice %arg7[%dma_start3A_87, %dma_start3A_88, %dma_start3A_89] : memref<2x128x128xf32, #tpu.memory_space<vmem>> -> memref<1x128x128xf32, #tpu.memory_space<vmem>>
    %dma_start3A_91 = tpu.memref_squeeze %dma_start3A_90 : memref<1x128x128xf32, #tpu.memory_space<vmem>> -> memref<128x128xf32, #tpu.memory_space<vmem>>
    %dma_start3A_92 = arith.constant 0 : i32
    %dma_start3A_93 = arith.constant 0 : i32
    %dma_start3A_94 = tpu.memref_slice %arg6[%dma_start3A_85, %dma_start3A_92, %dma_start3A_93] : memref<2x2x128xi32, #tpu.memory_space<vmem>> -> memref<1x2x128xi32, #tpu.memory_space<vmem>>
    %dma_start3A_95 = tpu.memref_squeeze %dma_start3A_94 : memref<1x2x128xi32, #tpu.memory_space<vmem>> -> memref<2x128xi32, #tpu.memory_space<vmem>>
    %dma_start3A_96 = arith.constant 0 : i32
    %dma_start3A_97 = tpu.memref_slice %dma_start3A_95[%dma_start3A_86, %dma_start3A_96] : memref<2x128xi32, #tpu.memory_space<vmem>> -> memref<1x128xi32, #tpu.memory_space<vmem>>
    %dma_start3A_98 = tpu.memref_squeeze %dma_start3A_97 : memref<1x128xi32, #tpu.memory_space<vmem>> -> memref<128xi32, #tpu.memory_space<vmem>>
    %dma_start3A_99 = arith.constant 0 : i32
    %dma_start3A_100 = arith.constant 0 : i32
    %dma_start3A_101 = tpu.memref_slice %arg2[%dma_start3A_99, %dma_start3A_100] : memref<10240x128xf32, #tpu.memory_space<hbm>> -> memref<10240x128xf32, #tpu.memory_space<hbm>>
    tpu.enqueue_indirect_dma source(%dma_start3A_101 : memref<10240x128xf32, #tpu.memory_space<hbm>>) target(%dma_start3A_91 : memref<128x128xf32, #tpu.memory_space<vmem>>) offsets(%dma_start3A_98 : memref<128xi32, #tpu.memory_space<vmem>>) semaphore(%arg10 : memref<!tpu.dma_semaphore, #tpu.memory_space<semaphore_mem>>)
    %scan3A = arith.constant 0 : i32
    %scan3A_102 = arith.constant 40 : i32
    %scan3A_103 = arith.addi %scan3A, %scan3A_102 : i32
    %scan3A_104 = arith.constant 1 : i32
    scf.for %scan3A_114 = %scan3A to %scan3A_103 step %scan3A_104  : i32 {
      %mul3A_115 = arith.constant 2 : i32
      %mul3A_116 = arith.muli %scan3A_114, %mul3A_115 : i32
      %add3A_117 = arith.constant 0 : i32
      %add3A_118 = arith.addi %mul3A_116, %add3A_117 : i32
      %add3A_119 = arith.constant 2 : i32
      %add3A_120 = arith.addi %add3A_118, %add3A_119 : i32
      %sub3A = arith.constant 1 : i32
      %sub3A_121 = arith.subi %add3A_120, %sub3A : i32
      %lt3A = arith.constant 80 : i32
      %lt3A_122 = arith.cmpi slt, %sub3A_121, %lt3A : i32
      %convert_element_type3A = arith.extui %lt3A_122 : i1 to i32
      %cond3A = arith.constant 0 : i32
      %cond3A_123 = arith.cmpi ne, %convert_element_type3A, %cond3A : i32
      scf.if %cond3A_123 {
        %add3A_190 = arith.constant 2 : i32
        %add3A_191 = arith.addi %add3A_118, %add3A_190 : i32
        %sub3A_192 = arith.constant 1 : i32
        %sub3A_193 = arith.subi %add3A_191, %sub3A_192 : i32
        %dma_wait3A_194 = arith.constant 1 : i32
        %dma_wait3A_195 = arith.constant 0 : i32
        %dma_wait3A_196 = arith.constant 0 : i32
        %dma_wait3A_197 = tpu.memref_slice %arg6[%dma_wait3A_194, %dma_wait3A_195, %dma_wait3A_196] : memref<2x2x128xi32, #tpu.memory_space<vmem>> -> memref<1x2x128xi32, #tpu.memory_space<vmem>>
        %dma_wait3A_198 = tpu.memref_squeeze %dma_wait3A_197 : memref<1x2x128xi32, #tpu.memory_space<vmem>> -> memref<2x128xi32, #tpu.memory_space<vmem>>
        %dma_wait3A_199 = arith.constant 0 : i32
        %dma_wait3A_200 = arith.constant 0 : i32
        %dma_wait3A_201 = arith.constant 0 : i32
        %dma_wait3A_202 = tpu.memref_slice %arg3[%add3A, %dma_wait3A_199, %dma_wait3A_200, %dma_wait3A_201] : memref<32x80x2x128xi32, #tpu.memory_space<hbm>> -> memref<1x80x2x128xi32, #tpu.memory_space<hbm>>
        %dma_wait3A_203 = tpu.memref_squeeze %dma_wait3A_202 : memref<1x80x2x128xi32, #tpu.memory_space<hbm>> -> memref<80x2x128xi32, #tpu.memory_space<hbm>>
        %dma_wait3A_204 = arith.constant 0 : i32
        %dma_wait3A_205 = arith.constant 0 : i32
        %dma_wait3A_206 = tpu.memref_slice %dma_wait3A_203[%sub3A_193, %dma_wait3A_204, %dma_wait3A_205] : memref<80x2x128xi32, #tpu.memory_space<hbm>> -> memref<1x2x128xi32, #tpu.memory_space<hbm>>
        %dma_wait3A_207 = tpu.memref_squeeze %dma_wait3A_206 : memref<1x2x128xi32, #tpu.memory_space<hbm>> -> memref<2x128xi32, #tpu.memory_space<hbm>>
        %dma_wait3A_208 = arith.constant 0 : i32
        %dma_wait3A_209 = arith.constant 0 : i32
        %dma_wait3A_210 = tpu.memref_slice %arg6[%dma_wait3A_194, %dma_wait3A_208, %dma_wait3A_209] : memref<2x2x128xi32, #tpu.memory_space<vmem>> -> memref<1x2x128xi32, #tpu.memory_space<vmem>>
        %dma_wait3A_211 = tpu.memref_squeeze %dma_wait3A_210 : memref<1x2x128xi32, #tpu.memory_space<vmem>> -> memref<2x128xi32, #tpu.memory_space<vmem>>
        %dma_wait3A_212 = arith.constant 0 : i32
        %dma_wait3A_213 = arith.constant 0 : i32
        %dma_wait3A_214 = arith.constant 0 : i32
        %dma_wait3A_215 = tpu.memref_slice %arg3[%add3A, %dma_wait3A_212, %dma_wait3A_213, %dma_wait3A_214] : memref<32x80x2x128xi32, #tpu.memory_space<hbm>> -> memref<1x80x2x128xi32, #tpu.memory_space<hbm>>
        %dma_wait3A_216 = tpu.memref_squeeze %dma_wait3A_215 : memref<1x80x2x128xi32, #tpu.memory_space<hbm>> -> memref<80x2x128xi32, #tpu.memory_space<hbm>>
        %dma_wait3A_217 = arith.constant 0 : i32
        %dma_wait3A_218 = arith.constant 0 : i32
        %dma_wait3A_219 = tpu.memref_slice %dma_wait3A_216[%sub3A_193, %dma_wait3A_217, %dma_wait3A_218] : memref<80x2x128xi32, #tpu.memory_space<hbm>> -> memref<1x2x128xi32, #tpu.memory_space<hbm>>
        %dma_wait3A_220 = tpu.memref_squeeze %dma_wait3A_219 : memref<1x2x128xi32, #tpu.memory_space<hbm>> -> memref<2x128xi32, #tpu.memory_space<hbm>>
        tpu.wait_dma2 semaphore(%arg9 : memref<!tpu.dma_semaphore, #tpu.memory_space<semaphore_mem>>) src(%dma_wait3A_220 : memref<2x128xi32, #tpu.memory_space<hbm>>) dst(%dma_wait3A_211 : memref<2x128xi32, #tpu.memory_space<vmem>>)
        %dma_start3A_221 = arith.constant 1 : i32
        %dma_start3A_222 = arith.constant 0 : i32
        %dma_start3A_223 = arith.constant 1 : i32
        %dma_start3A_224 = arith.constant 0 : i32
        %dma_start3A_225 = arith.constant 0 : i32
        %dma_start3A_226 = tpu.memref_slice %arg7[%dma_start3A_223, %dma_start3A_224, %dma_start3A_225] : memref<2x128x128xf32, #tpu.memory_space<vmem>> -> memref<1x128x128xf32, #tpu.memory_space<vmem>>
        %dma_start3A_227 = tpu.memref_squeeze %dma_start3A_226 : memref<1x128x128xf32, #tpu.memory_space<vmem>> -> memref<128x128xf32, #tpu.memory_space<vmem>>
        %dma_start3A_228 = arith.constant 0 : i32
        %dma_start3A_229 = arith.constant 0 : i32
        %dma_start3A_230 = tpu.memref_slice %arg6[%dma_start3A_221, %dma_start3A_228, %dma_start3A_229] : memref<2x2x128xi32, #tpu.memory_space<vmem>> -> memref<1x2x128xi32, #tpu.memory_space<vmem>>
        %dma_start3A_231 = tpu.memref_squeeze %dma_start3A_230 : memref<1x2x128xi32, #tpu.memory_space<vmem>> -> memref<2x128xi32, #tpu.memory_space<vmem>>
        %dma_start3A_232 = arith.constant 0 : i32
        %dma_start3A_233 = tpu.memref_slice %dma_start3A_231[%dma_start3A_222, %dma_start3A_232] : memref<2x128xi32, #tpu.memory_space<vmem>> -> memref<1x128xi32, #tpu.memory_space<vmem>>
        %dma_start3A_234 = tpu.memref_squeeze %dma_start3A_233 : memref<1x128xi32, #tpu.memory_space<vmem>> -> memref<128xi32, #tpu.memory_space<vmem>>
        %dma_start3A_235 = arith.constant 0 : i32
        %dma_start3A_236 = arith.constant 0 : i32
        %dma_start3A_237 = tpu.memref_slice %arg2[%dma_start3A_235, %dma_start3A_236] : memref<10240x128xf32, #tpu.memory_space<hbm>> -> memref<10240x128xf32, #tpu.memory_space<hbm>>
        tpu.enqueue_indirect_dma source(%dma_start3A_237 : memref<10240x128xf32, #tpu.memory_space<hbm>>) target(%dma_start3A_227 : memref<128x128xf32, #tpu.memory_space<vmem>>) offsets(%dma_start3A_234 : memref<128xi32, #tpu.memory_space<vmem>>) semaphore(%arg10 : memref<!tpu.dma_semaphore, #tpu.memory_space<semaphore_mem>>)
      } else {
      }
      %dma_wait3A_124 = arith.constant 0 : i32
      %dma_wait3A_125 = arith.constant 0 : i32
      %dma_wait3A_126 = arith.constant 0 : i32
      %dma_wait3A_127 = arith.constant 0 : i32
      %dma_wait3A_128 = arith.constant 0 : i32
      %dma_wait3A_129 = tpu.memref_slice %arg7[%dma_wait3A_126, %dma_wait3A_127, %dma_wait3A_128] : memref<2x128x128xf32, #tpu.memory_space<vmem>> -> memref<1x128x128xf32, #tpu.memory_space<vmem>>
      %dma_wait3A_130 = tpu.memref_squeeze %dma_wait3A_129 : memref<1x128x128xf32, #tpu.memory_space<vmem>> -> memref<128x128xf32, #tpu.memory_space<vmem>>
      %dma_wait3A_131 = arith.constant 0 : i32
      %dma_wait3A_132 = arith.constant 0 : i32
      %dma_wait3A_133 = tpu.memref_slice %arg6[%dma_wait3A_124, %dma_wait3A_131, %dma_wait3A_132] : memref<2x2x128xi32, #tpu.memory_space<vmem>> -> memref<1x2x128xi32, #tpu.memory_space<vmem>>
      %dma_wait3A_134 = tpu.memref_squeeze %dma_wait3A_133 : memref<1x2x128xi32, #tpu.memory_space<vmem>> -> memref<2x128xi32, #tpu.memory_space<vmem>>
      %dma_wait3A_135 = arith.constant 0 : i32
      %dma_wait3A_136 = tpu.memref_slice %dma_wait3A_134[%dma_wait3A_125, %dma_wait3A_135] : memref<2x128xi32, #tpu.memory_space<vmem>> -> memref<1x128xi32, #tpu.memory_space<vmem>>
      %dma_wait3A_137 = tpu.memref_squeeze %dma_wait3A_136 : memref<1x128xi32, #tpu.memory_space<vmem>> -> memref<128xi32, #tpu.memory_space<vmem>>
      %dma_wait3A_138 = arith.constant 0 : i32
      %dma_wait3A_139 = arith.constant 0 : i32
      %dma_wait3A_140 = tpu.memref_slice %arg2[%dma_wait3A_138, %dma_wait3A_139] : memref<10240x128xf32, #tpu.memory_space<hbm>> -> memref<10240x128xf32, #tpu.memory_space<hbm>>
      tpu.wait_indirect_dma semaphore(%arg10 : memref<!tpu.dma_semaphore, #tpu.memory_space<semaphore_mem>>) src(%dma_wait3A_140 : memref<10240x128xf32, #tpu.memory_space<hbm>>) dst(%dma_wait3A_130 : memref<128x128xf32, #tpu.memory_space<vmem>>)
      %run_scoped3A = arith.constant 0 : i32
      %run_scoped3A_141 = arith.constant 0 : i32
      %run_scoped3A_142 = arith.constant 1 : i32
      "tpu.region"() ({
        %run_scoped3A_190 = tpu.sem_alloc : memref<!tpu.dma_semaphore, #tpu.memory_space<semaphore_mem>>
        %dma_start3A_191 = arith.constant 0 : i32
        %dma_start3A_192 = arith.constant 0 : i32
        %dma_start3A_193 = tpu.memref_slice %arg7[%run_scoped3A, %dma_start3A_191, %dma_start3A_192] : memref<2x128x128xf32, #tpu.memory_space<vmem>> -> memref<1x128x128xf32, #tpu.memory_space<vmem>>
        %dma_start3A_194 = tpu.memref_squeeze %dma_start3A_193 : memref<1x128x128xf32, #tpu.memory_space<vmem>> -> memref<128x128xf32, #tpu.memory_space<vmem>>
        %dma_start3A_195 = arith.constant 0 : i32
        %dma_start3A_196 = arith.constant 0 : i32
        %dma_start3A_197 = tpu.memref_slice %arg6[%run_scoped3A_141, %dma_start3A_195, %dma_start3A_196] : memref<2x2x128xi32, #tpu.memory_space<vmem>> -> memref<1x2x128xi32, #tpu.memory_space<vmem>>
        %dma_start3A_198 = tpu.memref_squeeze %dma_start3A_197 : memref<1x2x128xi32, #tpu.memory_space<vmem>> -> memref<2x128xi32, #tpu.memory_space<vmem>>
        %dma_start3A_199 = arith.constant 0 : i32
        %dma_start3A_200 = tpu.memref_slice %dma_start3A_198[%run_scoped3A_142, %dma_start3A_199] : memref<2x128xi32, #tpu.memory_space<vmem>> -> memref<1x128xi32, #tpu.memory_space<vmem>>
        %dma_start3A_201 = tpu.memref_squeeze %dma_start3A_200 : memref<1x128xi32, #tpu.memory_space<vmem>> -> memref<128xi32, #tpu.memory_space<vmem>>
        %dma_start3A_202 = arith.constant 0 : i32
        %dma_start3A_203 = arith.constant 0 : i32
        %dma_start3A_204 = tpu.memref_slice %arg8[%dma_start3A_202, %dma_start3A_203] : memref<10112x128xf32, #tpu.memory_space<vmem_shared>> -> memref<10112x128xf32, #tpu.memory_space<vmem_shared>>
        tpu.enqueue_indirect_dma source(%dma_start3A_194 : memref<128x128xf32, #tpu.memory_space<vmem>>) target(%dma_start3A_204 : memref<10112x128xf32, #tpu.memory_space<vmem_shared>>) offsets(%dma_start3A_201 : memref<128xi32, #tpu.memory_space<vmem>>) semaphore(%run_scoped3A_190 : memref<!tpu.dma_semaphore, #tpu.memory_space<semaphore_mem>>) {add = true}
        %dma_wait3A_205 = arith.constant 0 : i32
        %dma_wait3A_206 = arith.constant 0 : i32
        %dma_wait3A_207 = tpu.memref_slice %arg7[%run_scoped3A, %dma_wait3A_205, %dma_wait3A_206] : memref<2x128x128xf32, #tpu.memory_space<vmem>> -> memref<1x128x128xf32, #tpu.memory_space<vmem>>
        %dma_wait3A_208 = tpu.memref_squeeze %dma_wait3A_207 : memref<1x128x128xf32, #tpu.memory_space<vmem>> -> memref<128x128xf32, #tpu.memory_space<vmem>>
        %dma_wait3A_209 = arith.constant 0 : i32
        %dma_wait3A_210 = arith.constant 0 : i32
        %dma_wait3A_211 = tpu.memref_slice %arg6[%run_scoped3A_141, %dma_wait3A_209, %dma_wait3A_210] : memref<2x2x128xi32, #tpu.memory_space<vmem>> -> memref<1x2x128xi32, #tpu.memory_space<vmem>>
        %dma_wait3A_212 = tpu.memref_squeeze %dma_wait3A_211 : memref<1x2x128xi32, #tpu.memory_space<vmem>> -> memref<2x128xi32, #tpu.memory_space<vmem>>
        %dma_wait3A_213 = arith.constant 0 : i32
        %dma_wait3A_214 = tpu.memref_slice %dma_wait3A_212[%run_scoped3A_142, %dma_wait3A_213] : memref<2x128xi32, #tpu.memory_space<vmem>> -> memref<1x128xi32, #tpu.memory_space<vmem>>
        %dma_wait3A_215 = tpu.memref_squeeze %dma_wait3A_214 : memref<1x128xi32, #tpu.memory_space<vmem>> -> memref<128xi32, #tpu.memory_space<vmem>>
        %dma_wait3A_216 = arith.constant 0 : i32
        %dma_wait3A_217 = arith.constant 0 : i32
        %dma_wait3A_218 = tpu.memref_slice %arg8[%dma_wait3A_216, %dma_wait3A_217] : memref<10112x128xf32, #tpu.memory_space<vmem_shared>> -> memref<10112x128xf32, #tpu.memory_space<vmem_shared>>
        tpu.wait_indirect_dma semaphore(%run_scoped3A_190 : memref<!tpu.dma_semaphore, #tpu.memory_space<semaphore_mem>>) src(%dma_wait3A_208 : memref<128x128xf32, #tpu.memory_space<vmem>>) dst(%dma_wait3A_218 : memref<10112x128xf32, #tpu.memory_space<vmem_shared>>)
        tpu.yield
      }) : () -> ()
      %add3A_143 = arith.constant 2 : i32
      %add3A_144 = arith.addi %add3A_118, %add3A_143 : i32
      %lt3A_145 = arith.constant 80 : i32
      %lt3A_146 = arith.cmpi slt, %add3A_144, %lt3A_145 : i32
      %convert_element_type3A_147 = arith.extui %lt3A_146 : i1 to i32
      %cond3A_148 = arith.constant 0 : i32
      %cond3A_149 = arith.cmpi ne, %convert_element_type3A_147, %cond3A_148 : i32
      scf.if %cond3A_149 {
        %add3A_190 = arith.constant 2 : i32
        %add3A_191 = arith.addi %add3A_118, %add3A_190 : i32
        %dma_start3A_192 = arith.constant 0 : i32
        %dma_start3A_193 = arith.constant 0 : i32
        %dma_start3A_194 = arith.constant 0 : i32
        %dma_start3A_195 = tpu.memref_slice %arg6[%dma_start3A_192, %dma_start3A_193, %dma_start3A_194] : memref<2x2x128xi32, #tpu.memory_space<vmem>> -> memref<1x2x128xi32, #tpu.memory_space<vmem>>
        %dma_start3A_196 = tpu.memref_squeeze %dma_start3A_195 : memref<1x2x128xi32, #tpu.memory_space<vmem>> -> memref<2x128xi32, #tpu.memory_space<vmem>>
        %dma_start3A_197 = arith.constant 0 : i32
        %dma_start3A_198 = arith.constant 0 : i32
        %dma_start3A_199 = arith.constant 0 : i32
        %dma_start3A_200 = tpu.memref_slice %arg3[%add3A, %dma_start3A_197, %dma_start3A_198, %dma_start3A_199] : memref<32x80x2x128xi32, #tpu.memory_space<hbm>> -> memref<1x80x2x128xi32, #tpu.memory_space<hbm>>
        %dma_start3A_201 = tpu.memref_squeeze %dma_start3A_200 : memref<1x80x2x128xi32, #tpu.memory_space<hbm>> -> memref<80x2x128xi32, #tpu.memory_space<hbm>>
        %dma_start3A_202 = arith.constant 0 : i32
        %dma_start3A_203 = arith.constant 0 : i32
        %dma_start3A_204 = tpu.memref_slice %dma_start3A_201[%add3A_191, %dma_start3A_202, %dma_start3A_203] : memref<80x2x128xi32, #tpu.memory_space<hbm>> -> memref<1x2x128xi32, #tpu.memory_space<hbm>>
        %dma_start3A_205 = tpu.memref_squeeze %dma_start3A_204 : memref<1x2x128xi32, #tpu.memory_space<hbm>> -> memref<2x128xi32, #tpu.memory_space<hbm>>
        %dma_start3A_206 = arith.constant 0 : i32
        %dma_start3A_207 = arith.constant 0 : i32
        %dma_start3A_208 = tpu.memref_slice %arg6[%dma_start3A_192, %dma_start3A_206, %dma_start3A_207] : memref<2x2x128xi32, #tpu.memory_space<vmem>> -> memref<1x2x128xi32, #tpu.memory_space<vmem>>
        %dma_start3A_209 = tpu.memref_squeeze %dma_start3A_208 : memref<1x2x128xi32, #tpu.memory_space<vmem>> -> memref<2x128xi32, #tpu.memory_space<vmem>>
        %dma_start3A_210 = arith.constant 0 : i32
        %dma_start3A_211 = arith.constant 0 : i32
        %dma_start3A_212 = arith.constant 0 : i32
        %dma_start3A_213 = tpu.memref_slice %arg3[%add3A, %dma_start3A_210, %dma_start3A_211, %dma_start3A_212] : memref<32x80x2x128xi32, #tpu.memory_space<hbm>> -> memref<1x80x2x128xi32, #tpu.memory_space<hbm>>
        %dma_start3A_214 = tpu.memref_squeeze %dma_start3A_213 : memref<1x80x2x128xi32, #tpu.memory_space<hbm>> -> memref<80x2x128xi32, #tpu.memory_space<hbm>>
        %dma_start3A_215 = arith.constant 0 : i32
        %dma_start3A_216 = arith.constant 0 : i32
        %dma_start3A_217 = tpu.memref_slice %dma_start3A_214[%add3A_191, %dma_start3A_215, %dma_start3A_216] : memref<80x2x128xi32, #tpu.memory_space<hbm>> -> memref<1x2x128xi32, #tpu.memory_space<hbm>>
        %dma_start3A_218 = tpu.memref_squeeze %dma_start3A_217 : memref<1x2x128xi32, #tpu.memory_space<hbm>> -> memref<2x128xi32, #tpu.memory_space<hbm>>
        tpu.enqueue_dma source(%dma_start3A_218 : memref<2x128xi32, #tpu.memory_space<hbm>>) target(%dma_start3A_209 : memref<2x128xi32, #tpu.memory_space<vmem>>) target_semaphore(%arg9 : memref<!tpu.dma_semaphore, #tpu.memory_space<semaphore_mem>>)
      } else {
      }
      %mul3A_150 = arith.constant 2 : i32
      %mul3A_151 = arith.muli %scan3A_114, %mul3A_150 : i32
      %add3A_152 = arith.constant 1 : i32
      %add3A_153 = arith.addi %mul3A_151, %add3A_152 : i32
      %add3A_154 = arith.constant 2 : i32
      %add3A_155 = arith.addi %add3A_153, %add3A_154 : i32
      %sub3A_156 = arith.constant 1 : i32
      %sub3A_157 = arith.subi %add3A_155, %sub3A_156 : i32
      %lt3A_158 = arith.constant 80 : i32
      %lt3A_159 = arith.cmpi slt, %sub3A_157, %lt3A_158 : i32
      %convert_element_type3A_160 = arith.extui %lt3A_159 : i1 to i32
      %cond3A_161 = arith.constant 0 : i32
      %cond3A_162 = arith.cmpi ne, %convert_element_type3A_160, %cond3A_161 : i32
      scf.if %cond3A_162 {
        %add3A_190 = arith.constant 2 : i32
        %add3A_191 = arith.addi %add3A_153, %add3A_190 : i32
        %sub3A_192 = arith.constant 1 : i32
        %sub3A_193 = arith.subi %add3A_191, %sub3A_192 : i32
        %dma_wait3A_194 = arith.constant 0 : i32
        %dma_wait3A_195 = arith.constant 0 : i32
        %dma_wait3A_196 = arith.constant 0 : i32
        %dma_wait3A_197 = tpu.memref_slice %arg6[%dma_wait3A_194, %dma_wait3A_195, %dma_wait3A_196] : memref<2x2x128xi32, #tpu.memory_space<vmem>> -> memref<1x2x128xi32, #tpu.memory_space<vmem>>
        %dma_wait3A_198 = tpu.memref_squeeze %dma_wait3A_197 : memref<1x2x128xi32, #tpu.memory_space<vmem>> -> memref<2x128xi32, #tpu.memory_space<vmem>>
        %dma_wait3A_199 = arith.constant 0 : i32
        %dma_wait3A_200 = arith.constant 0 : i32
        %dma_wait3A_201 = arith.constant 0 : i32
        %dma_wait3A_202 = tpu.memref_slice %arg3[%add3A, %dma_wait3A_199, %dma_wait3A_200, %dma_wait3A_201] : memref<32x80x2x128xi32, #tpu.memory_space<hbm>> -> memref<1x80x2x128xi32, #tpu.memory_space<hbm>>
        %dma_wait3A_203 = tpu.memref_squeeze %dma_wait3A_202 : memref<1x80x2x128xi32, #tpu.memory_space<hbm>> -> memref<80x2x128xi32, #tpu.memory_space<hbm>>
        %dma_wait3A_204 = arith.constant 0 : i32
        %dma_wait3A_205 = arith.constant 0 : i32
        %dma_wait3A_206 = tpu.memref_slice %dma_wait3A_203[%sub3A_193, %dma_wait3A_204, %dma_wait3A_205] : memref<80x2x128xi32, #tpu.memory_space<hbm>> -> memref<1x2x128xi32, #tpu.memory_space<hbm>>
        %dma_wait3A_207 = tpu.memref_squeeze %dma_wait3A_206 : memref<1x2x128xi32, #tpu.memory_space<hbm>> -> memref<2x128xi32, #tpu.memory_space<hbm>>
        %dma_wait3A_208 = arith.constant 0 : i32
        %dma_wait3A_209 = arith.constant 0 : i32
        %dma_wait3A_210 = tpu.memref_slice %arg6[%dma_wait3A_194, %dma_wait3A_208, %dma_wait3A_209] : memref<2x2x128xi32, #tpu.memory_space<vmem>> -> memref<1x2x128xi32, #tpu.memory_space<vmem>>
        %dma_wait3A_211 = tpu.memref_squeeze %dma_wait3A_210 : memref<1x2x128xi32, #tpu.memory_space<vmem>> -> memref<2x128xi32, #tpu.memory_space<vmem>>
        %dma_wait3A_212 = arith.constant 0 : i32
        %dma_wait3A_213 = arith.constant 0 : i32
        %dma_wait3A_214 = arith.constant 0 : i32
        %dma_wait3A_215 = tpu.memref_slice %arg3[%add3A, %dma_wait3A_212, %dma_wait3A_213, %dma_wait3A_214] : memref<32x80x2x128xi32, #tpu.memory_space<hbm>> -> memref<1x80x2x128xi32, #tpu.memory_space<hbm>>
        %dma_wait3A_216 = tpu.memref_squeeze %dma_wait3A_215 : memref<1x80x2x128xi32, #tpu.memory_space<hbm>> -> memref<80x2x128xi32, #tpu.memory_space<hbm>>
        %dma_wait3A_217 = arith.constant 0 : i32
        %dma_wait3A_218 = arith.constant 0 : i32
        %dma_wait3A_219 = tpu.memref_slice %dma_wait3A_216[%sub3A_193, %dma_wait3A_217, %dma_wait3A_218] : memref<80x2x128xi32, #tpu.memory_space<hbm>> -> memref<1x2x128xi32, #tpu.memory_space<hbm>>
        %dma_wait3A_220 = tpu.memref_squeeze %dma_wait3A_219 : memref<1x2x128xi32, #tpu.memory_space<hbm>> -> memref<2x128xi32, #tpu.memory_space<hbm>>
        tpu.wait_dma2 semaphore(%arg9 : memref<!tpu.dma_semaphore, #tpu.memory_space<semaphore_mem>>) src(%dma_wait3A_220 : memref<2x128xi32, #tpu.memory_space<hbm>>) dst(%dma_wait3A_211 : memref<2x128xi32, #tpu.memory_space<vmem>>)
        %dma_start3A_221 = arith.constant 0 : i32
        %dma_start3A_222 = arith.constant 0 : i32
        %dma_start3A_223 = arith.constant 0 : i32
        %dma_start3A_224 = arith.constant 0 : i32
        %dma_start3A_225 = arith.constant 0 : i32
        %dma_start3A_226 = tpu.memref_slice %arg7[%dma_start3A_223, %dma_start3A_224, %dma_start3A_225] : memref<2x128x128xf32, #tpu.memory_space<vmem>> -> memref<1x128x128xf32, #tpu.memory_space<vmem>>
        %dma_start3A_227 = tpu.memref_squeeze %dma_start3A_226 : memref<1x128x128xf32, #tpu.memory_space<vmem>> -> memref<128x128xf32, #tpu.memory_space<vmem>>
        %dma_start3A_228 = arith.constant 0 : i32
        %dma_start3A_229 = arith.constant 0 : i32
        %dma_start3A_230 = tpu.memref_slice %arg6[%dma_start3A_221, %dma_start3A_228, %dma_start3A_229] : memref<2x2x128xi32, #tpu.memory_space<vmem>> -> memref<1x2x128xi32, #tpu.memory_space<vmem>>
        %dma_start3A_231 = tpu.memref_squeeze %dma_start3A_230 : memref<1x2x128xi32, #tpu.memory_space<vmem>> -> memref<2x128xi32, #tpu.memory_space<vmem>>
        %dma_start3A_232 = arith.constant 0 : i32
        %dma_start3A_233 = tpu.memref_slice %dma_start3A_231[%dma_start3A_222, %dma_start3A_232] : memref<2x128xi32, #tpu.memory_space<vmem>> -> memref<1x128xi32, #tpu.memory_space<vmem>>
        %dma_start3A_234 = tpu.memref_squeeze %dma_start3A_233 : memref<1x128xi32, #tpu.memory_space<vmem>> -> memref<128xi32, #tpu.memory_space<vmem>>
        %dma_start3A_235 = arith.constant 0 : i32
        %dma_start3A_236 = arith.constant 0 : i32
        %dma_start3A_237 = tpu.memref_slice %arg2[%dma_start3A_235, %dma_start3A_236] : memref<10240x128xf32, #tpu.memory_space<hbm>> -> memref<10240x128xf32, #tpu.memory_space<hbm>>
        tpu.enqueue_indirect_dma source(%dma_start3A_237 : memref<10240x128xf32, #tpu.memory_space<hbm>>) target(%dma_start3A_227 : memref<128x128xf32, #tpu.memory_space<vmem>>) offsets(%dma_start3A_234 : memref<128xi32, #tpu.memory_space<vmem>>) semaphore(%arg10 : memref<!tpu.dma_semaphore, #tpu.memory_space<semaphore_mem>>)
      } else {
      }
      %dma_wait3A_163 = arith.constant 1 : i32
      %dma_wait3A_164 = arith.constant 0 : i32
      %dma_wait3A_165 = arith.constant 1 : i32
      %dma_wait3A_166 = arith.constant 0 : i32
      %dma_wait3A_167 = arith.constant 0 : i32
      %dma_wait3A_168 = tpu.memref_slice %arg7[%dma_wait3A_165, %dma_wait3A_166, %dma_wait3A_167] : memref<2x128x128xf32, #tpu.memory_space<vmem>> -> memref<1x128x128xf32, #tpu.memory_space<vmem>>
      %dma_wait3A_169 = tpu.memref_squeeze %dma_wait3A_168 : memref<1x128x128xf32, #tpu.memory_space<vmem>> -> memref<128x128xf32, #tpu.memory_space<vmem>>
      %dma_wait3A_170 = arith.constant 0 : i32
      %dma_wait3A_171 = arith.constant 0 : i32
      %dma_wait3A_172 = tpu.memref_slice %arg6[%dma_wait3A_163, %dma_wait3A_170, %dma_wait3A_171] : memref<2x2x128xi32, #tpu.memory_space<vmem>> -> memref<1x2x128xi32, #tpu.memory_space<vmem>>
      %dma_wait3A_173 = tpu.memref_squeeze %dma_wait3A_172 : memref<1x2x128xi32, #tpu.memory_space<vmem>> -> memref<2x128xi32, #tpu.memory_space<vmem>>
      %dma_wait3A_174 = arith.constant 0 : i32
      %dma_wait3A_175 = tpu.memref_slice %dma_wait3A_173[%dma_wait3A_164, %dma_wait3A_174] : memref<2x128xi32, #tpu.memory_space<vmem>> -> memref<1x128xi32, #tpu.memory_space<vmem>>
      %dma_wait3A_176 = tpu.memref_squeeze %dma_wait3A_175 : memref<1x128xi32, #tpu.memory_space<vmem>> -> memref<128xi32, #tpu.memory_space<vmem>>
      %dma_wait3A_177 = arith.constant 0 : i32
      %dma_wait3A_178 = arith.constant 0 : i32
      %dma_wait3A_179 = tpu.memref_slice %arg2[%dma_wait3A_177, %dma_wait3A_178] : memref<10240x128xf32, #tpu.memory_space<hbm>> -> memref<10240x128xf32, #tpu.memory_space<hbm>>
      tpu.wait_indirect_dma semaphore(%arg10 : memref<!tpu.dma_semaphore, #tpu.memory_space<semaphore_mem>>) src(%dma_wait3A_179 : memref<10240x128xf32, #tpu.memory_space<hbm>>) dst(%dma_wait3A_169 : memref<128x128xf32, #tpu.memory_space<vmem>>)
      %run_scoped3A_180 = arith.constant 1 : i32
      %run_scoped3A_181 = arith.constant 1 : i32
      %run_scoped3A_182 = arith.constant 1 : i32
      "tpu.region"() ({
        %run_scoped3A_190 = tpu.sem_alloc : memref<!tpu.dma_semaphore, #tpu.memory_space<semaphore_mem>>
        %dma_start3A_191 = arith.constant 0 : i32
        %dma_start3A_192 = arith.constant 0 : i32
        %dma_start3A_193 = tpu.memref_slice %arg7[%run_scoped3A_180, %dma_start3A_191, %dma_start3A_192] : memref<2x128x128xf32, #tpu.memory_space<vmem>> -> memref<1x128x128xf32, #tpu.memory_space<vmem>>
        %dma_start3A_194 = tpu.memref_squeeze %dma_start3A_193 : memref<1x128x128xf32, #tpu.memory_space<vmem>> -> memref<128x128xf32, #tpu.memory_space<vmem>>
        %dma_start3A_195 = arith.constant 0 : i32
        %dma_start3A_196 = arith.constant 0 : i32
        %dma_start3A_197 = tpu.memref_slice %arg6[%run_scoped3A_181, %dma_start3A_195, %dma_start3A_196] : memref<2x2x128xi32, #tpu.memory_space<vmem>> -> memref<1x2x128xi32, #tpu.memory_space<vmem>>
        %dma_start3A_198 = tpu.memref_squeeze %dma_start3A_197 : memref<1x2x128xi32, #tpu.memory_space<vmem>> -> memref<2x128xi32, #tpu.memory_space<vmem>>
        %dma_start3A_199 = arith.constant 0 : i32
        %dma_start3A_200 = tpu.memref_slice %dma_start3A_198[%run_scoped3A_182, %dma_start3A_199] : memref<2x128xi32, #tpu.memory_space<vmem>> -> memref<1x128xi32, #tpu.memory_space<vmem>>
        %dma_start3A_201 = tpu.memref_squeeze %dma_start3A_200 : memref<1x128xi32, #tpu.memory_space<vmem>> -> memref<128xi32, #tpu.memory_space<vmem>>
        %dma_start3A_202 = arith.constant 0 : i32
        %dma_start3A_203 = arith.constant 0 : i32
        %dma_start3A_204 = tpu.memref_slice %arg8[%dma_start3A_202, %dma_start3A_203] : memref<10112x128xf32, #tpu.memory_space<vmem_shared>> -> memref<10112x128xf32, #tpu.memory_space<vmem_shared>>
        tpu.enqueue_indirect_dma source(%dma_start3A_194 : memref<128x128xf32, #tpu.memory_space<vmem>>) target(%dma_start3A_204 : memref<10112x128xf32, #tpu.memory_space<vmem_shared>>) offsets(%dma_start3A_201 : memref<128xi32, #tpu.memory_space<vmem>>) semaphore(%run_scoped3A_190 : memref<!tpu.dma_semaphore, #tpu.memory_space<semaphore_mem>>) {add = true}
        %dma_wait3A_205 = arith.constant 0 : i32
        %dma_wait3A_206 = arith.constant 0 : i32
        %dma_wait3A_207 = tpu.memref_slice %arg7[%run_scoped3A_180, %dma_wait3A_205, %dma_wait3A_206] : memref<2x128x128xf32, #tpu.memory_space<vmem>> -> memref<1x128x128xf32, #tpu.memory_space<vmem>>
        %dma_wait3A_208 = tpu.memref_squeeze %dma_wait3A_207 : memref<1x128x128xf32, #tpu.memory_space<vmem>> -> memref<128x128xf32, #tpu.memory_space<vmem>>
        %dma_wait3A_209 = arith.constant 0 : i32
        %dma_wait3A_210 = arith.constant 0 : i32
        %dma_wait3A_211 = tpu.memref_slice %arg6[%run_scoped3A_181, %dma_wait3A_209, %dma_wait3A_210] : memref<2x2x128xi32, #tpu.memory_space<vmem>> -> memref<1x2x128xi32, #tpu.memory_space<vmem>>
        %dma_wait3A_212 = tpu.memref_squeeze %dma_wait3A_211 : memref<1x2x128xi32, #tpu.memory_space<vmem>> -> memref<2x128xi32, #tpu.memory_space<vmem>>
        %dma_wait3A_213 = arith.constant 0 : i32
        %dma_wait3A_214 = tpu.memref_slice %dma_wait3A_212[%run_scoped3A_182, %dma_wait3A_213] : memref<2x128xi32, #tpu.memory_space<vmem>> -> memref<1x128xi32, #tpu.memory_space<vmem>>
        %dma_wait3A_215 = tpu.memref_squeeze %dma_wait3A_214 : memref<1x128xi32, #tpu.memory_space<vmem>> -> memref<128xi32, #tpu.memory_space<vmem>>
        %dma_wait3A_216 = arith.constant 0 : i32
        %dma_wait3A_217 = arith.constant 0 : i32
        %dma_wait3A_218 = tpu.memref_slice %arg8[%dma_wait3A_216, %dma_wait3A_217] : memref<10112x128xf32, #tpu.memory_space<vmem_shared>> -> memref<10112x128xf32, #tpu.memory_space<vmem_shared>>
        tpu.wait_indirect_dma semaphore(%run_scoped3A_190 : memref<!tpu.dma_semaphore, #tpu.memory_space<semaphore_mem>>) src(%dma_wait3A_208 : memref<128x128xf32, #tpu.memory_space<vmem>>) dst(%dma_wait3A_218 : memref<10112x128xf32, #tpu.memory_space<vmem_shared>>)
        tpu.yield
      }) : () -> ()
      %add3A_183 = arith.constant 2 : i32
      %add3A_184 = arith.addi %add3A_153, %add3A_183 : i32
      %lt3A_185 = arith.constant 80 : i32
      %lt3A_186 = arith.cmpi slt, %add3A_184, %lt3A_185 : i32
      %convert_element_type3A_187 = arith.extui %lt3A_186 : i1 to i32
      %cond3A_188 = arith.constant 0 : i32
      %cond3A_189 = arith.cmpi ne, %convert_element_type3A_187, %cond3A_188 : i32
      scf.if %cond3A_189 {
        %add3A_190 = arith.constant 2 : i32
        %add3A_191 = arith.addi %add3A_153, %add3A_190 : i32
        %dma_start3A_192 = arith.constant 1 : i32
        %dma_start3A_193 = arith.constant 0 : i32
        %dma_start3A_194 = arith.constant 0 : i32
        %dma_start3A_195 = tpu.memref_slice %arg6[%dma_start3A_192, %dma_start3A_193, %dma_start3A_194] : memref<2x2x128xi32, #tpu.memory_space<vmem>> -> memref<1x2x128xi32, #tpu.memory_space<vmem>>
        %dma_start3A_196 = tpu.memref_squeeze %dma_start3A_195 : memref<1x2x128xi32, #tpu.memory_space<vmem>> -> memref<2x128xi32, #tpu.memory_space<vmem>>
        %dma_start3A_197 = arith.constant 0 : i32
        %dma_start3A_198 = arith.constant 0 : i32
        %dma_start3A_199 = arith.constant 0 : i32
        %dma_start3A_200 = tpu.memref_slice %arg3[%add3A, %dma_start3A_197, %dma_start3A_198, %dma_start3A_199] : memref<32x80x2x128xi32, #tpu.memory_space<hbm>> -> memref<1x80x2x128xi32, #tpu.memory_space<hbm>>
        %dma_start3A_201 = tpu.memref_squeeze %dma_start3A_200 : memref<1x80x2x128xi32, #tpu.memory_space<hbm>> -> memref<80x2x128xi32, #tpu.memory_space<hbm>>
        %dma_start3A_202 = arith.constant 0 : i32
        %dma_start3A_203 = arith.constant 0 : i32
        %dma_start3A_204 = tpu.memref_slice %dma_start3A_201[%add3A_191, %dma_start3A_202, %dma_start3A_203] : memref<80x2x128xi32, #tpu.memory_space<hbm>> -> memref<1x2x128xi32, #tpu.memory_space<hbm>>
        %dma_start3A_205 = tpu.memref_squeeze %dma_start3A_204 : memref<1x2x128xi32, #tpu.memory_space<hbm>> -> memref<2x128xi32, #tpu.memory_space<hbm>>
        %dma_start3A_206 = arith.constant 0 : i32
        %dma_start3A_207 = arith.constant 0 : i32
        %dma_start3A_208 = tpu.memref_slice %arg6[%dma_start3A_192, %dma_start3A_206, %dma_start3A_207] : memref<2x2x128xi32, #tpu.memory_space<vmem>> -> memref<1x2x128xi32, #tpu.memory_space<vmem>>
        %dma_start3A_209 = tpu.memref_squeeze %dma_start3A_208 : memref<1x2x128xi32, #tpu.memory_space<vmem>> -> memref<2x128xi32, #tpu.memory_space<vmem>>
        %dma_start3A_210 = arith.constant 0 : i32
        %dma_start3A_211 = arith.constant 0 : i32
        %dma_start3A_212 = arith.constant 0 : i32
        %dma_start3A_213 = tpu.memref_slice %arg3[%add3A, %dma_start3A_210, %dma_start3A_211, %dma_start3A_212] : memref<32x80x2x128xi32, #tpu.memory_space<hbm>> -> memref<1x80x2x128xi32, #tpu.memory_space<hbm>>
        %dma_start3A_214 = tpu.memref_squeeze %dma_start3A_213 : memref<1x80x2x128xi32, #tpu.memory_space<hbm>> -> memref<80x2x128xi32, #tpu.memory_space<hbm>>
        %dma_start3A_215 = arith.constant 0 : i32
        %dma_start3A_216 = arith.constant 0 : i32
        %dma_start3A_217 = tpu.memref_slice %dma_start3A_214[%add3A_191, %dma_start3A_215, %dma_start3A_216] : memref<80x2x128xi32, #tpu.memory_space<hbm>> -> memref<1x2x128xi32, #tpu.memory_space<hbm>>
        %dma_start3A_218 = tpu.memref_squeeze %dma_start3A_217 : memref<1x2x128xi32, #tpu.memory_space<hbm>> -> memref<2x128xi32, #tpu.memory_space<hbm>>
        tpu.enqueue_dma source(%dma_start3A_218 : memref<2x128xi32, #tpu.memory_space<hbm>>) target(%dma_start3A_209 : memref<2x128xi32, #tpu.memory_space<vmem>>) target_semaphore(%arg9 : memref<!tpu.dma_semaphore, #tpu.memory_space<semaphore_mem>>)
      } else {
      }
    }
    %scan3A_105 = arith.constant 40 : i32
    %barrier3A_106 = arith.constant 0 : index
    tpu.barrier barrier_id(%barrier3A_106)
    %mul3A_107 = arith.constant 632 : i32
    %mul3A_108 = arith.muli %arg1, %mul3A_107 : i32
    %mul3A_109 = arith.constant 10240 : i32
    %mul3A_110 = arith.muli %arg0, %mul3A_109 : i32
    %mul3A_111 = arith.constant 632 : i32
    %mul3A_112 = arith.muli %arg1, %mul3A_111 : i32
    %add3A_113 = arith.addi %mul3A_110, %mul3A_112 : i32
    "tpu.region"() ({
      %run_scoped3A = tpu.sem_alloc : memref<!tpu.dma_semaphore, #tpu.memory_space<semaphore_mem>>
      %dma_start3A_114 = arith.constant 0 : i32
      %dma_start3A_115 = tpu.memref_slice %arg5[%add3A_113, %dma_start3A_114] : memref<20480x128xf32, #tpu.memory_space<hbm>> -> memref<632x128xf32, #tpu.memory_space<hbm>>
      %dma_start3A_116 = arith.constant 0 : i32
      %dma_start3A_117 = tpu.memref_slice %arg8[%mul3A_108, %dma_start3A_116] : memref<10112x128xf32, #tpu.memory_space<vmem_shared>> -> memref<632x128xf32, #tpu.memory_space<vmem_shared>>
      tpu.enqueue_dma source(%dma_start3A_117 : memref<632x128xf32, #tpu.memory_space<vmem_shared>>) target(%dma_start3A_115 : memref<632x128xf32, #tpu.memory_space<hbm>>) target_semaphore(%run_scoped3A : memref<!tpu.dma_semaphore, #tpu.memory_space<semaphore_mem>>)
      %dma_wait3A_118 = arith.constant 0 : i32
      %dma_wait3A_119 = tpu.memref_slice %arg5[%add3A_113, %dma_wait3A_118] : memref<20480x128xf32, #tpu.memory_space<hbm>> -> memref<632x128xf32, #tpu.memory_space<hbm>>
      %dma_wait3A_120 = arith.constant 0 : i32
      %dma_wait3A_121 = tpu.memref_slice %arg8[%mul3A_108, %dma_wait3A_120] : memref<10112x128xf32, #tpu.memory_space<vmem_shared>> -> memref<632x128xf32, #tpu.memory_space<vmem_shared>>
      tpu.wait_dma2 semaphore(%run_scoped3A : memref<!tpu.dma_semaphore, #tpu.memory_space<semaphore_mem>>) src(%dma_wait3A_121 : memref<632x128xf32, #tpu.memory_space<vmem_shared>>) dst(%dma_wait3A_119 : memref<632x128xf32, #tpu.memory_space<hbm>>)
      tpu.yield
    }) : () -> ()
    return
  }
}

module attributes {stable_mosaic.version = 14 : i64} {
  func.func @_embed_body(%arg0: i32, %arg1: memref<256x128xf32, #tpu.memory_space<vmem>>, %arg2: memref<128x128xf32, #tpu.memory_space<vmem>>, %arg3: memref<1x128xf32, #tpu.memory_space<vmem>>, %arg4: memref<256x128xf32, #tpu.memory_space<vmem>>, %arg5: memref<256x128xf32, #tpu.memory_space<vmem>>) attributes {dimension_semantics = [#tpu.dimension_semantics<arbitrary>], iteration_bounds = array<i64: 40>, scalar_prefetch = 0 : i64, scratch_operands = 0 : i64, tpu.core_type = #tpu.core_type<tc>, window_params = [{transform_indices = @transform_0, window_bounds = array<i64: 256, 128>}, {pipeline_mode = #tpu.pipeline_mode<synchronous>, transform_indices = @transform_1, window_bounds = array<i64: 128, 128>}, {pipeline_mode = #tpu.pipeline_mode<synchronous>, transform_indices = @transform_2, window_bounds = array<i64: 1, 128>}, {transform_indices = @transform_3, window_bounds = array<i64: 256, 128>}, {transform_indices = @transform_4, window_bounds = array<i64: 256, 128>}]} {
    %get3A = arith.constant 0 : index
    %get3A_0 = arith.constant 0 : index
    %get3A_1 = vector.load %arg1[%get3A, %get3A_0] : memref<256x128xf32, #tpu.memory_space<vmem>>, vector<256x128xf32>
    %get3A_2 = arith.constant 0 : index
    %get3A_3 = arith.constant 0 : index
    %get3A_4 = vector.load %arg2[%get3A_2, %get3A_3] : memref<128x128xf32, #tpu.memory_space<vmem>>, vector<128x128xf32>
    %dot_general3A = arith.constant dense<0.000000e+00> : vector<256x128xf32>
    %dot_general3A_5 = tpu.matmul %get3A_1, %get3A_4, %dot_general3A {dimension_numbers = #tpu.dot_dimension_numbers<[1], [0], [0], [1], [0, 0, 1, 1], [], []>, precision = #tpu.contract_precision<fp32>, transpose_lhs_hint = false} : vector<256x128xf32>, vector<128x128xf32>, vector<256x128xf32> -> vector<256x128xf32>
    %get3A_6 = arith.constant 0 : index
    %get3A_7 = arith.constant 0 : index
    %get3A_8 = vector.load %arg3[%get3A_6, %get3A_7] : memref<1x128xf32, #tpu.memory_space<vmem>>, vector<1x128xf32>
    %add3A = vector.broadcast %get3A_8 : vector<1x128xf32> to vector<256x128xf32>
    %add3A_9 = arith.addf %dot_general3A_5, %add3A : vector<256x128xf32>
    %max3A = arith.constant 0.000000e+00 : f32
    %max3A_10 = vector.broadcast %max3A : f32 to vector<256x128xf32>
    %max3A_11 = arith.maximumf %add3A_9, %max3A_10 : vector<256x128xf32>
    %swap3A = arith.constant 0 : index
    %swap3A_12 = arith.constant 0 : index
    %swap3A_13 = vector.load %arg4[%swap3A, %swap3A_12] : memref<256x128xf32, #tpu.memory_space<vmem>>, vector<256x128xf32>
    tpu.vector_store %arg4[%swap3A, %swap3A_12], %max3A_11 {strides = array<i32>} : memref<256x128xf32, #tpu.memory_space<vmem>>, vector<256x128xf32>,
    %bitcast_convert_type3A = tpu.bitcast %max3A_11 : vector<256x128xf32> -> vector<256x128xi32>
    %add3A_14 = arith.constant 32767 : i32
    %add3A_15 = vector.broadcast %add3A_14 : i32 to vector<256x128xi32>
    %add3A_16 = arith.addi %bitcast_convert_type3A, %add3A_15 : vector<256x128xi32>
    %shift_right_logical3A = arith.constant 16 : i32
    %shift_right_logical3A_17 = vector.broadcast %shift_right_logical3A : i32 to vector<256x128xi32>
    %shift_right_logical3A_18 = arith.shrui %bitcast_convert_type3A, %shift_right_logical3A_17 : vector<256x128xi32>
    %and3A = arith.constant 1 : i32
    %and3A_19 = vector.broadcast %and3A : i32 to vector<256x128xi32>
    %and3A_20 = arith.andi %shift_right_logical3A_18, %and3A_19 : vector<256x128xi32>
    %add3A_21 = arith.addi %add3A_16, %and3A_20 : vector<256x128xi32>
    %and3A_22 = arith.constant -65536 : i32
    %and3A_23 = vector.broadcast %and3A_22 : i32 to vector<256x128xi32>
    %and3A_24 = arith.andi %add3A_21, %and3A_23 : vector<256x128xi32>
    %bitcast_convert_type3A_25 = tpu.bitcast %and3A_24 : vector<256x128xi32> -> vector<256x128xf32>
    %swap3A_26 = arith.constant 0 : index
    %swap3A_27 = arith.constant 0 : index
    %swap3A_28 = vector.load %arg5[%swap3A_26, %swap3A_27] : memref<256x128xf32, #tpu.memory_space<vmem>>, vector<256x128xf32>
    tpu.vector_store %arg5[%swap3A_26, %swap3A_27], %bitcast_convert_type3A_25 {strides = array<i32>} : memref<256x128xf32, #tpu.memory_space<vmem>>, vector<256x128xf32>,
    return
  }
  func.func @transform_0(%arg0: i32) -> (i32, i32) {
    %c0_i32 = arith.constant 0 : i32
    %c0_i32_0 = arith.constant 0 : i32
    return %arg0, %c0_i32 : i32, i32
  }
  func.func @transform_1(%arg0: i32) -> (i32, i32) {
    %c0_i32 = arith.constant 0 : i32
    %c0_i32_0 = arith.constant 0 : i32
    %c0_i32_1 = arith.constant 0 : i32
    return %c0_i32, %c0_i32_0 : i32, i32
  }
  func.func @transform_2(%arg0: i32) -> (i32, i32) {
    %c0_i32 = arith.constant 0 : i32
    %c0_i32_0 = arith.constant 0 : i32
    %c0_i32_1 = arith.constant 0 : i32
    return %c0_i32, %c0_i32_0 : i32, i32
  }
  func.func @transform_3(%arg0: i32) -> (i32, i32) {
    %c0_i32 = arith.constant 0 : i32
    %c0_i32_0 = arith.constant 0 : i32
    return %arg0, %c0_i32 : i32, i32
  }
  func.func @transform_4(%arg0: i32) -> (i32, i32) {
    %c0_i32 = arith.constant 0 : i32
    %c0_i32_0 = arith.constant 0 : i32
    return %arg0, %c0_i32 : i32, i32
  }
}

module attributes {stable_mosaic.version = 14 : i64} {
  func.func @_layer_body(%arg0: i32, %arg1: memref<256x128xf32, #tpu.memory_space<vmem>>, %arg2: memref<256x128xf32, #tpu.memory_space<vmem>>, %arg3: memref<256x128xf32, #tpu.memory_space<vmem>>, %arg4: memref<256x128xf32, #tpu.memory_space<vmem>>, %arg5: memref<256x128xf32, #tpu.memory_space<vmem>>, %arg6: memref<128x128xf32, #tpu.memory_space<vmem>>, %arg7: memref<16x128xf32, #tpu.memory_space<vmem>>, %arg8: memref<1x128xf32, #tpu.memory_space<vmem>>, %arg9: memref<1x128xf32, #tpu.memory_space<vmem>>, %arg10: memref<256x128xf32, #tpu.memory_space<vmem>>, %arg11: memref<256x128xf32, #tpu.memory_space<vmem>>) attributes {dimension_semantics = [#tpu.dimension_semantics<arbitrary>], iteration_bounds = array<i64: 40>, scalar_prefetch = 0 : i64, scratch_operands = 0 : i64, tpu.core_type = #tpu.core_type<tc>, window_params = [{transform_indices = @transform_0, window_bounds = array<i64: 256, 128>}, {transform_indices = @transform_1, window_bounds = array<i64: 256, 128>}, {transform_indices = @transform_2, window_bounds = array<i64: 256, 128>}, {transform_indices = @transform_3, window_bounds = array<i64: 256, 128>}, {transform_indices = @transform_4, window_bounds = array<i64: 256, 128>}, {pipeline_mode = #tpu.pipeline_mode<synchronous>, transform_indices = @transform_5, window_bounds = array<i64: 128, 128>}, {pipeline_mode = #tpu.pipeline_mode<synchronous>, transform_indices = @transform_6, window_bounds = array<i64: 16, 128>}, {pipeline_mode = #tpu.pipeline_mode<synchronous>, transform_indices = @transform_7, window_bounds = array<i64: 1, 128>}, {pipeline_mode = #tpu.pipeline_mode<synchronous>, transform_indices = @transform_8, window_bounds = array<i64: 1, 128>}, {transform_indices = @transform_9, window_bounds = array<i64: 256, 128>}, {transform_indices = @transform_10, window_bounds = array<i64: 256, 128>}]} {
    %mul3A = arith.constant 256 : i32
    %mul3A_0 = arith.muli %arg0, %mul3A : i32
    %iota3A = tpu.iota {dimensions = array<i32: 0>} : vector<256x1xi32>
    %add3A = vector.broadcast %mul3A_0 : i32 to vector<256x1xi32>
    %add3A_1 = arith.addi %add3A, %iota3A : vector<256x1xi32>
    %lt3A = arith.constant 10112 : i32
    %lt3A_2 = vector.broadcast %lt3A : i32 to vector<256x1xi32>
    %lt3A_3 = arith.cmpi slt, %add3A_1, %lt3A_2 : vector<256x1xi32>
    %get3A = arith.constant 0 : index
    %get3A_4 = arith.constant 0 : index
    %get3A_5 = vector.load %arg1[%get3A, %get3A_4] : memref<256x128xf32, #tpu.memory_space<vmem>>, vector<256x128xf32>
    %get3A_6 = arith.constant 0 : index
    %get3A_7 = arith.constant 0 : index
    %get3A_8 = vector.load %arg2[%get3A_6, %get3A_7] : memref<256x128xf32, #tpu.memory_space<vmem>>, vector<256x128xf32>
    %add3A_9 = arith.addf %get3A_5, %get3A_8 : vector<256x128xf32>
    %jit3A = arith.constant 0.000000e+00 : f32
    %broadcast_in_dim3A = vector.shape_cast %lt3A_3 : vector<256x1xi1> to vector<256x1xi1>
    %broadcast_in_dim3A_10 = vector.broadcast %broadcast_in_dim3A : vector<256x1xi1> to vector<256x128xi1>
    %broadcast_in_dim3A_11 = vector.broadcast %jit3A : f32 to vector<256x128xf32>
    %select_n3A = arith.select %broadcast_in_dim3A_10, %add3A_9, %broadcast_in_dim3A_11 : vector<256x128xi1>, vector<256x128xf32>
    %get3A_12 = arith.constant 0 : index
    %get3A_13 = arith.constant 0 : index
    %get3A_14 = vector.load %arg3[%get3A_12, %get3A_13] : memref<256x128xf32, #tpu.memory_space<vmem>>, vector<256x128xf32>
    %get3A_15 = arith.constant 0 : index
    %get3A_16 = arith.constant 0 : index
    %get3A_17 = vector.load %arg4[%get3A_15, %get3A_16] : memref<256x128xf32, #tpu.memory_space<vmem>>, vector<256x128xf32>
    %add3A_18 = arith.addf %get3A_14, %get3A_17 : vector<256x128xf32>
    %jit3A_19 = arith.constant 0.000000e+00 : f32
    %broadcast_in_dim3A_20 = vector.shape_cast %lt3A_3 : vector<256x1xi1> to vector<256x1xi1>
    %broadcast_in_dim3A_21 = vector.broadcast %broadcast_in_dim3A_20 : vector<256x1xi1> to vector<256x128xi1>
    %broadcast_in_dim3A_22 = vector.broadcast %jit3A_19 : f32 to vector<256x128xf32>
    %select_n3A_23 = arith.select %broadcast_in_dim3A_21, %add3A_18, %broadcast_in_dim3A_22 : vector<256x128xi1>, vector<256x128xf32>
    %slice3A = vector.extract_strided_slice %select_n3A_23 {offsets = [0, 0], sizes = [256, 16], strides = [1, 1]} : vector<256x128xf32> to vector<256x16xf32>
    %slice3A_24 = vector.extract_strided_slice %select_n3A_23 {offsets = [0, 16], sizes = [256, 1], strides = [1, 1]} : vector<256x128xf32> to vector<256x1xf32>
    %max3A = arith.constant 1.000000e+00 : f32
    %max3A_25 = vector.broadcast %max3A : f32 to vector<256x1xf32>
    %max3A_26 = arith.maximumf %slice3A_24, %max3A_25 : vector<256x1xf32>
    %get3A_27 = arith.constant 0 : index
    %get3A_28 = arith.constant 0 : index
    %get3A_29 = vector.load %arg6[%get3A_27, %get3A_28] : memref<128x128xf32, #tpu.memory_space<vmem>>, vector<128x128xf32>
    %dot_general3A = arith.constant dense<0.000000e+00> : vector<256x128xf32>
    %dot_general3A_30 = tpu.matmul %select_n3A, %get3A_29, %dot_general3A {dimension_numbers = #tpu.dot_dimension_numbers<[1], [0], [0], [1], [0, 0, 1, 1], [], []>, precision = #tpu.contract_precision<fp32>, transpose_lhs_hint = false} : vector<256x128xf32>, vector<128x128xf32>, vector<256x128xf32> -> vector<256x128xf32>
    %get3A_31 = arith.constant 0 : index
    %get3A_32 = arith.constant 0 : index
    %get3A_33 = vector.load %arg7[%get3A_31, %get3A_32] : memref<16x128xf32, #tpu.memory_space<vmem>>, vector<16x128xf32>
    %dot_general3A_34 = arith.constant dense<0.000000e+00> : vector<256x128xf32>
    %dot_general3A_35 = tpu.matmul %slice3A, %get3A_33, %dot_general3A_34 {dimension_numbers = #tpu.dot_dimension_numbers<[1], [0], [0], [1], [0, 0, 1, 1], [], []>, precision = #tpu.contract_precision<fp32>, transpose_lhs_hint = false} : vector<256x16xf32>, vector<16x128xf32>, vector<256x128xf32> -> vector<256x128xf32>
    %add3A_36 = arith.addf %dot_general3A_30, %dot_general3A_35 : vector<256x128xf32>
    %get3A_37 = arith.constant 0 : index
    %get3A_38 = arith.constant 0 : index
    %get3A_39 = vector.load %arg8[%get3A_37, %get3A_38] : memref<1x128xf32, #tpu.memory_space<vmem>>, vector<1x128xf32>
    %div3A = vector.broadcast %get3A_39 : vector<1x128xf32> to vector<256x128xf32>
    %div3A_40 = vector.broadcast %max3A_26 : vector<256x1xf32> to vector<256x128xf32>
    %div3A_41 = arith.divf %div3A, %div3A_40 : vector<256x128xf32>
    %mul3A_42 = arith.mulf %add3A_36, %div3A_41 : vector<256x128xf32>
    %get3A_43 = arith.constant 0 : index
    %get3A_44 = arith.constant 0 : index
    %get3A_45 = vector.load %arg9[%get3A_43, %get3A_44] : memref<1x128xf32, #tpu.memory_space<vmem>>, vector<1x128xf32>
    %add3A_46 = vector.broadcast %get3A_45 : vector<1x128xf32> to vector<256x128xf32>
    %add3A_47 = arith.addf %mul3A_42, %add3A_46 : vector<256x128xf32>
    %get3A_48 = arith.constant 0 : index
    %get3A_49 = arith.constant 0 : index
    %get3A_50 = vector.load %arg5[%get3A_48, %get3A_49] : memref<256x128xf32, #tpu.memory_space<vmem>>, vector<256x128xf32>
    %max3A_51 = arith.constant 0.000000e+00 : f32
    %max3A_52 = vector.broadcast %max3A_51 : f32 to vector<256x128xf32>
    %max3A_53 = arith.maximumf %add3A_47, %max3A_52 : vector<256x128xf32>
    %add3A_54 = arith.addf %get3A_50, %max3A_53 : vector<256x128xf32>
    %swap3A = arith.constant 0 : index
    %swap3A_55 = arith.constant 0 : index
    %swap3A_56 = vector.load %arg10[%swap3A, %swap3A_55] : memref<256x128xf32, #tpu.memory_space<vmem>>, vector<256x128xf32>
    tpu.vector_store %arg10[%swap3A, %swap3A_55], %add3A_54 {strides = array<i32>} : memref<256x128xf32, #tpu.memory_space<vmem>>, vector<256x128xf32>,
    %bitcast_convert_type3A = tpu.bitcast %add3A_54 : vector<256x128xf32> -> vector<256x128xi32>
    %add3A_57 = arith.constant 32767 : i32
    %add3A_58 = vector.broadcast %add3A_57 : i32 to vector<256x128xi32>
    %add3A_59 = arith.addi %bitcast_convert_type3A, %add3A_58 : vector<256x128xi32>
    %shift_right_logical3A = arith.constant 16 : i32
    %shift_right_logical3A_60 = vector.broadcast %shift_right_logical3A : i32 to vector<256x128xi32>
    %shift_right_logical3A_61 = arith.shrui %bitcast_convert_type3A, %shift_right_logical3A_60 : vector<256x128xi32>
    %and3A = arith.constant 1 : i32
    %and3A_62 = vector.broadcast %and3A : i32 to vector<256x128xi32>
    %and3A_63 = arith.andi %shift_right_logical3A_61, %and3A_62 : vector<256x128xi32>
    %add3A_64 = arith.addi %add3A_59, %and3A_63 : vector<256x128xi32>
    %and3A_65 = arith.constant -65536 : i32
    %and3A_66 = vector.broadcast %and3A_65 : i32 to vector<256x128xi32>
    %and3A_67 = arith.andi %add3A_64, %and3A_66 : vector<256x128xi32>
    %bitcast_convert_type3A_68 = tpu.bitcast %and3A_67 : vector<256x128xi32> -> vector<256x128xf32>
    %swap3A_69 = arith.constant 0 : index
    %swap3A_70 = arith.constant 0 : index
    %swap3A_71 = vector.load %arg11[%swap3A_69, %swap3A_70] : memref<256x128xf32, #tpu.memory_space<vmem>>, vector<256x128xf32>
    tpu.vector_store %arg11[%swap3A_69, %swap3A_70], %bitcast_convert_type3A_68 {strides = array<i32>} : memref<256x128xf32, #tpu.memory_space<vmem>>, vector<256x128xf32>,
    return
  }
  func.func @transform_0(%arg0: i32) -> (i32, i32) {
    %c0_i32 = arith.constant 0 : i32
    %c0_i32_0 = arith.constant 0 : i32
    return %arg0, %c0_i32 : i32, i32
  }
  func.func @transform_1(%arg0: i32) -> (i32, i32) {
    %add3A = arith.constant 40 : i32
    %add3A_0 = arith.addi %arg0, %add3A : i32
    %c0_i32 = arith.constant 0 : i32
    %c0_i32_1 = arith.constant 0 : i32
    return %add3A_0, %c0_i32 : i32, i32
  }
  func.func @transform_2(%arg0: i32) -> (i32, i32) {
    %c0_i32 = arith.constant 0 : i32
    %c0_i32_0 = arith.constant 0 : i32
    return %arg0, %c0_i32 : i32, i32
  }
  func.func @transform_3(%arg0: i32) -> (i32, i32) {
    %add3A = arith.constant 40 : i32
    %add3A_0 = arith.addi %arg0, %add3A : i32
    %c0_i32 = arith.constant 0 : i32
    %c0_i32_1 = arith.constant 0 : i32
    return %add3A_0, %c0_i32 : i32, i32
  }
  func.func @transform_4(%arg0: i32) -> (i32, i32) {
    %c0_i32 = arith.constant 0 : i32
    %c0_i32_0 = arith.constant 0 : i32
    return %arg0, %c0_i32 : i32, i32
  }
  func.func @transform_5(%arg0: i32) -> (i32, i32) {
    %c0_i32 = arith.constant 0 : i32
    %c0_i32_0 = arith.constant 0 : i32
    %c0_i32_1 = arith.constant 0 : i32
    return %c0_i32, %c0_i32_0 : i32, i32
  }
  func.func @transform_6(%arg0: i32) -> (i32, i32) {
    %c0_i32 = arith.constant 0 : i32
    %c0_i32_0 = arith.constant 0 : i32
    %c0_i32_1 = arith.constant 0 : i32
    return %c0_i32, %c0_i32_0 : i32, i32
  }
  func.func @transform_7(%arg0: i32) -> (i32, i32) {
    %c0_i32 = arith.constant 0 : i32
    %c0_i32_0 = arith.constant 0 : i32
    %c0_i32_1 = arith.constant 0 : i32
    return %c0_i32, %c0_i32_0 : i32, i32
  }
  func.func @transform_8(%arg0: i32) -> (i32, i32) {
    %c0_i32 = arith.constant 0 : i32
    %c0_i32_0 = arith.constant 0 : i32
    %c0_i32_1 = arith.constant 0 : i32
    return %c0_i32, %c0_i32_0 : i32, i32
  }
  func.func @transform_9(%arg0: i32) -> (i32, i32) {
    %c0_i32 = arith.constant 0 : i32
    %c0_i32_0 = arith.constant 0 : i32
    return %arg0, %c0_i32 : i32, i32
  }
  func.func @transform_10(%arg0: i32) -> (i32, i32) {
    %c0_i32 = arith.constant 0 : i32
    %c0_i32_0 = arith.constant 0 : i32
    return %arg0, %c0_i32 : i32, i32
  }
}

module attributes {stable_mosaic.version = 14 : i64} {
  func.func @_layer_body(%arg0: i32, %arg1: memref<256x128xf32, #tpu.memory_space<vmem>>, %arg2: memref<256x128xf32, #tpu.memory_space<vmem>>, %arg3: memref<256x128xf32, #tpu.memory_space<vmem>>, %arg4: memref<256x128xf32, #tpu.memory_space<vmem>>, %arg5: memref<256x128xf32, #tpu.memory_space<vmem>>, %arg6: memref<128x128xf32, #tpu.memory_space<vmem>>, %arg7: memref<16x128xf32, #tpu.memory_space<vmem>>, %arg8: memref<1x128xf32, #tpu.memory_space<vmem>>, %arg9: memref<1x128xf32, #tpu.memory_space<vmem>>, %arg10: memref<256x128xf32, #tpu.memory_space<vmem>>, %arg11: memref<256x128xf32, #tpu.memory_space<vmem>>) attributes {dimension_semantics = [#tpu.dimension_semantics<arbitrary>], iteration_bounds = array<i64: 40>, scalar_prefetch = 0 : i64, scratch_operands = 0 : i64, tpu.core_type = #tpu.core_type<tc>, window_params = [{transform_indices = @transform_0, window_bounds = array<i64: 256, 128>}, {transform_indices = @transform_1, window_bounds = array<i64: 256, 128>}, {transform_indices = @transform_2, window_bounds = array<i64: 256, 128>}, {transform_indices = @transform_3, window_bounds = array<i64: 256, 128>}, {transform_indices = @transform_4, window_bounds = array<i64: 256, 128>}, {pipeline_mode = #tpu.pipeline_mode<synchronous>, transform_indices = @transform_5, window_bounds = array<i64: 128, 128>}, {pipeline_mode = #tpu.pipeline_mode<synchronous>, transform_indices = @transform_6, window_bounds = array<i64: 16, 128>}, {pipeline_mode = #tpu.pipeline_mode<synchronous>, transform_indices = @transform_7, window_bounds = array<i64: 1, 128>}, {pipeline_mode = #tpu.pipeline_mode<synchronous>, transform_indices = @transform_8, window_bounds = array<i64: 1, 128>}, {transform_indices = @transform_9, window_bounds = array<i64: 256, 128>}, {transform_indices = @transform_10, window_bounds = array<i64: 256, 128>}]} {
    %mul3A = arith.constant 256 : i32
    %mul3A_0 = arith.muli %arg0, %mul3A : i32
    %iota3A = tpu.iota {dimensions = array<i32: 0>} : vector<256x1xi32>
    %add3A = vector.broadcast %mul3A_0 : i32 to vector<256x1xi32>
    %add3A_1 = arith.addi %add3A, %iota3A : vector<256x1xi32>
    %lt3A = arith.constant 10112 : i32
    %lt3A_2 = vector.broadcast %lt3A : i32 to vector<256x1xi32>
    %lt3A_3 = arith.cmpi slt, %add3A_1, %lt3A_2 : vector<256x1xi32>
    %get3A = arith.constant 0 : index
    %get3A_4 = arith.constant 0 : index
    %get3A_5 = vector.load %arg1[%get3A, %get3A_4] : memref<256x128xf32, #tpu.memory_space<vmem>>, vector<256x128xf32>
    %get3A_6 = arith.constant 0 : index
    %get3A_7 = arith.constant 0 : index
    %get3A_8 = vector.load %arg2[%get3A_6, %get3A_7] : memref<256x128xf32, #tpu.memory_space<vmem>>, vector<256x128xf32>
    %add3A_9 = arith.addf %get3A_5, %get3A_8 : vector<256x128xf32>
    %jit3A = arith.constant 0.000000e+00 : f32
    %broadcast_in_dim3A = vector.shape_cast %lt3A_3 : vector<256x1xi1> to vector<256x1xi1>
    %broadcast_in_dim3A_10 = vector.broadcast %broadcast_in_dim3A : vector<256x1xi1> to vector<256x128xi1>
    %broadcast_in_dim3A_11 = vector.broadcast %jit3A : f32 to vector<256x128xf32>
    %select_n3A = arith.select %broadcast_in_dim3A_10, %add3A_9, %broadcast_in_dim3A_11 : vector<256x128xi1>, vector<256x128xf32>
    %get3A_12 = arith.constant 0 : index
    %get3A_13 = arith.constant 0 : index
    %get3A_14 = vector.load %arg3[%get3A_12, %get3A_13] : memref<256x128xf32, #tpu.memory_space<vmem>>, vector<256x128xf32>
    %get3A_15 = arith.constant 0 : index
    %get3A_16 = arith.constant 0 : index
    %get3A_17 = vector.load %arg4[%get3A_15, %get3A_16] : memref<256x128xf32, #tpu.memory_space<vmem>>, vector<256x128xf32>
    %add3A_18 = arith.addf %get3A_14, %get3A_17 : vector<256x128xf32>
    %jit3A_19 = arith.constant 0.000000e+00 : f32
    %broadcast_in_dim3A_20 = vector.shape_cast %lt3A_3 : vector<256x1xi1> to vector<256x1xi1>
    %broadcast_in_dim3A_21 = vector.broadcast %broadcast_in_dim3A_20 : vector<256x1xi1> to vector<256x128xi1>
    %broadcast_in_dim3A_22 = vector.broadcast %jit3A_19 : f32 to vector<256x128xf32>
    %select_n3A_23 = arith.select %broadcast_in_dim3A_21, %add3A_18, %broadcast_in_dim3A_22 : vector<256x128xi1>, vector<256x128xf32>
    %slice3A = vector.extract_strided_slice %select_n3A_23 {offsets = [0, 0], sizes = [256, 16], strides = [1, 1]} : vector<256x128xf32> to vector<256x16xf32>
    %slice3A_24 = vector.extract_strided_slice %select_n3A_23 {offsets = [0, 16], sizes = [256, 1], strides = [1, 1]} : vector<256x128xf32> to vector<256x1xf32>
    %max3A = arith.constant 1.000000e+00 : f32
    %max3A_25 = vector.broadcast %max3A : f32 to vector<256x1xf32>
    %max3A_26 = arith.maximumf %slice3A_24, %max3A_25 : vector<256x1xf32>
    %get3A_27 = arith.constant 0 : index
    %get3A_28 = arith.constant 0 : index
    %get3A_29 = vector.load %arg6[%get3A_27, %get3A_28] : memref<128x128xf32, #tpu.memory_space<vmem>>, vector<128x128xf32>
    %dot_general3A = arith.constant dense<0.000000e+00> : vector<256x128xf32>
    %dot_general3A_30 = tpu.matmul %select_n3A, %get3A_29, %dot_general3A {dimension_numbers = #tpu.dot_dimension_numbers<[1], [0], [0], [1], [0, 0, 1, 1], [], []>, precision = #tpu.contract_precision<fp32>, transpose_lhs_hint = false} : vector<256x128xf32>, vector<128x128xf32>, vector<256x128xf32> -> vector<256x128xf32>
    %get3A_31 = arith.constant 0 : index
    %get3A_32 = arith.constant 0 : index
    %get3A_33 = vector.load %arg7[%get3A_31, %get3A_32] : memref<16x128xf32, #tpu.memory_space<vmem>>, vector<16x128xf32>
    %dot_general3A_34 = arith.constant dense<0.000000e+00> : vector<256x128xf32>
    %dot_general3A_35 = tpu.matmul %slice3A, %get3A_33, %dot_general3A_34 {dimension_numbers = #tpu.dot_dimension_numbers<[1], [0], [0], [1], [0, 0, 1, 1], [], []>, precision = #tpu.contract_precision<fp32>, transpose_lhs_hint = false} : vector<256x16xf32>, vector<16x128xf32>, vector<256x128xf32> -> vector<256x128xf32>
    %add3A_36 = arith.addf %dot_general3A_30, %dot_general3A_35 : vector<256x128xf32>
    %get3A_37 = arith.constant 0 : index
    %get3A_38 = arith.constant 0 : index
    %get3A_39 = vector.load %arg8[%get3A_37, %get3A_38] : memref<1x128xf32, #tpu.memory_space<vmem>>, vector<1x128xf32>
    %div3A = vector.broadcast %get3A_39 : vector<1x128xf32> to vector<256x128xf32>
    %div3A_40 = vector.broadcast %max3A_26 : vector<256x1xf32> to vector<256x128xf32>
    %div3A_41 = arith.divf %div3A, %div3A_40 : vector<256x128xf32>
    %mul3A_42 = arith.mulf %add3A_36, %div3A_41 : vector<256x128xf32>
    %get3A_43 = arith.constant 0 : index
    %get3A_44 = arith.constant 0 : index
    %get3A_45 = vector.load %arg9[%get3A_43, %get3A_44] : memref<1x128xf32, #tpu.memory_space<vmem>>, vector<1x128xf32>
    %add3A_46 = vector.broadcast %get3A_45 : vector<1x128xf32> to vector<256x128xf32>
    %add3A_47 = arith.addf %mul3A_42, %add3A_46 : vector<256x128xf32>
    %get3A_48 = arith.constant 0 : index
    %get3A_49 = arith.constant 0 : index
    %get3A_50 = vector.load %arg5[%get3A_48, %get3A_49] : memref<256x128xf32, #tpu.memory_space<vmem>>, vector<256x128xf32>
    %max3A_51 = arith.constant 0.000000e+00 : f32
    %max3A_52 = vector.broadcast %max3A_51 : f32 to vector<256x128xf32>
    %max3A_53 = arith.maximumf %add3A_47, %max3A_52 : vector<256x128xf32>
    %add3A_54 = arith.addf %get3A_50, %max3A_53 : vector<256x128xf32>
    %swap3A = arith.constant 0 : index
    %swap3A_55 = arith.constant 0 : index
    %swap3A_56 = vector.load %arg10[%swap3A, %swap3A_55] : memref<256x128xf32, #tpu.memory_space<vmem>>, vector<256x128xf32>
    tpu.vector_store %arg10[%swap3A, %swap3A_55], %add3A_54 {strides = array<i32>} : memref<256x128xf32, #tpu.memory_space<vmem>>, vector<256x128xf32>,
    %bitcast_convert_type3A = tpu.bitcast %add3A_54 : vector<256x128xf32> -> vector<256x128xi32>
    %add3A_57 = arith.constant 32767 : i32
    %add3A_58 = vector.broadcast %add3A_57 : i32 to vector<256x128xi32>
    %add3A_59 = arith.addi %bitcast_convert_type3A, %add3A_58 : vector<256x128xi32>
    %shift_right_logical3A = arith.constant 16 : i32
    %shift_right_logical3A_60 = vector.broadcast %shift_right_logical3A : i32 to vector<256x128xi32>
    %shift_right_logical3A_61 = arith.shrui %bitcast_convert_type3A, %shift_right_logical3A_60 : vector<256x128xi32>
    %and3A = arith.constant 1 : i32
    %and3A_62 = vector.broadcast %and3A : i32 to vector<256x128xi32>
    %and3A_63 = arith.andi %shift_right_logical3A_61, %and3A_62 : vector<256x128xi32>
    %add3A_64 = arith.addi %add3A_59, %and3A_63 : vector<256x128xi32>
    %and3A_65 = arith.constant -65536 : i32
    %and3A_66 = vector.broadcast %and3A_65 : i32 to vector<256x128xi32>
    %and3A_67 = arith.andi %add3A_64, %and3A_66 : vector<256x128xi32>
    %bitcast_convert_type3A_68 = tpu.bitcast %and3A_67 : vector<256x128xi32> -> vector<256x128xf32>
    %swap3A_69 = arith.constant 0 : index
    %swap3A_70 = arith.constant 0 : index
    %swap3A_71 = vector.load %arg11[%swap3A_69, %swap3A_70] : memref<256x128xf32, #tpu.memory_space<vmem>>, vector<256x128xf32>
    tpu.vector_store %arg11[%swap3A_69, %swap3A_70], %bitcast_convert_type3A_68 {strides = array<i32>} : memref<256x128xf32, #tpu.memory_space<vmem>>, vector<256x128xf32>,
    return
  }
  func.func @transform_0(%arg0: i32) -> (i32, i32) {
    %c0_i32 = arith.constant 0 : i32
    %c0_i32_0 = arith.constant 0 : i32
    return %arg0, %c0_i32 : i32, i32
  }
  func.func @transform_1(%arg0: i32) -> (i32, i32) {
    %add3A = arith.constant 40 : i32
    %add3A_0 = arith.addi %arg0, %add3A : i32
    %c0_i32 = arith.constant 0 : i32
    %c0_i32_1 = arith.constant 0 : i32
    return %add3A_0, %c0_i32 : i32, i32
  }
  func.func @transform_2(%arg0: i32) -> (i32, i32) {
    %c0_i32 = arith.constant 0 : i32
    %c0_i32_0 = arith.constant 0 : i32
    return %arg0, %c0_i32 : i32, i32
  }
  func.func @transform_3(%arg0: i32) -> (i32, i32) {
    %add3A = arith.constant 40 : i32
    %add3A_0 = arith.addi %arg0, %add3A : i32
    %c0_i32 = arith.constant 0 : i32
    %c0_i32_1 = arith.constant 0 : i32
    return %add3A_0, %c0_i32 : i32, i32
  }
  func.func @transform_4(%arg0: i32) -> (i32, i32) {
    %c0_i32 = arith.constant 0 : i32
    %c0_i32_0 = arith.constant 0 : i32
    return %arg0, %c0_i32 : i32, i32
  }
  func.func @transform_5(%arg0: i32) -> (i32, i32) {
    %c0_i32 = arith.constant 0 : i32
    %c0_i32_0 = arith.constant 0 : i32
    %c0_i32_1 = arith.constant 0 : i32
    return %c0_i32, %c0_i32_0 : i32, i32
  }
  func.func @transform_6(%arg0: i32) -> (i32, i32) {
    %c0_i32 = arith.constant 0 : i32
    %c0_i32_0 = arith.constant 0 : i32
    %c0_i32_1 = arith.constant 0 : i32
    return %c0_i32, %c0_i32_0 : i32, i32
  }
  func.func @transform_7(%arg0: i32) -> (i32, i32) {
    %c0_i32 = arith.constant 0 : i32
    %c0_i32_0 = arith.constant 0 : i32
    %c0_i32_1 = arith.constant 0 : i32
    return %c0_i32, %c0_i32_0 : i32, i32
  }
  func.func @transform_8(%arg0: i32) -> (i32, i32) {
    %c0_i32 = arith.constant 0 : i32
    %c0_i32_0 = arith.constant 0 : i32
    %c0_i32_1 = arith.constant 0 : i32
    return %c0_i32, %c0_i32_0 : i32, i32
  }
  func.func @transform_9(%arg0: i32) -> (i32, i32) {
    %c0_i32 = arith.constant 0 : i32
    %c0_i32_0 = arith.constant 0 : i32
    return %arg0, %c0_i32 : i32, i32
  }
  func.func @transform_10(%arg0: i32) -> (i32, i32) {
    %c0_i32 = arith.constant 0 : i32
    %c0_i32_0 = arith.constant 0 : i32
    return %arg0, %c0_i32 : i32, i32
  }
}

module attributes {stable_mosaic.version = 14 : i64} {
  func.func @_pool_body(%arg0: i32, %arg1: memref<256x128xf32, #tpu.memory_space<vmem>>, %arg2: memref<1x1x256xi32, #tpu.memory_space<vmem>>, %arg3: memref<128x128xf32, #tpu.memory_space<vmem>>, %arg4: memref<1x128xf32, #tpu.memory_space<vmem>>, %arg5: memref<128x1xf32, #tpu.memory_space<vmem>>, %arg6: memref<1x1xf32, #tpu.memory_space<vmem>>, %arg7: memref<64x1xf32, #tpu.memory_space<vmem>>, %arg8: memref<64x128xf32, #tpu.memory_space<vmem>>, %arg9: memref<64x128xf32, #tpu.memory_space<vmem>>) attributes {dimension_semantics = [#tpu.dimension_semantics<arbitrary>], iteration_bounds = array<i64: 40>, scalar_prefetch = 0 : i64, scratch_operands = 2 : i64, tpu.core_type = #tpu.core_type<tc>, window_params = [{transform_indices = @transform_0, window_bounds = array<i64: 256, 128>}, {transform_indices = @transform_1, window_bounds = array<i64: 1, 1, 256>}, {pipeline_mode = #tpu.pipeline_mode<synchronous>, transform_indices = @transform_2, window_bounds = array<i64: 128, 128>}, {pipeline_mode = #tpu.pipeline_mode<synchronous>, transform_indices = @transform_3, window_bounds = array<i64: 1, 128>}, {pipeline_mode = #tpu.pipeline_mode<synchronous>, transform_indices = @transform_4, window_bounds = array<i64: 128, 1>}, {pipeline_mode = #tpu.pipeline_mode<synchronous>, transform_indices = @transform_5, window_bounds = array<i64: 1, 1>}, {pipeline_mode = #tpu.pipeline_mode<synchronous>, transform_indices = @transform_6, window_bounds = array<i64: 64, 1>}]} {
    %eq3A = arith.constant 0 : i32
    %eq3A_0 = arith.cmpi eq, %arg0, %eq3A : i32
    %convert_element_type3A = arith.extui %eq3A_0 : i1 to i32
    %cond3A = arith.constant 0 : i32
    %cond3A_1 = arith.cmpi ne, %convert_element_type3A, %cond3A : i32
    scf.if %cond3A_1 {
      %broadcast_in_dim3A_34 = arith.constant 0.000000e+00 : f32
      %broadcast_in_dim3A_35 = vector.broadcast %broadcast_in_dim3A_34 : f32 to vector<64x128xf32>
      %swap3A_36 = arith.constant 0 : index
      %swap3A_37 = arith.constant 0 : index
      %swap3A_38 = vector.load %arg8[%swap3A_36, %swap3A_37] : memref<64x128xf32, #tpu.memory_space<vmem>>, vector<64x128xf32>
      tpu.vector_store %arg8[%swap3A_36, %swap3A_37], %broadcast_in_dim3A_35 {strides = array<i32>} : memref<64x128xf32, #tpu.memory_space<vmem>>, vector<64x128xf32>,
      %broadcast_in_dim3A_39 = arith.constant 0.000000e+00 : f32
      %broadcast_in_dim3A_40 = vector.broadcast %broadcast_in_dim3A_39 : f32 to vector<64x128xf32>
      %swap3A_41 = arith.constant 0 : index
      %swap3A_42 = arith.constant 0 : index
      %swap3A_43 = vector.load %arg9[%swap3A_41, %swap3A_42] : memref<64x128xf32, #tpu.memory_space<vmem>>, vector<64x128xf32>
      tpu.vector_store %arg9[%swap3A_41, %swap3A_42], %broadcast_in_dim3A_40 {strides = array<i32>} : memref<64x128xf32, #tpu.memory_space<vmem>>, vector<64x128xf32>,
    } else {
    }
    %iota3A = tpu.iota {dimensions = array<i32: 0>} : vector<64x256xi32>
    %get3A = arith.constant 0 : index
    %get3A_2 = arith.constant 0 : index
    %get3A_3 = arith.constant 0 : index
    %get3A_4 = vector.load %arg2[%get3A, %get3A_2, %get3A_3] : memref<1x1x256xi32, #tpu.memory_space<vmem>>, vector<1x1x256xi32>
    %get3A_5 = vector.shape_cast %get3A_4 : vector<1x1x256xi32> to vector<1x256xi32>
    %eq3A_6 = vector.broadcast %get3A_5 : vector<1x256xi32> to vector<64x256xi32>
    %eq3A_7 = arith.cmpi eq, %iota3A, %eq3A_6 : vector<64x256xi32>
    %convert_element_type3A_8 = arith.extui %eq3A_7 : vector<64x256xi1> to vector<64x256xi32>
    %convert_element_type3A_9 = arith.sitofp %convert_element_type3A_8 : vector<64x256xi32> to vector<64x256xf32>
    %get3A_10 = arith.constant 0 : index
    %get3A_11 = arith.constant 0 : index
    %get3A_12 = vector.load %arg8[%get3A_10, %get3A_11] : memref<64x128xf32, #tpu.memory_space<vmem>>, vector<64x128xf32>
    %get3A_13 = arith.constant 0 : index
    %get3A_14 = arith.constant 0 : index
    %get3A_15 = vector.load %arg1[%get3A_13, %get3A_14] : memref<256x128xf32, #tpu.memory_space<vmem>>, vector<256x128xf32>
    %dot_general3A = arith.constant dense<0.000000e+00> : vector<64x128xf32>
    %dot_general3A_16 = tpu.matmul %convert_element_type3A_9, %get3A_15, %dot_general3A {dimension_numbers = #tpu.dot_dimension_numbers<[1], [0], [0], [1], [0, 0, 1, 1], [], []>, precision = #tpu.contract_precision<fp32>, transpose_lhs_hint = false} : vector<64x256xf32>, vector<256x128xf32>, vector<64x128xf32> -> vector<64x128xf32>
    %add3A = arith.addf %get3A_12, %dot_general3A_16 : vector<64x128xf32>
    %swap3A = arith.constant 0 : index
    %swap3A_17 = arith.constant 0 : index
    %swap3A_18 = vector.load %arg8[%swap3A, %swap3A_17] : memref<64x128xf32, #tpu.memory_space<vmem>>, vector<64x128xf32>
    tpu.vector_store %arg8[%swap3A, %swap3A_17], %add3A {strides = array<i32>} : memref<64x128xf32, #tpu.memory_space<vmem>>, vector<64x128xf32>,
    %get3A_19 = arith.constant 0 : index
    %get3A_20 = arith.constant 0 : index
    %get3A_21 = vector.load %arg9[%get3A_19, %get3A_20] : memref<64x128xf32, #tpu.memory_space<vmem>>, vector<64x128xf32>
    %broadcast_in_dim3A = arith.constant 1.000000e+00 : f32
    %broadcast_in_dim3A_22 = vector.broadcast %broadcast_in_dim3A : f32 to vector<256x128xf32>
    %dot_general3A_23 = arith.constant dense<0.000000e+00> : vector<64x128xf32>
    %dot_general3A_24 = tpu.matmul %convert_element_type3A_9, %broadcast_in_dim3A_22, %dot_general3A_23 {dimension_numbers = #tpu.dot_dimension_numbers<[1], [0], [0], [1], [0, 0, 1, 1], [], []>, precision = #tpu.contract_precision<fp32>, transpose_lhs_hint = false} : vector<64x256xf32>, vector<256x128xf32>, vector<64x128xf32> -> vector<64x128xf32>
    %add3A_25 = arith.addf %get3A_21, %dot_general3A_24 : vector<64x128xf32>
    %swap3A_26 = arith.constant 0 : index
    %swap3A_27 = arith.constant 0 : index
    %swap3A_28 = vector.load %arg9[%swap3A_26, %swap3A_27] : memref<64x128xf32, #tpu.memory_space<vmem>>, vector<64x128xf32>
    tpu.vector_store %arg9[%swap3A_26, %swap3A_27], %add3A_25 {strides = array<i32>} : memref<64x128xf32, #tpu.memory_space<vmem>>, vector<64x128xf32>,
    %eq3A_29 = arith.constant 39 : i32
    %eq3A_30 = arith.cmpi eq, %arg0, %eq3A_29 : i32
    %convert_element_type3A_31 = arith.extui %eq3A_30 : i1 to i32
    %cond3A_32 = arith.constant 0 : i32
    %cond3A_33 = arith.cmpi ne, %convert_element_type3A_31, %cond3A_32 : i32
    scf.if %cond3A_33 {
      %get3A_34 = arith.constant 0 : index
      %get3A_35 = arith.constant 0 : index
      %get3A_36 = vector.load %arg8[%get3A_34, %get3A_35] : memref<64x128xf32, #tpu.memory_space<vmem>>, vector<64x128xf32>
      %get3A_37 = arith.constant 0 : index
      %get3A_38 = arith.constant 0 : index
      %get3A_39 = vector.load %arg9[%get3A_37, %get3A_38] : memref<64x128xf32, #tpu.memory_space<vmem>>, vector<64x128xf32>
      %div3A = arith.divf %get3A_36, %get3A_39 : vector<64x128xf32>
      %bitcast_convert_type3A = tpu.bitcast %div3A : vector<64x128xf32> -> vector<64x128xi32>
      %add3A_40 = arith.constant 32767 : i32
      %add3A_41 = vector.broadcast %add3A_40 : i32 to vector<64x128xi32>
      %add3A_42 = arith.addi %bitcast_convert_type3A, %add3A_41 : vector<64x128xi32>
      %shift_right_logical3A = arith.constant 16 : i32
      %shift_right_logical3A_43 = vector.broadcast %shift_right_logical3A : i32 to vector<64x128xi32>
      %shift_right_logical3A_44 = arith.shrui %bitcast_convert_type3A, %shift_right_logical3A_43 : vector<64x128xi32>
      %and3A = arith.constant 1 : i32
      %and3A_45 = vector.broadcast %and3A : i32 to vector<64x128xi32>
      %and3A_46 = arith.andi %shift_right_logical3A_44, %and3A_45 : vector<64x128xi32>
      %add3A_47 = arith.addi %add3A_42, %and3A_46 : vector<64x128xi32>
      %and3A_48 = arith.constant -65536 : i32
      %and3A_49 = vector.broadcast %and3A_48 : i32 to vector<64x128xi32>
      %and3A_50 = arith.andi %add3A_47, %and3A_49 : vector<64x128xi32>
      %bitcast_convert_type3A_51 = tpu.bitcast %and3A_50 : vector<64x128xi32> -> vector<64x128xf32>
      %get3A_52 = arith.constant 0 : index
      %get3A_53 = arith.constant 0 : index
      %get3A_54 = vector.load %arg3[%get3A_52, %get3A_53] : memref<128x128xf32, #tpu.memory_space<vmem>>, vector<128x128xf32>
      %dot_general3A_55 = arith.constant dense<0.000000e+00> : vector<64x128xf32>
      %dot_general3A_56 = tpu.matmul %bitcast_convert_type3A_51, %get3A_54, %dot_general3A_55 {dimension_numbers = #tpu.dot_dimension_numbers<[1], [0], [0], [1], [0, 0, 1, 1], [], []>, precision = #tpu.contract_precision<fp32>, transpose_lhs_hint = false} : vector<64x128xf32>, vector<128x128xf32>, vector<64x128xf32> -> vector<64x128xf32>
      %get3A_57 = arith.constant 0 : index
      %get3A_58 = arith.constant 0 : index
      %get3A_59 = vector.load %arg4[%get3A_57, %get3A_58] : memref<1x128xf32, #tpu.memory_space<vmem>>, vector<1x128xf32>
      %add3A_60 = vector.broadcast %get3A_59 : vector<1x128xf32> to vector<64x128xf32>
      %add3A_61 = arith.addf %dot_general3A_56, %add3A_60 : vector<64x128xf32>
      %max3A = arith.constant 0.000000e+00 : f32
      %max3A_62 = vector.broadcast %max3A : f32 to vector<64x128xf32>
      %max3A_63 = arith.maximumf %add3A_61, %max3A_62 : vector<64x128xf32>
      %bitcast_convert_type3A_64 = tpu.bitcast %max3A_63 : vector<64x128xf32> -> vector<64x128xi32>
      %add3A_65 = arith.constant 32767 : i32
      %add3A_66 = vector.broadcast %add3A_65 : i32 to vector<64x128xi32>
      %add3A_67 = arith.addi %bitcast_convert_type3A_64, %add3A_66 : vector<64x128xi32>
      %shift_right_logical3A_68 = arith.constant 16 : i32
      %shift_right_logical3A_69 = vector.broadcast %shift_right_logical3A_68 : i32 to vector<64x128xi32>
      %shift_right_logical3A_70 = arith.shrui %bitcast_convert_type3A_64, %shift_right_logical3A_69 : vector<64x128xi32>
      %and3A_71 = arith.constant 1 : i32
      %and3A_72 = vector.broadcast %and3A_71 : i32 to vector<64x128xi32>
      %and3A_73 = arith.andi %shift_right_logical3A_70, %and3A_72 : vector<64x128xi32>
      %add3A_74 = arith.addi %add3A_67, %and3A_73 : vector<64x128xi32>
      %and3A_75 = arith.constant -65536 : i32
      %and3A_76 = vector.broadcast %and3A_75 : i32 to vector<64x128xi32>
      %and3A_77 = arith.andi %add3A_74, %and3A_76 : vector<64x128xi32>
      %bitcast_convert_type3A_78 = tpu.bitcast %and3A_77 : vector<64x128xi32> -> vector<64x128xf32>
      %get3A_79 = arith.constant 0 : index
      %get3A_80 = arith.constant 0 : index
      %get3A_81 = vector.load %arg5[%get3A_79, %get3A_80] : memref<128x1xf32, #tpu.memory_space<vmem>>, vector<128x1xf32>
      %dot_general3A_82 = arith.constant dense<0.000000e+00> : vector<64x1xf32>
      %dot_general3A_83 = tpu.matmul %bitcast_convert_type3A_78, %get3A_81, %dot_general3A_82 {dimension_numbers = #tpu.dot_dimension_numbers<[1], [0], [0], [1], [0, 0, 1, 1], [], []>, precision = #tpu.contract_precision<fp32>, transpose_lhs_hint = false} : vector<64x128xf32>, vector<128x1xf32>, vector<64x1xf32> -> vector<64x1xf32>
      %get3A_84 = arith.constant 0 : index
      %get3A_85 = arith.constant 0 : index
      %get3A_86 = vector.load %arg6[%get3A_84, %get3A_85] : memref<1x1xf32, #tpu.memory_space<vmem>>, vector<1x1xf32>
      %add3A_87 = vector.broadcast %get3A_86 : vector<1x1xf32> to vector<64x1xf32>
      %add3A_88 = arith.addf %dot_general3A_83, %add3A_87 : vector<64x1xf32>
      %swap3A_89 = arith.constant 0 : index
      %swap3A_90 = arith.constant 0 : index
      %swap3A_91 = vector.load %arg7[%swap3A_89, %swap3A_90] : memref<64x1xf32, #tpu.memory_space<vmem>>, vector<64x1xf32>
      tpu.vector_store %arg7[%swap3A_89, %swap3A_90], %add3A_88 {strides = array<i32>} : memref<64x1xf32, #tpu.memory_space<vmem>>, vector<64x1xf32>,
    } else {
    }
    return
  }
  func.func @transform_0(%arg0: i32) -> (i32, i32) {
    %c0_i32 = arith.constant 0 : i32
    %c0_i32_0 = arith.constant 0 : i32
    return %arg0, %c0_i32 : i32, i32
  }
  func.func @transform_1(%arg0: i32) -> (i32, i32, i32) {
    %c0_i32 = arith.constant 0 : i32
    %c0_i32_0 = arith.constant 0 : i32
    %c0_i32_1 = arith.constant 0 : i32
    return %arg0, %c0_i32, %c0_i32_0 : i32, i32, i32
  }
  func.func @transform_2(%arg0: i32) -> (i32, i32) {
    %c0_i32 = arith.constant 0 : i32
    %c0_i32_0 = arith.constant 0 : i32
    %c0_i32_1 = arith.constant 0 : i32
    return %c0_i32, %c0_i32_0 : i32, i32
  }
  func.func @transform_3(%arg0: i32) -> (i32, i32) {
    %c0_i32 = arith.constant 0 : i32
    %c0_i32_0 = arith.constant 0 : i32
    %c0_i32_1 = arith.constant 0 : i32
    return %c0_i32, %c0_i32_0 : i32, i32
  }
  func.func @transform_4(%arg0: i32) -> (i32, i32) {
    %c0_i32 = arith.constant 0 : i32
    %c0_i32_0 = arith.constant 0 : i32
    %c0_i32_1 = arith.constant 0 : i32
    return %c0_i32, %c0_i32_0 : i32, i32
  }
  func.func @transform_5(%arg0: i32) -> (i32, i32) {
    %c0_i32 = arith.constant 0 : i32
    %c0_i32_0 = arith.constant 0 : i32
    %c0_i32_1 = arith.constant 0 : i32
    return %c0_i32, %c0_i32_0 : i32, i32
  }
  func.func @transform_6(%arg0: i32) -> (i32, i32) {
    %c0_i32 = arith.constant 0 : i32
    %c0_i32_0 = arith.constant 0 : i32
    %c0_i32_1 = arith.constant 0 : i32
    return %c0_i32, %c0_i32_0 : i32, i32
  }
}

</mosaic_0001>

<sc_bundles>
// kernel: kernel.11.cloned.1.call-start
scs
__scs_entry_jumppad:
0x0: {  	(pc) =	sbr.rel $0x88, $3  }
0x1: {  	(tag) =	ssettag $0x0;
	lr =	simm.s32 $0x1  }
0x2: {  	[smem:$0x3F85] =	sst lr;
	_ =	strace $0xD0000000  }
0x3: {  	_ = 	snop  }
0x4: {  	_ = 	snop  }
0x5: {  	_ = 	snop  }
0x6: {  	_ = 	snop  }
0x7: {  	_ = 	snop  }
__scs_overlays_trampoline_lowered:
0x8: {  	[smem:$0x3F94] =	sst s0  }
0x9: {  	[smem:$0x3F95] =	sst s1  }
0xa: {  	[smem:$0x3F96] =	sst s2  }
0xb: {  	[smem:$0x3F97] =	sst s3  }
0xc: {  	[smem:$0x3F98] =	sst s4  }
0xd: {  	[smem:$0x3F99] =	sst s5  }
0xe: {  	[smem:$0x3F9A] =	sst s6  }
0xf: {  	[smem:$0x3F9B] =	sst s7  }
0x10: {  	[smem:$0x3F9C] =	sst s8  }
0x11: {  	[smem:$0x3F9D] =	sst s9;
	s0 =	simm.s32 @!p0 $0x0  }
0x12: {  	s1 =	sld [smem:$0x3F83];
	s0 =	simm.s32 @p0 $0x1  }
0x13: {  	[smem:$0x3F9E] =	sst s0;
	s0 =	simm.s32 @!p1 $0x0  }
0x14: {  	s2 =	sld [smem:$0x3F82];
	s0 =	simm.s32 @p1 $0x1  }
0x15: {  	[smem:$0x3F9F] =	sst s0;
	s0 =	simm.s32 @!p2 $0x0  }
0x16: {  	s3 =	sld [smem:$0x3FDB];
	s0 =	simm.s32 @p2 $0x1  }
0x17: {  	s4 =	simm.s32 $0x1BF5;
	[smem:$0x3FA1] =	sst s0  }
0x18: {  	s0 =	sld [smem:$0x3F84];
	_ =	swait.ge [sflag:s4], $0x0  }
0x19: {  	s7 =	sld [smem:$0x3F85]  }
0x1a: {  	s8 =	sadd.s32 $0xFFFFE003, lr  }
0x1b: {  	s9 =	sadd.s32 $0xFFFFFEF7, lr;
	s5 =	simm.s32 $0xFFFFFFFF;
	p2 =	slt.u32 s8, $0xFFFFF086  }
0x1c: {  	p1 =	slt.u32 s9, $0xF7A;
	s5 =	simm.s32 @!p2 $0x0  }
0x1d: {  	s5 =	simm.s32 @p1 $0x1;
	p0 =	seq.s32 s7, s2  }
0x1e: {  	s7 =	smul.u32 @!p0 $0xF7A, s2;
	p2 =	seq.s32 @!p0 s5, $0x0  }
0x1f: {  	s9 =	smul.u32 $0xF7A, s1;
	s8 =	simm.s32 @!p0 $0x1BF5;
	p2 =	por !p2, p0  }
0x20: {  	[sflag:s8] =	ssyncset.s32 @!p0 $0xFFFFF086;
	s6 =	sadd.s32 @!p0 s3, s7;
	s7 =	simm.s32 @!p0 $0x108  }
0x21: {  	s3 =	sadd.s32 s3, s9;
	s6 =	sadd.s32 @!p0 $0x88, s6;
	s7 =	simm.s32 @p2 $0x1082  }
0x22: {  	[simem:s7], [sflag:s8] =	dma.local @!p0 [hbm:s6], $0xF7A  }
0x23: {  	s9 =	sor.u32 $0xD0000000, s2;
	s6 =	simm.s32 $0x108;
	_ =	swait.ge @!p0 [sflag:s8], $0x0  }
0x24: {  	s3 =	sadd.s32 $0x88, s3;
	s6 =	simm.s32 @!p1 $0x1082;
	[sflag:s4] =	ssyncset.s32 $0xFFFFF086  }
0x25: {  	[simem:s6], [sflag:s4] =	dma.local [hbm:s3], $0xF7A  }
0x26: {  	[smem:$0x3F85] =	sst s1;
	(tag) =	ssettag s2;
	_ =	strace s9  }
0x27: {  	s1 =	sld [smem:$0x3F95]  }
0x28: {  	s2 =	sld [smem:$0x3F96]  }
0x29: {  	s4 =	sld [smem:$0x3F98]  }
0x2a: {  	p0 =	seq.s32 s5, $0x0;
	s5 =	sld [smem:$0x3F99]  }
0x2b: {  	s6 =	sld [smem:$0x3F9A]  }
0x2c: {  	s7 =	sld [smem:$0x3F9B]  }
0x2d: {  	s3 =	simm.s32 $0x108;
	s8 =	sld [smem:$0x3F9C]  }
0x2e: {  	s3 =	simm.s32 @!p0 $0x1082;
	s9 =	sld [smem:$0x3F9D]  }
0x2f: {  	lr =	sadd.s32 s0, s3;
	s0 =	sld [smem:$0x3F94]  }
0x30: {  	s3 =	sld [smem:$0x3F97]  }
0x31: {  	[smem:$0x3FA0] =	sst s10  }
0x32: {  	s10 =	sld [smem:$0x3F9E];
	_ =	sdelay $0x3  }
0x33: {  	p0 =	seq.s32 s10, $0x1;
	s10 =	sld [smem:$0x3FA0];
	_ =	sdelay $0x3  }
0x34: {  	[smem:$0x3FA0] =	sst s10  }
0x35: {  	s10 =	sld [smem:$0x3F9F];
	_ =	sdelay $0x3  }
0x36: {  	p1 =	seq.s32 s10, $0x1;
	s10 =	sld [smem:$0x3FA0];
	_ =	sdelay $0x3  }
0x37: {  	[smem:$0x3FA0] =	sst s10  }
0x38: {  	s10 =	sld [smem:$0x3FA1]  }
0x39: {  	_ = 	snop;
	(pc) =	sbr.ind lr, $3  }
0x3a: {  	_ = 	snop  }
0x3b: {  	_ = 	snop  }
0x3c: {  	p2 =	seq.s32 s10, $0x1;
	s10 =	sld [smem:$0x3FA0]  }
0x3d: {  	_ =	shalt  }
0x3e: {  	_ =	shalt  }
0x3f: {  	_ =	shalt  }
0x40: {  	_ =	shalt  }
0x41: {  	_ =	shalt  }
0x42: {  	_ =	shalt  }
0x43: {  	_ =	shalt  }
0x44: {  	_ =	shalt  }
0x45: {  	_ =	shalt  }
0x46: {  	_ =	shalt  }
0x47: {  	_ =	shalt  }
0x48: {  	_ =	shalt  }
0x49: {  	_ =	shalt  }
0x4a: {  	_ =	shalt  }
0x4b: {  	_ =	shalt  }
0x4c: {  	_ =	shalt  }
0x4d: {  	_ =	shalt  }
0x4e: {  	_ =	shalt  }
0x4f: {  	_ =	shalt  }
0x50: {  	_ =	shalt  }
0x51: {  	_ =	shalt  }
0x52: {  	_ =	shalt  }
0x53: {  	_ =	shalt  }
0x54: {  	_ =	shalt  }
0x55: {  	_ =	shalt  }
0x56: {  	_ =	shalt  }
0x57: {  	_ =	shalt  }
0x58: {  	_ =	shalt  }
0x59: {  	_ =	shalt  }
0x5a: {  	_ =	shalt  }
0x5b: {  	_ =	shalt  }
0x5c: {  	_ =	shalt  }
0x5d: {  	_ =	shalt  }
0x5e: {  	_ =	shalt  }
0x5f: {  	_ =	shalt  }
0x60: {  	_ =	shalt  }
0x61: {  	_ =	shalt  }
0x62: {  	_ =	shalt  }
0x63: {  	_ =	shalt  }
0x64: {  	_ =	shalt  }
0x65: {  	_ =	shalt  }
0x66: {  	_ =	shalt  }
0x67: {  	_ =	shalt  }
0x68: {  	_ =	shalt  }
0x69: {  	_ =	shalt  }
0x6a: {  	_ =	shalt  }
0x6b: {  	_ =	shalt  }
0x6c: {  	_ =	shalt  }
0x6d: {  	_ =	shalt  }
0x6e: {  	_ =	shalt  }
0x6f: {  	_ =	shalt  }
0x70: {  	_ =	shalt  }
0x71: {  	_ =	shalt  }
0x72: {  	_ =	shalt  }
0x73: {  	_ =	shalt  }
0x74: {  	_ =	shalt  }
0x75: {  	_ =	shalt  }
0x76: {  	_ =	shalt  }
0x77: {  	_ =	shalt  }
0x78: {  	_ =	shalt  }
0x79: {  	_ =	shalt  }
0x7a: {  	_ =	shalt  }
0x7b: {  	_ =	shalt  }
0x7c: {  	_ =	shalt  }
0x7d: {  	_ =	shalt  }
0x7e: {  	_ =	shalt  }
0x7f: {  	_ =	shalt  }
0x80: {  	_ =	shalt  }
0x81: {  	_ =	shalt  }
0x82: {  	_ =	shalt  }
0x83: {  	_ =	shalt  }
0x84: {  	_ =	shalt  }
0x85: {  	_ =	shalt  }
0x86: {  	_ =	shalt  }
0x87: {  	_ =	shalt  }
.Lfunc_end0:
.L_simem_size_0:
called_computation_lowered:
.L_overlay_start_0:
0x88: {  	s2 =	sld [smem:$0x3FD9]  }
0x89: {  	s3 =	sld [smem:$0x3FFE];
	_ =	sdelay $0x1  }
0x8a: {  	s1 =	srdreg.scid  }
0x8b: {  	s0 =	sand.u32 $0x1, s1  }
0x8c: {  	s16 =	sshll.u32 s0, $0xA;
	s2 =	sadd.s32 s3, s2  }
0x8d: {  	s2 =	sadd.s32 s2, s16  }
0x8e: {  	[smem:$0x3FAC] =	sst s2  }
0x8f: {  	_ = 	snop  }
0x90: {  	(tm) =	ssettm $0x1  }
0x91: {  	s17 =	sld [smem:$0x3FFB];
	_ =	sdelay $0x3  }
0x92: {  	_ =	strace s17  }
0x93: {  	s2 =	sld [smem:$0x3FFC];
	_ =	sdelay $0x3  }
0x94: {  	_ =	strace s2  }
0x95: {  	s2 =	sld [smem:$0x3FFD];
	_ =	sdelay $0x3  }
0x96: {  	_ =	strace s2  }
0x97: {  	_ =	strace $0x8FFFFFFF  }
0x98: {  	s18 =	sld [smem:$0x3FDB];
	_ =	sdelay $0x1  }
0x99: {  	s19 =	simm.s32 $_scs_section_size  }
0x9a: {  	s4 =	simm.s32 $_size__tile_overlayer_lowered;
	s5 =	simm.s32 $_tile_overlayer_lowered  }
0x9b: {  	s22 =	simm.s32 $0x1BFF;
	s21 =	sshll.u32 s5, $0x1;
	s2 =	sadd.s32 s19, s18  }
0x9c: {  	s6 =	simm.s32 $0x0;
	s20 =	sshll.u32 s4, $0x1;
	s4 =	sadd.s32 s21, s2  }
0x9d: {  	[timem:s6], [sflag:s22] =	dma.local [hbm:s4], s20  }
0x9e: {  	_ =	swait.ge [sflag:s22], s20  }
0x9f: {  	s3 =	ssub.s32 $0x0, s20;
	[sflag:s22] =	ssyncset.done $0x0  }
0xa0: {  	[sflag:s22] =	ssyncadd.s32 s3;
	_ =	sdelay $0x1  }
0xa1: {  	s23 =	simm.s32 $0x1B8B  }
0xa2: {  	_ =	swait.ge [sflag:s23], $0x1  }
0xa3: {  	[sflag:s23] =	ssyncset.done $0x0  }
0xa4: {  	s25 =	simm.s32 $0x1B8E;
	s24 =	sld [smem:$0x3FFE];
	[sflag:s23] =	ssyncadd.s32 $0xFFFFFFFF  }
0xa5: {  	s26 =	simm.s32 $execute0_lowered;
	[smem:$0x3FD2] =	sst s25  }
0xa6: {  	s4 =	sshll.u32 s26, $0x1;
	_ =	strace $0x80000046;
	[dreg:$0x1] =	wrdreg $0xFFFFFFFF  }
0xa7: {  	s28 =	simm.s32 $_size_execute0_lowered;
	s2 =	sadd.s32 s2, s4;
	[dreg:$0x0] =	wrdreg $0x0  }
0xa8: {  	s4 =	sshll.u32 s28, $0x1;
	[dreg:$0x2] =	wrdreg s2  }
0xa9: {  	[dreg:$0x3] =	wrdreg s4  }
0xaa: {  	[dreg:$0x4] =	wrdreg $0xC0  }
0xab: {  	_ =	task [dreg:s6], $0x5FFFF  }
0xac: {  	[dreg:$0x1] =	wrdreg $0xFFFFFFFF  }
0xad: {  	[dreg:$0x0] =	wrdreg $0x60  }
0xae: {  	[dreg:$0x2] =	wrdreg s24  }
0xaf: {  	[dreg:$0x3] =	wrdreg $0x82000  }
0xb0: {  	[dreg:$0x4] =	wrdreg $0x9  }
0xb1: {  	_ =	task.clear_ibuf [dreg:s6], $0x5FFFF;
	_ =	strace $0x90000046  }
0xb2: {  	s29 =	simm.s32 $0x9;
	_ =	strace $0x80000048  }
0xb3: {  	_ =	swait.ge [sflag:s29], $0x1  }
0xb4: {  	[sflag:s29] =	ssyncadd.s32 $0xFFFFFFFF  }
0xb5: {  	_ =	strace $0x90000048  }
0xb6: {  	_ =	sfence  }
0xb7: {  	s30 =	sld [smem:$0x0];
	_ =	sdelay $0x2  }
0xb8: {  	s31 =	sshll.u32 s1, $0xD;
	s1 =	sshrl.u32 s1, $0x2  }
0xb9: {  	s3 =	sand.u32 $0x4000, s31;
	s1 =	sadd.s32 s1, s30  }
0xba: {  	s0 =	sor.u32 s3, s0;
	s1 =	sshll.u32 s1, $0x11  }
0xbb: {  	s0 =	sor.u32 s1, s0  }
0xbc: {  	s0 =	sadd.s32 $0x8F2B, s0  }
0xbd: {  	[sflag:s0] =	ssyncadd.remote.s32 $0x1  }
0xbe: {  	_ =	sfence.sel $0xFFFF  }
0xbf: {  	[dreg:$0x0] =	wrdreg $0xFFFFFFFF;
	(pc) =	sbr.abs _section_cstart, $3  }
0xc0: {  	[dreg:$0x1] =	wrdreg $0xFFFFFFFF  }
0xc1: {  	_ =	task.clear_ibuf [dreg:s6], $0x2FFFF;
	_ =	strace $0x9FFFFFFF  }
0xc2: {  	(tm) =	ssettm $0x7FFFFFFF  }
0xc3: {  	_ =	shalt  }
tec
execute0_lowered:
.L_overlay_start_1:
0x0: {  	(tag) =	ssettag $0x1  }
0x1: {  	s1 =	srdreg.scid  }
0x2: {  	s0 =	stileid.u32;
	s6 =	rddreg [dreg:$0x0]  }
0x3: {  	s2 =	rddreg [dreg:$0x1];
	s3 =	simm.s32 $0x0;
	s14 =	simm.s32 $0x100  }
0x4: {  	s16 =	simm.s32 $0x4200;
	s18 =	simm.s32 $0x1;
	s19 =	simm.s32 $0x2  }
0x5: {  	s20 =	simm.s32 $0x80;
	s21 =	simm.s32 $0x180;
	s22 =	simm.s32 $0x0  }
0x6: {  	s5 =	sand.u32 $0x1, s1;
	s1 =	rddreg [dreg:$0x2];
	s8 =	smul.u32 $0x2780, s0  }
0x7: {  	s26 =	sshll.u32 s0, $0x1;
	[smem:$0x7FF] =	sst s3;
	s11 =	smul.u32 $0x4F000, s0  }
0x8: {  	s31 =	sshll.u32 s0, $0x6;
	s4 =	sor.u32 s5, s26;
	s9 =	smul.u32 $0x28000, s5  }
0x9: {  	_ =	strace $0x80000047;
	s5 =	ssub.s32 $0x2, s5;
	s7 =	smul.u32 $0x28000, s4  }
0xa: {  	s4 =	smul.u32 $0xA00, s4;
	s28 =	sshrl.u32 s5, $0x1;
	s29 =	sshrl.u32 s11, $0x2  }
0xb: {  	s11 =	simm.s32 $0x3;
	s8 =	sadd.s32 s8, s9;
	s30 =	ssub.s32 s5, s28  }
0xc: {  	s12 =	sadd.s32 s29, s2;
	s5 =	sor.u32 $0x1C03, s31;
	s7 =	sadd.s32 s7, s6  }
0xd: {  	s10 =	sadd.s32 s4, s6;
	s4 =	sadd.s32 $0x18E00, s6;
	s8 =	sadd.s32 s8, s6  }
0xe: {  	s9 =	smax.u32 s30, $0x1;
	s6 =	sadd.s32 $0x4E00, s10;
	s7 =	sadd.s32 $0x9DCA00, s7  }
0xf: {  	s8 =	sadd.s32 $0x1B600, s8;
	s10 =	sshrl.u32 s12, $0x3;
	s12 =	simm.s32 $0x200  }
0x10: {  	s13 =	sadd.s32 $0x20, s6;
	s15 =	sadd.s32 $0x800, s7;
	s17 =	sadd.s32 $0x40, s6  }
.LBB2_1:
0x11: {  	[spmem:s10], [sflag:s5] =	dma.local [hbm:s4], $0x2780  }
0x12: {  	_ =	swait.ge [sflag:s11], $0x2780  }
0x13: {  	[sflag:s11] =	ssyncset.done $0x0  }
0x14: {  	[sflag:s11] =	ssyncadd.s32 $0xFFFFD880  }
0x15: {  	[tilespmem:s3], [sflag:$0x1] =	stream.linear.gather [hbm4b:s6+s3], $0x100, $0x38;
	[tilespmem:$0x1BE00] =	vst v63  }
0x16: {  	_ = 	snop  }
0x17: {  	[tilespmem:s12], [sflag:$0x2] =	stream.linear.gather [hbm4b:s7+s3], $0x4000, $0x38;
	[tilespmem:$0x1BE00] =	vst v63  }
0x18: {  	_ = 	snop  }
0x19: {  	[tilespmem:s14], [sflag:$0x1] =	stream.linear.gather [hbm4b:s13+s3], $0x100, $0x38;
	[tilespmem:$0x1BE00] =	vst v63  }
0x1a: {  	_ = 	snop  }
0x1b: {  	[tilespmem:s16], [sflag:$0x2] =	stream.linear.gather [hbm4b:s15+s3], $0x4000, $0x38;
	[tilespmem:$0x1BE00] =	vst v63  }
0x1c: {  	[bflag:$0x0] =	sbarrier.arrive $0xFFFF  }
0x1d: {  	_ =	swait.ge [sflag:s18], $0x100  }
0x1e: {  	[sflag:s18] =	ssyncset.done $0x0  }
0x1f: {  	[sflag:s18] =	ssyncadd.s32 $0xFFFFFF00  }
0x20: {  	_ =	swait.ge [sflag:s19], $0x4000  }
0x21: {  	[sflag:s19] =	ssyncset.done $0x0  }
0x22: {  	[sflag:s19] =	ssyncadd.s32 $0xFFFFC000  }
0x23: {  	[spmem:s2] =	stream.indirect.scatter.add.f32 [tilespmem:s12], [sflag:$0x3], $0x80, s20, s20, $0xb8;
	[tilespmem:$0x1BE00] =	vst v63  }
0x24: {  	_ =	swait.ge [sflag:s11], $0x4000  }
0x25: {  	[sflag:s11] =	ssyncset.done $0x0  }
0x26: {  	s24 =	sadd.s32 $0xFFFD9000, s7;
	[sflag:s11] =	ssyncadd.s32 $0xFFFFC000  }
0x27: {  	[tilespmem:s3], [sflag:$0x1] =	stream.linear.gather [hbm4b:s17+s3], $0x100, $0x38;
	[tilespmem:$0x1BE00] =	vst v63  }
0x28: {  	s23 =	sadd.s32 $0x28000, s24  }
0x29: {  	[tilespmem:s12], [sflag:$0x2] =	stream.linear.gather [hbm4b:s23+s3], $0x4000, $0x38;
	[tilespmem:$0x1BE00] =	vst v63  }
0x2a: {  	_ =	swait.ge [sflag:s18], $0x100  }
0x2b: {  	[sflag:s18] =	ssyncset.done $0x0  }
0x2c: {  	[sflag:s18] =	ssyncadd.s32 $0xFFFFFF00  }
0x2d: {  	_ =	swait.ge [sflag:s19], $0x4000  }
0x2e: {  	[sflag:s19] =	ssyncset.done $0x0  }
0x2f: {  	[sflag:s19] =	ssyncadd.s32 $0xFFFFC000  }
0x30: {  	[spmem:s2] =	stream.indirect.scatter.add.f32 [tilespmem:s16], [sflag:$0x3], $0x80, s21, s20, $0xb8;
	[tilespmem:$0x1BE00] =	vst v63  }
0x31: {  	_ =	swait.ge [sflag:s11], $0x4000  }
0x32: {  	s31 =	sadd.s32 $0x20, s17;
	s25 =	sadd.s32 $0x28800, s24;
	[sflag:s11] =	ssyncset.done $0x0  }
0x33: {  	s24 =	sadd.s32 $0x40, s17;
	s23 =	simm.s32 $0xFFFDA000;
	[sflag:s11] =	ssyncadd.s32 $0xFFFFC000  }
0x34: {  	[tilespmem:s14], [sflag:$0x1] =	stream.linear.gather [hbm4b:s31+s3], $0x100, $0x38;
	[tilespmem:$0x1BE00] =	vst v63  }
.LBB2_2:
0x35: {  	[tilespmem:s16], [sflag:$0x2] =	stream.linear.gather [hbm4b:s25+s3], $0x4000, $0x38;
	[tilespmem:$0x1BE00] =	vst v63  }
0x36: {  	s25 =	smov.u32 s23  }
0x37: {  	p0 =	sne.s32 s23, $0xFFFFF000;
	s23 =	sadd.s32 $0x1000, s23;
	_ =	swait.ge [sflag:s18], $0x100  }
0x38: {  	[sflag:s18] =	ssyncset.done $0x0  }
0x39: {  	[sflag:s18] =	ssyncadd.s32 $0xFFFFFF00  }
0x3a: {  	_ =	swait.ge [sflag:s19], $0x4000  }
0x3b: {  	[sflag:s19] =	ssyncset.done $0x0  }
0x3c: {  	[sflag:s19] =	ssyncadd.s32 $0xFFFFC000  }
0x3d: {  	[spmem:s2] =	stream.indirect.scatter.add.f32 [tilespmem:s12], [sflag:$0x3], $0x80, s20, s20, $0xb8;
	[tilespmem:$0x1BE00] =	vst v63  }
0x3e: {  	_ =	swait.ge [sflag:s11], $0x4000  }
0x3f: {  	[sflag:s11] =	ssyncset.done $0x0  }
0x40: {  	s25 =	sadd.s32 s25, s7;
	[sflag:s11] =	ssyncadd.s32 $0xFFFFC000  }
0x41: {  	[tilespmem:s3], [sflag:$0x1] =	stream.linear.gather [hbm4b:s24+s3], $0x100, $0x38;
	[tilespmem:$0x1BE00] =	vst v63  }
0x42: {  	s26 =	sadd.s32 $0x28000, s25  }
0x43: {  	[tilespmem:s12], [sflag:$0x2] =	stream.linear.gather [hbm4b:s26+s3], $0x4000, $0x38;
	[tilespmem:$0x1BE00] =	vst v63  }
0x44: {  	_ =	swait.ge [sflag:s18], $0x100  }
0x45: {  	[sflag:s18] =	ssyncset.done $0x0  }
0x46: {  	[sflag:s18] =	ssyncadd.s32 $0xFFFFFF00  }
0x47: {  	_ =	swait.ge [sflag:s19], $0x4000  }
0x48: {  	[sflag:s19] =	ssyncset.done $0x0  }
0x49: {  	[sflag:s19] =	ssyncadd.s32 $0xFFFFC000  }
0x4a: {  	[spmem:s2] =	stream.indirect.scatter.add.f32 [tilespmem:s16], [sflag:$0x3], $0x80, s21, s20, $0xb8;
	[tilespmem:$0x1BE00] =	vst v63  }
.Ltmp0:
0x4b: {  	_ =	swait.ge [sflag:s11], $0x4000;
	(pc) =	sbr.rel @p0 .LBB2_2-.Ltmp0, $4  }
0x4c: {  	[sflag:s11] =	ssyncset.done $0x0  }
0x4d: {  	s26 =	sadd.s32 $0x20, s24;
	[sflag:s11] =	ssyncadd.s32 $0xFFFFC000  }
0x4e: {  	[tilespmem:s14], [sflag:$0x1] =	stream.linear.gather [hbm4b:s26+s3], $0x100, $0x38;
	[tilespmem:$0x1BE00] =	vst v63  }
0x4f: {  	s25 =	sadd.s32 $0x28800, s25;
	s24 =	sadd.s32 $0x40, s24  }
0x50: {  	[tilespmem:s16], [sflag:$0x2] =	stream.linear.gather [hbm4b:s25+s3], $0x4000, $0x38;
	[tilespmem:$0x1BE00] =	vst v63  }
0x51: {  	_ =	swait.ge [sflag:s18], $0x100  }
0x52: {  	[sflag:s18] =	ssyncset.done $0x0  }
0x53: {  	[sflag:s18] =	ssyncadd.s32 $0xFFFFFF00  }
0x54: {  	_ =	swait.ge [sflag:s19], $0x4000  }
0x55: {  	[sflag:s19] =	ssyncset.done $0x0  }
0x56: {  	[sflag:s19] =	ssyncadd.s32 $0xFFFFC000  }
0x57: {  	[spmem:s2] =	stream.indirect.scatter.add.f32 [tilespmem:s12], [sflag:$0x3], $0x80, s20, s20, $0xb8;
	[tilespmem:$0x1BE00] =	vst v63  }
0x58: {  	_ =	swait.ge [sflag:s11], $0x4000  }
0x59: {  	[sflag:s11] =	ssyncset.done $0x0  }
0x5a: {  	[sflag:s11] =	ssyncadd.s32 $0xFFFFC000  }
0x5b: {  	_ =	swait.ge [sflag:s18], $0x100  }
0x5c: {  	[sflag:s18] =	ssyncset.done $0x0  }
0x5d: {  	[sflag:s18] =	ssyncadd.s32 $0xFFFFFF00  }
0x5e: {  	_ =	swait.ge [sflag:s19], $0x4000  }
0x5f: {  	[sflag:s19] =	ssyncset.done $0x0  }
0x60: {  	[sflag:s19] =	ssyncadd.s32 $0xFFFFC000  }
0x61: {  	[spmem:s2] =	stream.indirect.scatter.add.f32 [tilespmem:s16], [sflag:$0x3], $0x80, s21, s20, $0xb8;
	[tilespmem:$0x1BE00] =	vst v63  }
0x62: {  	_ =	swait.ge [sflag:s11], $0x4000  }
0x63: {  	s22 =	sadd.s32 $0x1, s22;
	[sflag:s11] =	ssyncset.done $0x0  }
0x64: {  	p0 =	sne.s32 s22, s9;
	[sflag:s11] =	ssyncadd.s32 $0xFFFFC000  }
.Ltmp1:
0x65: {  	[bflag:$0x0] =	sbarrier.arrive $0xFFFF;
	(pc) =	sbr.rel @p0 .LBB2_1-.Ltmp1, $4  }
0x66: {  	[hbm:s8], [sflag:s5] =	dma.local [spmem:s10], $0x2780  }
0x67: {  	_ =	swait.ge [sflag:s11], $0x2780  }
0x68: {  	[sflag:s11] =	ssyncset.done $0x0  }
0x69: {  	[sflag:s11] =	ssyncadd.s32 $0xFFFFD880  }
0x6a: {  	_ =	sfence.sel $0x180000  }
0x6b: {  	[bflag:$0x0] =	sbarrier.arrive $0xFFFF  }
0x6c: {  	p0 =	sne.s32 s0, $0x0;
	_ =	strace $0x90000047  }
0x6d: {  	s0 =	sadd.s32 @!p0 $0x100000, s1;
	[bflag:$0x2] =	sbarrier.arrive $0xFFFF  }
0x6e: {  	[sflag:s0] =	ssyncadd.tile.s32 @!p0 $0x1;
	_ =	shalt  }
.Lfunc_end2:
_tile_overlayer_lowered:
.L_overlay_start_2:
0x6f: {  	(tag) =	ssettag $0x2  }
0x70: {  	s0 =	rddreg [dreg:$0x0];
	s2 =	stileid.u32  }
0x71: {  	s1 =	rddreg [dreg:$0x1];
	p0 =	sne.s32 s2, $0x0  }
0x72: {  	s3 =	rddreg [dreg:$0x2];
	[bflag:$0x3] =	sbarrier.arrive $0xFFFF;
	s2 =	simm.s32 @!p0 $0x1C03  }
0x73: {  	[timem:s3], [sflag:s2] =	dma.local @!p0 [hbm:s0], s1  }
0x74: {  	s0 =	simm.s32 @!p0 $0x3  }
0x75: {  	_ =	swait.ge @!p0 [sflag:s0], s1  }
0x76: {  	s1 =	ssub.s32 @!p0 $0x0, s1;
	[sflag:s0] =	ssyncset.done @!p0 $0x0  }
0x77: {  	[sflag:s0] =	ssyncadd.s32 @!p0 s1  }
0x78: {  	[bflag:$0x3] =	sbarrier.arrive $0xFFFF  }
0x79: {  	_ =	shalt  }

// kernel: kernel.14.cloned.1.call-start
scs
__scs_entry_jumppad:
0x0: {  	(pc) =	sbr.rel $0x88, $3  }
0x1: {  	(tag) =	ssettag $0x0;
	lr =	simm.s32 $0x1  }
0x2: {  	[smem:$0x3F85] =	sst lr;
	_ =	strace $0xD0000000  }
0x3: {  	_ = 	snop  }
0x4: {  	_ = 	snop  }
0x5: {  	_ = 	snop  }
0x6: {  	_ = 	snop  }
0x7: {  	_ = 	snop  }
__scs_overlays_trampoline_lowered:
0x8: {  	[smem:$0x3F94] =	sst s0  }
0x9: {  	[smem:$0x3F95] =	sst s1  }
0xa: {  	[smem:$0x3F96] =	sst s2  }
0xb: {  	[smem:$0x3F97] =	sst s3  }
0xc: {  	[smem:$0x3F98] =	sst s4  }
0xd: {  	[smem:$0x3F99] =	sst s5  }
0xe: {  	[smem:$0x3F9A] =	sst s6  }
0xf: {  	[smem:$0x3F9B] =	sst s7  }
0x10: {  	[smem:$0x3F9C] =	sst s8  }
0x11: {  	[smem:$0x3F9D] =	sst s9;
	s0 =	simm.s32 @!p0 $0x0  }
0x12: {  	s1 =	sld [smem:$0x3F83];
	s0 =	simm.s32 @p0 $0x1  }
0x13: {  	[smem:$0x3F9E] =	sst s0;
	s0 =	simm.s32 @!p1 $0x0  }
0x14: {  	s2 =	sld [smem:$0x3F82];
	s0 =	simm.s32 @p1 $0x1  }
0x15: {  	[smem:$0x3F9F] =	sst s0;
	s0 =	simm.s32 @!p2 $0x0  }
0x16: {  	s3 =	sld [smem:$0x3FDB];
	s0 =	simm.s32 @p2 $0x1  }
0x17: {  	s4 =	simm.s32 $0x1BF5;
	[smem:$0x3FA1] =	sst s0  }
0x18: {  	s0 =	sld [smem:$0x3F84];
	_ =	swait.ge [sflag:s4], $0x0  }
0x19: {  	s7 =	sld [smem:$0x3F85]  }
0x1a: {  	s8 =	sadd.s32 $0xFFFFE003, lr  }
0x1b: {  	s9 =	sadd.s32 $0xFFFFFEF7, lr;
	s5 =	simm.s32 $0xFFFFFFFF;
	p2 =	slt.u32 s8, $0xFFFFF086  }
0x1c: {  	p1 =	slt.u32 s9, $0xF7A;
	s5 =	simm.s32 @!p2 $0x0  }
0x1d: {  	s5 =	simm.s32 @p1 $0x1;
	p0 =	seq.s32 s7, s2  }
0x1e: {  	s7 =	smul.u32 @!p0 $0xF7A, s2;
	p2 =	seq.s32 @!p0 s5, $0x0  }
0x1f: {  	s9 =	smul.u32 $0xF7A, s1;
	s8 =	simm.s32 @!p0 $0x1BF5;
	p2 =	por !p2, p0  }
0x20: {  	[sflag:s8] =	ssyncset.s32 @!p0 $0xFFFFF086;
	s6 =	sadd.s32 @!p0 s3, s7;
	s7 =	simm.s32 @!p0 $0x108  }
0x21: {  	s3 =	sadd.s32 s3, s9;
	s6 =	sadd.s32 @!p0 $0x88, s6;
	s7 =	simm.s32 @p2 $0x1082  }
0x22: {  	[simem:s7], [sflag:s8] =	dma.local @!p0 [hbm:s6], $0xF7A  }
0x23: {  	s9 =	sor.u32 $0xD0000000, s2;
	s6 =	simm.s32 $0x108;
	_ =	swait.ge @!p0 [sflag:s8], $0x0  }
0x24: {  	s3 =	sadd.s32 $0x88, s3;
	s6 =	simm.s32 @!p1 $0x1082;
	[sflag:s4] =	ssyncset.s32 $0xFFFFF086  }
0x25: {  	[simem:s6], [sflag:s4] =	dma.local [hbm:s3], $0xF7A  }
0x26: {  	[smem:$0x3F85] =	sst s1;
	(tag) =	ssettag s2;
	_ =	strace s9  }
0x27: {  	s1 =	sld [smem:$0x3F95]  }
0x28: {  	s2 =	sld [smem:$0x3F96]  }
0x29: {  	s4 =	sld [smem:$0x3F98]  }
0x2a: {  	p0 =	seq.s32 s5, $0x0;
	s5 =	sld [smem:$0x3F99]  }
0x2b: {  	s6 =	sld [smem:$0x3F9A]  }
0x2c: {  	s7 =	sld [smem:$0x3F9B]  }
0x2d: {  	s3 =	simm.s32 $0x108;
	s8 =	sld [smem:$0x3F9C]  }
0x2e: {  	s3 =	simm.s32 @!p0 $0x1082;
	s9 =	sld [smem:$0x3F9D]  }
0x2f: {  	lr =	sadd.s32 s0, s3;
	s0 =	sld [smem:$0x3F94]  }
0x30: {  	s3 =	sld [smem:$0x3F97]  }
0x31: {  	[smem:$0x3FA0] =	sst s10  }
0x32: {  	s10 =	sld [smem:$0x3F9E];
	_ =	sdelay $0x3  }
0x33: {  	p0 =	seq.s32 s10, $0x1;
	s10 =	sld [smem:$0x3FA0];
	_ =	sdelay $0x3  }
0x34: {  	[smem:$0x3FA0] =	sst s10  }
0x35: {  	s10 =	sld [smem:$0x3F9F];
	_ =	sdelay $0x3  }
0x36: {  	p1 =	seq.s32 s10, $0x1;
	s10 =	sld [smem:$0x3FA0];
	_ =	sdelay $0x3  }
0x37: {  	[smem:$0x3FA0] =	sst s10  }
0x38: {  	s10 =	sld [smem:$0x3FA1]  }
0x39: {  	_ = 	snop;
	(pc) =	sbr.ind lr, $3  }
0x3a: {  	_ = 	snop  }
0x3b: {  	_ = 	snop  }
0x3c: {  	p2 =	seq.s32 s10, $0x1;
	s10 =	sld [smem:$0x3FA0]  }
0x3d: {  	_ =	shalt  }
0x3e: {  	_ =	shalt  }
0x3f: {  	_ =	shalt  }
0x40: {  	_ =	shalt  }
0x41: {  	_ =	shalt  }
0x42: {  	_ =	shalt  }
0x43: {  	_ =	shalt  }
0x44: {  	_ =	shalt  }
0x45: {  	_ =	shalt  }
0x46: {  	_ =	shalt  }
0x47: {  	_ =	shalt  }
0x48: {  	_ =	shalt  }
0x49: {  	_ =	shalt  }
0x4a: {  	_ =	shalt  }
0x4b: {  	_ =	shalt  }
0x4c: {  	_ =	shalt  }
0x4d: {  	_ =	shalt  }
0x4e: {  	_ =	shalt  }
0x4f: {  	_ =	shalt  }
0x50: {  	_ =	shalt  }
0x51: {  	_ =	shalt  }
0x52: {  	_ =	shalt  }
0x53: {  	_ =	shalt  }
0x54: {  	_ =	shalt  }
0x55: {  	_ =	shalt  }
0x56: {  	_ =	shalt  }
0x57: {  	_ =	shalt  }
0x58: {  	_ =	shalt  }
0x59: {  	_ =	shalt  }
0x5a: {  	_ =	shalt  }
0x5b: {  	_ =	shalt  }
0x5c: {  	_ =	shalt  }
0x5d: {  	_ =	shalt  }
0x5e: {  	_ =	shalt  }
0x5f: {  	_ =	shalt  }
0x60: {  	_ =	shalt  }
0x61: {  	_ =	shalt  }
0x62: {  	_ =	shalt  }
0x63: {  	_ =	shalt  }
0x64: {  	_ =	shalt  }
0x65: {  	_ =	shalt  }
0x66: {  	_ =	shalt  }
0x67: {  	_ =	shalt  }
0x68: {  	_ =	shalt  }
0x69: {  	_ =	shalt  }
0x6a: {  	_ =	shalt  }
0x6b: {  	_ =	shalt  }
0x6c: {  	_ =	shalt  }
0x6d: {  	_ =	shalt  }
0x6e: {  	_ =	shalt  }
0x6f: {  	_ =	shalt  }
0x70: {  	_ =	shalt  }
0x71: {  	_ =	shalt  }
0x72: {  	_ =	shalt  }
0x73: {  	_ =	shalt  }
0x74: {  	_ =	shalt  }
0x75: {  	_ =	shalt  }
0x76: {  	_ =	shalt  }
0x77: {  	_ =	shalt  }
0x78: {  	_ =	shalt  }
0x79: {  	_ =	shalt  }
0x7a: {  	_ =	shalt  }
0x7b: {  	_ =	shalt  }
0x7c: {  	_ =	shalt  }
0x7d: {  	_ =	shalt  }
0x7e: {  	_ =	shalt  }
0x7f: {  	_ =	shalt  }
0x80: {  	_ =	shalt  }
0x81: {  	_ =	shalt  }
0x82: {  	_ =	shalt  }
0x83: {  	_ =	shalt  }
0x84: {  	_ =	shalt  }
0x85: {  	_ =	shalt  }
0x86: {  	_ =	shalt  }
0x87: {  	_ =	shalt  }
.Lfunc_end0:
.L_simem_size_0:
called_computation.1_lowered:
.L_overlay_start_0:
0x88: {  	s2 =	sld [smem:$0x3FD9]  }
0x89: {  	s3 =	sld [smem:$0x3FFE];
	_ =	sdelay $0x1  }
0x8a: {  	s1 =	srdreg.scid  }
0x8b: {  	s0 =	sand.u32 $0x1, s1  }
0x8c: {  	s17 =	sshll.u32 s0, $0xA;
	s2 =	sadd.s32 s3, s2  }
0x8d: {  	s2 =	sadd.s32 s2, s17  }
0x8e: {  	[smem:$0x3FAC] =	sst s2  }
0x8f: {  	_ = 	snop  }
0x90: {  	(tm) =	ssettm $0x1  }
0x91: {  	s18 =	sld [smem:$0x3FFB];
	_ =	sdelay $0x3  }
0x92: {  	_ =	strace s18  }
0x93: {  	s2 =	sld [smem:$0x3FFC];
	_ =	sdelay $0x3  }
0x94: {  	_ =	strace s2  }
0x95: {  	s2 =	sld [smem:$0x3FFD];
	_ =	sdelay $0x3  }
0x96: {  	_ =	strace s2  }
0x97: {  	_ =	strace $0x8FFFFFFF  }
0x98: {  	s19 =	sld [smem:$0x3FDB];
	_ =	sdelay $0x1  }
0x99: {  	s20 =	simm.s32 $_scs_section_size  }
0x9a: {  	s4 =	simm.s32 $_size__tile_overlayer_lowered;
	s5 =	simm.s32 $_tile_overlayer_lowered  }
0x9b: {  	s6 =	simm.s32 $0x1BFF;
	s21 =	sshll.u32 s5, $0x1;
	s3 =	sadd.s32 s20, s19  }
0x9c: {  	s22 =	simm.s32 $0x0;
	s4 =	sshll.u32 s4, $0x1;
	s5 =	sadd.s32 s21, s3  }
0x9d: {  	[timem:s22], [sflag:s6] =	dma.local [hbm:s5], s4  }
0x9e: {  	_ =	swait.ge [sflag:s6], s4  }
0x9f: {  	s4 =	ssub.s32 $0x0, s4;
	[sflag:s6] =	ssyncset.done $0x0  }
0xa0: {  	[sflag:s6] =	ssyncadd.s32 s4;
	_ =	sdelay $0x1  }
0xa1: {  	s23 =	simm.s32 $0x1B8B  }
0xa2: {  	_ =	swait.ge [sflag:s23], $0x1  }
0xa3: {  	[sflag:s23] =	ssyncset.done $0x0  }
0xa4: {  	[sflag:s23] =	ssyncadd.s32 $0xFFFFFFFF  }
0xa5: {  	s4 =	sld [smem:$0x0]  }
0xa6: {  	s5 =	sand.u32 $0xFFFFFFFE, s1  }
0xa7: {  	p0 =	sne.s32 s1, s5  }
0xa8: {  	s5 =	sshll.u32 @p0 s5, $0xE  }
0xa9: {  	s5 =	sadd.s32 @p0 $0x11B8D, s5;
	s6 =	sshll.u32 @p0 s4, $0x11  }
0xaa: {  	s5 =	sor.u32 @p0 s6, s5  }
0xab: {  	[sflag:s5] =	ssyncadd.remote.s32 @p0 $0x1;
	_ =	sdelay $0x1  }
0xac: {  	s5 =	simm.s32 @p0 $0x1B8D  }
0xad: {  	_ =	swait.eq @p0 [sflag:s5], $0x1  }
0xae: {  	[sflag:s5] =	ssyncadd.s32 @p0 $0xFFFFFFFF  }
0xaf: {  	s6 =	sshll.u32 @!p0 s1, $0xE  }
0xb0: {  	s6 =	sor.u32 @!p0 $0x4000, s6;
	s5 =	simm.s32 @!p0 $0x1B8D  }
0xb1: {  	s4 =	sshll.u32 @!p0 s4, $0x11;
	s6 =	sadd.s32 @!p0 $0x11B8D, s6;
	_ =	swait.eq @!p0 [sflag:s5], $0x1  }
0xb2: {  	s4 =	sor.u32 @!p0 s4, s6;
	[sflag:s5] =	ssyncadd.s32 @!p0 $0xFFFFFFFF  }
0xb3: {  	s25 =	simm.s32 $0x1B8E;
	s24 =	sld [smem:$0x3FFE];
	[sflag:s4] =	ssyncadd.remote.s32 @!p0 $0x1  }
0xb4: {  	s26 =	simm.s32 $execute0_lowered;
	[smem:$0x3FD2] =	sst s25  }
0xb5: {  	s5 =	sshll.u32 s26, $0x1;
	_ =	strace $0x80000049;
	[dreg:$0x1] =	wrdreg $0xFFFFFFFF  }
0xb6: {  	s28 =	simm.s32 $_size_execute0_lowered;
	s3 =	sadd.s32 s3, s5;
	[dreg:$0x0] =	wrdreg $0x0  }
0xb7: {  	s5 =	sshll.u32 s28, $0x1;
	[dreg:$0x2] =	wrdreg s3  }
0xb8: {  	[dreg:$0x3] =	wrdreg s5  }
0xb9: {  	[dreg:$0x4] =	wrdreg $0xC0  }
0xba: {  	_ =	task [dreg:s22], $0x5FFFF  }
0xbb: {  	[dreg:$0x1] =	wrdreg $0xFFFFFFFF  }
0xbc: {  	[dreg:$0x0] =	wrdreg $0x60  }
0xbd: {  	[dreg:$0x2] =	wrdreg s24  }
0xbe: {  	[dreg:$0x3] =	wrdreg $0x82000  }
0xbf: {  	[dreg:$0x4] =	wrdreg $0xA  }
0xc0: {  	_ =	task.clear_ibuf [dreg:s22], $0x5FFFF;
	_ =	strace $0x90000049  }
0xc1: {  	s29 =	simm.s32 $0xA;
	_ =	strace $0x8000004B  }
0xc2: {  	_ =	swait.ge [sflag:s29], $0x1  }
0xc3: {  	[sflag:s29] =	ssyncadd.s32 $0xFFFFFFFF  }
0xc4: {  	_ =	strace $0x9000004B  }
0xc5: {  	_ =	sfence  }
0xc6: {  	s30 =	sld [smem:$0x0];
	_ =	sdelay $0x2  }
0xc7: {  	s31 =	sshll.u32 s1, $0xD;
	s1 =	sshrl.u32 s1, $0x2  }
0xc8: {  	s4 =	sand.u32 $0x4000, s31;
	s1 =	sadd.s32 s1, s30  }
0xc9: {  	s0 =	sor.u32 s4, s0;
	s1 =	sshll.u32 s1, $0x11  }
0xca: {  	s0 =	sor.u32 s1, s0  }
0xcb: {  	s0 =	sadd.s32 $0x8F2B, s0  }
0xcc: {  	[sflag:s0] =	ssyncadd.remote.s32 $0x1  }
0xcd: {  	_ =	sfence.sel $0xFFFF  }
0xce: {  	[dreg:$0x0] =	wrdreg $0xFFFFFFFF;
	(pc) =	sbr.abs _section_cstart, $3  }
0xcf: {  	[dreg:$0x1] =	wrdreg $0xFFFFFFFF  }
0xd0: {  	_ =	task.clear_ibuf [dreg:s22], $0x2FFFF;
	_ =	strace $0x9FFFFFFF  }
0xd1: {  	(tm) =	ssettm $0x7FFFFFFF  }
tec
execute0_lowered:
.L_overlay_start_1:
0x0: {  	(tag) =	ssettag $0x1  }
0x1: {  	s1 =	srdreg.scid;
	s6 =	rddreg [dreg:$0x0]  }
0x2: {  	s0 =	stileid.u32;
	s2 =	rddreg [dreg:$0x1];
	s3 =	simm.s32 $0x0  }
0x3: {  	s13 =	simm.s32 $0x100;
	s14 =	simm.s32 $0x1;
	s15 =	simm.s32 $0x80  }
0x4: {  	s16 =	simm.s32 $0x200;
	s17 =	simm.s32 $0x4200;
	s18 =	simm.s32 $0x2  }
0x5: {  	s19 =	simm.s32 $0x180;
	s20 =	simm.s32 $0x0;
	s7 =	sand.u32 $0x1, s1  }
0x6: {  	s26 =	sshll.u32 s0, $0x1;
	s1 =	rddreg [dreg:$0x2];
	s8 =	smul.u32 $0x2780, s0  }
0x7: {  	[smem:$0x7FF] =	sst s3;
	s11 =	smul.u32 $0x4F000, s0;
	s31 =	sshll.u32 s0, $0x6  }
0x8: {  	s4 =	sor.u32 s7, s26;
	_ =	strace $0x8000004A;
	s9 =	smul.u32 $0x28000, s7  }
0x9: {  	s7 =	ssub.s32 $0x2, s7;
	s5 =	smul.u32 $0xA00, s4;
	s4 =	sadd.s32 $0x6B600, s6  }
0xa: {  	s28 =	sshrl.u32 s7, $0x1;
	s29 =	sshrl.u32 s11, $0x2;
	s11 =	simm.s32 $0x3  }
0xb: {  	s8 =	sadd.s32 s8, s9;
	s30 =	ssub.s32 s7, s28;
	s12 =	sadd.s32 s29, s2  }
0xc: {  	s10 =	sadd.s32 s5, s6;
	s5 =	sadd.s32 $0x18E00, s6;
	s8 =	sadd.s32 s8, s6  }
0xd: {  	s6 =	sor.u32 $0x1C03, s31;
	s9 =	smax.u32 s30, $0x1;
	s7 =	sadd.s32 $0x4E00, s10  }
0xe: {  	s8 =	sadd.s32 $0x93600, s8;
	s10 =	sshrl.u32 s12, $0x3;
	s12 =	sadd.s32 $0x20, s7  }
.LBB2_1:
0xf: {  	[spmem:s10], [sflag:s6] =	dma.local [hbm:s5], $0x2780  }
0x10: {  	_ =	swait.ge [sflag:s11], $0x2780  }
0x11: {  	[sflag:s11] =	ssyncset.done $0x0  }
0x12: {  	[sflag:s11] =	ssyncadd.s32 $0xFFFFD880  }
0x13: {  	[tilespmem:s3], [sflag:$0x1] =	stream.linear.gather [hbm4b:s7+s3], $0x100, $0x38;
	[tilespmem:$0x1BE00] =	vst v63  }
0x14: {  	_ = 	snop  }
0x15: {  	[tilespmem:s13], [sflag:$0x1] =	stream.linear.gather [hbm4b:s12+s3], $0x100, $0x38;
	[tilespmem:$0x1BE00] =	vst v63  }
0x16: {  	[bflag:$0x0] =	sbarrier.arrive $0xFFFF  }
0x17: {  	_ =	swait.ge [sflag:s14], $0x100  }
0x18: {  	[sflag:s14] =	ssyncset.done $0x0  }
0x19: {  	[sflag:s14] =	ssyncadd.s32 $0xFFFFFF00  }
0x1a: {  	[tilespmem:s16], [sflag:$0x2] =	stream.indirect.gather [hbm4b:s4+s15], $0x80, s3, s15, $0xb8;
	[tilespmem:$0x1BE00] =	vst v63  }
0x1b: {  	_ =	swait.ge [sflag:s14], $0x100  }
0x1c: {  	[sflag:s14] =	ssyncset.done $0x0  }
0x1d: {  	[sflag:s14] =	ssyncadd.s32 $0xFFFFFF00  }
0x1e: {  	[tilespmem:s17], [sflag:$0x2] =	stream.indirect.gather [hbm4b:s4+s15], $0x80, s13, s15, $0xb8;
	[tilespmem:$0x1BE00] =	vst v63  }
0x1f: {  	_ =	swait.ge [sflag:s18], $0x4000  }
0x20: {  	[sflag:s18] =	ssyncset.done $0x0  }
0x21: {  	[sflag:s18] =	ssyncadd.s32 $0xFFFFC000  }
0x22: {  	[spmem:s2] =	stream.indirect.scatter.add.f32 [tilespmem:s16], [sflag:$0x3], $0x80, s15, s15, $0xb8;
	[tilespmem:$0x1BE00] =	vst v63  }
0x23: {  	_ =	swait.ge [sflag:s11], $0x4000  }
0x24: {  	s22 =	sadd.s32 $0xFFFFF640, s7;
	[sflag:s11] =	ssyncset.done $0x0  }
0x25: {  	s21 =	sadd.s32 $0xA00, s22;
	[sflag:s11] =	ssyncadd.s32 $0xFFFFC000  }
0x26: {  	[tilespmem:s3], [sflag:$0x1] =	stream.linear.gather [hbm4b:s21+s3], $0x100, $0x38;
	[tilespmem:$0x1BE00] =	vst v63  }
0x27: {  	_ =	swait.ge [sflag:s14], $0x100  }
0x28: {  	[sflag:s14] =	ssyncset.done $0x0  }
0x29: {  	[sflag:s14] =	ssyncadd.s32 $0xFFFFFF00  }
0x2a: {  	[tilespmem:s16], [sflag:$0x2] =	stream.indirect.gather [hbm4b:s4+s15], $0x80, s3, s15, $0xb8;
	[tilespmem:$0x1BE00] =	vst v63  }
0x2b: {  	_ =	swait.ge [sflag:s18], $0x4000  }
0x2c: {  	[sflag:s18] =	ssyncset.done $0x0  }
0x2d: {  	[sflag:s18] =	ssyncadd.s32 $0xFFFFC000  }
0x2e: {  	[spmem:s2] =	stream.indirect.scatter.add.f32 [tilespmem:s17], [sflag:$0x3], $0x80, s19, s15, $0xb8;
	[tilespmem:$0x1BE00] =	vst v63  }
0x2f: {  	_ =	swait.ge [sflag:s11], $0x4000  }
0x30: {  	[sflag:s11] =	ssyncset.done $0x0  }
0x31: {  	s22 =	sadd.s32 $0xA20, s22;
	s21 =	simm.s32 $0xFFFFF680;
	[sflag:s11] =	ssyncadd.s32 $0xFFFFC000  }
.LBB2_2:
0x32: {  	[tilespmem:s13], [sflag:$0x1] =	stream.linear.gather [hbm4b:s22+s3], $0x100, $0x38;
	[tilespmem:$0x1BE00] =	vst v63  }
0x33: {  	s22 =	smov.u32 s21  }
0x34: {  	p0 =	sne.s32 s21, $0xFFFFFFC0;
	s21 =	sadd.s32 $0x40, s21;
	_ =	swait.ge [sflag:s14], $0x100  }
0x35: {  	[sflag:s14] =	ssyncset.done $0x0  }
0x36: {  	[sflag:s14] =	ssyncadd.s32 $0xFFFFFF00  }
0x37: {  	[tilespmem:s17], [sflag:$0x2] =	stream.indirect.gather [hbm4b:s4+s15], $0x80, s13, s15, $0xb8;
	[tilespmem:$0x1BE00] =	vst v63  }
0x38: {  	_ =	swait.ge [sflag:s18], $0x4000  }
0x39: {  	[sflag:s18] =	ssyncset.done $0x0  }
0x3a: {  	[sflag:s18] =	ssyncadd.s32 $0xFFFFC000  }
0x3b: {  	[spmem:s2] =	stream.indirect.scatter.add.f32 [tilespmem:s16], [sflag:$0x3], $0x80, s15, s15, $0xb8;
	[tilespmem:$0x1BE00] =	vst v63  }
0x3c: {  	_ =	swait.ge [sflag:s11], $0x4000  }
0x3d: {  	s22 =	sadd.s32 s22, s7;
	[sflag:s11] =	ssyncset.done $0x0  }
0x3e: {  	s23 =	sadd.s32 $0xA00, s22;
	[sflag:s11] =	ssyncadd.s32 $0xFFFFC000  }
0x3f: {  	[tilespmem:s3], [sflag:$0x1] =	stream.linear.gather [hbm4b:s23+s3], $0x100, $0x38;
	[tilespmem:$0x1BE00] =	vst v63  }
0x40: {  	_ =	swait.ge [sflag:s14], $0x100  }
0x41: {  	[sflag:s14] =	ssyncset.done $0x0  }
0x42: {  	[sflag:s14] =	ssyncadd.s32 $0xFFFFFF00  }
0x43: {  	[tilespmem:s16], [sflag:$0x2] =	stream.indirect.gather [hbm4b:s4+s15], $0x80, s3, s15, $0xb8;
	[tilespmem:$0x1BE00] =	vst v63  }
0x44: {  	_ =	swait.ge [sflag:s18], $0x4000  }
0x45: {  	[sflag:s18] =	ssyncset.done $0x0  }
.Ltmp0:
0x46: {  	[sflag:s18] =	ssyncadd.s32 $0xFFFFC000;
	(pc) =	sbr.rel @p0 .LBB2_2-.Ltmp0, $4  }
0x47: {  	[spmem:s2] =	stream.indirect.scatter.add.f32 [tilespmem:s17], [sflag:$0x3], $0x80, s19, s15, $0xb8;
	[tilespmem:$0x1BE00] =	vst v63  }
0x48: {  	_ =	swait.ge [sflag:s11], $0x4000  }
0x49: {  	[sflag:s11] =	ssyncset.done $0x0  }
0x4a: {  	s22 =	sadd.s32 $0xA20, s22;
	[sflag:s11] =	ssyncadd.s32 $0xFFFFC000  }
0x4b: {  	[tilespmem:s13], [sflag:$0x1] =	stream.linear.gather [hbm4b:s22+s3], $0x100, $0x38;
	[tilespmem:$0x1BE00] =	vst v63  }
0x4c: {  	_ =	swait.ge [sflag:s14], $0x100  }
0x4d: {  	[sflag:s14] =	ssyncset.done $0x0  }
0x4e: {  	[sflag:s14] =	ssyncadd.s32 $0xFFFFFF00  }
0x4f: {  	[tilespmem:s17], [sflag:$0x2] =	stream.indirect.gather [hbm4b:s4+s15], $0x80, s13, s15, $0xb8;
	[tilespmem:$0x1BE00] =	vst v63  }
0x50: {  	_ =	swait.ge [sflag:s18], $0x4000  }
0x51: {  	[sflag:s18] =	ssyncset.done $0x0  }
0x52: {  	[sflag:s18] =	ssyncadd.s32 $0xFFFFC000  }
0x53: {  	[spmem:s2] =	stream.indirect.scatter.add.f32 [tilespmem:s16], [sflag:$0x3], $0x80, s15, s15, $0xb8;
	[tilespmem:$0x1BE00] =	vst v63  }
0x54: {  	_ =	swait.ge [sflag:s11], $0x4000  }
0x55: {  	[sflag:s11] =	ssyncset.done $0x0  }
0x56: {  	[sflag:s11] =	ssyncadd.s32 $0xFFFFC000  }
0x57: {  	_ =	swait.ge [sflag:s18], $0x4000  }
0x58: {  	[sflag:s18] =	ssyncset.done $0x0  }
0x59: {  	[sflag:s18] =	ssyncadd.s32 $0xFFFFC000  }
0x5a: {  	[spmem:s2] =	stream.indirect.scatter.add.f32 [tilespmem:s17], [sflag:$0x3], $0x80, s19, s15, $0xb8;
	[tilespmem:$0x1BE00] =	vst v63  }
0x5b: {  	_ =	swait.ge [sflag:s11], $0x4000  }
0x5c: {  	s20 =	sadd.s32 $0x1, s20;
	[sflag:s11] =	ssyncset.done $0x0  }
0x5d: {  	p0 =	sne.s32 s20, s9;
	[sflag:s11] =	ssyncadd.s32 $0xFFFFC000  }
.Ltmp1:
0x5e: {  	[bflag:$0x0] =	sbarrier.arrive $0xFFFF;
	(pc) =	sbr.rel @p0 .LBB2_1-.Ltmp1, $4  }
0x5f: {  	[hbm:s8], [sflag:s6] =	dma.local [spmem:s10], $0x2780  }
0x60: {  	_ =	swait.ge [sflag:s11], $0x2780  }
0x61: {  	[sflag:s11] =	ssyncset.done $0x0  }
0x62: {  	[sflag:s11] =	ssyncadd.s32 $0xFFFFD880  }
0x63: {  	_ =	sfence.sel $0x180000  }
0x64: {  	[bflag:$0x0] =	sbarrier.arrive $0xFFFF  }
0x65: {  	p0 =	sne.s32 s0, $0x0;
	_ =	strace $0x9000004A  }
0x66: {  	s0 =	sadd.s32 @!p0 $0x100000, s1;
	[bflag:$0x2] =	sbarrier.arrive $0xFFFF  }
0x67: {  	[sflag:s0] =	ssyncadd.tile.s32 @!p0 $0x1;
	_ =	shalt  }
.Lfunc_end2:
_tile_overlayer_lowered:
.L_overlay_start_2:
0x68: {  	(tag) =	ssettag $0x2  }
0x69: {  	s0 =	rddreg [dreg:$0x0];
	s2 =	stileid.u32  }
0x6a: {  	s1 =	rddreg [dreg:$0x1];
	p0 =	sne.s32 s2, $0x0  }
0x6b: {  	s3 =	rddreg [dreg:$0x2];
	[bflag:$0x3] =	sbarrier.arrive $0xFFFF;
	s2 =	simm.s32 @!p0 $0x1C03  }
0x6c: {  	[timem:s3], [sflag:s2] =	dma.local @!p0 [hbm:s0], s1  }
0x6d: {  	s0 =	simm.s32 @!p0 $0x3  }
0x6e: {  	_ =	swait.ge @!p0 [sflag:s0], s1  }
0x6f: {  	s1 =	ssub.s32 @!p0 $0x0, s1;
	[sflag:s0] =	ssyncset.done @!p0 $0x0  }
0x70: {  	[sflag:s0] =	ssyncadd.s32 @!p0 s1  }
0x71: {  	[bflag:$0x3] =	sbarrier.arrive $0xFFFF  }
0x72: {  	_ =	shalt  }

// kernel: kernel.17.cloned.1.call-start
scs
__scs_entry_jumppad:
0x0: {  	(pc) =	sbr.rel $0x88, $3  }
0x1: {  	(tag) =	ssettag $0x0;
	lr =	simm.s32 $0x1  }
0x2: {  	[smem:$0x3F85] =	sst lr;
	_ =	strace $0xD0000000  }
0x3: {  	_ = 	snop  }
0x4: {  	_ = 	snop  }
0x5: {  	_ = 	snop  }
0x6: {  	_ = 	snop  }
0x7: {  	_ = 	snop  }
__scs_overlays_trampoline_lowered:
0x8: {  	[smem:$0x3F94] =	sst s0  }
0x9: {  	[smem:$0x3F95] =	sst s1  }
0xa: {  	[smem:$0x3F96] =	sst s2  }
0xb: {  	[smem:$0x3F97] =	sst s3  }
0xc: {  	[smem:$0x3F98] =	sst s4  }
0xd: {  	[smem:$0x3F99] =	sst s5  }
0xe: {  	[smem:$0x3F9A] =	sst s6  }
0xf: {  	[smem:$0x3F9B] =	sst s7  }
0x10: {  	[smem:$0x3F9C] =	sst s8  }
0x11: {  	[smem:$0x3F9D] =	sst s9;
	s0 =	simm.s32 @!p0 $0x0  }
0x12: {  	s1 =	sld [smem:$0x3F83];
	s0 =	simm.s32 @p0 $0x1  }
0x13: {  	[smem:$0x3F9E] =	sst s0;
	s0 =	simm.s32 @!p1 $0x0  }
0x14: {  	s2 =	sld [smem:$0x3F82];
	s0 =	simm.s32 @p1 $0x1  }
0x15: {  	[smem:$0x3F9F] =	sst s0;
	s0 =	simm.s32 @!p2 $0x0  }
0x16: {  	s3 =	sld [smem:$0x3FDB];
	s0 =	simm.s32 @p2 $0x1  }
0x17: {  	s4 =	simm.s32 $0x1BF5;
	[smem:$0x3FA1] =	sst s0  }
0x18: {  	s0 =	sld [smem:$0x3F84];
	_ =	swait.ge [sflag:s4], $0x0  }
0x19: {  	s7 =	sld [smem:$0x3F85]  }
0x1a: {  	s8 =	sadd.s32 $0xFFFFE003, lr  }
0x1b: {  	s9 =	sadd.s32 $0xFFFFFEF7, lr;
	s5 =	simm.s32 $0xFFFFFFFF;
	p2 =	slt.u32 s8, $0xFFFFF086  }
0x1c: {  	p1 =	slt.u32 s9, $0xF7A;
	s5 =	simm.s32 @!p2 $0x0  }
0x1d: {  	s5 =	simm.s32 @p1 $0x1;
	p0 =	seq.s32 s7, s2  }
0x1e: {  	s7 =	smul.u32 @!p0 $0xF7A, s2;
	p2 =	seq.s32 @!p0 s5, $0x0  }
0x1f: {  	s9 =	smul.u32 $0xF7A, s1;
	s8 =	simm.s32 @!p0 $0x1BF5;
	p2 =	por !p2, p0  }
0x20: {  	[sflag:s8] =	ssyncset.s32 @!p0 $0xFFFFF086;
	s6 =	sadd.s32 @!p0 s3, s7;
	s7 =	simm.s32 @!p0 $0x108  }
0x21: {  	s3 =	sadd.s32 s3, s9;
	s6 =	sadd.s32 @!p0 $0x88, s6;
	s7 =	simm.s32 @p2 $0x1082  }
0x22: {  	[simem:s7], [sflag:s8] =	dma.local @!p0 [hbm:s6], $0xF7A  }
0x23: {  	s9 =	sor.u32 $0xD0000000, s2;
	s6 =	simm.s32 $0x108;
	_ =	swait.ge @!p0 [sflag:s8], $0x0  }
0x24: {  	s3 =	sadd.s32 $0x88, s3;
	s6 =	simm.s32 @!p1 $0x1082;
	[sflag:s4] =	ssyncset.s32 $0xFFFFF086  }
0x25: {  	[simem:s6], [sflag:s4] =	dma.local [hbm:s3], $0xF7A  }
0x26: {  	[smem:$0x3F85] =	sst s1;
	(tag) =	ssettag s2;
	_ =	strace s9  }
0x27: {  	s1 =	sld [smem:$0x3F95]  }
0x28: {  	s2 =	sld [smem:$0x3F96]  }
0x29: {  	s4 =	sld [smem:$0x3F98]  }
0x2a: {  	p0 =	seq.s32 s5, $0x0;
	s5 =	sld [smem:$0x3F99]  }
0x2b: {  	s6 =	sld [smem:$0x3F9A]  }
0x2c: {  	s7 =	sld [smem:$0x3F9B]  }
0x2d: {  	s3 =	simm.s32 $0x108;
	s8 =	sld [smem:$0x3F9C]  }
0x2e: {  	s3 =	simm.s32 @!p0 $0x1082;
	s9 =	sld [smem:$0x3F9D]  }
0x2f: {  	lr =	sadd.s32 s0, s3;
	s0 =	sld [smem:$0x3F94]  }
0x30: {  	s3 =	sld [smem:$0x3F97]  }
0x31: {  	[smem:$0x3FA0] =	sst s10  }
0x32: {  	s10 =	sld [smem:$0x3F9E];
	_ =	sdelay $0x3  }
0x33: {  	p0 =	seq.s32 s10, $0x1;
	s10 =	sld [smem:$0x3FA0];
	_ =	sdelay $0x3  }
0x34: {  	[smem:$0x3FA0] =	sst s10  }
0x35: {  	s10 =	sld [smem:$0x3F9F];
	_ =	sdelay $0x3  }
0x36: {  	p1 =	seq.s32 s10, $0x1;
	s10 =	sld [smem:$0x3FA0];
	_ =	sdelay $0x3  }
0x37: {  	[smem:$0x3FA0] =	sst s10  }
0x38: {  	s10 =	sld [smem:$0x3FA1]  }
0x39: {  	_ = 	snop;
	(pc) =	sbr.ind lr, $3  }
0x3a: {  	_ = 	snop  }
0x3b: {  	_ = 	snop  }
0x3c: {  	p2 =	seq.s32 s10, $0x1;
	s10 =	sld [smem:$0x3FA0]  }
0x3d: {  	_ =	shalt  }
0x3e: {  	_ =	shalt  }
0x3f: {  	_ =	shalt  }
0x40: {  	_ =	shalt  }
0x41: {  	_ =	shalt  }
0x42: {  	_ =	shalt  }
0x43: {  	_ =	shalt  }
0x44: {  	_ =	shalt  }
0x45: {  	_ =	shalt  }
0x46: {  	_ =	shalt  }
0x47: {  	_ =	shalt  }
0x48: {  	_ =	shalt  }
0x49: {  	_ =	shalt  }
0x4a: {  	_ =	shalt  }
0x4b: {  	_ =	shalt  }
0x4c: {  	_ =	shalt  }
0x4d: {  	_ =	shalt  }
0x4e: {  	_ =	shalt  }
0x4f: {  	_ =	shalt  }
0x50: {  	_ =	shalt  }
0x51: {  	_ =	shalt  }
0x52: {  	_ =	shalt  }
0x53: {  	_ =	shalt  }
0x54: {  	_ =	shalt  }
0x55: {  	_ =	shalt  }
0x56: {  	_ =	shalt  }
0x57: {  	_ =	shalt  }
0x58: {  	_ =	shalt  }
0x59: {  	_ =	shalt  }
0x5a: {  	_ =	shalt  }
0x5b: {  	_ =	shalt  }
0x5c: {  	_ =	shalt  }
0x5d: {  	_ =	shalt  }
0x5e: {  	_ =	shalt  }
0x5f: {  	_ =	shalt  }
0x60: {  	_ =	shalt  }
0x61: {  	_ =	shalt  }
0x62: {  	_ =	shalt  }
0x63: {  	_ =	shalt  }
0x64: {  	_ =	shalt  }
0x65: {  	_ =	shalt  }
0x66: {  	_ =	shalt  }
0x67: {  	_ =	shalt  }
0x68: {  	_ =	shalt  }
0x69: {  	_ =	shalt  }
0x6a: {  	_ =	shalt  }
0x6b: {  	_ =	shalt  }
0x6c: {  	_ =	shalt  }
0x6d: {  	_ =	shalt  }
0x6e: {  	_ =	shalt  }
0x6f: {  	_ =	shalt  }
0x70: {  	_ =	shalt  }
0x71: {  	_ =	shalt  }
0x72: {  	_ =	shalt  }
0x73: {  	_ =	shalt  }
0x74: {  	_ =	shalt  }
0x75: {  	_ =	shalt  }
0x76: {  	_ =	shalt  }
0x77: {  	_ =	shalt  }
0x78: {  	_ =	shalt  }
0x79: {  	_ =	shalt  }
0x7a: {  	_ =	shalt  }
0x7b: {  	_ =	shalt  }
0x7c: {  	_ =	shalt  }
0x7d: {  	_ =	shalt  }
0x7e: {  	_ =	shalt  }
0x7f: {  	_ =	shalt  }
0x80: {  	_ =	shalt  }
0x81: {  	_ =	shalt  }
0x82: {  	_ =	shalt  }
0x83: {  	_ =	shalt  }
0x84: {  	_ =	shalt  }
0x85: {  	_ =	shalt  }
0x86: {  	_ =	shalt  }
0x87: {  	_ =	shalt  }
.Lfunc_end0:
.L_simem_size_0:
called_computation.2_lowered:
.L_overlay_start_0:
0x88: {  	s2 =	sld [smem:$0x3FD9]  }
0x89: {  	s3 =	sld [smem:$0x3FFE];
	_ =	sdelay $0x1  }
0x8a: {  	s1 =	srdreg.scid  }
0x8b: {  	s0 =	sand.u32 $0x1, s1  }
0x8c: {  	s16 =	sshll.u32 s0, $0xA;
	s2 =	sadd.s32 s3, s2  }
0x8d: {  	s2 =	sadd.s32 s2, s16  }
0x8e: {  	[smem:$0x3FAC] =	sst s2  }
0x8f: {  	_ = 	snop  }
0x90: {  	(tm) =	ssettm $0x1  }
0x91: {  	s17 =	sld [smem:$0x3FFB];
	_ =	sdelay $0x3  }
0x92: {  	_ =	strace s17  }
0x93: {  	s2 =	sld [smem:$0x3FFC];
	_ =	sdelay $0x3  }
0x94: {  	_ =	strace s2  }
0x95: {  	s2 =	sld [smem:$0x3FFD];
	_ =	sdelay $0x3  }
0x96: {  	_ =	strace s2  }
0x97: {  	_ =	strace $0x8FFFFFFF  }
0x98: {  	s18 =	sld [smem:$0x3FDB];
	_ =	sdelay $0x1  }
0x99: {  	s19 =	simm.s32 $_scs_section_size  }
0x9a: {  	s4 =	simm.s32 $_size__tile_overlayer_lowered;
	s5 =	simm.s32 $_tile_overlayer_lowered  }
0x9b: {  	s22 =	simm.s32 $0x1BFF;
	s21 =	sshll.u32 s5, $0x1;
	s2 =	sadd.s32 s19, s18  }
0x9c: {  	s6 =	simm.s32 $0x0;
	s20 =	sshll.u32 s4, $0x1;
	s4 =	sadd.s32 s21, s2  }
0x9d: {  	[timem:s6], [sflag:s22] =	dma.local [hbm:s4], s20  }
0x9e: {  	_ =	swait.ge [sflag:s22], s20  }
0x9f: {  	s3 =	ssub.s32 $0x0, s20;
	[sflag:s22] =	ssyncset.done $0x0  }
0xa0: {  	[sflag:s22] =	ssyncadd.s32 s3;
	_ =	sdelay $0x1  }
0xa1: {  	s23 =	simm.s32 $0x1B8B  }
0xa2: {  	_ =	swait.ge [sflag:s23], $0x1  }
0xa3: {  	[sflag:s23] =	ssyncset.done $0x0  }
0xa4: {  	s25 =	simm.s32 $0x1B8E;
	s24 =	sld [smem:$0x3FFE];
	[sflag:s23] =	ssyncadd.s32 $0xFFFFFFFF  }
0xa5: {  	s26 =	simm.s32 $execute0_lowered;
	[smem:$0x3FD2] =	sst s25  }
0xa6: {  	s4 =	sshll.u32 s26, $0x1;
	_ =	strace $0x8000004C;
	[dreg:$0x1] =	wrdreg $0xFFFFFFFF  }
0xa7: {  	s28 =	simm.s32 $_size_execute0_lowered;
	s2 =	sadd.s32 s2, s4;
	[dreg:$0x0] =	wrdreg $0x0  }
0xa8: {  	s4 =	sshll.u32 s28, $0x1;
	[dreg:$0x2] =	wrdreg s2  }
0xa9: {  	[dreg:$0x3] =	wrdreg s4  }
0xaa: {  	[dreg:$0x4] =	wrdreg $0xC0  }
0xab: {  	_ =	task [dreg:s6], $0x5FFFF  }
0xac: {  	[dreg:$0x1] =	wrdreg $0xFFFFFFFF  }
0xad: {  	[dreg:$0x0] =	wrdreg $0x60  }
0xae: {  	[dreg:$0x2] =	wrdreg s24  }
0xaf: {  	[dreg:$0x3] =	wrdreg $0x82000  }
0xb0: {  	[dreg:$0x4] =	wrdreg $0x9  }
0xb1: {  	_ =	task.clear_ibuf [dreg:s6], $0x5FFFF;
	_ =	strace $0x9000004C  }
0xb2: {  	s29 =	simm.s32 $0x9;
	_ =	strace $0x8000004E  }
0xb3: {  	_ =	swait.ge [sflag:s29], $0x1  }
0xb4: {  	[sflag:s29] =	ssyncadd.s32 $0xFFFFFFFF  }
0xb5: {  	_ =	strace $0x9000004E  }
0xb6: {  	_ =	sfence  }
0xb7: {  	s30 =	sld [smem:$0x0];
	_ =	sdelay $0x2  }
0xb8: {  	s31 =	sshll.u32 s1, $0xD;
	s1 =	sshrl.u32 s1, $0x2  }
0xb9: {  	s3 =	sand.u32 $0x4000, s31;
	s1 =	sadd.s32 s1, s30  }
0xba: {  	s0 =	sor.u32 s3, s0;
	s1 =	sshll.u32 s1, $0x11  }
0xbb: {  	s0 =	sor.u32 s1, s0  }
0xbc: {  	s0 =	sadd.s32 $0x8F2B, s0  }
0xbd: {  	[sflag:s0] =	ssyncadd.remote.s32 $0x1  }
0xbe: {  	_ =	sfence.sel $0xFFFF  }
0xbf: {  	[dreg:$0x0] =	wrdreg $0xFFFFFFFF;
	(pc) =	sbr.abs _section_cstart, $3  }
0xc0: {  	[dreg:$0x1] =	wrdreg $0xFFFFFFFF  }
0xc1: {  	_ =	task.clear_ibuf [dreg:s6], $0x2FFFF;
	_ =	strace $0x9FFFFFFF  }
0xc2: {  	(tm) =	ssettm $0x7FFFFFFF  }
0xc3: {  	_ =	shalt  }
tec
execute0_lowered:
.L_overlay_start_1:
0x0: {  	(tag) =	ssettag $0x1  }
0x1: {  	s1 =	srdreg.scid;
	s6 =	rddreg [dreg:$0x0]  }
0x2: {  	s0 =	stileid.u32;
	s2 =	rddreg [dreg:$0x1];
	s3 =	simm.s32 $0x0  }
0x3: {  	s13 =	simm.s32 $0x100;
	s14 =	simm.s32 $0x1;
	s15 =	simm.s32 $0x80  }
0x4: {  	s16 =	simm.s32 $0x200;
	s17 =	simm.s32 $0x4200;
	s18 =	simm.s32 $0x2  }
0x5: {  	s19 =	simm.s32 $0x180;
	s20 =	simm.s32 $0x0;
	s7 =	sand.u32 $0x1, s1  }
0x6: {  	s26 =	sshll.u32 s0, $0x1;
	s1 =	rddreg [dreg:$0x2];
	s8 =	smul.u32 $0x2780, s0  }
0x7: {  	[smem:$0x7FF] =	sst s3;
	s11 =	smul.u32 $0x4F000, s0;
	s31 =	sshll.u32 s0, $0x6  }
0x8: {  	s4 =	sor.u32 s7, s26;
	_ =	strace $0x8000004D;
	s9 =	smul.u32 $0x28000, s7  }
0x9: {  	s7 =	ssub.s32 $0x2, s7;
	s5 =	smul.u32 $0xA00, s4;
	s4 =	sadd.s32 $0x6B600, s6  }
0xa: {  	s28 =	sshrl.u32 s7, $0x1;
	s29 =	sshrl.u32 s11, $0x2;
	s11 =	simm.s32 $0x3  }
0xb: {  	s8 =	sadd.s32 s8, s9;
	s30 =	ssub.s32 s7, s28;
	s12 =	sadd.s32 s29, s2  }
0xc: {  	s10 =	sadd.s32 s5, s6;
	s5 =	sadd.s32 $0x18E00, s6;
	s8 =	sadd.s32 s8, s6  }
0xd: {  	s6 =	sor.u32 $0x1C03, s31;
	s9 =	smax.u32 s30, $0x1;
	s7 =	sadd.s32 $0x4E00, s10  }
0xe: {  	s8 =	sadd.s32 $0x93600, s8;
	s10 =	sshrl.u32 s12, $0x3;
	s12 =	sadd.s32 $0x20, s7  }
.LBB2_1:
0xf: {  	[spmem:s10], [sflag:s6] =	dma.local [hbm:s5], $0x2780  }
0x10: {  	_ =	swait.ge [sflag:s11], $0x2780  }
0x11: {  	[sflag:s11] =	ssyncset.done $0x0  }
0x12: {  	[sflag:s11] =	ssyncadd.s32 $0xFFFFD880  }
0x13: {  	[tilespmem:s3], [sflag:$0x1] =	stream.linear.gather [hbm4b:s7+s3], $0x100, $0x38;
	[tilespmem:$0x1BE00] =	vst v63  }
0x14: {  	_ = 	snop  }
0x15: {  	[tilespmem:s13], [sflag:$0x1] =	stream.linear.gather [hbm4b:s12+s3], $0x100, $0x38;
	[tilespmem:$0x1BE00] =	vst v63  }
0x16: {  	[bflag:$0x0] =	sbarrier.arrive $0xFFFF  }
0x17: {  	_ =	swait.ge [sflag:s14], $0x100  }
0x18: {  	[sflag:s14] =	ssyncset.done $0x0  }
0x19: {  	[sflag:s14] =	ssyncadd.s32 $0xFFFFFF00  }
0x1a: {  	[tilespmem:s16], [sflag:$0x2] =	stream.indirect.gather [hbm4b:s4+s15], $0x80, s3, s15, $0xb8;
	[tilespmem:$0x1BE00] =	vst v63  }
0x1b: {  	_ =	swait.ge [sflag:s14], $0x100  }
0x1c: {  	[sflag:s14] =	ssyncset.done $0x0  }
0x1d: {  	[sflag:s14] =	ssyncadd.s32 $0xFFFFFF00  }
0x1e: {  	[tilespmem:s17], [sflag:$0x2] =	stream.indirect.gather [hbm4b:s4+s15], $0x80, s13, s15, $0xb8;
	[tilespmem:$0x1BE00] =	vst v63  }
0x1f: {  	_ =	swait.ge [sflag:s18], $0x4000  }
0x20: {  	[sflag:s18] =	ssyncset.done $0x0  }
0x21: {  	[sflag:s18] =	ssyncadd.s32 $0xFFFFC000  }
0x22: {  	[spmem:s2] =	stream.indirect.scatter.add.f32 [tilespmem:s16], [sflag:$0x3], $0x80, s15, s15, $0xb8;
	[tilespmem:$0x1BE00] =	vst v63  }
0x23: {  	_ =	swait.ge [sflag:s11], $0x4000  }
0x24: {  	s22 =	sadd.s32 $0xFFFFF640, s7;
	[sflag:s11] =	ssyncset.done $0x0  }
0x25: {  	s21 =	sadd.s32 $0xA00, s22;
	[sflag:s11] =	ssyncadd.s32 $0xFFFFC000  }
0x26: {  	[tilespmem:s3], [sflag:$0x1] =	stream.linear.gather [hbm4b:s21+s3], $0x100, $0x38;
	[tilespmem:$0x1BE00] =	vst v63  }
0x27: {  	_ =	swait.ge [sflag:s14], $0x100  }
0x28: {  	[sflag:s14] =	ssyncset.done $0x0  }
0x29: {  	[sflag:s14] =	ssyncadd.s32 $0xFFFFFF00  }
0x2a: {  	[tilespmem:s16], [sflag:$0x2] =	stream.indirect.gather [hbm4b:s4+s15], $0x80, s3, s15, $0xb8;
	[tilespmem:$0x1BE00] =	vst v63  }
0x2b: {  	_ =	swait.ge [sflag:s18], $0x4000  }
0x2c: {  	[sflag:s18] =	ssyncset.done $0x0  }
0x2d: {  	[sflag:s18] =	ssyncadd.s32 $0xFFFFC000  }
0x2e: {  	[spmem:s2] =	stream.indirect.scatter.add.f32 [tilespmem:s17], [sflag:$0x3], $0x80, s19, s15, $0xb8;
	[tilespmem:$0x1BE00] =	vst v63  }
0x2f: {  	_ =	swait.ge [sflag:s11], $0x4000  }
0x30: {  	[sflag:s11] =	ssyncset.done $0x0  }
0x31: {  	s22 =	sadd.s32 $0xA20, s22;
	s21 =	simm.s32 $0xFFFFF680;
	[sflag:s11] =	ssyncadd.s32 $0xFFFFC000  }
.LBB2_2:
0x32: {  	[tilespmem:s13], [sflag:$0x1] =	stream.linear.gather [hbm4b:s22+s3], $0x100, $0x38;
	[tilespmem:$0x1BE00] =	vst v63  }
0x33: {  	s22 =	smov.u32 s21  }
0x34: {  	p0 =	sne.s32 s21, $0xFFFFFFC0;
	s21 =	sadd.s32 $0x40, s21;
	_ =	swait.ge [sflag:s14], $0x100  }
0x35: {  	[sflag:s14] =	ssyncset.done $0x0  }
0x36: {  	[sflag:s14] =	ssyncadd.s32 $0xFFFFFF00  }
0x37: {  	[tilespmem:s17], [sflag:$0x2] =	stream.indirect.gather [hbm4b:s4+s15], $0x80, s13, s15, $0xb8;
	[tilespmem:$0x1BE00] =	vst v63  }
0x38: {  	_ =	swait.ge [sflag:s18], $0x4000  }
0x39: {  	[sflag:s18] =	ssyncset.done $0x0  }
0x3a: {  	[sflag:s18] =	ssyncadd.s32 $0xFFFFC000  }
0x3b: {  	[spmem:s2] =	stream.indirect.scatter.add.f32 [tilespmem:s16], [sflag:$0x3], $0x80, s15, s15, $0xb8;
	[tilespmem:$0x1BE00] =	vst v63  }
0x3c: {  	_ =	swait.ge [sflag:s11], $0x4000  }
0x3d: {  	s22 =	sadd.s32 s22, s7;
	[sflag:s11] =	ssyncset.done $0x0  }
0x3e: {  	s23 =	sadd.s32 $0xA00, s22;
	[sflag:s11] =	ssyncadd.s32 $0xFFFFC000  }
0x3f: {  	[tilespmem:s3], [sflag:$0x1] =	stream.linear.gather [hbm4b:s23+s3], $0x100, $0x38;
	[tilespmem:$0x1BE00] =	vst v63  }
0x40: {  	_ =	swait.ge [sflag:s14], $0x100  }
0x41: {  	[sflag:s14] =	ssyncset.done $0x0  }
0x42: {  	[sflag:s14] =	ssyncadd.s32 $0xFFFFFF00  }
0x43: {  	[tilespmem:s16], [sflag:$0x2] =	stream.indirect.gather [hbm4b:s4+s15], $0x80, s3, s15, $0xb8;
	[tilespmem:$0x1BE00] =	vst v63  }
0x44: {  	_ =	swait.ge [sflag:s18], $0x4000  }
0x45: {  	[sflag:s18] =	ssyncset.done $0x0  }
.Ltmp0:
0x46: {  	[sflag:s18] =	ssyncadd.s32 $0xFFFFC000;
	(pc) =	sbr.rel @p0 .LBB2_2-.Ltmp0, $4  }
0x47: {  	[spmem:s2] =	stream.indirect.scatter.add.f32 [tilespmem:s17], [sflag:$0x3], $0x80, s19, s15, $0xb8;
	[tilespmem:$0x1BE00] =	vst v63  }
0x48: {  	_ =	swait.ge [sflag:s11], $0x4000  }
0x49: {  	[sflag:s11] =	ssyncset.done $0x0  }
0x4a: {  	s22 =	sadd.s32 $0xA20, s22;
	[sflag:s11] =	ssyncadd.s32 $0xFFFFC000  }
0x4b: {  	[tilespmem:s13], [sflag:$0x1] =	stream.linear.gather [hbm4b:s22+s3], $0x100, $0x38;
	[tilespmem:$0x1BE00] =	vst v63  }
0x4c: {  	_ =	swait.ge [sflag:s14], $0x100  }
0x4d: {  	[sflag:s14] =	ssyncset.done $0x0  }
0x4e: {  	[sflag:s14] =	ssyncadd.s32 $0xFFFFFF00  }
0x4f: {  	[tilespmem:s17], [sflag:$0x2] =	stream.indirect.gather [hbm4b:s4+s15], $0x80, s13, s15, $0xb8;
	[tilespmem:$0x1BE00] =	vst v63  }
0x50: {  	_ =	swait.ge [sflag:s18], $0x4000  }
0x51: {  	[sflag:s18] =	ssyncset.done $0x0  }
0x52: {  	[sflag:s18] =	ssyncadd.s32 $0xFFFFC000  }
0x53: {  	[spmem:s2] =	stream.indirect.scatter.add.f32 [tilespmem:s16], [sflag:$0x3], $0x80, s15, s15, $0xb8;
	[tilespmem:$0x1BE00] =	vst v63  }
0x54: {  	_ =	swait.ge [sflag:s11], $0x4000  }
0x55: {  	[sflag:s11] =	ssyncset.done $0x0  }
0x56: {  	[sflag:s11] =	ssyncadd.s32 $0xFFFFC000  }
0x57: {  	_ =	swait.ge [sflag:s18], $0x4000  }
0x58: {  	[sflag:s18] =	ssyncset.done $0x0  }
0x59: {  	[sflag:s18] =	ssyncadd.s32 $0xFFFFC000  }
0x5a: {  	[spmem:s2] =	stream.indirect.scatter.add.f32 [tilespmem:s17], [sflag:$0x3], $0x80, s19, s15, $0xb8;
	[tilespmem:$0x1BE00] =	vst v63  }
0x5b: {  	_ =	swait.ge [sflag:s11], $0x4000  }
0x5c: {  	s20 =	sadd.s32 $0x1, s20;
	[sflag:s11] =	ssyncset.done $0x0  }
0x5d: {  	p0 =	sne.s32 s20, s9;
	[sflag:s11] =	ssyncadd.s32 $0xFFFFC000  }
.Ltmp1:
0x5e: {  	[bflag:$0x0] =	sbarrier.arrive $0xFFFF;
	(pc) =	sbr.rel @p0 .LBB2_1-.Ltmp1, $4  }
0x5f: {  	[hbm:s8], [sflag:s6] =	dma.local [spmem:s10], $0x2780  }
0x60: {  	_ =	swait.ge [sflag:s11], $0x2780  }
0x61: {  	[sflag:s11] =	ssyncset.done $0x0  }
0x62: {  	[sflag:s11] =	ssyncadd.s32 $0xFFFFD880  }
0x63: {  	_ =	sfence.sel $0x180000  }
0x64: {  	[bflag:$0x0] =	sbarrier.arrive $0xFFFF  }
0x65: {  	p0 =	sne.s32 s0, $0x0;
	_ =	strace $0x9000004D  }
0x66: {  	s0 =	sadd.s32 @!p0 $0x100000, s1;
	[bflag:$0x2] =	sbarrier.arrive $0xFFFF  }
0x67: {  	[sflag:s0] =	ssyncadd.tile.s32 @!p0 $0x1;
	_ =	shalt  }
.Lfunc_end2:
_tile_overlayer_lowered:
.L_overlay_start_2:
0x68: {  	(tag) =	ssettag $0x2  }
0x69: {  	s0 =	rddreg [dreg:$0x0];
	s2 =	stileid.u32  }
0x6a: {  	s1 =	rddreg [dreg:$0x1];
	p0 =	sne.s32 s2, $0x0  }
0x6b: {  	s3 =	rddreg [dreg:$0x2];
	[bflag:$0x3] =	sbarrier.arrive $0xFFFF;
	s2 =	simm.s32 @!p0 $0x1C03  }
0x6c: {  	[timem:s3], [sflag:s2] =	dma.local @!p0 [hbm:s0], s1  }
0x6d: {  	s0 =	simm.s32 @!p0 $0x3  }
0x6e: {  	_ =	swait.ge @!p0 [sflag:s0], s1  }
0x6f: {  	s1 =	ssub.s32 @!p0 $0x0, s1;
	[sflag:s0] =	ssyncset.done @!p0 $0x0  }
0x70: {  	[sflag:s0] =	ssyncadd.s32 @!p0 s1  }
0x71: {  	[bflag:$0x3] =	sbarrier.arrive $0xFFFF  }
0x72: {  	_ =	shalt  }

// kernel: kernel.20.cloned.1.call-start
scs
__scs_entry_jumppad:
0x0: {  	(pc) =	sbr.rel $0x88, $3  }
0x1: {  	(tag) =	ssettag $0x0;
	lr =	simm.s32 $0x1  }
0x2: {  	[smem:$0x3F85] =	sst lr;
	_ =	strace $0xD0000000  }
0x3: {  	_ = 	snop  }
0x4: {  	_ = 	snop  }
0x5: {  	_ = 	snop  }
0x6: {  	_ = 	snop  }
0x7: {  	_ = 	snop  }
__scs_overlays_trampoline_lowered:
0x8: {  	[smem:$0x3F94] =	sst s0  }
0x9: {  	[smem:$0x3F95] =	sst s1  }
0xa: {  	[smem:$0x3F96] =	sst s2  }
0xb: {  	[smem:$0x3F97] =	sst s3  }
0xc: {  	[smem:$0x3F98] =	sst s4  }
0xd: {  	[smem:$0x3F99] =	sst s5  }
0xe: {  	[smem:$0x3F9A] =	sst s6  }
0xf: {  	[smem:$0x3F9B] =	sst s7  }
0x10: {  	[smem:$0x3F9C] =	sst s8  }
0x11: {  	[smem:$0x3F9D] =	sst s9;
	s0 =	simm.s32 @!p0 $0x0  }
0x12: {  	s1 =	sld [smem:$0x3F83];
	s0 =	simm.s32 @p0 $0x1  }
0x13: {  	[smem:$0x3F9E] =	sst s0;
	s0 =	simm.s32 @!p1 $0x0  }
0x14: {  	s2 =	sld [smem:$0x3F82];
	s0 =	simm.s32 @p1 $0x1  }
0x15: {  	[smem:$0x3F9F] =	sst s0;
	s0 =	simm.s32 @!p2 $0x0  }
0x16: {  	s3 =	sld [smem:$0x3FDB];
	s0 =	simm.s32 @p2 $0x1  }
0x17: {  	s4 =	simm.s32 $0x1BF5;
	[smem:$0x3FA1] =	sst s0  }
0x18: {  	s0 =	sld [smem:$0x3F84];
	_ =	swait.ge [sflag:s4], $0x0  }
0x19: {  	s7 =	sld [smem:$0x3F85]  }
0x1a: {  	s8 =	sadd.s32 $0xFFFFE003, lr  }
0x1b: {  	s9 =	sadd.s32 $0xFFFFFEF7, lr;
	s5 =	simm.s32 $0xFFFFFFFF;
	p2 =	slt.u32 s8, $0xFFFFF086  }
0x1c: {  	p1 =	slt.u32 s9, $0xF7A;
	s5 =	simm.s32 @!p2 $0x0  }
0x1d: {  	s5 =	simm.s32 @p1 $0x1;
	p0 =	seq.s32 s7, s2  }
0x1e: {  	s7 =	smul.u32 @!p0 $0xF7A, s2;
	p2 =	seq.s32 @!p0 s5, $0x0  }
0x1f: {  	s9 =	smul.u32 $0xF7A, s1;
	s8 =	simm.s32 @!p0 $0x1BF5;
	p2 =	por !p2, p0  }
0x20: {  	[sflag:s8] =	ssyncset.s32 @!p0 $0xFFFFF086;
	s6 =	sadd.s32 @!p0 s3, s7;
	s7 =	simm.s32 @!p0 $0x108  }
0x21: {  	s3 =	sadd.s32 s3, s9;
	s6 =	sadd.s32 @!p0 $0x88, s6;
	s7 =	simm.s32 @p2 $0x1082  }
0x22: {  	[simem:s7], [sflag:s8] =	dma.local @!p0 [hbm:s6], $0xF7A  }
0x23: {  	s9 =	sor.u32 $0xD0000000, s2;
	s6 =	simm.s32 $0x108;
	_ =	swait.ge @!p0 [sflag:s8], $0x0  }
0x24: {  	s3 =	sadd.s32 $0x88, s3;
	s6 =	simm.s32 @!p1 $0x1082;
	[sflag:s4] =	ssyncset.s32 $0xFFFFF086  }
0x25: {  	[simem:s6], [sflag:s4] =	dma.local [hbm:s3], $0xF7A  }
0x26: {  	[smem:$0x3F85] =	sst s1;
	(tag) =	ssettag s2;
	_ =	strace s9  }
0x27: {  	s1 =	sld [smem:$0x3F95]  }
0x28: {  	s2 =	sld [smem:$0x3F96]  }
0x29: {  	s4 =	sld [smem:$0x3F98]  }
0x2a: {  	p0 =	seq.s32 s5, $0x0;
	s5 =	sld [smem:$0x3F99]  }
0x2b: {  	s6 =	sld [smem:$0x3F9A]  }
0x2c: {  	s7 =	sld [smem:$0x3F9B]  }
0x2d: {  	s3 =	simm.s32 $0x108;
	s8 =	sld [smem:$0x3F9C]  }
0x2e: {  	s3 =	simm.s32 @!p0 $0x1082;
	s9 =	sld [smem:$0x3F9D]  }
0x2f: {  	lr =	sadd.s32 s0, s3;
	s0 =	sld [smem:$0x3F94]  }
0x30: {  	s3 =	sld [smem:$0x3F97]  }
0x31: {  	[smem:$0x3FA0] =	sst s10  }
0x32: {  	s10 =	sld [smem:$0x3F9E];
	_ =	sdelay $0x3  }
0x33: {  	p0 =	seq.s32 s10, $0x1;
	s10 =	sld [smem:$0x3FA0];
	_ =	sdelay $0x3  }
0x34: {  	[smem:$0x3FA0] =	sst s10  }
0x35: {  	s10 =	sld [smem:$0x3F9F];
	_ =	sdelay $0x3  }
0x36: {  	p1 =	seq.s32 s10, $0x1;
	s10 =	sld [smem:$0x3FA0];
	_ =	sdelay $0x3  }
0x37: {  	[smem:$0x3FA0] =	sst s10  }
0x38: {  	s10 =	sld [smem:$0x3FA1]  }
0x39: {  	_ = 	snop;
	(pc) =	sbr.ind lr, $3  }
0x3a: {  	_ = 	snop  }
0x3b: {  	_ = 	snop  }
0x3c: {  	p2 =	seq.s32 s10, $0x1;
	s10 =	sld [smem:$0x3FA0]  }
0x3d: {  	_ =	shalt  }
0x3e: {  	_ =	shalt  }
0x3f: {  	_ =	shalt  }
0x40: {  	_ =	shalt  }
0x41: {  	_ =	shalt  }
0x42: {  	_ =	shalt  }
0x43: {  	_ =	shalt  }
0x44: {  	_ =	shalt  }
0x45: {  	_ =	shalt  }
0x46: {  	_ =	shalt  }
0x47: {  	_ =	shalt  }
0x48: {  	_ =	shalt  }
0x49: {  	_ =	shalt  }
0x4a: {  	_ =	shalt  }
0x4b: {  	_ =	shalt  }
0x4c: {  	_ =	shalt  }
0x4d: {  	_ =	shalt  }
0x4e: {  	_ =	shalt  }
0x4f: {  	_ =	shalt  }
0x50: {  	_ =	shalt  }
0x51: {  	_ =	shalt  }
0x52: {  	_ =	shalt  }
0x53: {  	_ =	shalt  }
0x54: {  	_ =	shalt  }
0x55: {  	_ =	shalt  }
0x56: {  	_ =	shalt  }
0x57: {  	_ =	shalt  }
0x58: {  	_ =	shalt  }
0x59: {  	_ =	shalt  }
0x5a: {  	_ =	shalt  }
0x5b: {  	_ =	shalt  }
0x5c: {  	_ =	shalt  }
0x5d: {  	_ =	shalt  }
0x5e: {  	_ =	shalt  }
0x5f: {  	_ =	shalt  }
0x60: {  	_ =	shalt  }
0x61: {  	_ =	shalt  }
0x62: {  	_ =	shalt  }
0x63: {  	_ =	shalt  }
0x64: {  	_ =	shalt  }
0x65: {  	_ =	shalt  }
0x66: {  	_ =	shalt  }
0x67: {  	_ =	shalt  }
0x68: {  	_ =	shalt  }
0x69: {  	_ =	shalt  }
0x6a: {  	_ =	shalt  }
0x6b: {  	_ =	shalt  }
0x6c: {  	_ =	shalt  }
0x6d: {  	_ =	shalt  }
0x6e: {  	_ =	shalt  }
0x6f: {  	_ =	shalt  }
0x70: {  	_ =	shalt  }
0x71: {  	_ =	shalt  }
0x72: {  	_ =	shalt  }
0x73: {  	_ =	shalt  }
0x74: {  	_ =	shalt  }
0x75: {  	_ =	shalt  }
0x76: {  	_ =	shalt  }
0x77: {  	_ =	shalt  }
0x78: {  	_ =	shalt  }
0x79: {  	_ =	shalt  }
0x7a: {  	_ =	shalt  }
0x7b: {  	_ =	shalt  }
0x7c: {  	_ =	shalt  }
0x7d: {  	_ =	shalt  }
0x7e: {  	_ =	shalt  }
0x7f: {  	_ =	shalt  }
0x80: {  	_ =	shalt  }
0x81: {  	_ =	shalt  }
0x82: {  	_ =	shalt  }
0x83: {  	_ =	shalt  }
0x84: {  	_ =	shalt  }
0x85: {  	_ =	shalt  }
0x86: {  	_ =	shalt  }
0x87: {  	_ =	shalt  }
.Lfunc_end0:
.L_simem_size_0:
called_computation.3_lowered:
.L_overlay_start_0:
0x88: {  	s2 =	sld [smem:$0x3FD9]  }
0x89: {  	s3 =	sld [smem:$0x3FFE];
	_ =	sdelay $0x1  }
0x8a: {  	s1 =	srdreg.scid  }
0x8b: {  	s0 =	sand.u32 $0x1, s1  }
0x8c: {  	s16 =	sshll.u32 s0, $0xA;
	s2 =	sadd.s32 s3, s2  }
0x8d: {  	s2 =	sadd.s32 s2, s16  }
0x8e: {  	[smem:$0x3FAC] =	sst s2  }
0x8f: {  	_ = 	snop  }
0x90: {  	(tm) =	ssettm $0x1  }
0x91: {  	s17 =	sld [smem:$0x3FFB];
	_ =	sdelay $0x3  }
0x92: {  	_ =	strace s17  }
0x93: {  	s2 =	sld [smem:$0x3FFC];
	_ =	sdelay $0x3  }
0x94: {  	_ =	strace s2  }
0x95: {  	s2 =	sld [smem:$0x3FFD];
	_ =	sdelay $0x3  }
0x96: {  	_ =	strace s2  }
0x97: {  	_ =	strace $0x8FFFFFFF  }
0x98: {  	s18 =	sld [smem:$0x3FDB];
	_ =	sdelay $0x1  }
0x99: {  	s19 =	simm.s32 $_scs_section_size  }
0x9a: {  	s4 =	simm.s32 $_size__tile_overlayer_lowered;
	s5 =	simm.s32 $_tile_overlayer_lowered  }
0x9b: {  	s22 =	simm.s32 $0x1BFF;
	s21 =	sshll.u32 s5, $0x1;
	s2 =	sadd.s32 s19, s18  }
0x9c: {  	s6 =	simm.s32 $0x0;
	s20 =	sshll.u32 s4, $0x1;
	s4 =	sadd.s32 s21, s2  }
0x9d: {  	[timem:s6], [sflag:s22] =	dma.local [hbm:s4], s20  }
0x9e: {  	_ =	swait.ge [sflag:s22], s20  }
0x9f: {  	s3 =	ssub.s32 $0x0, s20;
	[sflag:s22] =	ssyncset.done $0x0  }
0xa0: {  	[sflag:s22] =	ssyncadd.s32 s3;
	_ =	sdelay $0x1  }
0xa1: {  	s23 =	simm.s32 $0x1B8B  }
0xa2: {  	_ =	swait.ge [sflag:s23], $0x1  }
0xa3: {  	[sflag:s23] =	ssyncset.done $0x0  }
0xa4: {  	s25 =	simm.s32 $0x1B8E;
	s24 =	sld [smem:$0x3FFE];
	[sflag:s23] =	ssyncadd.s32 $0xFFFFFFFF  }
0xa5: {  	s26 =	simm.s32 $execute0_lowered;
	[smem:$0x3FD2] =	sst s25  }
0xa6: {  	s4 =	sshll.u32 s26, $0x1;
	_ =	strace $0x8000004F;
	[dreg:$0x1] =	wrdreg $0xFFFFFFFF  }
0xa7: {  	s28 =	simm.s32 $_size_execute0_lowered;
	s2 =	sadd.s32 s2, s4;
	[dreg:$0x0] =	wrdreg $0x0  }
0xa8: {  	s4 =	sshll.u32 s28, $0x1;
	[dreg:$0x2] =	wrdreg s2  }
0xa9: {  	[dreg:$0x3] =	wrdreg s4  }
0xaa: {  	[dreg:$0x4] =	wrdreg $0xC0  }
0xab: {  	_ =	task [dreg:s6], $0x5FFFF  }
0xac: {  	[dreg:$0x1] =	wrdreg $0xFFFFFFFF  }
0xad: {  	[dreg:$0x0] =	wrdreg $0x60  }
0xae: {  	[dreg:$0x2] =	wrdreg s24  }
0xaf: {  	[dreg:$0x3] =	wrdreg $0x82000  }
0xb0: {  	[dreg:$0x4] =	wrdreg $0x9  }
0xb1: {  	_ =	task.clear_ibuf [dreg:s6], $0x5FFFF;
	_ =	strace $0x9000004F  }
0xb2: {  	s29 =	simm.s32 $0x9;
	_ =	strace $0x80000051  }
0xb3: {  	_ =	swait.ge [sflag:s29], $0x1  }
0xb4: {  	[sflag:s29] =	ssyncadd.s32 $0xFFFFFFFF  }
0xb5: {  	_ =	strace $0x90000051  }
0xb6: {  	_ =	sfence  }
0xb7: {  	s30 =	sld [smem:$0x0];
	_ =	sdelay $0x2  }
0xb8: {  	s31 =	sshll.u32 s1, $0xD;
	s1 =	sshrl.u32 s1, $0x2  }
0xb9: {  	s3 =	sand.u32 $0x4000, s31;
	s1 =	sadd.s32 s1, s30  }
0xba: {  	s0 =	sor.u32 s3, s0;
	s1 =	sshll.u32 s1, $0x11  }
0xbb: {  	s0 =	sor.u32 s1, s0  }
0xbc: {  	s0 =	sadd.s32 $0x8F2B, s0  }
0xbd: {  	[sflag:s0] =	ssyncadd.remote.s32 $0x1  }
0xbe: {  	_ =	sfence.sel $0xFFFF  }
0xbf: {  	[dreg:$0x0] =	wrdreg $0xFFFFFFFF;
	(pc) =	sbr.abs _section_cstart, $3  }
0xc0: {  	[dreg:$0x1] =	wrdreg $0xFFFFFFFF  }
0xc1: {  	_ =	task.clear_ibuf [dreg:s6], $0x2FFFF;
	_ =	strace $0x9FFFFFFF  }
0xc2: {  	(tm) =	ssettm $0x7FFFFFFF  }
0xc3: {  	_ =	shalt  }
tec
execute0_lowered:
.L_overlay_start_1:
0x0: {  	(tag) =	ssettag $0x1  }
0x1: {  	s1 =	srdreg.scid;
	s6 =	rddreg [dreg:$0x0]  }
0x2: {  	s0 =	stileid.u32;
	s2 =	rddreg [dreg:$0x1];
	s3 =	simm.s32 $0x0  }
0x3: {  	s13 =	simm.s32 $0x100;
	s14 =	simm.s32 $0x1;
	s15 =	simm.s32 $0x80  }
0x4: {  	s16 =	simm.s32 $0x200;
	s17 =	simm.s32 $0x4200;
	s18 =	simm.s32 $0x2  }
0x5: {  	s19 =	simm.s32 $0x180;
	s20 =	simm.s32 $0x0;
	s7 =	sand.u32 $0x1, s1  }
0x6: {  	s26 =	sshll.u32 s0, $0x1;
	s1 =	rddreg [dreg:$0x2];
	s8 =	smul.u32 $0x2780, s0  }
0x7: {  	[smem:$0x7FF] =	sst s3;
	s11 =	smul.u32 $0x4F000, s0;
	s31 =	sshll.u32 s0, $0x6  }
0x8: {  	s4 =	sor.u32 s7, s26;
	_ =	strace $0x80000050;
	s9 =	smul.u32 $0x28000, s7  }
0x9: {  	s7 =	ssub.s32 $0x2, s7;
	s5 =	smul.u32 $0xA00, s4;
	s4 =	sadd.s32 $0x6B600, s6  }
0xa: {  	s28 =	sshrl.u32 s7, $0x1;
	s29 =	sshrl.u32 s11, $0x2;
	s11 =	simm.s32 $0x3  }
0xb: {  	s8 =	sadd.s32 s8, s9;
	s30 =	ssub.s32 s7, s28;
	s12 =	sadd.s32 s29, s2  }
0xc: {  	s10 =	sadd.s32 s5, s6;
	s5 =	sadd.s32 $0x18E00, s6;
	s8 =	sadd.s32 s8, s6  }
0xd: {  	s6 =	sor.u32 $0x1C03, s31;
	s9 =	smax.u32 s30, $0x1;
	s7 =	sadd.s32 $0x4E00, s10  }
0xe: {  	s8 =	sadd.s32 $0x93600, s8;
	s10 =	sshrl.u32 s12, $0x3;
	s12 =	sadd.s32 $0x20, s7  }
.LBB2_1:
0xf: {  	[spmem:s10], [sflag:s6] =	dma.local [hbm:s5], $0x2780  }
0x10: {  	_ =	swait.ge [sflag:s11], $0x2780  }
0x11: {  	[sflag:s11] =	ssyncset.done $0x0  }
0x12: {  	[sflag:s11] =	ssyncadd.s32 $0xFFFFD880  }
0x13: {  	[tilespmem:s3], [sflag:$0x1] =	stream.linear.gather [hbm4b:s7+s3], $0x100, $0x38;
	[tilespmem:$0x1BE00] =	vst v63  }
0x14: {  	_ = 	snop  }
0x15: {  	[tilespmem:s13], [sflag:$0x1] =	stream.linear.gather [hbm4b:s12+s3], $0x100, $0x38;
	[tilespmem:$0x1BE00] =	vst v63  }
0x16: {  	[bflag:$0x0] =	sbarrier.arrive $0xFFFF  }
0x17: {  	_ =	swait.ge [sflag:s14], $0x100  }
0x18: {  	[sflag:s14] =	ssyncset.done $0x0  }
0x19: {  	[sflag:s14] =	ssyncadd.s32 $0xFFFFFF00  }
0x1a: {  	[tilespmem:s16], [sflag:$0x2] =	stream.indirect.gather [hbm4b:s4+s15], $0x80, s3, s15, $0xb8;
	[tilespmem:$0x1BE00] =	vst v63  }
0x1b: {  	_ =	swait.ge [sflag:s14], $0x100  }
0x1c: {  	[sflag:s14] =	ssyncset.done $0x0  }
0x1d: {  	[sflag:s14] =	ssyncadd.s32 $0xFFFFFF00  }
0x1e: {  	[tilespmem:s17], [sflag:$0x2] =	stream.indirect.gather [hbm4b:s4+s15], $0x80, s13, s15, $0xb8;
	[tilespmem:$0x1BE00] =	vst v63  }
0x1f: {  	_ =	swait.ge [sflag:s18], $0x4000  }
0x20: {  	[sflag:s18] =	ssyncset.done $0x0  }
0x21: {  	[sflag:s18] =	ssyncadd.s32 $0xFFFFC000  }
0x22: {  	[spmem:s2] =	stream.indirect.scatter.add.f32 [tilespmem:s16], [sflag:$0x3], $0x80, s15, s15, $0xb8;
	[tilespmem:$0x1BE00] =	vst v63  }
0x23: {  	_ =	swait.ge [sflag:s11], $0x4000  }
0x24: {  	s22 =	sadd.s32 $0xFFFFF640, s7;
	[sflag:s11] =	ssyncset.done $0x0  }
0x25: {  	s21 =	sadd.s32 $0xA00, s22;
	[sflag:s11] =	ssyncadd.s32 $0xFFFFC000  }
0x26: {  	[tilespmem:s3], [sflag:$0x1] =	stream.linear.gather [hbm4b:s21+s3], $0x100, $0x38;
	[tilespmem:$0x1BE00] =	vst v63  }
0x27: {  	_ =	swait.ge [sflag:s14], $0x100  }
0x28: {  	[sflag:s14] =	ssyncset.done $0x0  }
0x29: {  	[sflag:s14] =	ssyncadd.s32 $0xFFFFFF00  }
0x2a: {  	[tilespmem:s16], [sflag:$0x2] =	stream.indirect.gather [hbm4b:s4+s15], $0x80, s3, s15, $0xb8;
	[tilespmem:$0x1BE00] =	vst v63  }
0x2b: {  	_ =	swait.ge [sflag:s18], $0x4000  }
0x2c: {  	[sflag:s18] =	ssyncset.done $0x0  }
0x2d: {  	[sflag:s18] =	ssyncadd.s32 $0xFFFFC000  }
0x2e: {  	[spmem:s2] =	stream.indirect.scatter.add.f32 [tilespmem:s17], [sflag:$0x3], $0x80, s19, s15, $0xb8;
	[tilespmem:$0x1BE00] =	vst v63  }
0x2f: {  	_ =	swait.ge [sflag:s11], $0x4000  }
0x30: {  	[sflag:s11] =	ssyncset.done $0x0  }
0x31: {  	s22 =	sadd.s32 $0xA20, s22;
	s21 =	simm.s32 $0xFFFFF680;
	[sflag:s11] =	ssyncadd.s32 $0xFFFFC000  }
.LBB2_2:
0x32: {  	[tilespmem:s13], [sflag:$0x1] =	stream.linear.gather [hbm4b:s22+s3], $0x100, $0x38;
	[tilespmem:$0x1BE00] =	vst v63  }
0x33: {  	s22 =	smov.u32 s21  }
0x34: {  	p0 =	sne.s32 s21, $0xFFFFFFC0;
	s21 =	sadd.s32 $0x40, s21;
	_ =	swait.ge [sflag:s14], $0x100  }
0x35: {  	[sflag:s14] =	ssyncset.done $0x0  }
0x36: {  	[sflag:s14] =	ssyncadd.s32 $0xFFFFFF00  }
0x37: {  	[tilespmem:s17], [sflag:$0x2] =	stream.indirect.gather [hbm4b:s4+s15], $0x80, s13, s15, $0xb8;
	[tilespmem:$0x1BE00] =	vst v63  }
0x38: {  	_ =	swait.ge [sflag:s18], $0x4000  }
0x39: {  	[sflag:s18] =	ssyncset.done $0x0  }
0x3a: {  	[sflag:s18] =	ssyncadd.s32 $0xFFFFC000  }
0x3b: {  	[spmem:s2] =	stream.indirect.scatter.add.f32 [tilespmem:s16], [sflag:$0x3], $0x80, s15, s15, $0xb8;
	[tilespmem:$0x1BE00] =	vst v63  }
0x3c: {  	_ =	swait.ge [sflag:s11], $0x4000  }
0x3d: {  	s22 =	sadd.s32 s22, s7;
	[sflag:s11] =	ssyncset.done $0x0  }
0x3e: {  	s23 =	sadd.s32 $0xA00, s22;
	[sflag:s11] =	ssyncadd.s32 $0xFFFFC000  }
0x3f: {  	[tilespmem:s3], [sflag:$0x1] =	stream.linear.gather [hbm4b:s23+s3], $0x100, $0x38;
	[tilespmem:$0x1BE00] =	vst v63  }
0x40: {  	_ =	swait.ge [sflag:s14], $0x100  }
0x41: {  	[sflag:s14] =	ssyncset.done $0x0  }
0x42: {  	[sflag:s14] =	ssyncadd.s32 $0xFFFFFF00  }
0x43: {  	[tilespmem:s16], [sflag:$0x2] =	stream.indirect.gather [hbm4b:s4+s15], $0x80, s3, s15, $0xb8;
	[tilespmem:$0x1BE00] =	vst v63  }
0x44: {  	_ =	swait.ge [sflag:s18], $0x4000  }
0x45: {  	[sflag:s18] =	ssyncset.done $0x0  }
.Ltmp0:
0x46: {  	[sflag:s18] =	ssyncadd.s32 $0xFFFFC000;
	(pc) =	sbr.rel @p0 .LBB2_2-.Ltmp0, $4  }
0x47: {  	[spmem:s2] =	stream.indirect.scatter.add.f32 [tilespmem:s17], [sflag:$0x3], $0x80, s19, s15, $0xb8;
	[tilespmem:$0x1BE00] =	vst v63  }
0x48: {  	_ =	swait.ge [sflag:s11], $0x4000  }
0x49: {  	[sflag:s11] =	ssyncset.done $0x0  }
0x4a: {  	s22 =	sadd.s32 $0xA20, s22;
	[sflag:s11] =	ssyncadd.s32 $0xFFFFC000  }
0x4b: {  	[tilespmem:s13], [sflag:$0x1] =	stream.linear.gather [hbm4b:s22+s3], $0x100, $0x38;
	[tilespmem:$0x1BE00] =	vst v63  }
0x4c: {  	_ =	swait.ge [sflag:s14], $0x100  }
0x4d: {  	[sflag:s14] =	ssyncset.done $0x0  }
0x4e: {  	[sflag:s14] =	ssyncadd.s32 $0xFFFFFF00  }
0x4f: {  	[tilespmem:s17], [sflag:$0x2] =	stream.indirect.gather [hbm4b:s4+s15], $0x80, s13, s15, $0xb8;
	[tilespmem:$0x1BE00] =	vst v63  }
0x50: {  	_ =	swait.ge [sflag:s18], $0x4000  }
0x51: {  	[sflag:s18] =	ssyncset.done $0x0  }
0x52: {  	[sflag:s18] =	ssyncadd.s32 $0xFFFFC000  }
0x53: {  	[spmem:s2] =	stream.indirect.scatter.add.f32 [tilespmem:s16], [sflag:$0x3], $0x80, s15, s15, $0xb8;
	[tilespmem:$0x1BE00] =	vst v63  }
0x54: {  	_ =	swait.ge [sflag:s11], $0x4000  }
0x55: {  	[sflag:s11] =	ssyncset.done $0x0  }
0x56: {  	[sflag:s11] =	ssyncadd.s32 $0xFFFFC000  }
0x57: {  	_ =	swait.ge [sflag:s18], $0x4000  }
0x58: {  	[sflag:s18] =	ssyncset.done $0x0  }
0x59: {  	[sflag:s18] =	ssyncadd.s32 $0xFFFFC000  }
0x5a: {  	[spmem:s2] =	stream.indirect.scatter.add.f32 [tilespmem:s17], [sflag:$0x3], $0x80, s19, s15, $0xb8;
	[tilespmem:$0x1BE00] =	vst v63  }
0x5b: {  	_ =	swait.ge [sflag:s11], $0x4000  }
0x5c: {  	s20 =	sadd.s32 $0x1, s20;
	[sflag:s11] =	ssyncset.done $0x0  }
0x5d: {  	p0 =	sne.s32 s20, s9;
	[sflag:s11] =	ssyncadd.s32 $0xFFFFC000  }
.Ltmp1:
0x5e: {  	[bflag:$0x0] =	sbarrier.arrive $0xFFFF;
	(pc) =	sbr.rel @p0 .LBB2_1-.Ltmp1, $4  }
0x5f: {  	[hbm:s8], [sflag:s6] =	dma.local [spmem:s10], $0x2780  }
0x60: {  	_ =	swait.ge [sflag:s11], $0x2780  }
0x61: {  	[sflag:s11] =	ssyncset.done $0x0  }
0x62: {  	[sflag:s11] =	ssyncadd.s32 $0xFFFFD880  }
0x63: {  	_ =	sfence.sel $0x180000  }
0x64: {  	[bflag:$0x0] =	sbarrier.arrive $0xFFFF  }
0x65: {  	p0 =	sne.s32 s0, $0x0;
	_ =	strace $0x90000050  }
0x66: {  	s0 =	sadd.s32 @!p0 $0x100000, s1;
	[bflag:$0x2] =	sbarrier.arrive $0xFFFF  }
0x67: {  	[sflag:s0] =	ssyncadd.tile.s32 @!p0 $0x1;
	_ =	shalt  }
.Lfunc_end2:
_tile_overlayer_lowered:
.L_overlay_start_2:
0x68: {  	(tag) =	ssettag $0x2  }
0x69: {  	s0 =	rddreg [dreg:$0x0];
	s2 =	stileid.u32  }
0x6a: {  	s1 =	rddreg [dreg:$0x1];
	p0 =	sne.s32 s2, $0x0  }
0x6b: {  	s3 =	rddreg [dreg:$0x2];
	[bflag:$0x3] =	sbarrier.arrive $0xFFFF;
	s2 =	simm.s32 @!p0 $0x1C03  }
0x6c: {  	[timem:s3], [sflag:s2] =	dma.local @!p0 [hbm:s0], s1  }
0x6d: {  	s0 =	simm.s32 @!p0 $0x3  }
0x6e: {  	_ =	swait.ge @!p0 [sflag:s0], s1  }
0x6f: {  	s1 =	ssub.s32 @!p0 $0x0, s1;
	[sflag:s0] =	ssyncset.done @!p0 $0x0  }
0x70: {  	[sflag:s0] =	ssyncadd.s32 @!p0 s1  }
0x71: {  	[bflag:$0x3] =	sbarrier.arrive $0xFFFF  }
0x72: {  	_ =	shalt  }

</sc_bundles>
